<compile_context>
chip_gen: v7x
topology: tpu7x:2x2x1
jax: 0.10.2.dev20260603
libtpu: 0.0.44.dev20260713+nightly
codegen_flags: <defaults>
</compile_context>

<pallas_src>
import functools

import jax
import jax.numpy as jnp
from jax import lax
from jax.experimental import pallas as pl
from jax.experimental.pallas import tpu as pltpu
from jax.experimental.pallas import tpu_sc as plsc

_NC = 2
_NS = 16
_NW = _NC * _NS
_CH = 128
_ROWB = 400


def _round_up(a, b):
    return (a + b - 1) // b * b


def _sc_gather_rows(table, src1, chunks):
    per_sub = chunks * _CH
    e_pad = per_sub * _NW
    mesh = plsc.VectorSubcoreMesh(core_axis_name="c", subcore_axis_name="s")

    @functools.partial(
        pl.kernel,
        out_type=jax.ShapeDtypeStruct((e_pad, 128), jnp.float32),
        mesh=mesh,
        scratch_types=[
            pltpu.VMEM((per_sub,), jnp.int32),
            pltpu.VMEM((_CH, 128), jnp.float32),
            pltpu.VMEM((_CH, 128), jnp.float32),
            pltpu.SemaphoreType.DMA,
            pltpu.SemaphoreType.DMA,
            pltpu.SemaphoreType.DMA,
        ],
    )
    def k(h_hbm, src_hbm, out_hbm, idx_v, rows_a, rows_b, isem, gsa, gsb):
        c = lax.axis_index("c")
        s = lax.axis_index("s")
        wid = s * _NC + c
        base_e = wid * per_sub

        pltpu.async_copy(src_hbm.at[pl.ds(base_e, per_sub)], idx_v,
                         isem).wait()

        pltpu.async_copy(h_hbm.at[idx_v.at[pl.ds(0, _CH)]], rows_a, gsa)

        @pl.loop(0, chunks, step=2)
        def _(j):
            @pl.when(j + 1 < chunks)
            def _():
                pltpu.async_copy(
                    h_hbm.at[idx_v.at[pl.ds((j + 1) * _CH, _CH)]], rows_b,
                    gsb)

            pltpu.make_async_copy(h_hbm.at[idx_v.at[pl.ds(j * _CH, _CH)]],
                                  rows_a, gsa).wait()
            pltpu.async_copy(
                rows_a, out_hbm.at[pl.ds(base_e + j * _CH, _CH)], gsa).wait()

            @pl.when(j + 2 < chunks)
            def _():
                pltpu.async_copy(
                    h_hbm.at[idx_v.at[pl.ds((j + 2) * _CH, _CH)]], rows_a,
                    gsa)

            pltpu.make_async_copy(
                h_hbm.at[idx_v.at[pl.ds((j + 1) * _CH, _CH)]], rows_b,
                gsb).wait()
            pltpu.async_copy(
                rows_b, out_hbm.at[pl.ds(base_e + (j + 1) * _CH, _CH)],
                gsb).wait()

    return k(table, src1)


def _tc_proj1(x, w1):
    n, d = x.shape

    def body(x_ref, w_ref, h_ref):
        h_ref[...] = jnp.dot(x_ref[...], w_ref[...],
                             preferred_element_type=jnp.float32)

    return pl.pallas_call(
        body,
        grid=(n // _ROWB,),
        in_specs=[
            pl.BlockSpec((_ROWB, d), lambda i: (i, 0)),
            pl.BlockSpec((d, 128), lambda i: (0, 0)),
        ],
        out_specs=pl.BlockSpec((_ROWB, 128), lambda i: (i, 0)),
        out_shape=jax.ShapeDtypeStruct((n, 128), jnp.float32),
    )(x, w1)


def _tc_combine1(p0, p1, degp, bl1, h1, w2):
    n = h1.shape[0]

    def body(p0_ref, p1_ref, dg_ref, bl_ref, h1_ref, w_ref, h2_ref, inv_ref):
        agg = jnp.concatenate(
            [p0_ref[0] + p0_ref[1], p1_ref[0] + p1_ref[1]], axis=1)
        deg = dg_ref[0, :, 0] + dg_ref[1, :, 0]
        inv = 1.0 / jnp.maximum(deg, 1.0)
        x2 = jnp.maximum(agg * inv[:, None] + bl_ref[...] + h1_ref[:, 64:],
                         0.0)
        h2 = jnp.dot(x2, w_ref[...], preferred_element_type=jnp.float32)
        h2_ref[...] = jnp.concatenate(
            [h2, jnp.zeros((h2.shape[0], 64), jnp.float32)], axis=1)
        inv_ref[...] = inv[:, None]

    return pl.pallas_call(
        body,
        grid=(n // _ROWB,),
        in_specs=[
            pl.BlockSpec((2, _ROWB, 32), lambda i: (0, i, 0)),
            pl.BlockSpec((2, _ROWB, 32), lambda i: (0, i, 0)),
            pl.BlockSpec((2, _ROWB, 16), lambda i: (0, i, 0)),
            pl.BlockSpec((1, 64), lambda i: (0, 0)),
            pl.BlockSpec((_ROWB, 128), lambda i: (i, 0)),
            pl.BlockSpec((64, 64), lambda i: (0, 0)),
        ],
        out_specs=[
            pl.BlockSpec((_ROWB, 128), lambda i: (i, 0)),
            pl.BlockSpec((_ROWB, 1), lambda i: (i, 0)),
        ],
        out_shape=[
            jax.ShapeDtypeStruct((n, 128), jnp.float32),
            jax.ShapeDtypeStruct((n, 1), jnp.float32),
        ],
    )(p0, p1, degp, bl1, h1, w2)


def _tc_combine2(p, inv, bl, h_prev, w_next):
    n = h_prev.shape[0]

    def body(p_ref, inv_ref, bl_ref, hp_ref, w_ref, h_ref):
        agg = p_ref[0] + p_ref[1]
        x_ = jnp.maximum(agg * inv_ref[...] + bl_ref[...] + hp_ref[:, 32:64],
                         0.0)
        h = jnp.dot(x_, w_ref[...], preferred_element_type=jnp.float32)
        h_ref[...] = jnp.concatenate(
            [h, jnp.zeros((h.shape[0], 64), jnp.float32)], axis=1)

    return pl.pallas_call(
        body,
        grid=(n // _ROWB,),
        in_specs=[
            pl.BlockSpec((2, _ROWB, 32), lambda i: (0, i, 0)),
            pl.BlockSpec((_ROWB, 1), lambda i: (i, 0)),
            pl.BlockSpec((1, 32), lambda i: (0, 0)),
            pl.BlockSpec((_ROWB, 128), lambda i: (i, 0)),
            pl.BlockSpec((32, 64), lambda i: (0, 0)),
        ],
        out_specs=pl.BlockSpec((_ROWB, 128), lambda i: (i, 0)),
        out_shape=jax.ShapeDtypeStruct((n, 128), jnp.float32),
    )(p, inv, bl, h_prev, w_next)


def _tc_head(p, inv, bl, h_prev, wp1, bp1, wp2, bp2):
    n = h_prev.shape[0]

    def body(p_ref, inv_ref, bl_ref, hp_ref, wp1_ref, bp1_ref, wp2_ref,
             bp2_ref, out_ref):
        agg = p_ref[0] + p_ref[1]
        x_ = jnp.maximum(agg * inv_ref[...] + bl_ref[...] + hp_ref[:, 32:64],
                         0.0)
        h = jnp.dot(x_, wp1_ref[...],
                    preferred_element_type=jnp.float32) + bp1_ref[...]
        z = jnp.dot(h, wp2_ref[...],
                    preferred_element_type=jnp.float32) + bp2_ref[...]
        m = jnp.max(z, axis=1, keepdims=True)
        zs = z - m
        out_ref[...] = zs - jnp.log(jnp.sum(jnp.exp(zs), axis=1,
                                            keepdims=True))

    return pl.pallas_call(
        body,
        grid=(n // _ROWB,),
        in_specs=[
            pl.BlockSpec((2, _ROWB, 32), lambda i: (0, i, 0)),
            pl.BlockSpec((_ROWB, 1), lambda i: (i, 0)),
            pl.BlockSpec((1, 32), lambda i: (0, 0)),
            pl.BlockSpec((_ROWB, 128), lambda i: (i, 0)),
            pl.BlockSpec((32, 32), lambda i: (0, 0)),
            pl.BlockSpec((1, 32), lambda i: (0, 0)),
            pl.BlockSpec((32, 7), lambda i: (0, 0)),
            pl.BlockSpec((1, 7), lambda i: (0, 0)),
        ],
        out_specs=pl.BlockSpec((_ROWB, 7), lambda i: (i, 0)),
        out_shape=jax.ShapeDtypeStruct((n, 7), jnp.float32),
    )(p, inv, bl, h_prev, wp1, bp1, wp2, bp2)






def kernel(x, edge_index, Wl1, bl1, Wr1, Wl2, bl2, Wr2, Wl3, bl3, Wr3,
           Wp1, bp1, Wp2, bp2):
    n = x.shape[0]
    e = edge_index.shape[1]
    n_pad = _NS * _round_up(-(-n // _NS), 8)
    e_pad = _round_up(e, _NW * _CH * 2)
    chunks = e_pad // (_NW * _CH)
    perm = jnp.argsort(edge_index[1])
    src = edge_index[0][perm]
    dst = edge_index[1][perm]
    src1 = jnp.concatenate([src, jnp.zeros((e_pad - e,), jnp.int32)])

    w1 = jnp.concatenate([Wl1, Wr1], axis=1)
    w2 = jnp.concatenate([Wl2, Wr2], axis=1)
    w3 = jnp.concatenate([Wl3, Wr3], axis=1)

    bounds = jnp.searchsorted(dst, jnp.arange(n + 1, dtype=jnp.int32),
                              method="scan_unrolled")
    degv = (bounds[1:] - bounds[:-1]).astype(jnp.float32)
    degp = jnp.zeros((2, n_pad, 16), jnp.float32).at[0, :n, 0].set(degv)

    h1 = _tc_proj1(x, w1)
    msgs1 = _sc_gather_rows(h1, src1, chunks)
    a1 = jax.ops.segment_sum(msgs1[:e, :64], dst, num_segments=n,
                             indices_are_sorted=True)
    zp = jnp.zeros((2, n_pad, 32), jnp.float32)
    p0 = zp.at[0, :n, :].set(a1[:, :32])
    p1 = zp.at[0, :n, :].set(a1[:, 32:])
    h2, inv = _tc_combine1(p0, p1, degp, bl1.reshape(1, 64), h1, w2)

    msgs2 = _sc_gather_rows(h2, src1, chunks)
    a2 = jax.ops.segment_sum(msgs2[:e, :32], dst, num_segments=n,
                             indices_are_sorted=True)
    p2 = zp.at[0, :n, :].set(a2)
    h3 = _tc_combine2(p2, inv, bl2.reshape(1, 32), h2, w3)

    msgs3 = _sc_gather_rows(h3, src1, chunks)
    a3 = jax.ops.segment_sum(msgs3[:e, :32], dst, num_segments=n,
                             indices_are_sorted=True)
    p3 = zp.at[0, :n, :].set(a3)
    return _tc_head(p3, inv, bl3.reshape(1, 32), h3, Wp1,
                    bp1.reshape(1, 32), Wp2, bp2.reshape(1, 7))

# --- scband reference (transcript-rebuilt; emitter-appended) ---
"""Pipeline reference for scband-graph-sage-76673756168564 (READ-ONLY COPY).

The authoritative reference and input builder live on the scoring server;
editing this copy changes nothing except your own understanding.
"""

import jax, jax.numpy as jnp
import numpy as np

N = 50000
E = 800000
D_IN = 1433


def _lin_init(key, fan_in, fan_out):
    bound = 1.0 / np.sqrt(fan_in)
    return jax.random.uniform(key, (fan_in, fan_out), dtype=jnp.float32, minval=-bound, maxval=bound)


def _bias_init(key, fan_in, fan_out):
    bound = 1.0 / np.sqrt(fan_in)
    return jax.random.uniform(key, (fan_out,), dtype=jnp.float32, minval=-bound, maxval=bound)


def _sage_conv(x, src, dst, Wl, bl, Wr, n_nodes):
    # SAGEConv (mean aggr): out_i = W_l * mean_{j in N(i)} x_j + b_l + W_r * x_i
    # mean aggregation commutes with the linear map, so project first to keep
    # the gathered message width small (memory-bound gather/scatter remains dominant).
    h = x @ Wl
    msgs = jnp.take(h, src, axis=0)
    agg = jax.ops.segment_sum(msgs, dst, num_segments=n_nodes)
    deg = jax.ops.segment_sum(jnp.ones((src.shape[0],), dtype=h.dtype), dst, num_segments=n_nodes)
    agg = agg / jnp.clip(deg, 1.0, None)[:, None]
    return agg + bl + x @ Wr


def setup_inputs(seed: int = 0):
    key = jax.random.key(seed)
    ks = jax.random.split(key, 20)
    x = jax.random.normal(ks[0], (N, D_IN), dtype=jnp.float32)
    edge_index = jax.random.randint(ks[1], (2, E), 0, N, dtype=jnp.int32)
    params = {}
    dims = [(D_IN, 64), (64, 32), (32, 32)]
    for i, (di, do) in enumerate(dims, start=1):
        params[f"Wl{i}"] = _lin_init(ks[2 + 3 * i], di, do)
        params[f"bl{i}"] = _bias_init(ks[3 + 3 * i], di, do)
        params[f"Wr{i}"] = _lin_init(ks[4 + 3 * i], di, do)
    params["Wp1"] = _lin_init(ks[15], 32, 32)
    params["bp1"] = _bias_init(ks[16], 32, 32)
    params["Wp2"] = _lin_init(ks[17], 32, 7)
    params["bp2"] = _bias_init(ks[18], 32, 7)
    out = {"x": x, "edge_index": edge_index}
    out.update(params)
    return out


def reference(x, edge_index, Wl1, bl1, Wr1, Wl2, bl2, Wr2, Wl3, bl3, Wr3, Wp1, bp1, Wp2, bp2):
    src = edge_index[0]
    dst = edge_index[1]
    h = jax.nn.relu(_sage_conv(x, src, dst, Wl1, bl1, Wr1, N))
    # dropout is identity in eval mode
    h = jax.nn.relu(_sage_conv(h, src, dst, Wl2, bl2, Wr2, N))
    h = jax.nn.relu(_sage_conv(h, src, dst, Wl3, bl3, Wr3, N))
    h = h @ Wp1 + bp1
    h = h @ Wp2 + bp2
    return jax.nn.log_softmax(h, axis=1)

if __name__ == "__main__":
    import jax
    _d = setup_inputs()
    print(jax.jit(kernel)(*tuple(_d.values())))

</pallas_src>

<mosaic_0001>
#map = affine_map<(d0, d1) -> (0, 0)>
#map1 = affine_map<(d0, d1) -> (0)>
module attributes {stable_mosaic.version = 14 : i64} {
  func.func @k(%arg0: i32, %arg1: i32, %arg2: memref<50000x128xf32, #tpu.memory_space<hbm>>, %arg3: memref<802816xi32, #tpu.memory_space<hbm>>, %arg4: memref<802816x128xf32, #tpu.memory_space<hbm>>, %arg5: memref<25088xi32, #tpu.memory_space<vmem>>, %arg6: memref<128x128xf32, #tpu.memory_space<vmem>>, %arg7: memref<128x128xf32, #tpu.memory_space<vmem>>, %arg8: memref<!tpu.dma_semaphore, #tpu.memory_space<semaphore_mem>>, %arg9: memref<!tpu.dma_semaphore, #tpu.memory_space<semaphore_mem>>, %arg10: memref<!tpu.dma_semaphore, #tpu.memory_space<semaphore_mem>>) attributes {dimension_semantics = [#tpu.dimension_semantics<core_parallel>, #tpu.dimension_semantics<subcore_parallel>], iteration_bounds = array<i64: 2, 16>, scalar_prefetch = 0 : i64, scratch_operands = 6 : i64, tpu.core_type = #tpu.core_type<sc_vector_subcore>, window_params = [{transform_indices = #map}, {transform_indices = #map1}, {transform_indices = #map}]} {
    %mul3A = arith.constant 2 : i32
    %mul3A_0 = arith.muli %arg1, %mul3A : i32
    %add3A = arith.addi %mul3A_0, %arg0 : i32
    %mul3A_1 = arith.constant 25088 : i32
    %mul3A_2 = arith.muli %add3A, %mul3A_1 : i32
    %dma_start3A = tpu.memref_slice %arg3[%mul3A_2] : memref<802816xi32, #tpu.memory_space<hbm>> -> memref<25088xi32, #tpu.memory_space<hbm>>
    %dma_start3A_3 = tpu.memref_slice %arg3[%mul3A_2] : memref<802816xi32, #tpu.memory_space<hbm>> -> memref<25088xi32, #tpu.memory_space<hbm>>
    tpu.enqueue_dma source(%dma_start3A_3 : memref<25088xi32, #tpu.memory_space<hbm>>) target(%arg5 : memref<25088xi32, #tpu.memory_space<vmem>>) target_semaphore(%arg8 : memref<!tpu.dma_semaphore, #tpu.memory_space<semaphore_mem>>)
    %dma_wait3A = tpu.memref_slice %arg3[%mul3A_2] : memref<802816xi32, #tpu.memory_space<hbm>> -> memref<25088xi32, #tpu.memory_space<hbm>>
    %dma_wait3A_4 = tpu.memref_slice %arg3[%mul3A_2] : memref<802816xi32, #tpu.memory_space<hbm>> -> memref<25088xi32, #tpu.memory_space<hbm>>
    tpu.wait_dma2 semaphore(%arg8 : memref<!tpu.dma_semaphore, #tpu.memory_space<semaphore_mem>>) src(%dma_wait3A_4 : memref<25088xi32, #tpu.memory_space<hbm>>) dst(%arg5 : memref<25088xi32, #tpu.memory_space<vmem>>)
    %dma_start3A_5 = arith.constant 0 : i32
    %dma_start3A_6 = tpu.memref_slice %arg5[%dma_start3A_5] : memref<25088xi32, #tpu.memory_space<vmem>> -> memref<128xi32, #tpu.memory_space<vmem>>
    %dma_start3A_7 = arith.constant 0 : i32
    %dma_start3A_8 = arith.constant 0 : i32
    %dma_start3A_9 = tpu.memref_slice %arg2[%dma_start3A_7, %dma_start3A_8] : memref<50000x128xf32, #tpu.memory_space<hbm>> -> memref<50000x128xf32, #tpu.memory_space<hbm>>
    tpu.enqueue_indirect_dma source(%dma_start3A_9 : memref<50000x128xf32, #tpu.memory_space<hbm>>) target(%arg6 : memref<128x128xf32, #tpu.memory_space<vmem>>) offsets(%dma_start3A_6 : memref<128xi32, #tpu.memory_space<vmem>>) semaphore(%arg9 : memref<!tpu.dma_semaphore, #tpu.memory_space<semaphore_mem>>)
    %scan3A = arith.constant 0 : i32
    %scan3A_10 = arith.constant 98 : i32
    %scan3A_11 = arith.addi %scan3A, %scan3A_10 : i32
    %scan3A_12 = arith.constant 1 : i32
    scf.for %scan3A_14 = %scan3A to %scan3A_11 step %scan3A_12  : i32 {
      %mul3A_15 = arith.constant 2 : i32
      %mul3A_16 = arith.muli %scan3A_14, %mul3A_15 : i32
      %add3A_17 = arith.constant 0 : i32
      %add3A_18 = arith.addi %add3A_17, %mul3A_16 : i32
      %add3A_19 = arith.constant 1 : i32
      %add3A_20 = arith.addi %add3A_18, %add3A_19 : i32
      %lt3A = arith.constant 196 : i32
      %lt3A_21 = arith.cmpi slt, %add3A_20, %lt3A : i32
      %convert_element_type3A = arith.extui %lt3A_21 : i1 to i32
      %cond3A = arith.constant 0 : i32
      %cond3A_22 = arith.cmpi ne, %convert_element_type3A, %cond3A : i32
      scf.if %cond3A_22 {
        %add3A_68 = arith.constant 1 : i32
        %add3A_69 = arith.addi %add3A_18, %add3A_68 : i32
        %mul3A_70 = arith.constant 128 : i32
        %mul3A_71 = arith.muli %add3A_69, %mul3A_70 : i32
        %dma_start3A_72 = tpu.memref_slice %arg5[%mul3A_71] : memref<25088xi32, #tpu.memory_space<vmem>> -> memref<128xi32, #tpu.memory_space<vmem>>
        %dma_start3A_73 = arith.constant 0 : i32
        %dma_start3A_74 = arith.constant 0 : i32
        %dma_start3A_75 = tpu.memref_slice %arg2[%dma_start3A_73, %dma_start3A_74] : memref<50000x128xf32, #tpu.memory_space<hbm>> -> memref<50000x128xf32, #tpu.memory_space<hbm>>
        tpu.enqueue_indirect_dma source(%dma_start3A_75 : memref<50000x128xf32, #tpu.memory_space<hbm>>) target(%arg7 : memref<128x128xf32, #tpu.memory_space<vmem>>) offsets(%dma_start3A_72 : memref<128xi32, #tpu.memory_space<vmem>>) semaphore(%arg10 : memref<!tpu.dma_semaphore, #tpu.memory_space<semaphore_mem>>)
      } else {
      }
      %mul3A_23 = arith.constant 128 : i32
      %mul3A_24 = arith.muli %add3A_18, %mul3A_23 : i32
      %dma_wait3A_25 = tpu.memref_slice %arg5[%mul3A_24] : memref<25088xi32, #tpu.memory_space<vmem>> -> memref<128xi32, #tpu.memory_space<vmem>>
      %dma_wait3A_26 = arith.constant 0 : i32
      %dma_wait3A_27 = arith.constant 0 : i32
      %dma_wait3A_28 = tpu.memref_slice %arg2[%dma_wait3A_26, %dma_wait3A_27] : memref<50000x128xf32, #tpu.memory_space<hbm>> -> memref<50000x128xf32, #tpu.memory_space<hbm>>
      tpu.wait_indirect_dma semaphore(%arg9 : memref<!tpu.dma_semaphore, #tpu.memory_space<semaphore_mem>>) src(%dma_wait3A_28 : memref<50000x128xf32, #tpu.memory_space<hbm>>) dst(%arg6 : memref<128x128xf32, #tpu.memory_space<vmem>>)
      %mul3A_29 = arith.constant 128 : i32
      %mul3A_30 = arith.muli %add3A_18, %mul3A_29 : i32
      %add3A_31 = arith.addi %mul3A_2, %mul3A_30 : i32
      %dma_start3A_32 = arith.constant 0 : i32
      %dma_start3A_33 = tpu.memref_slice %arg4[%add3A_31, %dma_start3A_32] : memref<802816x128xf32, #tpu.memory_space<hbm>> -> memref<128x128xf32, #tpu.memory_space<hbm>>
      %dma_start3A_34 = arith.constant 0 : i32
      %dma_start3A_35 = tpu.memref_slice %arg4[%add3A_31, %dma_start3A_34] : memref<802816x128xf32, #tpu.memory_space<hbm>> -> memref<128x128xf32, #tpu.memory_space<hbm>>
      tpu.enqueue_dma source(%arg6 : memref<128x128xf32, #tpu.memory_space<vmem>>) target(%dma_start3A_35 : memref<128x128xf32, #tpu.memory_space<hbm>>) target_semaphore(%arg9 : memref<!tpu.dma_semaphore, #tpu.memory_space<semaphore_mem>>)
      %dma_wait3A_36 = arith.constant 0 : i32
      %dma_wait3A_37 = tpu.memref_slice %arg4[%add3A_31, %dma_wait3A_36] : memref<802816x128xf32, #tpu.memory_space<hbm>> -> memref<128x128xf32, #tpu.memory_space<hbm>>
      %dma_wait3A_38 = arith.constant 0 : i32
      %dma_wait3A_39 = tpu.memref_slice %arg4[%add3A_31, %dma_wait3A_38] : memref<802816x128xf32, #tpu.memory_space<hbm>> -> memref<128x128xf32, #tpu.memory_space<hbm>>
      tpu.wait_dma2 semaphore(%arg9 : memref<!tpu.dma_semaphore, #tpu.memory_space<semaphore_mem>>) src(%arg6 : memref<128x128xf32, #tpu.memory_space<vmem>>) dst(%dma_wait3A_39 : memref<128x128xf32, #tpu.memory_space<hbm>>)
      %add3A_40 = arith.constant 2 : i32
      %add3A_41 = arith.addi %add3A_18, %add3A_40 : i32
      %lt3A_42 = arith.constant 196 : i32
      %lt3A_43 = arith.cmpi slt, %add3A_41, %lt3A_42 : i32
      %convert_element_type3A_44 = arith.extui %lt3A_43 : i1 to i32
      %cond3A_45 = arith.constant 0 : i32
      %cond3A_46 = arith.cmpi ne, %convert_element_type3A_44, %cond3A_45 : i32
      scf.if %cond3A_46 {
        %add3A_68 = arith.constant 2 : i32
        %add3A_69 = arith.addi %add3A_18, %add3A_68 : i32
        %mul3A_70 = arith.constant 128 : i32
        %mul3A_71 = arith.muli %add3A_69, %mul3A_70 : i32
        %dma_start3A_72 = tpu.memref_slice %arg5[%mul3A_71] : memref<25088xi32, #tpu.memory_space<vmem>> -> memref<128xi32, #tpu.memory_space<vmem>>
        %dma_start3A_73 = arith.constant 0 : i32
        %dma_start3A_74 = arith.constant 0 : i32
        %dma_start3A_75 = tpu.memref_slice %arg2[%dma_start3A_73, %dma_start3A_74] : memref<50000x128xf32, #tpu.memory_space<hbm>> -> memref<50000x128xf32, #tpu.memory_space<hbm>>
        tpu.enqueue_indirect_dma source(%dma_start3A_75 : memref<50000x128xf32, #tpu.memory_space<hbm>>) target(%arg6 : memref<128x128xf32, #tpu.memory_space<vmem>>) offsets(%dma_start3A_72 : memref<128xi32, #tpu.memory_space<vmem>>) semaphore(%arg9 : memref<!tpu.dma_semaphore, #tpu.memory_space<semaphore_mem>>)
      } else {
      }
      %add3A_47 = arith.constant 1 : i32
      %add3A_48 = arith.addi %add3A_18, %add3A_47 : i32
      %mul3A_49 = arith.constant 128 : i32
      %mul3A_50 = arith.muli %add3A_48, %mul3A_49 : i32
      %dma_wait3A_51 = tpu.memref_slice %arg5[%mul3A_50] : memref<25088xi32, #tpu.memory_space<vmem>> -> memref<128xi32, #tpu.memory_space<vmem>>
      %dma_wait3A_52 = arith.constant 0 : i32
      %dma_wait3A_53 = arith.constant 0 : i32
      %dma_wait3A_54 = tpu.memref_slice %arg2[%dma_wait3A_52, %dma_wait3A_53] : memref<50000x128xf32, #tpu.memory_space<hbm>> -> memref<50000x128xf32, #tpu.memory_space<hbm>>
      tpu.wait_indirect_dma semaphore(%arg10 : memref<!tpu.dma_semaphore, #tpu.memory_space<semaphore_mem>>) src(%dma_wait3A_54 : memref<50000x128xf32, #tpu.memory_space<hbm>>) dst(%arg7 : memref<128x128xf32, #tpu.memory_space<vmem>>)
      %add3A_55 = arith.constant 1 : i32
      %add3A_56 = arith.addi %add3A_18, %add3A_55 : i32
      %mul3A_57 = arith.constant 128 : i32
      %mul3A_58 = arith.muli %add3A_56, %mul3A_57 : i32
      %add3A_59 = arith.addi %mul3A_2, %mul3A_58 : i32
      %dma_start3A_60 = arith.constant 0 : i32
      %dma_start3A_61 = tpu.memref_slice %arg4[%add3A_59, %dma_start3A_60] : memref<802816x128xf32, #tpu.memory_space<hbm>> -> memref<128x128xf32, #tpu.memory_space<hbm>>
      %dma_start3A_62 = arith.constant 0 : i32
      %dma_start3A_63 = tpu.memref_slice %arg4[%add3A_59, %dma_start3A_62] : memref<802816x128xf32, #tpu.memory_space<hbm>> -> memref<128x128xf32, #tpu.memory_space<hbm>>
      tpu.enqueue_dma source(%arg7 : memref<128x128xf32, #tpu.memory_space<vmem>>) target(%dma_start3A_63 : memref<128x128xf32, #tpu.memory_space<hbm>>) target_semaphore(%arg10 : memref<!tpu.dma_semaphore, #tpu.memory_space<semaphore_mem>>)
      %dma_wait3A_64 = arith.constant 0 : i32
      %dma_wait3A_65 = tpu.memref_slice %arg4[%add3A_59, %dma_wait3A_64] : memref<802816x128xf32, #tpu.memory_space<hbm>> -> memref<128x128xf32, #tpu.memory_space<hbm>>
      %dma_wait3A_66 = arith.constant 0 : i32
      %dma_wait3A_67 = tpu.memref_slice %arg4[%add3A_59, %dma_wait3A_66] : memref<802816x128xf32, #tpu.memory_space<hbm>> -> memref<128x128xf32, #tpu.memory_space<hbm>>
      tpu.wait_dma2 semaphore(%arg10 : memref<!tpu.dma_semaphore, #tpu.memory_space<semaphore_mem>>) src(%arg7 : memref<128x128xf32, #tpu.memory_space<vmem>>) dst(%dma_wait3A_67 : memref<128x128xf32, #tpu.memory_space<hbm>>)
    }
    %scan3A_13 = arith.constant 98 : i32
    return
  }
}

#map = affine_map<(d0, d1) -> (0, 0)>
#map1 = affine_map<(d0, d1) -> (0)>
module attributes {stable_mosaic.version = 14 : i64} {
  func.func @k(%arg0: i32, %arg1: i32, %arg2: memref<50000x128xf32, #tpu.memory_space<hbm>>, %arg3: memref<802816xi32, #tpu.memory_space<hbm>>, %arg4: memref<802816x128xf32, #tpu.memory_space<hbm>>, %arg5: memref<25088xi32, #tpu.memory_space<vmem>>, %arg6: memref<128x128xf32, #tpu.memory_space<vmem>>, %arg7: memref<128x128xf32, #tpu.memory_space<vmem>>, %arg8: memref<!tpu.dma_semaphore, #tpu.memory_space<semaphore_mem>>, %arg9: memref<!tpu.dma_semaphore, #tpu.memory_space<semaphore_mem>>, %arg10: memref<!tpu.dma_semaphore, #tpu.memory_space<semaphore_mem>>) attributes {dimension_semantics = [#tpu.dimension_semantics<core_parallel>, #tpu.dimension_semantics<subcore_parallel>], iteration_bounds = array<i64: 2, 16>, scalar_prefetch = 0 : i64, scratch_operands = 6 : i64, tpu.core_type = #tpu.core_type<sc_vector_subcore>, window_params = [{transform_indices = #map}, {transform_indices = #map1}, {transform_indices = #map}]} {
    %mul3A = arith.constant 2 : i32
    %mul3A_0 = arith.muli %arg1, %mul3A : i32
    %add3A = arith.addi %mul3A_0, %arg0 : i32
    %mul3A_1 = arith.constant 25088 : i32
    %mul3A_2 = arith.muli %add3A, %mul3A_1 : i32
    %dma_start3A = tpu.memref_slice %arg3[%mul3A_2] : memref<802816xi32, #tpu.memory_space<hbm>> -> memref<25088xi32, #tpu.memory_space<hbm>>
    %dma_start3A_3 = tpu.memref_slice %arg3[%mul3A_2] : memref<802816xi32, #tpu.memory_space<hbm>> -> memref<25088xi32, #tpu.memory_space<hbm>>
    tpu.enqueue_dma source(%dma_start3A_3 : memref<25088xi32, #tpu.memory_space<hbm>>) target(%arg5 : memref<25088xi32, #tpu.memory_space<vmem>>) target_semaphore(%arg8 : memref<!tpu.dma_semaphore, #tpu.memory_space<semaphore_mem>>)
    %dma_wait3A = tpu.memref_slice %arg3[%mul3A_2] : memref<802816xi32, #tpu.memory_space<hbm>> -> memref<25088xi32, #tpu.memory_space<hbm>>
    %dma_wait3A_4 = tpu.memref_slice %arg3[%mul3A_2] : memref<802816xi32, #tpu.memory_space<hbm>> -> memref<25088xi32, #tpu.memory_space<hbm>>
    tpu.wait_dma2 semaphore(%arg8 : memref<!tpu.dma_semaphore, #tpu.memory_space<semaphore_mem>>) src(%dma_wait3A_4 : memref<25088xi32, #tpu.memory_space<hbm>>) dst(%arg5 : memref<25088xi32, #tpu.memory_space<vmem>>)
    %dma_start3A_5 = arith.constant 0 : i32
    %dma_start3A_6 = tpu.memref_slice %arg5[%dma_start3A_5] : memref<25088xi32, #tpu.memory_space<vmem>> -> memref<128xi32, #tpu.memory_space<vmem>>
    %dma_start3A_7 = arith.constant 0 : i32
    %dma_start3A_8 = arith.constant 0 : i32
    %dma_start3A_9 = tpu.memref_slice %arg2[%dma_start3A_7, %dma_start3A_8] : memref<50000x128xf32, #tpu.memory_space<hbm>> -> memref<50000x128xf32, #tpu.memory_space<hbm>>
    tpu.enqueue_indirect_dma source(%dma_start3A_9 : memref<50000x128xf32, #tpu.memory_space<hbm>>) target(%arg6 : memref<128x128xf32, #tpu.memory_space<vmem>>) offsets(%dma_start3A_6 : memref<128xi32, #tpu.memory_space<vmem>>) semaphore(%arg9 : memref<!tpu.dma_semaphore, #tpu.memory_space<semaphore_mem>>)
    %scan3A = arith.constant 0 : i32
    %scan3A_10 = arith.constant 98 : i32
    %scan3A_11 = arith.addi %scan3A, %scan3A_10 : i32
    %scan3A_12 = arith.constant 1 : i32
    scf.for %scan3A_14 = %scan3A to %scan3A_11 step %scan3A_12  : i32 {
      %mul3A_15 = arith.constant 2 : i32
      %mul3A_16 = arith.muli %scan3A_14, %mul3A_15 : i32
      %add3A_17 = arith.constant 0 : i32
      %add3A_18 = arith.addi %add3A_17, %mul3A_16 : i32
      %add3A_19 = arith.constant 1 : i32
      %add3A_20 = arith.addi %add3A_18, %add3A_19 : i32
      %lt3A = arith.constant 196 : i32
      %lt3A_21 = arith.cmpi slt, %add3A_20, %lt3A : i32
      %convert_element_type3A = arith.extui %lt3A_21 : i1 to i32
      %cond3A = arith.constant 0 : i32
      %cond3A_22 = arith.cmpi ne, %convert_element_type3A, %cond3A : i32
      scf.if %cond3A_22 {
        %add3A_68 = arith.constant 1 : i32
        %add3A_69 = arith.addi %add3A_18, %add3A_68 : i32
        %mul3A_70 = arith.constant 128 : i32
        %mul3A_71 = arith.muli %add3A_69, %mul3A_70 : i32
        %dma_start3A_72 = tpu.memref_slice %arg5[%mul3A_71] : memref<25088xi32, #tpu.memory_space<vmem>> -> memref<128xi32, #tpu.memory_space<vmem>>
        %dma_start3A_73 = arith.constant 0 : i32
        %dma_start3A_74 = arith.constant 0 : i32
        %dma_start3A_75 = tpu.memref_slice %arg2[%dma_start3A_73, %dma_start3A_74] : memref<50000x128xf32, #tpu.memory_space<hbm>> -> memref<50000x128xf32, #tpu.memory_space<hbm>>
        tpu.enqueue_indirect_dma source(%dma_start3A_75 : memref<50000x128xf32, #tpu.memory_space<hbm>>) target(%arg7 : memref<128x128xf32, #tpu.memory_space<vmem>>) offsets(%dma_start3A_72 : memref<128xi32, #tpu.memory_space<vmem>>) semaphore(%arg10 : memref<!tpu.dma_semaphore, #tpu.memory_space<semaphore_mem>>)
      } else {
      }
      %mul3A_23 = arith.constant 128 : i32
      %mul3A_24 = arith.muli %add3A_18, %mul3A_23 : i32
      %dma_wait3A_25 = tpu.memref_slice %arg5[%mul3A_24] : memref<25088xi32, #tpu.memory_space<vmem>> -> memref<128xi32, #tpu.memory_space<vmem>>
      %dma_wait3A_26 = arith.constant 0 : i32
      %dma_wait3A_27 = arith.constant 0 : i32
      %dma_wait3A_28 = tpu.memref_slice %arg2[%dma_wait3A_26, %dma_wait3A_27] : memref<50000x128xf32, #tpu.memory_space<hbm>> -> memref<50000x128xf32, #tpu.memory_space<hbm>>
      tpu.wait_indirect_dma semaphore(%arg9 : memref<!tpu.dma_semaphore, #tpu.memory_space<semaphore_mem>>) src(%dma_wait3A_28 : memref<50000x128xf32, #tpu.memory_space<hbm>>) dst(%arg6 : memref<128x128xf32, #tpu.memory_space<vmem>>)
      %mul3A_29 = arith.constant 128 : i32
      %mul3A_30 = arith.muli %add3A_18, %mul3A_29 : i32
      %add3A_31 = arith.addi %mul3A_2, %mul3A_30 : i32
      %dma_start3A_32 = arith.constant 0 : i32
      %dma_start3A_33 = tpu.memref_slice %arg4[%add3A_31, %dma_start3A_32] : memref<802816x128xf32, #tpu.memory_space<hbm>> -> memref<128x128xf32, #tpu.memory_space<hbm>>
      %dma_start3A_34 = arith.constant 0 : i32
      %dma_start3A_35 = tpu.memref_slice %arg4[%add3A_31, %dma_start3A_34] : memref<802816x128xf32, #tpu.memory_space<hbm>> -> memref<128x128xf32, #tpu.memory_space<hbm>>
      tpu.enqueue_dma source(%arg6 : memref<128x128xf32, #tpu.memory_space<vmem>>) target(%dma_start3A_35 : memref<128x128xf32, #tpu.memory_space<hbm>>) target_semaphore(%arg9 : memref<!tpu.dma_semaphore, #tpu.memory_space<semaphore_mem>>)
      %dma_wait3A_36 = arith.constant 0 : i32
      %dma_wait3A_37 = tpu.memref_slice %arg4[%add3A_31, %dma_wait3A_36] : memref<802816x128xf32, #tpu.memory_space<hbm>> -> memref<128x128xf32, #tpu.memory_space<hbm>>
      %dma_wait3A_38 = arith.constant 0 : i32
      %dma_wait3A_39 = tpu.memref_slice %arg4[%add3A_31, %dma_wait3A_38] : memref<802816x128xf32, #tpu.memory_space<hbm>> -> memref<128x128xf32, #tpu.memory_space<hbm>>
      tpu.wait_dma2 semaphore(%arg9 : memref<!tpu.dma_semaphore, #tpu.memory_space<semaphore_mem>>) src(%arg6 : memref<128x128xf32, #tpu.memory_space<vmem>>) dst(%dma_wait3A_39 : memref<128x128xf32, #tpu.memory_space<hbm>>)
      %add3A_40 = arith.constant 2 : i32
      %add3A_41 = arith.addi %add3A_18, %add3A_40 : i32
      %lt3A_42 = arith.constant 196 : i32
      %lt3A_43 = arith.cmpi slt, %add3A_41, %lt3A_42 : i32
      %convert_element_type3A_44 = arith.extui %lt3A_43 : i1 to i32
      %cond3A_45 = arith.constant 0 : i32
      %cond3A_46 = arith.cmpi ne, %convert_element_type3A_44, %cond3A_45 : i32
      scf.if %cond3A_46 {
        %add3A_68 = arith.constant 2 : i32
        %add3A_69 = arith.addi %add3A_18, %add3A_68 : i32
        %mul3A_70 = arith.constant 128 : i32
        %mul3A_71 = arith.muli %add3A_69, %mul3A_70 : i32
        %dma_start3A_72 = tpu.memref_slice %arg5[%mul3A_71] : memref<25088xi32, #tpu.memory_space<vmem>> -> memref<128xi32, #tpu.memory_space<vmem>>
        %dma_start3A_73 = arith.constant 0 : i32
        %dma_start3A_74 = arith.constant 0 : i32
        %dma_start3A_75 = tpu.memref_slice %arg2[%dma_start3A_73, %dma_start3A_74] : memref<50000x128xf32, #tpu.memory_space<hbm>> -> memref<50000x128xf32, #tpu.memory_space<hbm>>
        tpu.enqueue_indirect_dma source(%dma_start3A_75 : memref<50000x128xf32, #tpu.memory_space<hbm>>) target(%arg6 : memref<128x128xf32, #tpu.memory_space<vmem>>) offsets(%dma_start3A_72 : memref<128xi32, #tpu.memory_space<vmem>>) semaphore(%arg9 : memref<!tpu.dma_semaphore, #tpu.memory_space<semaphore_mem>>)
      } else {
      }
      %add3A_47 = arith.constant 1 : i32
      %add3A_48 = arith.addi %add3A_18, %add3A_47 : i32
      %mul3A_49 = arith.constant 128 : i32
      %mul3A_50 = arith.muli %add3A_48, %mul3A_49 : i32
      %dma_wait3A_51 = tpu.memref_slice %arg5[%mul3A_50] : memref<25088xi32, #tpu.memory_space<vmem>> -> memref<128xi32, #tpu.memory_space<vmem>>
      %dma_wait3A_52 = arith.constant 0 : i32
      %dma_wait3A_53 = arith.constant 0 : i32
      %dma_wait3A_54 = tpu.memref_slice %arg2[%dma_wait3A_52, %dma_wait3A_53] : memref<50000x128xf32, #tpu.memory_space<hbm>> -> memref<50000x128xf32, #tpu.memory_space<hbm>>
      tpu.wait_indirect_dma semaphore(%arg10 : memref<!tpu.dma_semaphore, #tpu.memory_space<semaphore_mem>>) src(%dma_wait3A_54 : memref<50000x128xf32, #tpu.memory_space<hbm>>) dst(%arg7 : memref<128x128xf32, #tpu.memory_space<vmem>>)
      %add3A_55 = arith.constant 1 : i32
      %add3A_56 = arith.addi %add3A_18, %add3A_55 : i32
      %mul3A_57 = arith.constant 128 : i32
      %mul3A_58 = arith.muli %add3A_56, %mul3A_57 : i32
      %add3A_59 = arith.addi %mul3A_2, %mul3A_58 : i32
      %dma_start3A_60 = arith.constant 0 : i32
      %dma_start3A_61 = tpu.memref_slice %arg4[%add3A_59, %dma_start3A_60] : memref<802816x128xf32, #tpu.memory_space<hbm>> -> memref<128x128xf32, #tpu.memory_space<hbm>>
      %dma_start3A_62 = arith.constant 0 : i32
      %dma_start3A_63 = tpu.memref_slice %arg4[%add3A_59, %dma_start3A_62] : memref<802816x128xf32, #tpu.memory_space<hbm>> -> memref<128x128xf32, #tpu.memory_space<hbm>>
      tpu.enqueue_dma source(%arg7 : memref<128x128xf32, #tpu.memory_space<vmem>>) target(%dma_start3A_63 : memref<128x128xf32, #tpu.memory_space<hbm>>) target_semaphore(%arg10 : memref<!tpu.dma_semaphore, #tpu.memory_space<semaphore_mem>>)
      %dma_wait3A_64 = arith.constant 0 : i32
      %dma_wait3A_65 = tpu.memref_slice %arg4[%add3A_59, %dma_wait3A_64] : memref<802816x128xf32, #tpu.memory_space<hbm>> -> memref<128x128xf32, #tpu.memory_space<hbm>>
      %dma_wait3A_66 = arith.constant 0 : i32
      %dma_wait3A_67 = tpu.memref_slice %arg4[%add3A_59, %dma_wait3A_66] : memref<802816x128xf32, #tpu.memory_space<hbm>> -> memref<128x128xf32, #tpu.memory_space<hbm>>
      tpu.wait_dma2 semaphore(%arg10 : memref<!tpu.dma_semaphore, #tpu.memory_space<semaphore_mem>>) src(%arg7 : memref<128x128xf32, #tpu.memory_space<vmem>>) dst(%dma_wait3A_67 : memref<128x128xf32, #tpu.memory_space<hbm>>)
    }
    %scan3A_13 = arith.constant 98 : i32
    return
  }
}

#map = affine_map<(d0, d1) -> (0, 0)>
#map1 = affine_map<(d0, d1) -> (0)>
module attributes {stable_mosaic.version = 14 : i64} {
  func.func @k(%arg0: i32, %arg1: i32, %arg2: memref<50000x128xf32, #tpu.memory_space<hbm>>, %arg3: memref<802816xi32, #tpu.memory_space<hbm>>, %arg4: memref<802816x128xf32, #tpu.memory_space<hbm>>, %arg5: memref<25088xi32, #tpu.memory_space<vmem>>, %arg6: memref<128x128xf32, #tpu.memory_space<vmem>>, %arg7: memref<128x128xf32, #tpu.memory_space<vmem>>, %arg8: memref<!tpu.dma_semaphore, #tpu.memory_space<semaphore_mem>>, %arg9: memref<!tpu.dma_semaphore, #tpu.memory_space<semaphore_mem>>, %arg10: memref<!tpu.dma_semaphore, #tpu.memory_space<semaphore_mem>>) attributes {dimension_semantics = [#tpu.dimension_semantics<core_parallel>, #tpu.dimension_semantics<subcore_parallel>], iteration_bounds = array<i64: 2, 16>, scalar_prefetch = 0 : i64, scratch_operands = 6 : i64, tpu.core_type = #tpu.core_type<sc_vector_subcore>, window_params = [{transform_indices = #map}, {transform_indices = #map1}, {transform_indices = #map}]} {
    %mul3A = arith.constant 2 : i32
    %mul3A_0 = arith.muli %arg1, %mul3A : i32
    %add3A = arith.addi %mul3A_0, %arg0 : i32
    %mul3A_1 = arith.constant 25088 : i32
    %mul3A_2 = arith.muli %add3A, %mul3A_1 : i32
    %dma_start3A = tpu.memref_slice %arg3[%mul3A_2] : memref<802816xi32, #tpu.memory_space<hbm>> -> memref<25088xi32, #tpu.memory_space<hbm>>
    %dma_start3A_3 = tpu.memref_slice %arg3[%mul3A_2] : memref<802816xi32, #tpu.memory_space<hbm>> -> memref<25088xi32, #tpu.memory_space<hbm>>
    tpu.enqueue_dma source(%dma_start3A_3 : memref<25088xi32, #tpu.memory_space<hbm>>) target(%arg5 : memref<25088xi32, #tpu.memory_space<vmem>>) target_semaphore(%arg8 : memref<!tpu.dma_semaphore, #tpu.memory_space<semaphore_mem>>)
    %dma_wait3A = tpu.memref_slice %arg3[%mul3A_2] : memref<802816xi32, #tpu.memory_space<hbm>> -> memref<25088xi32, #tpu.memory_space<hbm>>
    %dma_wait3A_4 = tpu.memref_slice %arg3[%mul3A_2] : memref<802816xi32, #tpu.memory_space<hbm>> -> memref<25088xi32, #tpu.memory_space<hbm>>
    tpu.wait_dma2 semaphore(%arg8 : memref<!tpu.dma_semaphore, #tpu.memory_space<semaphore_mem>>) src(%dma_wait3A_4 : memref<25088xi32, #tpu.memory_space<hbm>>) dst(%arg5 : memref<25088xi32, #tpu.memory_space<vmem>>)
    %dma_start3A_5 = arith.constant 0 : i32
    %dma_start3A_6 = tpu.memref_slice %arg5[%dma_start3A_5] : memref<25088xi32, #tpu.memory_space<vmem>> -> memref<128xi32, #tpu.memory_space<vmem>>
    %dma_start3A_7 = arith.constant 0 : i32
    %dma_start3A_8 = arith.constant 0 : i32
    %dma_start3A_9 = tpu.memref_slice %arg2[%dma_start3A_7, %dma_start3A_8] : memref<50000x128xf32, #tpu.memory_space<hbm>> -> memref<50000x128xf32, #tpu.memory_space<hbm>>
    tpu.enqueue_indirect_dma source(%dma_start3A_9 : memref<50000x128xf32, #tpu.memory_space<hbm>>) target(%arg6 : memref<128x128xf32, #tpu.memory_space<vmem>>) offsets(%dma_start3A_6 : memref<128xi32, #tpu.memory_space<vmem>>) semaphore(%arg9 : memref<!tpu.dma_semaphore, #tpu.memory_space<semaphore_mem>>)
    %scan3A = arith.constant 0 : i32
    %scan3A_10 = arith.constant 98 : i32
    %scan3A_11 = arith.addi %scan3A, %scan3A_10 : i32
    %scan3A_12 = arith.constant 1 : i32
    scf.for %scan3A_14 = %scan3A to %scan3A_11 step %scan3A_12  : i32 {
      %mul3A_15 = arith.constant 2 : i32
      %mul3A_16 = arith.muli %scan3A_14, %mul3A_15 : i32
      %add3A_17 = arith.constant 0 : i32
      %add3A_18 = arith.addi %add3A_17, %mul3A_16 : i32
      %add3A_19 = arith.constant 1 : i32
      %add3A_20 = arith.addi %add3A_18, %add3A_19 : i32
      %lt3A = arith.constant 196 : i32
      %lt3A_21 = arith.cmpi slt, %add3A_20, %lt3A : i32
      %convert_element_type3A = arith.extui %lt3A_21 : i1 to i32
      %cond3A = arith.constant 0 : i32
      %cond3A_22 = arith.cmpi ne, %convert_element_type3A, %cond3A : i32
      scf.if %cond3A_22 {
        %add3A_68 = arith.constant 1 : i32
        %add3A_69 = arith.addi %add3A_18, %add3A_68 : i32
        %mul3A_70 = arith.constant 128 : i32
        %mul3A_71 = arith.muli %add3A_69, %mul3A_70 : i32
        %dma_start3A_72 = tpu.memref_slice %arg5[%mul3A_71] : memref<25088xi32, #tpu.memory_space<vmem>> -> memref<128xi32, #tpu.memory_space<vmem>>
        %dma_start3A_73 = arith.constant 0 : i32
        %dma_start3A_74 = arith.constant 0 : i32
        %dma_start3A_75 = tpu.memref_slice %arg2[%dma_start3A_73, %dma_start3A_74] : memref<50000x128xf32, #tpu.memory_space<hbm>> -> memref<50000x128xf32, #tpu.memory_space<hbm>>
        tpu.enqueue_indirect_dma source(%dma_start3A_75 : memref<50000x128xf32, #tpu.memory_space<hbm>>) target(%arg7 : memref<128x128xf32, #tpu.memory_space<vmem>>) offsets(%dma_start3A_72 : memref<128xi32, #tpu.memory_space<vmem>>) semaphore(%arg10 : memref<!tpu.dma_semaphore, #tpu.memory_space<semaphore_mem>>)
      } else {
      }
      %mul3A_23 = arith.constant 128 : i32
      %mul3A_24 = arith.muli %add3A_18, %mul3A_23 : i32
      %dma_wait3A_25 = tpu.memref_slice %arg5[%mul3A_24] : memref<25088xi32, #tpu.memory_space<vmem>> -> memref<128xi32, #tpu.memory_space<vmem>>
      %dma_wait3A_26 = arith.constant 0 : i32
      %dma_wait3A_27 = arith.constant 0 : i32
      %dma_wait3A_28 = tpu.memref_slice %arg2[%dma_wait3A_26, %dma_wait3A_27] : memref<50000x128xf32, #tpu.memory_space<hbm>> -> memref<50000x128xf32, #tpu.memory_space<hbm>>
      tpu.wait_indirect_dma semaphore(%arg9 : memref<!tpu.dma_semaphore, #tpu.memory_space<semaphore_mem>>) src(%dma_wait3A_28 : memref<50000x128xf32, #tpu.memory_space<hbm>>) dst(%arg6 : memref<128x128xf32, #tpu.memory_space<vmem>>)
      %mul3A_29 = arith.constant 128 : i32
      %mul3A_30 = arith.muli %add3A_18, %mul3A_29 : i32
      %add3A_31 = arith.addi %mul3A_2, %mul3A_30 : i32
      %dma_start3A_32 = arith.constant 0 : i32
      %dma_start3A_33 = tpu.memref_slice %arg4[%add3A_31, %dma_start3A_32] : memref<802816x128xf32, #tpu.memory_space<hbm>> -> memref<128x128xf32, #tpu.memory_space<hbm>>
      %dma_start3A_34 = arith.constant 0 : i32
      %dma_start3A_35 = tpu.memref_slice %arg4[%add3A_31, %dma_start3A_34] : memref<802816x128xf32, #tpu.memory_space<hbm>> -> memref<128x128xf32, #tpu.memory_space<hbm>>
      tpu.enqueue_dma source(%arg6 : memref<128x128xf32, #tpu.memory_space<vmem>>) target(%dma_start3A_35 : memref<128x128xf32, #tpu.memory_space<hbm>>) target_semaphore(%arg9 : memref<!tpu.dma_semaphore, #tpu.memory_space<semaphore_mem>>)
      %dma_wait3A_36 = arith.constant 0 : i32
      %dma_wait3A_37 = tpu.memref_slice %arg4[%add3A_31, %dma_wait3A_36] : memref<802816x128xf32, #tpu.memory_space<hbm>> -> memref<128x128xf32, #tpu.memory_space<hbm>>
      %dma_wait3A_38 = arith.constant 0 : i32
      %dma_wait3A_39 = tpu.memref_slice %arg4[%add3A_31, %dma_wait3A_38] : memref<802816x128xf32, #tpu.memory_space<hbm>> -> memref<128x128xf32, #tpu.memory_space<hbm>>
      tpu.wait_dma2 semaphore(%arg9 : memref<!tpu.dma_semaphore, #tpu.memory_space<semaphore_mem>>) src(%arg6 : memref<128x128xf32, #tpu.memory_space<vmem>>) dst(%dma_wait3A_39 : memref<128x128xf32, #tpu.memory_space<hbm>>)
      %add3A_40 = arith.constant 2 : i32
      %add3A_41 = arith.addi %add3A_18, %add3A_40 : i32
      %lt3A_42 = arith.constant 196 : i32
      %lt3A_43 = arith.cmpi slt, %add3A_41, %lt3A_42 : i32
      %convert_element_type3A_44 = arith.extui %lt3A_43 : i1 to i32
      %cond3A_45 = arith.constant 0 : i32
      %cond3A_46 = arith.cmpi ne, %convert_element_type3A_44, %cond3A_45 : i32
      scf.if %cond3A_46 {
        %add3A_68 = arith.constant 2 : i32
        %add3A_69 = arith.addi %add3A_18, %add3A_68 : i32
        %mul3A_70 = arith.constant 128 : i32
        %mul3A_71 = arith.muli %add3A_69, %mul3A_70 : i32
        %dma_start3A_72 = tpu.memref_slice %arg5[%mul3A_71] : memref<25088xi32, #tpu.memory_space<vmem>> -> memref<128xi32, #tpu.memory_space<vmem>>
        %dma_start3A_73 = arith.constant 0 : i32
        %dma_start3A_74 = arith.constant 0 : i32
        %dma_start3A_75 = tpu.memref_slice %arg2[%dma_start3A_73, %dma_start3A_74] : memref<50000x128xf32, #tpu.memory_space<hbm>> -> memref<50000x128xf32, #tpu.memory_space<hbm>>
        tpu.enqueue_indirect_dma source(%dma_start3A_75 : memref<50000x128xf32, #tpu.memory_space<hbm>>) target(%arg6 : memref<128x128xf32, #tpu.memory_space<vmem>>) offsets(%dma_start3A_72 : memref<128xi32, #tpu.memory_space<vmem>>) semaphore(%arg9 : memref<!tpu.dma_semaphore, #tpu.memory_space<semaphore_mem>>)
      } else {
      }
      %add3A_47 = arith.constant 1 : i32
      %add3A_48 = arith.addi %add3A_18, %add3A_47 : i32
      %mul3A_49 = arith.constant 128 : i32
      %mul3A_50 = arith.muli %add3A_48, %mul3A_49 : i32
      %dma_wait3A_51 = tpu.memref_slice %arg5[%mul3A_50] : memref<25088xi32, #tpu.memory_space<vmem>> -> memref<128xi32, #tpu.memory_space<vmem>>
      %dma_wait3A_52 = arith.constant 0 : i32
      %dma_wait3A_53 = arith.constant 0 : i32
      %dma_wait3A_54 = tpu.memref_slice %arg2[%dma_wait3A_52, %dma_wait3A_53] : memref<50000x128xf32, #tpu.memory_space<hbm>> -> memref<50000x128xf32, #tpu.memory_space<hbm>>
      tpu.wait_indirect_dma semaphore(%arg10 : memref<!tpu.dma_semaphore, #tpu.memory_space<semaphore_mem>>) src(%dma_wait3A_54 : memref<50000x128xf32, #tpu.memory_space<hbm>>) dst(%arg7 : memref<128x128xf32, #tpu.memory_space<vmem>>)
      %add3A_55 = arith.constant 1 : i32
      %add3A_56 = arith.addi %add3A_18, %add3A_55 : i32
      %mul3A_57 = arith.constant 128 : i32
      %mul3A_58 = arith.muli %add3A_56, %mul3A_57 : i32
      %add3A_59 = arith.addi %mul3A_2, %mul3A_58 : i32
      %dma_start3A_60 = arith.constant 0 : i32
      %dma_start3A_61 = tpu.memref_slice %arg4[%add3A_59, %dma_start3A_60] : memref<802816x128xf32, #tpu.memory_space<hbm>> -> memref<128x128xf32, #tpu.memory_space<hbm>>
      %dma_start3A_62 = arith.constant 0 : i32
      %dma_start3A_63 = tpu.memref_slice %arg4[%add3A_59, %dma_start3A_62] : memref<802816x128xf32, #tpu.memory_space<hbm>> -> memref<128x128xf32, #tpu.memory_space<hbm>>
      tpu.enqueue_dma source(%arg7 : memref<128x128xf32, #tpu.memory_space<vmem>>) target(%dma_start3A_63 : memref<128x128xf32, #tpu.memory_space<hbm>>) target_semaphore(%arg10 : memref<!tpu.dma_semaphore, #tpu.memory_space<semaphore_mem>>)
      %dma_wait3A_64 = arith.constant 0 : i32
      %dma_wait3A_65 = tpu.memref_slice %arg4[%add3A_59, %dma_wait3A_64] : memref<802816x128xf32, #tpu.memory_space<hbm>> -> memref<128x128xf32, #tpu.memory_space<hbm>>
      %dma_wait3A_66 = arith.constant 0 : i32
      %dma_wait3A_67 = tpu.memref_slice %arg4[%add3A_59, %dma_wait3A_66] : memref<802816x128xf32, #tpu.memory_space<hbm>> -> memref<128x128xf32, #tpu.memory_space<hbm>>
      tpu.wait_dma2 semaphore(%arg10 : memref<!tpu.dma_semaphore, #tpu.memory_space<semaphore_mem>>) src(%arg7 : memref<128x128xf32, #tpu.memory_space<vmem>>) dst(%dma_wait3A_67 : memref<128x128xf32, #tpu.memory_space<hbm>>)
    }
    %scan3A_13 = arith.constant 98 : i32
    return
  }
}

module attributes {stable_mosaic.version = 14 : i64} {
  func.func @body(%arg0: i32, %arg1: memref<400x1433xf32, #tpu.memory_space<vmem>>, %arg2: memref<1433x128xf32, #tpu.memory_space<vmem>>, %arg3: memref<400x128xf32, #tpu.memory_space<vmem>>) attributes {dimension_semantics = [#tpu.dimension_semantics<arbitrary>], iteration_bounds = array<i64: 125>, scalar_prefetch = 0 : i64, scratch_operands = 0 : i64, tpu.core_type = #tpu.core_type<tc>, window_params = [{transform_indices = @transform_0, window_bounds = array<i64: 400, 1433>}, {pipeline_mode = #tpu.pipeline_mode<synchronous>, transform_indices = @transform_1, window_bounds = array<i64: 1433, 128>}, {transform_indices = @transform_2, window_bounds = array<i64: 400, 128>}]} {
    %get3A = arith.constant 0 : index
    %get3A_0 = arith.constant 0 : index
    %get3A_1 = vector.load %arg1[%get3A, %get3A_0] : memref<400x1433xf32, #tpu.memory_space<vmem>>, vector<400x1433xf32>
    %get3A_2 = arith.constant 0 : index
    %get3A_3 = arith.constant 0 : index
    %get3A_4 = vector.load %arg2[%get3A_2, %get3A_3] : memref<1433x128xf32, #tpu.memory_space<vmem>>, vector<1433x128xf32>
    %dot_general3A = arith.constant dense<0.000000e+00> : vector<400x128xf32>
    %dot_general3A_5 = tpu.matmul %get3A_1, %get3A_4, %dot_general3A {dimension_numbers = #tpu.dot_dimension_numbers<[1], [0], [0], [1], [0, 0, 1, 1], [], []>, transpose_lhs_hint = false} : vector<400x1433xf32>, vector<1433x128xf32>, vector<400x128xf32> -> vector<400x128xf32>
    %swap3A = arith.constant 0 : index
    %swap3A_6 = arith.constant 0 : index
    %swap3A_7 = vector.load %arg3[%swap3A, %swap3A_6] : memref<400x128xf32, #tpu.memory_space<vmem>>, vector<400x128xf32>
    tpu.vector_store %arg3[%swap3A, %swap3A_6], %dot_general3A_5 {strides = array<i32>} : memref<400x128xf32, #tpu.memory_space<vmem>>, vector<400x128xf32>,
    return
  }
  func.func @transform_0(%arg0: i32) -> (i32, i32) {
    %c0_i32 = arith.constant 0 : i32
    %c0_i32_0 = arith.constant 0 : i32
    return %arg0, %c0_i32 : i32, i32
  }
  func.func @transform_1(%arg0: i32) -> (i32, i32) {
    %c0_i32 = arith.constant 0 : i32
    %c0_i32_0 = arith.constant 0 : i32
    %c0_i32_1 = arith.constant 0 : i32
    return %c0_i32, %c0_i32_0 : i32, i32
  }
  func.func @transform_2(%arg0: i32) -> (i32, i32) {
    %c0_i32 = arith.constant 0 : i32
    %c0_i32_0 = arith.constant 0 : i32
    return %arg0, %c0_i32 : i32, i32
  }
}

module attributes {stable_mosaic.version = 14 : i64} {
  func.func @body(%arg0: i32, %arg1: memref<2x400x32xf32, #tpu.memory_space<vmem>>, %arg2: memref<2x400x32xf32, #tpu.memory_space<vmem>>, %arg3: memref<2x400x16xf32, #tpu.memory_space<vmem>>, %arg4: memref<1x64xf32, #tpu.memory_space<vmem>>, %arg5: memref<400x128xf32, #tpu.memory_space<vmem>>, %arg6: memref<64x64xf32, #tpu.memory_space<vmem>>, %arg7: memref<400x128xf32, #tpu.memory_space<vmem>>, %arg8: memref<400x1xf32, #tpu.memory_space<vmem>>) attributes {dimension_semantics = [#tpu.dimension_semantics<arbitrary>], iteration_bounds = array<i64: 125>, scalar_prefetch = 0 : i64, scratch_operands = 0 : i64, tpu.core_type = #tpu.core_type<tc>, window_params = [{transform_indices = @transform_0, window_bounds = array<i64: 2, 400, 32>}, {transform_indices = @transform_1, window_bounds = array<i64: 2, 400, 32>}, {transform_indices = @transform_2, window_bounds = array<i64: 2, 400, 16>}, {pipeline_mode = #tpu.pipeline_mode<synchronous>, transform_indices = @transform_3, window_bounds = array<i64: 1, 64>}, {transform_indices = @transform_4, window_bounds = array<i64: 400, 128>}, {pipeline_mode = #tpu.pipeline_mode<synchronous>, transform_indices = @transform_5, window_bounds = array<i64: 64, 64>}, {transform_indices = @transform_6, window_bounds = array<i64: 400, 128>}, {transform_indices = @transform_7, window_bounds = array<i64: 400, 1>}]} {
    %get3A = arith.constant 0 : index
    %get3A_0 = arith.constant 0 : index
    %get3A_1 = arith.constant 0 : index
    %get3A_2 = vector.load %arg1[%get3A, %get3A_0, %get3A_1] : memref<2x400x32xf32, #tpu.memory_space<vmem>>, vector<1x400x32xf32>
    %get3A_3 = vector.shape_cast %get3A_2 : vector<1x400x32xf32> to vector<400x32xf32>
    %get3A_4 = arith.constant 1 : index
    %get3A_5 = arith.constant 0 : index
    %get3A_6 = arith.constant 0 : index
    %get3A_7 = vector.load %arg1[%get3A_4, %get3A_5, %get3A_6] : memref<2x400x32xf32, #tpu.memory_space<vmem>>, vector<1x400x32xf32>
    %get3A_8 = vector.shape_cast %get3A_7 : vector<1x400x32xf32> to vector<400x32xf32>
    %add3A = arith.addf %get3A_3, %get3A_8 : vector<400x32xf32>
    %get3A_9 = arith.constant 0 : index
    %get3A_10 = arith.constant 0 : index
    %get3A_11 = arith.constant 0 : index
    %get3A_12 = vector.load %arg2[%get3A_9, %get3A_10, %get3A_11] : memref<2x400x32xf32, #tpu.memory_space<vmem>>, vector<1x400x32xf32>
    %get3A_13 = vector.shape_cast %get3A_12 : vector<1x400x32xf32> to vector<400x32xf32>
    %get3A_14 = arith.constant 1 : index
    %get3A_15 = arith.constant 0 : index
    %get3A_16 = arith.constant 0 : index
    %get3A_17 = vector.load %arg2[%get3A_14, %get3A_15, %get3A_16] : memref<2x400x32xf32, #tpu.memory_space<vmem>>, vector<1x400x32xf32>
    %get3A_18 = vector.shape_cast %get3A_17 : vector<1x400x32xf32> to vector<400x32xf32>
    %add3A_19 = arith.addf %get3A_13, %get3A_18 : vector<400x32xf32>
    %concatenate3A = tpu.concatenate %add3A, %add3A_19 in 1 : vector<400x32xf32>, vector<400x32xf32> -> vector<400x64xf32>
    %get3A_20 = arith.constant 0 : index
    %get3A_21 = arith.constant 0 : index
    %get3A_22 = arith.constant 0 : index
    %get3A_23 = vector.load %arg3[%get3A_20, %get3A_21, %get3A_22] : memref<2x400x16xf32, #tpu.memory_space<vmem>>, vector<1x400x1xf32>
    %get3A_24 = vector.shape_cast %get3A_23 : vector<1x400x1xf32> to vector<400xf32>
    %get3A_25 = arith.constant 1 : index
    %get3A_26 = arith.constant 0 : index
    %get3A_27 = arith.constant 0 : index
    %get3A_28 = vector.load %arg3[%get3A_25, %get3A_26, %get3A_27] : memref<2x400x16xf32, #tpu.memory_space<vmem>>, vector<1x400x1xf32>
    %get3A_29 = vector.shape_cast %get3A_28 : vector<1x400x1xf32> to vector<400xf32>
    %add3A_30 = arith.addf %get3A_24, %get3A_29 : vector<400xf32>
    %max3A = arith.constant 1.000000e+00 : f32
    %max3A_31 = vector.broadcast %max3A : f32 to vector<400xf32>
    %max3A_32 = arith.maximumf %add3A_30, %max3A_31 : vector<400xf32>
    %div3A = arith.constant 1.000000e+00 : f32
    %div3A_33 = vector.broadcast %div3A : f32 to vector<400xf32>
    %div3A_34 = arith.divf %div3A_33, %max3A_32 : vector<400xf32>
    %broadcast_in_dim3A = vector.shape_cast %div3A_34 : vector<400xf32> to vector<400x1xf32>
    %mul3A = vector.broadcast %broadcast_in_dim3A : vector<400x1xf32> to vector<400x64xf32>
    %mul3A_35 = arith.mulf %concatenate3A, %mul3A : vector<400x64xf32>
    %get3A_36 = arith.constant 0 : index
    %get3A_37 = arith.constant 0 : index
    %get3A_38 = vector.load %arg4[%get3A_36, %get3A_37] : memref<1x64xf32, #tpu.memory_space<vmem>>, vector<1x64xf32>
    %add3A_39 = vector.broadcast %get3A_38 : vector<1x64xf32> to vector<400x64xf32>
    %add3A_40 = arith.addf %mul3A_35, %add3A_39 : vector<400x64xf32>
    %get3A_41 = arith.constant 0 : index
    %get3A_42 = arith.constant 64 : index
    %get3A_43 = vector.load %arg5[%get3A_41, %get3A_42] : memref<400x128xf32, #tpu.memory_space<vmem>>, vector<400x64xf32>
    %add3A_44 = arith.addf %add3A_40, %get3A_43 : vector<400x64xf32>
    %max3A_45 = arith.constant 0.000000e+00 : f32
    %max3A_46 = vector.broadcast %max3A_45 : f32 to vector<400x64xf32>
    %max3A_47 = arith.maximumf %add3A_44, %max3A_46 : vector<400x64xf32>
    %get3A_48 = arith.constant 0 : index
    %get3A_49 = arith.constant 0 : index
    %get3A_50 = vector.load %arg6[%get3A_48, %get3A_49] : memref<64x64xf32, #tpu.memory_space<vmem>>, vector<64x64xf32>
    %dot_general3A = arith.constant dense<0.000000e+00> : vector<400x64xf32>
    %dot_general3A_51 = tpu.matmul %max3A_47, %get3A_50, %dot_general3A {dimension_numbers = #tpu.dot_dimension_numbers<[1], [0], [0], [1], [0, 0, 1, 1], [], []>, transpose_lhs_hint = false} : vector<400x64xf32>, vector<64x64xf32>, vector<400x64xf32> -> vector<400x64xf32>
    %broadcast_in_dim3A_52 = arith.constant 0.000000e+00 : f32
    %broadcast_in_dim3A_53 = vector.broadcast %broadcast_in_dim3A_52 : f32 to vector<400x64xf32>
    %concatenate3A_54 = tpu.concatenate %dot_general3A_51, %broadcast_in_dim3A_53 in 1 : vector<400x64xf32>, vector<400x64xf32> -> vector<400x128xf32>
    %swap3A = arith.constant 0 : index
    %swap3A_55 = arith.constant 0 : index
    %swap3A_56 = vector.load %arg7[%swap3A, %swap3A_55] : memref<400x128xf32, #tpu.memory_space<vmem>>, vector<400x128xf32>
    tpu.vector_store %arg7[%swap3A, %swap3A_55], %concatenate3A_54 {strides = array<i32>} : memref<400x128xf32, #tpu.memory_space<vmem>>, vector<400x128xf32>,
    %broadcast_in_dim3A_57 = vector.shape_cast %div3A_34 : vector<400xf32> to vector<400x1xf32>
    %swap3A_58 = arith.constant 0 : index
    %swap3A_59 = arith.constant 0 : index
    %swap3A_60 = vector.load %arg8[%swap3A_58, %swap3A_59] : memref<400x1xf32, #tpu.memory_space<vmem>>, vector<400x1xf32>
    tpu.vector_store %arg8[%swap3A_58, %swap3A_59], %broadcast_in_dim3A_57 {strides = array<i32>} : memref<400x1xf32, #tpu.memory_space<vmem>>, vector<400x1xf32>,
    return
  }
  func.func @transform_0(%arg0: i32) -> (i32, i32, i32) {
    %c0_i32 = arith.constant 0 : i32
    %c0_i32_0 = arith.constant 0 : i32
    %c0_i32_1 = arith.constant 0 : i32
    return %c0_i32, %arg0, %c0_i32_0 : i32, i32, i32
  }
  func.func @transform_1(%arg0: i32) -> (i32, i32, i32) {
    %c0_i32 = arith.constant 0 : i32
    %c0_i32_0 = arith.constant 0 : i32
    %c0_i32_1 = arith.constant 0 : i32
    return %c0_i32, %arg0, %c0_i32_0 : i32, i32, i32
  }
  func.func @transform_2(%arg0: i32) -> (i32, i32, i32) {
    %c0_i32 = arith.constant 0 : i32
    %c0_i32_0 = arith.constant 0 : i32
    %c0_i32_1 = arith.constant 0 : i32
    return %c0_i32, %arg0, %c0_i32_0 : i32, i32, i32
  }
  func.func @transform_3(%arg0: i32) -> (i32, i32) {
    %c0_i32 = arith.constant 0 : i32
    %c0_i32_0 = arith.constant 0 : i32
    %c0_i32_1 = arith.constant 0 : i32
    return %c0_i32, %c0_i32_0 : i32, i32
  }
  func.func @transform_4(%arg0: i32) -> (i32, i32) {
    %c0_i32 = arith.constant 0 : i32
    %c0_i32_0 = arith.constant 0 : i32
    return %arg0, %c0_i32 : i32, i32
  }
  func.func @transform_5(%arg0: i32) -> (i32, i32) {
    %c0_i32 = arith.constant 0 : i32
    %c0_i32_0 = arith.constant 0 : i32
    %c0_i32_1 = arith.constant 0 : i32
    return %c0_i32, %c0_i32_0 : i32, i32
  }
  func.func @transform_6(%arg0: i32) -> (i32, i32) {
    %c0_i32 = arith.constant 0 : i32
    %c0_i32_0 = arith.constant 0 : i32
    return %arg0, %c0_i32 : i32, i32
  }
  func.func @transform_7(%arg0: i32) -> (i32, i32) {
    %c0_i32 = arith.constant 0 : i32
    %c0_i32_0 = arith.constant 0 : i32
    return %arg0, %c0_i32 : i32, i32
  }
}

module attributes {stable_mosaic.version = 14 : i64} {
  func.func @body(%arg0: i32, %arg1: memref<2x400x32xf32, #tpu.memory_space<vmem>>, %arg2: memref<400x1xf32, #tpu.memory_space<vmem>>, %arg3: memref<1x32xf32, #tpu.memory_space<vmem>>, %arg4: memref<400x128xf32, #tpu.memory_space<vmem>>, %arg5: memref<32x64xf32, #tpu.memory_space<vmem>>, %arg6: memref<400x128xf32, #tpu.memory_space<vmem>>) attributes {dimension_semantics = [#tpu.dimension_semantics<arbitrary>], iteration_bounds = array<i64: 125>, scalar_prefetch = 0 : i64, scratch_operands = 0 : i64, tpu.core_type = #tpu.core_type<tc>, window_params = [{transform_indices = @transform_0, window_bounds = array<i64: 2, 400, 32>}, {transform_indices = @transform_1, window_bounds = array<i64: 400, 1>}, {pipeline_mode = #tpu.pipeline_mode<synchronous>, transform_indices = @transform_2, window_bounds = array<i64: 1, 32>}, {transform_indices = @transform_3, window_bounds = array<i64: 400, 128>}, {pipeline_mode = #tpu.pipeline_mode<synchronous>, transform_indices = @transform_4, window_bounds = array<i64: 32, 64>}, {transform_indices = @transform_5, window_bounds = array<i64: 400, 128>}]} {
    %get3A = arith.constant 0 : index
    %get3A_0 = arith.constant 0 : index
    %get3A_1 = arith.constant 0 : index
    %get3A_2 = vector.load %arg1[%get3A, %get3A_0, %get3A_1] : memref<2x400x32xf32, #tpu.memory_space<vmem>>, vector<1x400x32xf32>
    %get3A_3 = vector.shape_cast %get3A_2 : vector<1x400x32xf32> to vector<400x32xf32>
    %get3A_4 = arith.constant 1 : index
    %get3A_5 = arith.constant 0 : index
    %get3A_6 = arith.constant 0 : index
    %get3A_7 = vector.load %arg1[%get3A_4, %get3A_5, %get3A_6] : memref<2x400x32xf32, #tpu.memory_space<vmem>>, vector<1x400x32xf32>
    %get3A_8 = vector.shape_cast %get3A_7 : vector<1x400x32xf32> to vector<400x32xf32>
    %add3A = arith.addf %get3A_3, %get3A_8 : vector<400x32xf32>
    %get3A_9 = arith.constant 0 : index
    %get3A_10 = arith.constant 0 : index
    %get3A_11 = vector.load %arg2[%get3A_9, %get3A_10] : memref<400x1xf32, #tpu.memory_space<vmem>>, vector<400x1xf32>
    %mul3A = vector.broadcast %get3A_11 : vector<400x1xf32> to vector<400x32xf32>
    %mul3A_12 = arith.mulf %add3A, %mul3A : vector<400x32xf32>
    %get3A_13 = arith.constant 0 : index
    %get3A_14 = arith.constant 0 : index
    %get3A_15 = vector.load %arg3[%get3A_13, %get3A_14] : memref<1x32xf32, #tpu.memory_space<vmem>>, vector<1x32xf32>
    %add3A_16 = vector.broadcast %get3A_15 : vector<1x32xf32> to vector<400x32xf32>
    %add3A_17 = arith.addf %mul3A_12, %add3A_16 : vector<400x32xf32>
    %get3A_18 = arith.constant 0 : index
    %get3A_19 = arith.constant 32 : index
    %get3A_20 = vector.load %arg4[%get3A_18, %get3A_19] : memref<400x128xf32, #tpu.memory_space<vmem>>, vector<400x32xf32>
    %add3A_21 = arith.addf %add3A_17, %get3A_20 : vector<400x32xf32>
    %max3A = arith.constant 0.000000e+00 : f32
    %max3A_22 = vector.broadcast %max3A : f32 to vector<400x32xf32>
    %max3A_23 = arith.maximumf %add3A_21, %max3A_22 : vector<400x32xf32>
    %get3A_24 = arith.constant 0 : index
    %get3A_25 = arith.constant 0 : index
    %get3A_26 = vector.load %arg5[%get3A_24, %get3A_25] : memref<32x64xf32, #tpu.memory_space<vmem>>, vector<32x64xf32>
    %dot_general3A = arith.constant dense<0.000000e+00> : vector<400x64xf32>
    %dot_general3A_27 = tpu.matmul %max3A_23, %get3A_26, %dot_general3A {dimension_numbers = #tpu.dot_dimension_numbers<[1], [0], [0], [1], [0, 0, 1, 1], [], []>, transpose_lhs_hint = false} : vector<400x32xf32>, vector<32x64xf32>, vector<400x64xf32> -> vector<400x64xf32>
    %broadcast_in_dim3A = arith.constant 0.000000e+00 : f32
    %broadcast_in_dim3A_28 = vector.broadcast %broadcast_in_dim3A : f32 to vector<400x64xf32>
    %concatenate3A = tpu.concatenate %dot_general3A_27, %broadcast_in_dim3A_28 in 1 : vector<400x64xf32>, vector<400x64xf32> -> vector<400x128xf32>
    %swap3A = arith.constant 0 : index
    %swap3A_29 = arith.constant 0 : index
    %swap3A_30 = vector.load %arg6[%swap3A, %swap3A_29] : memref<400x128xf32, #tpu.memory_space<vmem>>, vector<400x128xf32>
    tpu.vector_store %arg6[%swap3A, %swap3A_29], %concatenate3A {strides = array<i32>} : memref<400x128xf32, #tpu.memory_space<vmem>>, vector<400x128xf32>,
    return
  }
  func.func @transform_0(%arg0: i32) -> (i32, i32, i32) {
    %c0_i32 = arith.constant 0 : i32
    %c0_i32_0 = arith.constant 0 : i32
    %c0_i32_1 = arith.constant 0 : i32
    return %c0_i32, %arg0, %c0_i32_0 : i32, i32, i32
  }
  func.func @transform_1(%arg0: i32) -> (i32, i32) {
    %c0_i32 = arith.constant 0 : i32
    %c0_i32_0 = arith.constant 0 : i32
    return %arg0, %c0_i32 : i32, i32
  }
  func.func @transform_2(%arg0: i32) -> (i32, i32) {
    %c0_i32 = arith.constant 0 : i32
    %c0_i32_0 = arith.constant 0 : i32
    %c0_i32_1 = arith.constant 0 : i32
    return %c0_i32, %c0_i32_0 : i32, i32
  }
  func.func @transform_3(%arg0: i32) -> (i32, i32) {
    %c0_i32 = arith.constant 0 : i32
    %c0_i32_0 = arith.constant 0 : i32
    return %arg0, %c0_i32 : i32, i32
  }
  func.func @transform_4(%arg0: i32) -> (i32, i32) {
    %c0_i32 = arith.constant 0 : i32
    %c0_i32_0 = arith.constant 0 : i32
    %c0_i32_1 = arith.constant 0 : i32
    return %c0_i32, %c0_i32_0 : i32, i32
  }
  func.func @transform_5(%arg0: i32) -> (i32, i32) {
    %c0_i32 = arith.constant 0 : i32
    %c0_i32_0 = arith.constant 0 : i32
    return %arg0, %c0_i32 : i32, i32
  }
}

module attributes {stable_mosaic.version = 14 : i64} {
  func.func @body(%arg0: i32, %arg1: memref<2x400x32xf32, #tpu.memory_space<vmem>>, %arg2: memref<400x1xf32, #tpu.memory_space<vmem>>, %arg3: memref<1x32xf32, #tpu.memory_space<vmem>>, %arg4: memref<400x128xf32, #tpu.memory_space<vmem>>, %arg5: memref<32x32xf32, #tpu.memory_space<vmem>>, %arg6: memref<1x32xf32, #tpu.memory_space<vmem>>, %arg7: memref<32x7xf32, #tpu.memory_space<vmem>>, %arg8: memref<1x7xf32, #tpu.memory_space<vmem>>, %arg9: memref<400x7xf32, #tpu.memory_space<vmem>>) attributes {dimension_semantics = [#tpu.dimension_semantics<arbitrary>], iteration_bounds = array<i64: 125>, scalar_prefetch = 0 : i64, scratch_operands = 0 : i64, tpu.core_type = #tpu.core_type<tc>, window_params = [{transform_indices = @transform_0, window_bounds = array<i64: 2, 400, 32>}, {transform_indices = @transform_1, window_bounds = array<i64: 400, 1>}, {pipeline_mode = #tpu.pipeline_mode<synchronous>, transform_indices = @transform_2, window_bounds = array<i64: 1, 32>}, {transform_indices = @transform_3, window_bounds = array<i64: 400, 128>}, {pipeline_mode = #tpu.pipeline_mode<synchronous>, transform_indices = @transform_4, window_bounds = array<i64: 32, 32>}, {pipeline_mode = #tpu.pipeline_mode<synchronous>, transform_indices = @transform_5, window_bounds = array<i64: 1, 32>}, {pipeline_mode = #tpu.pipeline_mode<synchronous>, transform_indices = @transform_6, window_bounds = array<i64: 32, 7>}, {pipeline_mode = #tpu.pipeline_mode<synchronous>, transform_indices = @transform_7, window_bounds = array<i64: 1, 7>}, {transform_indices = @transform_8, window_bounds = array<i64: 400, 7>}]} {
    %get3A = arith.constant 0 : index
    %get3A_0 = arith.constant 0 : index
    %get3A_1 = arith.constant 0 : index
    %get3A_2 = vector.load %arg1[%get3A, %get3A_0, %get3A_1] : memref<2x400x32xf32, #tpu.memory_space<vmem>>, vector<1x400x32xf32>
    %get3A_3 = vector.shape_cast %get3A_2 : vector<1x400x32xf32> to vector<400x32xf32>
    %get3A_4 = arith.constant 1 : index
    %get3A_5 = arith.constant 0 : index
    %get3A_6 = arith.constant 0 : index
    %get3A_7 = vector.load %arg1[%get3A_4, %get3A_5, %get3A_6] : memref<2x400x32xf32, #tpu.memory_space<vmem>>, vector<1x400x32xf32>
    %get3A_8 = vector.shape_cast %get3A_7 : vector<1x400x32xf32> to vector<400x32xf32>
    %add3A = arith.addf %get3A_3, %get3A_8 : vector<400x32xf32>
    %get3A_9 = arith.constant 0 : index
    %get3A_10 = arith.constant 0 : index
    %get3A_11 = vector.load %arg2[%get3A_9, %get3A_10] : memref<400x1xf32, #tpu.memory_space<vmem>>, vector<400x1xf32>
    %mul3A = vector.broadcast %get3A_11 : vector<400x1xf32> to vector<400x32xf32>
    %mul3A_12 = arith.mulf %add3A, %mul3A : vector<400x32xf32>
    %get3A_13 = arith.constant 0 : index
    %get3A_14 = arith.constant 0 : index
    %get3A_15 = vector.load %arg3[%get3A_13, %get3A_14] : memref<1x32xf32, #tpu.memory_space<vmem>>, vector<1x32xf32>
    %add3A_16 = vector.broadcast %get3A_15 : vector<1x32xf32> to vector<400x32xf32>
    %add3A_17 = arith.addf %mul3A_12, %add3A_16 : vector<400x32xf32>
    %get3A_18 = arith.constant 0 : index
    %get3A_19 = arith.constant 32 : index
    %get3A_20 = vector.load %arg4[%get3A_18, %get3A_19] : memref<400x128xf32, #tpu.memory_space<vmem>>, vector<400x32xf32>
    %add3A_21 = arith.addf %add3A_17, %get3A_20 : vector<400x32xf32>
    %max3A = arith.constant 0.000000e+00 : f32
    %max3A_22 = vector.broadcast %max3A : f32 to vector<400x32xf32>
    %max3A_23 = arith.maximumf %add3A_21, %max3A_22 : vector<400x32xf32>
    %get3A_24 = arith.constant 0 : index
    %get3A_25 = arith.constant 0 : index
    %get3A_26 = vector.load %arg5[%get3A_24, %get3A_25] : memref<32x32xf32, #tpu.memory_space<vmem>>, vector<32x32xf32>
    %dot_general3A = arith.constant dense<0.000000e+00> : vector<400x32xf32>
    %dot_general3A_27 = tpu.matmul %max3A_23, %get3A_26, %dot_general3A {dimension_numbers = #tpu.dot_dimension_numbers<[1], [0], [0], [1], [0, 0, 1, 1], [], []>, transpose_lhs_hint = false} : vector<400x32xf32>, vector<32x32xf32>, vector<400x32xf32> -> vector<400x32xf32>
    %get3A_28 = arith.constant 0 : index
    %get3A_29 = arith.constant 0 : index
    %get3A_30 = vector.load %arg6[%get3A_28, %get3A_29] : memref<1x32xf32, #tpu.memory_space<vmem>>, vector<1x32xf32>
    %add3A_31 = vector.broadcast %get3A_30 : vector<1x32xf32> to vector<400x32xf32>
    %add3A_32 = arith.addf %dot_general3A_27, %add3A_31 : vector<400x32xf32>
    %get3A_33 = arith.constant 0 : index
    %get3A_34 = arith.constant 0 : index
    %get3A_35 = vector.load %arg7[%get3A_33, %get3A_34] : memref<32x7xf32, #tpu.memory_space<vmem>>, vector<32x7xf32>
    %dot_general3A_36 = arith.constant dense<0.000000e+00> : vector<400x7xf32>
    %dot_general3A_37 = tpu.matmul %add3A_32, %get3A_35, %dot_general3A_36 {dimension_numbers = #tpu.dot_dimension_numbers<[1], [0], [0], [1], [0, 0, 1, 1], [], []>, transpose_lhs_hint = false} : vector<400x32xf32>, vector<32x7xf32>, vector<400x7xf32> -> vector<400x7xf32>
    %get3A_38 = arith.constant 0 : index
    %get3A_39 = arith.constant 0 : index
    %get3A_40 = vector.load %arg8[%get3A_38, %get3A_39] : memref<1x7xf32, #tpu.memory_space<vmem>>, vector<1x7xf32>
    %add3A_41 = vector.broadcast %get3A_40 : vector<1x7xf32> to vector<400x7xf32>
    %add3A_42 = arith.addf %dot_general3A_37, %add3A_41 : vector<400x7xf32>
    %reduce_max3A = arith.constant dense<0xFF800000> : vector<400xf32>
    %reduce_max3A_43 = vector.multi_reduction <maximumf>, %add3A_42, %reduce_max3A [1] : vector<400x7xf32> to vector<400xf32>
    %broadcast_in_dim3A = vector.shape_cast %reduce_max3A_43 : vector<400xf32> to vector<400x1xf32>
    %sub3A = vector.broadcast %broadcast_in_dim3A : vector<400x1xf32> to vector<400x7xf32>
    %sub3A_44 = arith.subf %add3A_42, %sub3A : vector<400x7xf32>
    %exp3A = math.exp %sub3A_44 : vector<400x7xf32>
    %reduce_sum3A = arith.constant dense<0.000000e+00> : vector<400xf32>
    %reduce_sum3A_45 = vector.multi_reduction <add>, %exp3A, %reduce_sum3A [1] : vector<400x7xf32> to vector<400xf32>
    %broadcast_in_dim3A_46 = vector.shape_cast %reduce_sum3A_45 : vector<400xf32> to vector<400x1xf32>
    %log3A = math.log %broadcast_in_dim3A_46 : vector<400x1xf32>
    %sub3A_47 = vector.broadcast %log3A : vector<400x1xf32> to vector<400x7xf32>
    %sub3A_48 = arith.subf %sub3A_44, %sub3A_47 : vector<400x7xf32>
    %swap3A = arith.constant 0 : index
    %swap3A_49 = arith.constant 0 : index
    %swap3A_50 = vector.load %arg9[%swap3A, %swap3A_49] : memref<400x7xf32, #tpu.memory_space<vmem>>, vector<400x7xf32>
    tpu.vector_store %arg9[%swap3A, %swap3A_49], %sub3A_48 {strides = array<i32>} : memref<400x7xf32, #tpu.memory_space<vmem>>, vector<400x7xf32>,
    return
  }
  func.func @transform_0(%arg0: i32) -> (i32, i32, i32) {
    %c0_i32 = arith.constant 0 : i32
    %c0_i32_0 = arith.constant 0 : i32
    %c0_i32_1 = arith.constant 0 : i32
    return %c0_i32, %arg0, %c0_i32_0 : i32, i32, i32
  }
  func.func @transform_1(%arg0: i32) -> (i32, i32) {
    %c0_i32 = arith.constant 0 : i32
    %c0_i32_0 = arith.constant 0 : i32
    return %arg0, %c0_i32 : i32, i32
  }
  func.func @transform_2(%arg0: i32) -> (i32, i32) {
    %c0_i32 = arith.constant 0 : i32
    %c0_i32_0 = arith.constant 0 : i32
    %c0_i32_1 = arith.constant 0 : i32
    return %c0_i32, %c0_i32_0 : i32, i32
  }
  func.func @transform_3(%arg0: i32) -> (i32, i32) {
    %c0_i32 = arith.constant 0 : i32
    %c0_i32_0 = arith.constant 0 : i32
    return %arg0, %c0_i32 : i32, i32
  }
  func.func @transform_4(%arg0: i32) -> (i32, i32) {
    %c0_i32 = arith.constant 0 : i32
    %c0_i32_0 = arith.constant 0 : i32
    %c0_i32_1 = arith.constant 0 : i32
    return %c0_i32, %c0_i32_0 : i32, i32
  }
  func.func @transform_5(%arg0: i32) -> (i32, i32) {
    %c0_i32 = arith.constant 0 : i32
    %c0_i32_0 = arith.constant 0 : i32
    %c0_i32_1 = arith.constant 0 : i32
    return %c0_i32, %c0_i32_0 : i32, i32
  }
  func.func @transform_6(%arg0: i32) -> (i32, i32) {
    %c0_i32 = arith.constant 0 : i32
    %c0_i32_0 = arith.constant 0 : i32
    %c0_i32_1 = arith.constant 0 : i32
    return %c0_i32, %c0_i32_0 : i32, i32
  }
  func.func @transform_7(%arg0: i32) -> (i32, i32) {
    %c0_i32 = arith.constant 0 : i32
    %c0_i32_0 = arith.constant 0 : i32
    %c0_i32_1 = arith.constant 0 : i32
    return %c0_i32, %c0_i32_0 : i32, i32
  }
  func.func @transform_8(%arg0: i32) -> (i32, i32) {
    %c0_i32 = arith.constant 0 : i32
    %c0_i32_0 = arith.constant 0 : i32
    return %arg0, %c0_i32 : i32, i32
  }
}

</mosaic_0001>

<sc_bundles>
// kernel: gather_offload_async_start.1
scs
__scs_entry_jumppad:
0x0: {  	(pc) =	sbr.rel $0x88, $3  }
0x1: {  	(tag) =	ssettag $0x0;
	lr =	simm.s32 $0x1  }
0x2: {  	[smem:$0x3F92] =	sst lr;
	_ =	strace $0xD0000000  }
0x3: {  	_ = 	snop  }
0x4: {  	_ = 	snop  }
0x5: {  	_ = 	snop  }
0x6: {  	_ = 	snop  }
0x7: {  	_ = 	snop  }
__scs_overlays_trampoline_lowered:
0x8: {  	[smem:$0x3FA1] =	sst s0  }
0x9: {  	[smem:$0x3FA2] =	sst s1  }
0xa: {  	[smem:$0x3FA3] =	sst s2  }
0xb: {  	[smem:$0x3FA4] =	sst s3  }
0xc: {  	[smem:$0x3FA5] =	sst s4  }
0xd: {  	[smem:$0x3FA6] =	sst s5  }
0xe: {  	[smem:$0x3FA7] =	sst s6  }
0xf: {  	[smem:$0x3FA8] =	sst s7  }
0x10: {  	[smem:$0x3FA9] =	sst s8  }
0x11: {  	[smem:$0x3FAA] =	sst s9;
	s0 =	simm.s32 @!p0 $0x0  }
0x12: {  	s1 =	sld [smem:$0x3F90];
	s0 =	simm.s32 @p0 $0x1  }
0x13: {  	[smem:$0x3FAB] =	sst s0;
	s0 =	simm.s32 @!p1 $0x0  }
0x14: {  	s2 =	sld [smem:$0x3F8F];
	s0 =	simm.s32 @p1 $0x1  }
0x15: {  	[smem:$0x3FAC] =	sst s0;
	s0 =	simm.s32 @!p2 $0x0  }
0x16: {  	s3 =	sld [smem:$0x3FDB];
	s0 =	simm.s32 @p2 $0x1  }
0x17: {  	s4 =	simm.s32 $0x1BF5;
	[smem:$0x3FAE] =	sst s0  }
0x18: {  	s0 =	sld [smem:$0x3F91];
	_ =	swait.ge [sflag:s4], $0x0  }
0x19: {  	s7 =	sld [smem:$0x3F92]  }
0x1a: {  	s8 =	sadd.s32 $0xFFFFE003, lr  }
0x1b: {  	s9 =	sadd.s32 $0xFFFFFEF7, lr;
	s5 =	simm.s32 $0xFFFFFFFF;
	p2 =	slt.u32 s8, $0xFFFFF086  }
0x1c: {  	p1 =	slt.u32 s9, $0xF7A;
	s5 =	simm.s32 @!p2 $0x0  }
0x1d: {  	s5 =	simm.s32 @p1 $0x1;
	p0 =	seq.s32 s7, s2  }
0x1e: {  	s7 =	smul.u32 @!p0 $0xF7A, s2;
	p2 =	seq.s32 @!p0 s5, $0x0  }
0x1f: {  	s9 =	smul.u32 $0xF7A, s1;
	s8 =	simm.s32 @!p0 $0x1BF5;
	p2 =	por !p2, p0  }
0x20: {  	[sflag:s8] =	ssyncset.s32 @!p0 $0xFFFFF086;
	s6 =	sadd.s32 @!p0 s3, s7;
	s7 =	simm.s32 @!p0 $0x108  }
0x21: {  	s3 =	sadd.s32 s3, s9;
	s6 =	sadd.s32 @!p0 $0x88, s6;
	s7 =	simm.s32 @p2 $0x1082  }
0x22: {  	[simem:s7], [sflag:s8] =	dma.local @!p0 [hbm:s6], $0xF7A  }
0x23: {  	s9 =	sor.u32 $0xD0000000, s2;
	s6 =	simm.s32 $0x108;
	_ =	swait.ge @!p0 [sflag:s8], $0x0  }
0x24: {  	s3 =	sadd.s32 $0x88, s3;
	s6 =	simm.s32 @!p1 $0x1082;
	[sflag:s4] =	ssyncset.s32 $0xFFFFF086  }
0x25: {  	[simem:s6], [sflag:s4] =	dma.local [hbm:s3], $0xF7A  }
0x26: {  	[smem:$0x3F92] =	sst s1;
	(tag) =	ssettag s2;
	_ =	strace s9  }
0x27: {  	s1 =	sld [smem:$0x3FA2]  }
0x28: {  	s2 =	sld [smem:$0x3FA3]  }
0x29: {  	s4 =	sld [smem:$0x3FA5]  }
0x2a: {  	p0 =	seq.s32 s5, $0x0;
	s5 =	sld [smem:$0x3FA6]  }
0x2b: {  	s6 =	sld [smem:$0x3FA7]  }
0x2c: {  	s7 =	sld [smem:$0x3FA8]  }
0x2d: {  	s3 =	simm.s32 $0x108;
	s8 =	sld [smem:$0x3FA9]  }
0x2e: {  	s3 =	simm.s32 @!p0 $0x1082;
	s9 =	sld [smem:$0x3FAA]  }
0x2f: {  	lr =	sadd.s32 s0, s3;
	s0 =	sld [smem:$0x3FA1]  }
0x30: {  	s3 =	sld [smem:$0x3FA4]  }
0x31: {  	[smem:$0x3FAD] =	sst s10  }
0x32: {  	s10 =	sld [smem:$0x3FAB];
	_ =	sdelay $0x3  }
0x33: {  	p0 =	seq.s32 s10, $0x1;
	s10 =	sld [smem:$0x3FAD];
	_ =	sdelay $0x3  }
0x34: {  	[smem:$0x3FAD] =	sst s10  }
0x35: {  	s10 =	sld [smem:$0x3FAC];
	_ =	sdelay $0x3  }
0x36: {  	p1 =	seq.s32 s10, $0x1;
	s10 =	sld [smem:$0x3FAD];
	_ =	sdelay $0x3  }
0x37: {  	[smem:$0x3FAD] =	sst s10  }
0x38: {  	s10 =	sld [smem:$0x3FAE]  }
0x39: {  	_ = 	snop;
	(pc) =	sbr.ind lr, $3  }
0x3a: {  	_ = 	snop  }
0x3b: {  	_ = 	snop  }
0x3c: {  	p2 =	seq.s32 s10, $0x1;
	s10 =	sld [smem:$0x3FAD]  }
0x3d: {  	_ =	shalt  }
0x3e: {  	_ =	shalt  }
0x3f: {  	_ =	shalt  }
0x40: {  	_ =	shalt  }
0x41: {  	_ =	shalt  }
0x42: {  	_ =	shalt  }
0x43: {  	_ =	shalt  }
0x44: {  	_ =	shalt  }
0x45: {  	_ =	shalt  }
0x46: {  	_ =	shalt  }
0x47: {  	_ =	shalt  }
0x48: {  	_ =	shalt  }
0x49: {  	_ =	shalt  }
0x4a: {  	_ =	shalt  }
0x4b: {  	_ =	shalt  }
0x4c: {  	_ =	shalt  }
0x4d: {  	_ =	shalt  }
0x4e: {  	_ =	shalt  }
0x4f: {  	_ =	shalt  }
0x50: {  	_ =	shalt  }
0x51: {  	_ =	shalt  }
0x52: {  	_ =	shalt  }
0x53: {  	_ =	shalt  }
0x54: {  	_ =	shalt  }
0x55: {  	_ =	shalt  }
0x56: {  	_ =	shalt  }
0x57: {  	_ =	shalt  }
0x58: {  	_ =	shalt  }
0x59: {  	_ =	shalt  }
0x5a: {  	_ =	shalt  }
0x5b: {  	_ =	shalt  }
0x5c: {  	_ =	shalt  }
0x5d: {  	_ =	shalt  }
0x5e: {  	_ =	shalt  }
0x5f: {  	_ =	shalt  }
0x60: {  	_ =	shalt  }
0x61: {  	_ =	shalt  }
0x62: {  	_ =	shalt  }
0x63: {  	_ =	shalt  }
0x64: {  	_ =	shalt  }
0x65: {  	_ =	shalt  }
0x66: {  	_ =	shalt  }
0x67: {  	_ =	shalt  }
0x68: {  	_ =	shalt  }
0x69: {  	_ =	shalt  }
0x6a: {  	_ =	shalt  }
0x6b: {  	_ =	shalt  }
0x6c: {  	_ =	shalt  }
0x6d: {  	_ =	shalt  }
0x6e: {  	_ =	shalt  }
0x6f: {  	_ =	shalt  }
0x70: {  	_ =	shalt  }
0x71: {  	_ =	shalt  }
0x72: {  	_ =	shalt  }
0x73: {  	_ =	shalt  }
0x74: {  	_ =	shalt  }
0x75: {  	_ =	shalt  }
0x76: {  	_ =	shalt  }
0x77: {  	_ =	shalt  }
0x78: {  	_ =	shalt  }
0x79: {  	_ =	shalt  }
0x7a: {  	_ =	shalt  }
0x7b: {  	_ =	shalt  }
0x7c: {  	_ =	shalt  }
0x7d: {  	_ =	shalt  }
0x7e: {  	_ =	shalt  }
0x7f: {  	_ =	shalt  }
0x80: {  	_ =	shalt  }
0x81: {  	_ =	shalt  }
0x82: {  	_ =	shalt  }
0x83: {  	_ =	shalt  }
0x84: {  	_ =	shalt  }
0x85: {  	_ =	shalt  }
0x86: {  	_ =	shalt  }
0x87: {  	_ =	shalt  }
.Lfunc_end0:
.L_simem_size_0:
called_computation.4_lowered:
.L_overlay_start_0:
0x88: {  	s2 =	sld [smem:$0x3FD9]  }
0x89: {  	s3 =	sld [smem:$0x3FFE];
	_ =	sdelay $0x1  }
0x8a: {  	s1 =	srdreg.scid  }
0x8b: {  	s0 =	sand.u32 $0x1, s1  }
0x8c: {  	s17 =	sshll.u32 s0, $0xA;
	s2 =	sadd.s32 s3, s2  }
0x8d: {  	s2 =	sadd.s32 s2, s17  }
0x8e: {  	[smem:$0x3FB9] =	sst s2  }
0x8f: {  	_ = 	snop  }
0x90: {  	(tm) =	ssettm $0x1  }
0x91: {  	s18 =	sld [smem:$0x3FFB];
	_ =	sdelay $0x3  }
0x92: {  	_ =	strace s18  }
0x93: {  	s2 =	sld [smem:$0x3FFC];
	_ =	sdelay $0x3  }
0x94: {  	_ =	strace s2  }
0x95: {  	s2 =	sld [smem:$0x3FFD];
	_ =	sdelay $0x3  }
0x96: {  	_ =	strace s2  }
0x97: {  	_ =	strace $0x8FFFFFFF  }
0x98: {  	s19 =	sld [smem:$0x3FDB];
	_ =	sdelay $0x1  }
0x99: {  	s20 =	simm.s32 $_scs_section_size  }
0x9a: {  	s4 =	simm.s32 $_size__tile_overlayer_lowered;
	s5 =	simm.s32 $_tile_overlayer_lowered  }
0x9b: {  	s6 =	simm.s32 $0x1BFF;
	s21 =	sshll.u32 s5, $0x1;
	s3 =	sadd.s32 s20, s19  }
0x9c: {  	s22 =	simm.s32 $0x0;
	s4 =	sshll.u32 s4, $0x1;
	s5 =	sadd.s32 s21, s3  }
0x9d: {  	[timem:s22], [sflag:s6] =	dma.local [hbm:s5], s4  }
0x9e: {  	_ =	swait.ge [sflag:s6], s4  }
0x9f: {  	s4 =	ssub.s32 $0x0, s4;
	[sflag:s6] =	ssyncset.done $0x0  }
0xa0: {  	[sflag:s6] =	ssyncadd.s32 s4;
	_ =	sdelay $0x1  }
0xa1: {  	s23 =	simm.s32 $0x1B8B  }
0xa2: {  	_ =	swait.ge [sflag:s23], $0x1  }
0xa3: {  	[sflag:s23] =	ssyncset.done $0x0  }
0xa4: {  	[sflag:s23] =	ssyncadd.s32 $0xFFFFFFFF  }
0xa5: {  	s4 =	sld [smem:$0x0]  }
0xa6: {  	s5 =	sand.u32 $0xFFFFFFFE, s1  }
0xa7: {  	p0 =	sne.s32 s1, s5  }
0xa8: {  	s5 =	sshll.u32 @p0 s5, $0xE  }
0xa9: {  	s5 =	sadd.s32 @p0 $0x11B8D, s5;
	s6 =	sshll.u32 @p0 s4, $0x11  }
0xaa: {  	s5 =	sor.u32 @p0 s6, s5  }
0xab: {  	[sflag:s5] =	ssyncadd.remote.s32 @p0 $0x1;
	_ =	sdelay $0x1  }
0xac: {  	s5 =	simm.s32 @p0 $0x1B8D  }
0xad: {  	_ =	swait.eq @p0 [sflag:s5], $0x1  }
0xae: {  	[sflag:s5] =	ssyncadd.s32 @p0 $0xFFFFFFFF  }
0xaf: {  	s6 =	sshll.u32 @!p0 s1, $0xE  }
0xb0: {  	s6 =	sor.u32 @!p0 $0x4000, s6;
	s5 =	simm.s32 @!p0 $0x1B8D  }
0xb1: {  	s4 =	sshll.u32 @!p0 s4, $0x11;
	s6 =	sadd.s32 @!p0 $0x11B8D, s6;
	_ =	swait.eq @!p0 [sflag:s5], $0x1  }
0xb2: {  	s4 =	sor.u32 @!p0 s4, s6;
	[sflag:s5] =	ssyncadd.s32 @!p0 $0xFFFFFFFF  }
0xb3: {  	s25 =	simm.s32 $0x1B8E;
	s24 =	sld [smem:$0x3FFE];
	[sflag:s4] =	ssyncadd.remote.s32 @!p0 $0x1  }
0xb4: {  	s26 =	simm.s32 $execute0_lowered;
	[smem:$0x3FD2] =	sst s25  }
0xb5: {  	s5 =	sshll.u32 s26, $0x1;
	_ =	strace $0x8000004C;
	[dreg:$0x1] =	wrdreg $0xFFFFFFFF  }
0xb6: {  	s28 =	simm.s32 $_size_execute0_lowered;
	s3 =	sadd.s32 s3, s5;
	[dreg:$0x0] =	wrdreg $0x0  }
0xb7: {  	s5 =	sshll.u32 s28, $0x1;
	[dreg:$0x2] =	wrdreg s3  }
0xb8: {  	[dreg:$0x3] =	wrdreg s5  }
0xb9: {  	[dreg:$0x4] =	wrdreg $0xC0  }
0xba: {  	_ =	task [dreg:s22], $0x5FFFF  }
0xbb: {  	[dreg:$0x1] =	wrdreg $0xFFFFFFFF  }
0xbc: {  	[dreg:$0x0] =	wrdreg $0x60  }
0xbd: {  	[dreg:$0x2] =	wrdreg s24  }
0xbe: {  	[dreg:$0x3] =	wrdreg $0x9  }
0xbf: {  	_ =	task.clear_ibuf [dreg:s22], $0x4FFFF;
	_ =	strace $0x9000004C  }
0xc0: {  	s29 =	simm.s32 $0x9;
	_ =	strace $0x8000004E  }
0xc1: {  	_ =	swait.ge [sflag:s29], $0x1  }
0xc2: {  	[sflag:s29] =	ssyncadd.s32 $0xFFFFFFFF  }
0xc3: {  	_ =	strace $0x9000004E  }
0xc4: {  	_ =	sfence  }
0xc5: {  	s30 =	sld [smem:$0x0];
	_ =	sdelay $0x2  }
0xc6: {  	s31 =	sshll.u32 s1, $0xD;
	s1 =	sshrl.u32 s1, $0x2  }
0xc7: {  	s4 =	sand.u32 $0x4000, s31;
	s1 =	sadd.s32 s1, s30  }
0xc8: {  	s0 =	sor.u32 s4, s0;
	s1 =	sshll.u32 s1, $0x11  }
0xc9: {  	s0 =	sor.u32 s1, s0  }
0xca: {  	s0 =	sadd.s32 $0x8F2B, s0  }
0xcb: {  	[sflag:s0] =	ssyncadd.remote.s32 $0x1  }
0xcc: {  	_ =	sfence.sel $0xFFFF  }
0xcd: {  	[dreg:$0x0] =	wrdreg $0xFFFFFFFF;
	(pc) =	sbr.abs _section_cstart, $3  }
0xce: {  	[dreg:$0x1] =	wrdreg $0xFFFFFFFF  }
0xcf: {  	_ =	task.clear_ibuf [dreg:s22], $0x2FFFF;
	_ =	strace $0x9FFFFFFF  }
0xd0: {  	(tm) =	ssettm $0x7FFFFFFF  }
0xd1: {  	_ =	shalt  }
tec
execute0_lowered:
.L_overlay_start_1:
0x0: {  	(tag) =	ssettag $0x1  }
0x1: {  	s8 =	rddreg [dreg:$0x0];
	s1 =	stileid.u32  }
0x2: {  	s2 =	srdreg.scid;
	s0 =	rddreg [dreg:$0x1]  }
0x3: {  	_ =	strace $0x8000004D;
	s5 =	simm.s32 $0x1;
	s9 =	simm.s32 $0x1  }
0x4: {  	s10 =	simm.s32 $0x3;
	s2 =	sand.u32 $0x1, s2;
	s3 =	sshll.u32 s1, $0x1  }
0x5: {  	s13 =	simm.s32 $0x0;
	s12 =	simm.s32 $0x0;
	s6 =	sor.u32 s3, s2  }
0x6: {  	[sflag:s5] =	ssyncpa.u1 $0x0;
	s2 =	sadd.s32 $0x19800, s8;
	s4 =	smul.u32 $0x4E20, s6  }
0x7: {  	s3 =	sadd.s32 $0x32000, s8;
	p0 =	slt.u32 s6, $0x9;
	s6 =	simm.s32 $0x9C400  }
.Ltmp0:
0x8: {  	s6 =	simm.s32 @!p0 $0x0;
	s7 =	ssub.s32 $0xC3500, s4;
	(pc) =	sbr.rel .LBB2_1-.Ltmp0, $4  }
0x9: {  	s9 =	simm.s32 @!p0 $0x0;
	p0 =	sne.s32 s7, s6;
	s7 =	simm.s32 $0x1  }
0xa: {  	s8 =	sadd.s32 $0x1000, s8;
	s6 =	simm.s32 $0x2;
	s7 =	simm.s32 @!p0 $0x0  }
0xb: {  	s11 =	smov.u32 s4;
	[sflag:s6] =	ssyncpa.u1 $0x0;
	s7 =	sadd.s32 s9, s7  }
0xc: {  	vm0 =	vmmov $0xffff;
	[sflag:s10] =	ssyncpa.u1 $0x0;
	s10 =	simm.s32 $0x0;
	s9 =	sadd.s32 $0x1, s7  }
.LBB2_4:
0xd: {  	v2 =	vnsel vm1, $0x0, v2  }
0xe: {  	vm1 =	vgt.s32 v0, $0x0;
	v2 =	vmin.u32 v2, $0xC34FF  }
0xf: {  	v0 =	vnsel vm1, $0x0, v0  }
0x10: {  	v0 =	vmin.u32 v0, $0xC34FF  }
0x11: {  	[tilespmem:s18], [sflag:$0x1] =	stream.indirect_vreg.gather [hbm4b:s2+s10], $0x1, v1, vm0, $0x4038;
	[tilespmem:$0x13880] =	vst v63  }
0x12: {  	(ifvalue) =	ssetifvalue $0x7FFFFFFF  }
0x13: {  	[tilespmem:s15], [sflag:$0x1] =	stream.indirect_vreg.gather [hbm4b:s2+s10], $0x1, v2, vm0, $0x4038;
	[tilespmem:$0x13880] =	vst v63  }
0x14: {  	s29 =	sadd.s32 $0x10, s15;
	(ifvalue) =	ssetifvalue $0x7FFFFFFF  }
0x15: {  	[tilespmem:s29], [sflag:$0x1] =	stream.indirect_vreg.gather [hbm4b:s2+s10], $0x1, v0, vm0, $0x4038;
	[tilespmem:$0x13880] =	vst v63  }
0x16: {  	_ =	swait.ge [sflag:s5], $0x4E20  }
0x17: {  	s30 =	sshrl.u32 s13, $0x3;
	[sflag:s5] =	ssyncset.done $0x0  }
0x18: {  	s31 =	sand.u32 $0x7, s13;
	s15 =	sadd.s32 s8, s30;
	[sflag:s5] =	ssyncadd.s32 $0xFFFFB1E0  }
0x19: {  	[hbm4b:s15+s31] =	stream.linear.scatter [tilespmem:s14], [sflag:$0x3], $0x4E20, $0x38;
	[tilespmem:$0x13880] =	vst v63  }
.LBB2_5:
0x1a: {  	s15 =	sadd.s32 $0x9C400, s11  }
0x1b: {  	p1 =	sgt.s32 s15, $0xC34FF  }
0x1c: {  	s15 =	smov.u32 @p1 s4;
	p1 =	sne.s32 s12, s9  }
.Ltmp1:
0x1d: {  	p0 =	slt.u32 s12, $0x2;
	(pc) =	sbr.rel @!p1 .LBB2_6-.Ltmp1, $4  }
0x1e: {  	s14 =	simm.s32 @!p0 $0x3  }
0x1f: {  	_ =	swait.ge @!p0 [sflag:s14], $0x4E20  }
0x20: {  	s16 =	sadd.s32 $0x1, s12;
	s13 =	smov.u32 s11;
	[sflag:s14] =	ssyncset.done @!p0 $0x0  }
0x21: {  	s12 =	smov.u32 s16;
	s11 =	smov.u32 s15;
	[sflag:s14] =	ssyncadd.s32 @!p0 $0xFFFFB1E0  }
.LBB2_1:
0x22: {  	p0 =	sge.u32 s12, s7  }
0x23: {  	s14 =	sxor.u32 @!p0 $0x1, s12  }
0x24: {  	s14 =	smul.u32 @!p0 $0x13880, s14  }
0x25: {  	s31 =	sadd.s32 $0xFFFFFFFF, s12;
	s15 =	sshrl.u32 @!p0 s11, $0x3  }
0x26: {  	s16 =	sand.u32 @!p0 $0x7, s11;
	s15 =	sadd.s32 @!p0 s3, s15;
	s14 =	sshra.s32 @!p0 s14, $0x2  }
0x27: {  	[tilespmem:s14], [sflag:$0x2] =	stream.linear.gather @!p0 [hbm4b:s15+s16], $0x4E20, $0x38;
	[tilespmem:$0x13880] =	vst v63  }
0x28: {  	p0 =	sge.u32 s31, s7  }
.Ltmp2:
0x29: {  	_ = 	snop;
	(pc) =	sbr.rel @p0 .LBB2_5-.Ltmp2, $1  }
0x2a: {  	_ =	sdelay $0x3  }
0x2b: {  	s14 =	sand.u32 $0x1, s12  }
0x2c: {  	_ =	swait.ge [sflag:s6], $0x4E20;
	p0 =	seq.s32 s14, $0x1;
	s14 =	simm.s32 $0x4E20  }
0x2d: {  	[sflag:s6] =	ssyncset.done $0x0;
	s14 =	simm.s32 @!p0 $0x0  }
0x2e: {  	[sflag:s6] =	ssyncadd.s32 $0xFFFFB1E0;
	(ifvalue) =	ssetifvalue $0x7FFFFFFF;
	v0 =	vld.msk [tilespmem:s14+$0x0 ss:$0x1], $0xffff;
	_ =	sdelay $0x4  }
0x2f: {  	s15 =	sadd.s32 $0x10, s14;
	vm1 =	vgt.s32 v0, $0x0  }
0x30: {  	v2 =	vld.msk [tilespmem:s15+$0x0 ss:$0x1], $0xffff;
	v1 =	vnsel vm1, $0x0, v0  }
0x31: {  	v1 =	vmin.u32 v1, $0xC34FF;
	_ =	sdelay $0x2  }
0x32: {  	s17 =	simm.s32 $0x20;
	s14 =	sadd.s32 $0x9C40, s14;
	s16 =	sadd.s32 $0x10, s15  }
0x33: {  	s15 =	sadd.s32 $0x10, s14;
	s18 =	smov.u32 s14;
	v0 =	vld.msk [tilespmem:s16+$0x0 ss:$0x1], $0xffff;
	vm1 =	vgt.s32 v2, $0x0;
	(ifvalue) =	ssetifvalue $0x7FFFFFFF  }
.LBB2_3:
0x34: {  	[tilespmem:s18], [sflag:$0x1] =	stream.indirect_vreg.gather [hbm4b:s2+s10], $0x1, v1, vm0, $0x4038;
	[tilespmem:$0x13880] =	vst v63  }
0x35: {  	s17 =	sadd.s32 $0x10, s17  }
0x36: {  	v2 =	vnsel vm1, $0x0, v2;
	p0 =	slt.u32 s17, $0x4E10  }
.Ltmp3:
0x37: {  	s18 =	smov.u32 s15;
	v1 =	vmin.u32 v2, $0xC34FF;
	(pc) =	sbr.rel @p0 .LBB2_3-.Ltmp3, $3  }
0x38: {  	_ =	sdelay $0x1  }
0x39: {  	s16 =	sadd.s32 $0x10, s16  }
0x3a: {  	vm1 =	vgt.s32 v0, $0x0;
	s15 =	sadd.s32 $0x10, s15;
	v2 =	vmov v0;
	(ifvalue) =	ssetifvalue $0x7FFFFFFF;
	v0 =	vld.msk [tilespmem:s16+$0x0 ss:$0x1], $0xffff  }
.Ltmp4:
0x3b: {  	_ = 	snop;
	(pc) =	sbr.rel .LBB2_4-.Ltmp4, $1  }
0x3c: {  	_ =	sdelay $0x3  }
.LBB2_6:
0x3d: {  	_ =	sfence.sel $0x180000  }
0x3e: {  	s2 =	simm.s32 $0x2;
	[bflag:$0x0] =	sbarrier.arrive $0xFFFF  }
0x3f: {  	s30 =	simm.s32 $0x3;
	[sflag:s2] =	ssyncpa.u1 $0x1  }
0x40: {  	s31 =	simm.s32 $0x1;
	[sflag:s30] =	ssyncpa.u1 $0x1  }
0x41: {  	[sflag:s31] =	ssyncpa.u1 $0x1  }
0x42: {  	p0 =	sne.s32 s1, $0x0;
	_ =	strace $0x9000004D  }
0x43: {  	s0 =	sadd.s32 @!p0 $0x100000, s0;
	[bflag:$0x2] =	sbarrier.arrive $0xFFFF  }
0x44: {  	[sflag:s0] =	ssyncadd.tile.s32 @!p0 $0x1;
	_ =	shalt  }
.Lfunc_end2:
_tile_overlayer_lowered:
.L_overlay_start_2:
0x45: {  	(tag) =	ssettag $0x2  }
0x46: {  	s0 =	rddreg [dreg:$0x0];
	s2 =	stileid.u32  }
0x47: {  	s1 =	rddreg [dreg:$0x1];
	p0 =	sne.s32 s2, $0x0  }
0x48: {  	s3 =	rddreg [dreg:$0x2];
	[bflag:$0x3] =	sbarrier.arrive $0xFFFF;
	s2 =	simm.s32 @!p0 $0x1C01  }
0x49: {  	[timem:s3], [sflag:s2] =	dma.local @!p0 [hbm:s0], s1  }
0x4a: {  	s0 =	simm.s32 @!p0 $0x1  }
0x4b: {  	_ =	swait.ge @!p0 [sflag:s0], s1  }
0x4c: {  	s1 =	ssub.s32 @!p0 $0x0, s1;
	[sflag:s0] =	ssyncset.done @!p0 $0x0  }
0x4d: {  	[sflag:s0] =	ssyncadd.s32 @!p0 s1  }
0x4e: {  	[bflag:$0x3] =	sbarrier.arrive $0xFFFF  }
0x4f: {  	_ =	shalt  }

// kernel: gather_offload_async_start
scs
__scs_entry_jumppad:
0x0: {  	(pc) =	sbr.rel $0x88, $3  }
0x1: {  	(tag) =	ssettag $0x0;
	lr =	simm.s32 $0x1  }
0x2: {  	[smem:$0x3F92] =	sst lr;
	_ =	strace $0xD0000000  }
0x3: {  	_ = 	snop  }
0x4: {  	_ = 	snop  }
0x5: {  	_ = 	snop  }
0x6: {  	_ = 	snop  }
0x7: {  	_ = 	snop  }
__scs_overlays_trampoline_lowered:
0x8: {  	[smem:$0x3FA1] =	sst s0  }
0x9: {  	[smem:$0x3FA2] =	sst s1  }
0xa: {  	[smem:$0x3FA3] =	sst s2  }
0xb: {  	[smem:$0x3FA4] =	sst s3  }
0xc: {  	[smem:$0x3FA5] =	sst s4  }
0xd: {  	[smem:$0x3FA6] =	sst s5  }
0xe: {  	[smem:$0x3FA7] =	sst s6  }
0xf: {  	[smem:$0x3FA8] =	sst s7  }
0x10: {  	[smem:$0x3FA9] =	sst s8  }
0x11: {  	[smem:$0x3FAA] =	sst s9;
	s0 =	simm.s32 @!p0 $0x0  }
0x12: {  	s1 =	sld [smem:$0x3F90];
	s0 =	simm.s32 @p0 $0x1  }
0x13: {  	[smem:$0x3FAB] =	sst s0;
	s0 =	simm.s32 @!p1 $0x0  }
0x14: {  	s2 =	sld [smem:$0x3F8F];
	s0 =	simm.s32 @p1 $0x1  }
0x15: {  	[smem:$0x3FAC] =	sst s0;
	s0 =	simm.s32 @!p2 $0x0  }
0x16: {  	s3 =	sld [smem:$0x3FDB];
	s0 =	simm.s32 @p2 $0x1  }
0x17: {  	s4 =	simm.s32 $0x1BF5;
	[smem:$0x3FAE] =	sst s0  }
0x18: {  	s0 =	sld [smem:$0x3F91];
	_ =	swait.ge [sflag:s4], $0x0  }
0x19: {  	s7 =	sld [smem:$0x3F92]  }
0x1a: {  	s8 =	sadd.s32 $0xFFFFE003, lr  }
0x1b: {  	s9 =	sadd.s32 $0xFFFFFEF7, lr;
	s5 =	simm.s32 $0xFFFFFFFF;
	p2 =	slt.u32 s8, $0xFFFFF086  }
0x1c: {  	p1 =	slt.u32 s9, $0xF7A;
	s5 =	simm.s32 @!p2 $0x0  }
0x1d: {  	s5 =	simm.s32 @p1 $0x1;
	p0 =	seq.s32 s7, s2  }
0x1e: {  	s7 =	smul.u32 @!p0 $0xF7A, s2;
	p2 =	seq.s32 @!p0 s5, $0x0  }
0x1f: {  	s9 =	smul.u32 $0xF7A, s1;
	s8 =	simm.s32 @!p0 $0x1BF5;
	p2 =	por !p2, p0  }
0x20: {  	[sflag:s8] =	ssyncset.s32 @!p0 $0xFFFFF086;
	s6 =	sadd.s32 @!p0 s3, s7;
	s7 =	simm.s32 @!p0 $0x108  }
0x21: {  	s3 =	sadd.s32 s3, s9;
	s6 =	sadd.s32 @!p0 $0x88, s6;
	s7 =	simm.s32 @p2 $0x1082  }
0x22: {  	[simem:s7], [sflag:s8] =	dma.local @!p0 [hbm:s6], $0xF7A  }
0x23: {  	s9 =	sor.u32 $0xD0000000, s2;
	s6 =	simm.s32 $0x108;
	_ =	swait.ge @!p0 [sflag:s8], $0x0  }
0x24: {  	s3 =	sadd.s32 $0x88, s3;
	s6 =	simm.s32 @!p1 $0x1082;
	[sflag:s4] =	ssyncset.s32 $0xFFFFF086  }
0x25: {  	[simem:s6], [sflag:s4] =	dma.local [hbm:s3], $0xF7A  }
0x26: {  	[smem:$0x3F92] =	sst s1;
	(tag) =	ssettag s2;
	_ =	strace s9  }
0x27: {  	s1 =	sld [smem:$0x3FA2]  }
0x28: {  	s2 =	sld [smem:$0x3FA3]  }
0x29: {  	s4 =	sld [smem:$0x3FA5]  }
0x2a: {  	p0 =	seq.s32 s5, $0x0;
	s5 =	sld [smem:$0x3FA6]  }
0x2b: {  	s6 =	sld [smem:$0x3FA7]  }
0x2c: {  	s7 =	sld [smem:$0x3FA8]  }
0x2d: {  	s3 =	simm.s32 $0x108;
	s8 =	sld [smem:$0x3FA9]  }
0x2e: {  	s3 =	simm.s32 @!p0 $0x1082;
	s9 =	sld [smem:$0x3FAA]  }
0x2f: {  	lr =	sadd.s32 s0, s3;
	s0 =	sld [smem:$0x3FA1]  }
0x30: {  	s3 =	sld [smem:$0x3FA4]  }
0x31: {  	[smem:$0x3FAD] =	sst s10  }
0x32: {  	s10 =	sld [smem:$0x3FAB];
	_ =	sdelay $0x3  }
0x33: {  	p0 =	seq.s32 s10, $0x1;
	s10 =	sld [smem:$0x3FAD];
	_ =	sdelay $0x3  }
0x34: {  	[smem:$0x3FAD] =	sst s10  }
0x35: {  	s10 =	sld [smem:$0x3FAC];
	_ =	sdelay $0x3  }
0x36: {  	p1 =	seq.s32 s10, $0x1;
	s10 =	sld [smem:$0x3FAD];
	_ =	sdelay $0x3  }
0x37: {  	[smem:$0x3FAD] =	sst s10  }
0x38: {  	s10 =	sld [smem:$0x3FAE]  }
0x39: {  	_ = 	snop;
	(pc) =	sbr.ind lr, $3  }
0x3a: {  	_ = 	snop  }
0x3b: {  	_ = 	snop  }
0x3c: {  	p2 =	seq.s32 s10, $0x1;
	s10 =	sld [smem:$0x3FAD]  }
0x3d: {  	_ =	shalt  }
0x3e: {  	_ =	shalt  }
0x3f: {  	_ =	shalt  }
0x40: {  	_ =	shalt  }
0x41: {  	_ =	shalt  }
0x42: {  	_ =	shalt  }
0x43: {  	_ =	shalt  }
0x44: {  	_ =	shalt  }
0x45: {  	_ =	shalt  }
0x46: {  	_ =	shalt  }
0x47: {  	_ =	shalt  }
0x48: {  	_ =	shalt  }
0x49: {  	_ =	shalt  }
0x4a: {  	_ =	shalt  }
0x4b: {  	_ =	shalt  }
0x4c: {  	_ =	shalt  }
0x4d: {  	_ =	shalt  }
0x4e: {  	_ =	shalt  }
0x4f: {  	_ =	shalt  }
0x50: {  	_ =	shalt  }
0x51: {  	_ =	shalt  }
0x52: {  	_ =	shalt  }
0x53: {  	_ =	shalt  }
0x54: {  	_ =	shalt  }
0x55: {  	_ =	shalt  }
0x56: {  	_ =	shalt  }
0x57: {  	_ =	shalt  }
0x58: {  	_ =	shalt  }
0x59: {  	_ =	shalt  }
0x5a: {  	_ =	shalt  }
0x5b: {  	_ =	shalt  }
0x5c: {  	_ =	shalt  }
0x5d: {  	_ =	shalt  }
0x5e: {  	_ =	shalt  }
0x5f: {  	_ =	shalt  }
0x60: {  	_ =	shalt  }
0x61: {  	_ =	shalt  }
0x62: {  	_ =	shalt  }
0x63: {  	_ =	shalt  }
0x64: {  	_ =	shalt  }
0x65: {  	_ =	shalt  }
0x66: {  	_ =	shalt  }
0x67: {  	_ =	shalt  }
0x68: {  	_ =	shalt  }
0x69: {  	_ =	shalt  }
0x6a: {  	_ =	shalt  }
0x6b: {  	_ =	shalt  }
0x6c: {  	_ =	shalt  }
0x6d: {  	_ =	shalt  }
0x6e: {  	_ =	shalt  }
0x6f: {  	_ =	shalt  }
0x70: {  	_ =	shalt  }
0x71: {  	_ =	shalt  }
0x72: {  	_ =	shalt  }
0x73: {  	_ =	shalt  }
0x74: {  	_ =	shalt  }
0x75: {  	_ =	shalt  }
0x76: {  	_ =	shalt  }
0x77: {  	_ =	shalt  }
0x78: {  	_ =	shalt  }
0x79: {  	_ =	shalt  }
0x7a: {  	_ =	shalt  }
0x7b: {  	_ =	shalt  }
0x7c: {  	_ =	shalt  }
0x7d: {  	_ =	shalt  }
0x7e: {  	_ =	shalt  }
0x7f: {  	_ =	shalt  }
0x80: {  	_ =	shalt  }
0x81: {  	_ =	shalt  }
0x82: {  	_ =	shalt  }
0x83: {  	_ =	shalt  }
0x84: {  	_ =	shalt  }
0x85: {  	_ =	shalt  }
0x86: {  	_ =	shalt  }
0x87: {  	_ =	shalt  }
.Lfunc_end0:
.L_simem_size_0:
called_computation.3_lowered:
.L_overlay_start_0:
0x88: {  	s2 =	sld [smem:$0x3FD9]  }
0x89: {  	s3 =	sld [smem:$0x3FFE];
	_ =	sdelay $0x1  }
0x8a: {  	s1 =	srdreg.scid  }
0x8b: {  	s0 =	sand.u32 $0x1, s1  }
0x8c: {  	s16 =	sshll.u32 s0, $0xA;
	s2 =	sadd.s32 s3, s2  }
0x8d: {  	s2 =	sadd.s32 s2, s16  }
0x8e: {  	[smem:$0x3FB9] =	sst s2  }
0x8f: {  	_ = 	snop  }
0x90: {  	(tm) =	ssettm $0x1  }
0x91: {  	s17 =	sld [smem:$0x3FFB];
	_ =	sdelay $0x3  }
0x92: {  	_ =	strace s17  }
0x93: {  	s2 =	sld [smem:$0x3FFC];
	_ =	sdelay $0x3  }
0x94: {  	_ =	strace s2  }
0x95: {  	s2 =	sld [smem:$0x3FFD];
	_ =	sdelay $0x3  }
0x96: {  	_ =	strace s2  }
0x97: {  	_ =	strace $0x8FFFFFFF  }
0x98: {  	s18 =	sld [smem:$0x3FDB];
	_ =	sdelay $0x1  }
0x99: {  	s19 =	simm.s32 $_scs_section_size  }
0x9a: {  	s4 =	simm.s32 $_size__tile_overlayer_lowered;
	s5 =	simm.s32 $_tile_overlayer_lowered  }
0x9b: {  	s22 =	simm.s32 $0x1BFF;
	s21 =	sshll.u32 s5, $0x1;
	s2 =	sadd.s32 s19, s18  }
0x9c: {  	s6 =	simm.s32 $0x0;
	s20 =	sshll.u32 s4, $0x1;
	s4 =	sadd.s32 s21, s2  }
0x9d: {  	[timem:s6], [sflag:s22] =	dma.local [hbm:s4], s20  }
0x9e: {  	_ =	swait.ge [sflag:s22], s20  }
0x9f: {  	s3 =	ssub.s32 $0x0, s20;
	[sflag:s22] =	ssyncset.done $0x0  }
0xa0: {  	[sflag:s22] =	ssyncadd.s32 s3;
	_ =	sdelay $0x1  }
0xa1: {  	s23 =	simm.s32 $0x1B8B  }
0xa2: {  	_ =	swait.ge [sflag:s23], $0x1  }
0xa3: {  	[sflag:s23] =	ssyncset.done $0x0  }
0xa4: {  	s25 =	simm.s32 $0x1B8E;
	s24 =	sld [smem:$0x3FFE];
	[sflag:s23] =	ssyncadd.s32 $0xFFFFFFFF  }
0xa5: {  	s26 =	simm.s32 $execute0_lowered;
	[smem:$0x3FD2] =	sst s25  }
0xa6: {  	s4 =	sshll.u32 s26, $0x1;
	_ =	strace $0x80000046;
	[dreg:$0x1] =	wrdreg $0xFFFFFFFF  }
0xa7: {  	s28 =	simm.s32 $_size_execute0_lowered;
	s2 =	sadd.s32 s2, s4;
	[dreg:$0x0] =	wrdreg $0x0  }
0xa8: {  	s4 =	sshll.u32 s28, $0x1;
	[dreg:$0x2] =	wrdreg s2  }
0xa9: {  	[dreg:$0x3] =	wrdreg s4  }
0xaa: {  	[dreg:$0x4] =	wrdreg $0xC0  }
0xab: {  	_ =	task [dreg:s6], $0x5FFFF  }
0xac: {  	[dreg:$0x1] =	wrdreg $0xFFFFFFFF  }
0xad: {  	[dreg:$0x0] =	wrdreg $0x60  }
0xae: {  	[dreg:$0x2] =	wrdreg s24  }
0xaf: {  	[dreg:$0x3] =	wrdreg $0x9  }
0xb0: {  	_ =	task.clear_ibuf [dreg:s6], $0x4FFFF;
	_ =	strace $0x90000046  }
0xb1: {  	s29 =	simm.s32 $0x9;
	_ =	strace $0x80000048  }
0xb2: {  	_ =	swait.ge [sflag:s29], $0x1  }
0xb3: {  	[sflag:s29] =	ssyncadd.s32 $0xFFFFFFFF  }
0xb4: {  	_ =	strace $0x90000048  }
0xb5: {  	_ =	sfence  }
0xb6: {  	s30 =	sld [smem:$0x0];
	_ =	sdelay $0x2  }
0xb7: {  	s31 =	sshll.u32 s1, $0xD;
	s1 =	sshrl.u32 s1, $0x2  }
0xb8: {  	s3 =	sand.u32 $0x4000, s31;
	s1 =	sadd.s32 s1, s30  }
0xb9: {  	s0 =	sor.u32 s3, s0;
	s1 =	sshll.u32 s1, $0x11  }
0xba: {  	s0 =	sor.u32 s1, s0  }
0xbb: {  	s0 =	sadd.s32 $0x8F2B, s0  }
0xbc: {  	[sflag:s0] =	ssyncadd.remote.s32 $0x1  }
0xbd: {  	_ =	sfence.sel $0xFFFF  }
0xbe: {  	[dreg:$0x0] =	wrdreg $0xFFFFFFFF;
	(pc) =	sbr.abs _section_cstart, $3  }
0xbf: {  	[dreg:$0x1] =	wrdreg $0xFFFFFFFF  }
0xc0: {  	_ =	task.clear_ibuf [dreg:s6], $0x2FFFF;
	_ =	strace $0x9FFFFFFF  }
0xc1: {  	(tm) =	ssettm $0x7FFFFFFF  }
tec
execute0_lowered:
.L_overlay_start_1:
0x0: {  	(tag) =	ssettag $0x1  }
0x1: {  	s8 =	rddreg [dreg:$0x0];
	s1 =	stileid.u32  }
0x2: {  	s2 =	srdreg.scid;
	s0 =	rddreg [dreg:$0x1]  }
0x3: {  	_ =	strace $0x80000047;
	s5 =	simm.s32 $0x1;
	s9 =	simm.s32 $0x1  }
0x4: {  	s10 =	simm.s32 $0x3;
	s2 =	sand.u32 $0x1, s2;
	s3 =	sshll.u32 s1, $0x1  }
0x5: {  	s13 =	simm.s32 $0x0;
	s12 =	simm.s32 $0x0;
	s6 =	sor.u32 s3, s2  }
0x6: {  	[sflag:s5] =	ssyncpa.u1 $0x0;
	s2 =	sadd.s32 $0x1000, s8;
	s4 =	smul.u32 $0x4E20, s6  }
0x7: {  	s3 =	sadd.s32 $0x32000, s8;
	p0 =	slt.u32 s6, $0x9;
	s6 =	simm.s32 $0x9C400  }
.Ltmp0:
0x8: {  	s6 =	simm.s32 @!p0 $0x0;
	s7 =	ssub.s32 $0xC3500, s4;
	(pc) =	sbr.rel .LBB2_1-.Ltmp0, $4  }
0x9: {  	s9 =	simm.s32 @!p0 $0x0;
	p0 =	sne.s32 s7, s6;
	s7 =	simm.s32 $0x1  }
0xa: {  	s8 =	sadd.s32 $0x972400, s8;
	s6 =	simm.s32 $0x2;
	s7 =	simm.s32 @!p0 $0x0  }
0xb: {  	s11 =	smov.u32 s4;
	[sflag:s6] =	ssyncpa.u1 $0x0;
	s7 =	sadd.s32 s9, s7  }
0xc: {  	vm0 =	vmmov $0xffff;
	[sflag:s10] =	ssyncpa.u1 $0x0;
	s10 =	simm.s32 $0x0;
	s9 =	sadd.s32 $0x1, s7  }
.LBB2_4:
0xd: {  	v2 =	vnsel vm1, $0x0, v2  }
0xe: {  	vm1 =	vgt.s32 v0, $0x0;
	v2 =	vmin.u32 v2, $0xC34FF  }
0xf: {  	v0 =	vnsel vm1, $0x0, v0  }
0x10: {  	v0 =	vmin.u32 v0, $0xC34FF  }
0x11: {  	[tilespmem:s18], [sflag:$0x1] =	stream.indirect_vreg.gather [hbm4b:s2+s10], $0x1, v1, vm0, $0x4038;
	[tilespmem:$0x13880] =	vst v63  }
0x12: {  	(ifvalue) =	ssetifvalue $0x7FFFFFFF  }
0x13: {  	[tilespmem:s15], [sflag:$0x1] =	stream.indirect_vreg.gather [hbm4b:s2+s10], $0x1, v2, vm0, $0x4038;
	[tilespmem:$0x13880] =	vst v63  }
0x14: {  	s29 =	sadd.s32 $0x10, s15;
	(ifvalue) =	ssetifvalue $0x7FFFFFFF  }
0x15: {  	[tilespmem:s29], [sflag:$0x1] =	stream.indirect_vreg.gather [hbm4b:s2+s10], $0x1, v0, vm0, $0x4038;
	[tilespmem:$0x13880] =	vst v63  }
0x16: {  	_ =	swait.ge [sflag:s5], $0x4E20  }
0x17: {  	s30 =	sshrl.u32 s13, $0x3;
	[sflag:s5] =	ssyncset.done $0x0  }
0x18: {  	s31 =	sand.u32 $0x7, s13;
	s15 =	sadd.s32 s8, s30;
	[sflag:s5] =	ssyncadd.s32 $0xFFFFB1E0  }
0x19: {  	[hbm4b:s15+s31] =	stream.linear.scatter [tilespmem:s14], [sflag:$0x3], $0x4E20, $0x38;
	[tilespmem:$0x13880] =	vst v63  }
.LBB2_5:
0x1a: {  	s15 =	sadd.s32 $0x9C400, s11  }
0x1b: {  	p1 =	sgt.s32 s15, $0xC34FF  }
0x1c: {  	s15 =	smov.u32 @p1 s4;
	p1 =	sne.s32 s12, s9  }
.Ltmp1:
0x1d: {  	p0 =	slt.u32 s12, $0x2;
	(pc) =	sbr.rel @!p1 .LBB2_6-.Ltmp1, $4  }
0x1e: {  	s14 =	simm.s32 @!p0 $0x3  }
0x1f: {  	_ =	swait.ge @!p0 [sflag:s14], $0x4E20  }
0x20: {  	s16 =	sadd.s32 $0x1, s12;
	s13 =	smov.u32 s11;
	[sflag:s14] =	ssyncset.done @!p0 $0x0  }
0x21: {  	s12 =	smov.u32 s16;
	s11 =	smov.u32 s15;
	[sflag:s14] =	ssyncadd.s32 @!p0 $0xFFFFB1E0  }
.LBB2_1:
0x22: {  	p0 =	sge.u32 s12, s7  }
0x23: {  	s14 =	sxor.u32 @!p0 $0x1, s12  }
0x24: {  	s14 =	smul.u32 @!p0 $0x13880, s14  }
0x25: {  	s31 =	sadd.s32 $0xFFFFFFFF, s12;
	s15 =	sshrl.u32 @!p0 s11, $0x3  }
0x26: {  	s16 =	sand.u32 @!p0 $0x7, s11;
	s15 =	sadd.s32 @!p0 s3, s15;
	s14 =	sshra.s32 @!p0 s14, $0x2  }
0x27: {  	[tilespmem:s14], [sflag:$0x2] =	stream.linear.gather @!p0 [hbm4b:s15+s16], $0x4E20, $0x38;
	[tilespmem:$0x13880] =	vst v63  }
0x28: {  	p0 =	sge.u32 s31, s7  }
.Ltmp2:
0x29: {  	_ = 	snop;
	(pc) =	sbr.rel @p0 .LBB2_5-.Ltmp2, $1  }
0x2a: {  	_ =	sdelay $0x3  }
0x2b: {  	s14 =	sand.u32 $0x1, s12  }
0x2c: {  	_ =	swait.ge [sflag:s6], $0x4E20;
	p0 =	seq.s32 s14, $0x1;
	s14 =	simm.s32 $0x4E20  }
0x2d: {  	[sflag:s6] =	ssyncset.done $0x0;
	s14 =	simm.s32 @!p0 $0x0  }
0x2e: {  	[sflag:s6] =	ssyncadd.s32 $0xFFFFB1E0;
	(ifvalue) =	ssetifvalue $0x7FFFFFFF;
	v0 =	vld.msk [tilespmem:s14+$0x0 ss:$0x1], $0xffff;
	_ =	sdelay $0x4  }
0x2f: {  	s15 =	sadd.s32 $0x10, s14;
	vm1 =	vgt.s32 v0, $0x0  }
0x30: {  	v2 =	vld.msk [tilespmem:s15+$0x0 ss:$0x1], $0xffff;
	v1 =	vnsel vm1, $0x0, v0  }
0x31: {  	v1 =	vmin.u32 v1, $0xC34FF;
	_ =	sdelay $0x2  }
0x32: {  	s17 =	simm.s32 $0x20;
	s14 =	sadd.s32 $0x9C40, s14;
	s16 =	sadd.s32 $0x10, s15  }
0x33: {  	s15 =	sadd.s32 $0x10, s14;
	s18 =	smov.u32 s14;
	v0 =	vld.msk [tilespmem:s16+$0x0 ss:$0x1], $0xffff;
	vm1 =	vgt.s32 v2, $0x0;
	(ifvalue) =	ssetifvalue $0x7FFFFFFF  }
.LBB2_3:
0x34: {  	[tilespmem:s18], [sflag:$0x1] =	stream.indirect_vreg.gather [hbm4b:s2+s10], $0x1, v1, vm0, $0x4038;
	[tilespmem:$0x13880] =	vst v63  }
0x35: {  	s17 =	sadd.s32 $0x10, s17  }
0x36: {  	v2 =	vnsel vm1, $0x0, v2;
	p0 =	slt.u32 s17, $0x4E10  }
.Ltmp3:
0x37: {  	s18 =	smov.u32 s15;
	v1 =	vmin.u32 v2, $0xC34FF;
	(pc) =	sbr.rel @p0 .LBB2_3-.Ltmp3, $3  }
0x38: {  	_ =	sdelay $0x1  }
0x39: {  	s16 =	sadd.s32 $0x10, s16  }
0x3a: {  	vm1 =	vgt.s32 v0, $0x0;
	s15 =	sadd.s32 $0x10, s15;
	v2 =	vmov v0;
	(ifvalue) =	ssetifvalue $0x7FFFFFFF;
	v0 =	vld.msk [tilespmem:s16+$0x0 ss:$0x1], $0xffff  }
.Ltmp4:
0x3b: {  	_ = 	snop;
	(pc) =	sbr.rel .LBB2_4-.Ltmp4, $1  }
0x3c: {  	_ =	sdelay $0x3  }
.LBB2_6:
0x3d: {  	_ =	sfence.sel $0x180000  }
0x3e: {  	s2 =	simm.s32 $0x2;
	[bflag:$0x0] =	sbarrier.arrive $0xFFFF  }
0x3f: {  	s30 =	simm.s32 $0x3;
	[sflag:s2] =	ssyncpa.u1 $0x1  }
0x40: {  	s31 =	simm.s32 $0x1;
	[sflag:s30] =	ssyncpa.u1 $0x1  }
0x41: {  	[sflag:s31] =	ssyncpa.u1 $0x1  }
0x42: {  	p0 =	sne.s32 s1, $0x0;
	_ =	strace $0x90000047  }
0x43: {  	s0 =	sadd.s32 @!p0 $0x100000, s0;
	[bflag:$0x2] =	sbarrier.arrive $0xFFFF  }
0x44: {  	[sflag:s0] =	ssyncadd.tile.s32 @!p0 $0x1;
	_ =	shalt  }
.Lfunc_end2:
_tile_overlayer_lowered:
.L_overlay_start_2:
0x45: {  	(tag) =	ssettag $0x2  }
0x46: {  	s0 =	rddreg [dreg:$0x0];
	s2 =	stileid.u32  }
0x47: {  	s1 =	rddreg [dreg:$0x1];
	p0 =	sne.s32 s2, $0x0  }
0x48: {  	s3 =	rddreg [dreg:$0x2];
	[bflag:$0x3] =	sbarrier.arrive $0xFFFF;
	s2 =	simm.s32 @!p0 $0x1C01  }
0x49: {  	[timem:s3], [sflag:s2] =	dma.local @!p0 [hbm:s0], s1  }
0x4a: {  	s0 =	simm.s32 @!p0 $0x1  }
0x4b: {  	_ =	swait.ge @!p0 [sflag:s0], s1  }
0x4c: {  	s1 =	ssub.s32 @!p0 $0x0, s1;
	[sflag:s0] =	ssyncset.done @!p0 $0x0  }
0x4d: {  	[sflag:s0] =	ssyncadd.s32 @!p0 s1  }
0x4e: {  	[bflag:$0x3] =	sbarrier.arrive $0xFFFF  }
0x4f: {  	_ =	shalt  }

// kernel: kernel.12.cloned.1.call-start
scs
__scs_entry_jumppad:
0x0: {  	(pc) =	sbr.rel $0x88, $3  }
0x1: {  	(tag) =	ssettag $0x0;
	lr =	simm.s32 $0x1  }
0x2: {  	[smem:$0x3F92] =	sst lr;
	_ =	strace $0xD0000000  }
0x3: {  	_ = 	snop  }
0x4: {  	_ = 	snop  }
0x5: {  	_ = 	snop  }
0x6: {  	_ = 	snop  }
0x7: {  	_ = 	snop  }
__scs_overlays_trampoline_lowered:
0x8: {  	[smem:$0x3FA1] =	sst s0  }
0x9: {  	[smem:$0x3FA2] =	sst s1  }
0xa: {  	[smem:$0x3FA3] =	sst s2  }
0xb: {  	[smem:$0x3FA4] =	sst s3  }
0xc: {  	[smem:$0x3FA5] =	sst s4  }
0xd: {  	[smem:$0x3FA6] =	sst s5  }
0xe: {  	[smem:$0x3FA7] =	sst s6  }
0xf: {  	[smem:$0x3FA8] =	sst s7  }
0x10: {  	[smem:$0x3FA9] =	sst s8  }
0x11: {  	[smem:$0x3FAA] =	sst s9;
	s0 =	simm.s32 @!p0 $0x0  }
0x12: {  	s1 =	sld [smem:$0x3F90];
	s0 =	simm.s32 @p0 $0x1  }
0x13: {  	[smem:$0x3FAB] =	sst s0;
	s0 =	simm.s32 @!p1 $0x0  }
0x14: {  	s2 =	sld [smem:$0x3F8F];
	s0 =	simm.s32 @p1 $0x1  }
0x15: {  	[smem:$0x3FAC] =	sst s0;
	s0 =	simm.s32 @!p2 $0x0  }
0x16: {  	s3 =	sld [smem:$0x3FDB];
	s0 =	simm.s32 @p2 $0x1  }
0x17: {  	s4 =	simm.s32 $0x1BF5;
	[smem:$0x3FAE] =	sst s0  }
0x18: {  	s0 =	sld [smem:$0x3F91];
	_ =	swait.ge [sflag:s4], $0x0  }
0x19: {  	s7 =	sld [smem:$0x3F92]  }
0x1a: {  	s8 =	sadd.s32 $0xFFFFE003, lr  }
0x1b: {  	s9 =	sadd.s32 $0xFFFFFEF7, lr;
	s5 =	simm.s32 $0xFFFFFFFF;
	p2 =	slt.u32 s8, $0xFFFFF086  }
0x1c: {  	p1 =	slt.u32 s9, $0xF7A;
	s5 =	simm.s32 @!p2 $0x0  }
0x1d: {  	s5 =	simm.s32 @p1 $0x1;
	p0 =	seq.s32 s7, s2  }
0x1e: {  	s7 =	smul.u32 @!p0 $0xF7A, s2;
	p2 =	seq.s32 @!p0 s5, $0x0  }
0x1f: {  	s9 =	smul.u32 $0xF7A, s1;
	s8 =	simm.s32 @!p0 $0x1BF5;
	p2 =	por !p2, p0  }
0x20: {  	[sflag:s8] =	ssyncset.s32 @!p0 $0xFFFFF086;
	s6 =	sadd.s32 @!p0 s3, s7;
	s7 =	simm.s32 @!p0 $0x108  }
0x21: {  	s3 =	sadd.s32 s3, s9;
	s6 =	sadd.s32 @!p0 $0x88, s6;
	s7 =	simm.s32 @p2 $0x1082  }
0x22: {  	[simem:s7], [sflag:s8] =	dma.local @!p0 [hbm:s6], $0xF7A  }
0x23: {  	s9 =	sor.u32 $0xD0000000, s2;
	s6 =	simm.s32 $0x108;
	_ =	swait.ge @!p0 [sflag:s8], $0x0  }
0x24: {  	s3 =	sadd.s32 $0x88, s3;
	s6 =	simm.s32 @!p1 $0x1082;
	[sflag:s4] =	ssyncset.s32 $0xFFFFF086  }
0x25: {  	[simem:s6], [sflag:s4] =	dma.local [hbm:s3], $0xF7A  }
0x26: {  	[smem:$0x3F92] =	sst s1;
	(tag) =	ssettag s2;
	_ =	strace s9  }
0x27: {  	s1 =	sld [smem:$0x3FA2]  }
0x28: {  	s2 =	sld [smem:$0x3FA3]  }
0x29: {  	s4 =	sld [smem:$0x3FA5]  }
0x2a: {  	p0 =	seq.s32 s5, $0x0;
	s5 =	sld [smem:$0x3FA6]  }
0x2b: {  	s6 =	sld [smem:$0x3FA7]  }
0x2c: {  	s7 =	sld [smem:$0x3FA8]  }
0x2d: {  	s3 =	simm.s32 $0x108;
	s8 =	sld [smem:$0x3FA9]  }
0x2e: {  	s3 =	simm.s32 @!p0 $0x1082;
	s9 =	sld [smem:$0x3FAA]  }
0x2f: {  	lr =	sadd.s32 s0, s3;
	s0 =	sld [smem:$0x3FA1]  }
0x30: {  	s3 =	sld [smem:$0x3FA4]  }
0x31: {  	[smem:$0x3FAD] =	sst s10  }
0x32: {  	s10 =	sld [smem:$0x3FAB];
	_ =	sdelay $0x3  }
0x33: {  	p0 =	seq.s32 s10, $0x1;
	s10 =	sld [smem:$0x3FAD];
	_ =	sdelay $0x3  }
0x34: {  	[smem:$0x3FAD] =	sst s10  }
0x35: {  	s10 =	sld [smem:$0x3FAC];
	_ =	sdelay $0x3  }
0x36: {  	p1 =	seq.s32 s10, $0x1;
	s10 =	sld [smem:$0x3FAD];
	_ =	sdelay $0x3  }
0x37: {  	[smem:$0x3FAD] =	sst s10  }
0x38: {  	s10 =	sld [smem:$0x3FAE]  }
0x39: {  	_ = 	snop;
	(pc) =	sbr.ind lr, $3  }
0x3a: {  	_ = 	snop  }
0x3b: {  	_ = 	snop  }
0x3c: {  	p2 =	seq.s32 s10, $0x1;
	s10 =	sld [smem:$0x3FAD]  }
0x3d: {  	_ =	shalt  }
0x3e: {  	_ =	shalt  }
0x3f: {  	_ =	shalt  }
0x40: {  	_ =	shalt  }
0x41: {  	_ =	shalt  }
0x42: {  	_ =	shalt  }
0x43: {  	_ =	shalt  }
0x44: {  	_ =	shalt  }
0x45: {  	_ =	shalt  }
0x46: {  	_ =	shalt  }
0x47: {  	_ =	shalt  }
0x48: {  	_ =	shalt  }
0x49: {  	_ =	shalt  }
0x4a: {  	_ =	shalt  }
0x4b: {  	_ =	shalt  }
0x4c: {  	_ =	shalt  }
0x4d: {  	_ =	shalt  }
0x4e: {  	_ =	shalt  }
0x4f: {  	_ =	shalt  }
0x50: {  	_ =	shalt  }
0x51: {  	_ =	shalt  }
0x52: {  	_ =	shalt  }
0x53: {  	_ =	shalt  }
0x54: {  	_ =	shalt  }
0x55: {  	_ =	shalt  }
0x56: {  	_ =	shalt  }
0x57: {  	_ =	shalt  }
0x58: {  	_ =	shalt  }
0x59: {  	_ =	shalt  }
0x5a: {  	_ =	shalt  }
0x5b: {  	_ =	shalt  }
0x5c: {  	_ =	shalt  }
0x5d: {  	_ =	shalt  }
0x5e: {  	_ =	shalt  }
0x5f: {  	_ =	shalt  }
0x60: {  	_ =	shalt  }
0x61: {  	_ =	shalt  }
0x62: {  	_ =	shalt  }
0x63: {  	_ =	shalt  }
0x64: {  	_ =	shalt  }
0x65: {  	_ =	shalt  }
0x66: {  	_ =	shalt  }
0x67: {  	_ =	shalt  }
0x68: {  	_ =	shalt  }
0x69: {  	_ =	shalt  }
0x6a: {  	_ =	shalt  }
0x6b: {  	_ =	shalt  }
0x6c: {  	_ =	shalt  }
0x6d: {  	_ =	shalt  }
0x6e: {  	_ =	shalt  }
0x6f: {  	_ =	shalt  }
0x70: {  	_ =	shalt  }
0x71: {  	_ =	shalt  }
0x72: {  	_ =	shalt  }
0x73: {  	_ =	shalt  }
0x74: {  	_ =	shalt  }
0x75: {  	_ =	shalt  }
0x76: {  	_ =	shalt  }
0x77: {  	_ =	shalt  }
0x78: {  	_ =	shalt  }
0x79: {  	_ =	shalt  }
0x7a: {  	_ =	shalt  }
0x7b: {  	_ =	shalt  }
0x7c: {  	_ =	shalt  }
0x7d: {  	_ =	shalt  }
0x7e: {  	_ =	shalt  }
0x7f: {  	_ =	shalt  }
0x80: {  	_ =	shalt  }
0x81: {  	_ =	shalt  }
0x82: {  	_ =	shalt  }
0x83: {  	_ =	shalt  }
0x84: {  	_ =	shalt  }
0x85: {  	_ =	shalt  }
0x86: {  	_ =	shalt  }
0x87: {  	_ =	shalt  }
.Lfunc_end0:
.L_simem_size_0:
called_computation.6_lowered:
.L_overlay_start_0:
0x88: {  	s2 =	sld [smem:$0x3FD9]  }
0x89: {  	s3 =	sld [smem:$0x3FFE];
	_ =	sdelay $0x1  }
0x8a: {  	s1 =	srdreg.scid  }
0x8b: {  	s0 =	sand.u32 $0x1, s1  }
0x8c: {  	s16 =	sshll.u32 s0, $0xA;
	s2 =	sadd.s32 s3, s2  }
0x8d: {  	s2 =	sadd.s32 s2, s16  }
0x8e: {  	[smem:$0x3FB9] =	sst s2  }
0x8f: {  	_ = 	snop  }
0x90: {  	(tm) =	ssettm $0x1  }
0x91: {  	s17 =	sld [smem:$0x3FFB];
	_ =	sdelay $0x3  }
0x92: {  	_ =	strace s17  }
0x93: {  	s2 =	sld [smem:$0x3FFC];
	_ =	sdelay $0x3  }
0x94: {  	_ =	strace s2  }
0x95: {  	s2 =	sld [smem:$0x3FFD];
	_ =	sdelay $0x3  }
0x96: {  	_ =	strace s2  }
0x97: {  	_ =	strace $0x8FFFFFFF  }
0x98: {  	s18 =	sld [smem:$0x3FDB];
	_ =	sdelay $0x1  }
0x99: {  	s19 =	simm.s32 $_scs_section_size  }
0x9a: {  	s4 =	simm.s32 $_size__tile_overlayer_lowered;
	s5 =	simm.s32 $_tile_overlayer_lowered  }
0x9b: {  	s22 =	simm.s32 $0x1BFF;
	s21 =	sshll.u32 s5, $0x1;
	s2 =	sadd.s32 s19, s18  }
0x9c: {  	s6 =	simm.s32 $0x0;
	s20 =	sshll.u32 s4, $0x1;
	s4 =	sadd.s32 s21, s2  }
0x9d: {  	[timem:s6], [sflag:s22] =	dma.local [hbm:s4], s20  }
0x9e: {  	_ =	swait.ge [sflag:s22], s20  }
0x9f: {  	s3 =	ssub.s32 $0x0, s20;
	[sflag:s22] =	ssyncset.done $0x0  }
0xa0: {  	[sflag:s22] =	ssyncadd.s32 s3;
	_ =	sdelay $0x1  }
0xa1: {  	s23 =	simm.s32 $0x1B8B  }
0xa2: {  	_ =	swait.ge [sflag:s23], $0x1  }
0xa3: {  	[sflag:s23] =	ssyncset.done $0x0  }
0xa4: {  	s25 =	simm.s32 $0x1B8E;
	s24 =	sld [smem:$0x3FFE];
	[sflag:s23] =	ssyncadd.s32 $0xFFFFFFFF  }
0xa5: {  	s26 =	simm.s32 $execute0_lowered;
	[smem:$0x3FD2] =	sst s25  }
0xa6: {  	s4 =	sshll.u32 s26, $0x1;
	_ =	strace $0x80000052;
	[dreg:$0x1] =	wrdreg $0xFFFFFFFF  }
0xa7: {  	s28 =	simm.s32 $_size_execute0_lowered;
	s2 =	sadd.s32 s2, s4;
	[dreg:$0x0] =	wrdreg $0x0  }
0xa8: {  	s4 =	sshll.u32 s28, $0x1;
	[dreg:$0x2] =	wrdreg s2  }
0xa9: {  	[dreg:$0x3] =	wrdreg s4  }
0xaa: {  	[dreg:$0x4] =	wrdreg $0xC0  }
0xab: {  	_ =	task [dreg:s6], $0x5FFFF  }
0xac: {  	[dreg:$0x1] =	wrdreg $0xFFFFFFFF  }
0xad: {  	[dreg:$0x0] =	wrdreg $0x60  }
0xae: {  	[dreg:$0x2] =	wrdreg s24  }
0xaf: {  	[dreg:$0x3] =	wrdreg $0x9  }
0xb0: {  	_ =	task.clear_ibuf [dreg:s6], $0x4FFFF;
	_ =	strace $0x90000052  }
0xb1: {  	s29 =	simm.s32 $0x9;
	_ =	strace $0x80000054  }
0xb2: {  	_ =	swait.ge [sflag:s29], $0x1  }
0xb3: {  	[sflag:s29] =	ssyncadd.s32 $0xFFFFFFFF  }
0xb4: {  	_ =	strace $0x90000054  }
0xb5: {  	_ =	sfence  }
0xb6: {  	s30 =	sld [smem:$0x0];
	_ =	sdelay $0x2  }
0xb7: {  	s31 =	sshll.u32 s1, $0xD;
	s1 =	sshrl.u32 s1, $0x2  }
0xb8: {  	s3 =	sand.u32 $0x4000, s31;
	s1 =	sadd.s32 s1, s30  }
0xb9: {  	s0 =	sor.u32 s3, s0;
	s1 =	sshll.u32 s1, $0x11  }
0xba: {  	s0 =	sor.u32 s1, s0  }
0xbb: {  	s0 =	sadd.s32 $0x8F2B, s0  }
0xbc: {  	[sflag:s0] =	ssyncadd.remote.s32 $0x1  }
0xbd: {  	_ =	sfence.sel $0xFFFF  }
0xbe: {  	[dreg:$0x0] =	wrdreg $0xFFFFFFFF;
	(pc) =	sbr.abs _section_cstart, $3  }
0xbf: {  	[dreg:$0x1] =	wrdreg $0xFFFFFFFF  }
0xc0: {  	_ =	task.clear_ibuf [dreg:s6], $0x2FFFF;
	_ =	strace $0x9FFFFFFF  }
0xc1: {  	(tm) =	ssettm $0x7FFFFFFF  }
tec
execute0_lowered:
.L_overlay_start_1:
0x0: {  	(tag) =	ssettag $0x1  }
0x1: {  	s1 =	srdreg.scid  }
0x2: {  	s0 =	stileid.u32;
	s4 =	rddreg [dreg:$0x0];
	s2 =	simm.s32 $0x0  }
0x3: {  	s12 =	simm.s32 $0x80;
	s13 =	simm.s32 $0xA200;
	s14 =	simm.s32 $0x2  }
0x4: {  	s15 =	simm.s32 $0x3;
	s16 =	simm.s32 $0x6180;
	s17 =	simm.s32 $0x0  }
0x5: {  	s5 =	sand.u32 $0x1, s1;
	s3 =	sshll.u32 s0, $0x1;
	s9 =	smul.u32 $0x620000, s0  }
0x6: {  	s1 =	rddreg [dreg:$0x1];
	s6 =	sor.u32 s5, s3;
	s11 =	smul.u32 $0x310000, s5  }
0x7: {  	[smem:$0x7FF] =	sst s2;
	s8 =	ssub.s32 $0x2, s5;
	s7 =	smul.u32 $0xC40, s6  }
0x8: {  	s10 =	sadd.s32 $0x370C00, s4;
	s6 =	smul.u32 $0x310000, s6;
	s26 =	sshrl.u32 s8, $0x1  }
0x9: {  	_ =	strace $0x80000053;
	s3 =	sadd.s32 $0x63000, s4;
	s28 =	ssub.s32 s8, s26  }
0xa: {  	s30 =	sadd.s32 s11, s9;
	s7 =	sadd.s32 s7, s4;
	s6 =	sshrl.u32 s6, $0x3  }
0xb: {  	s5 =	smax.u32 s28, $0x1;
	s9 =	sshrl.u32 s30, $0x3;
	s11 =	sor.u32 $0x4000, s30  }
0xc: {  	s4 =	sadd.s32 $0x4A800, s7;
	s29 =	sadd.s32 s10, s6;
	s8 =	sadd.s32 s9, s10  }
0xd: {  	s31 =	sshrl.u32 s11, $0x3;
	s11 =	simm.s32 $0x6200;
	s6 =	sadd.s32 $0x61000, s29  }
0xe: {  	s7 =	sadd.s32 $0x61800, s29;
	s9 =	sadd.s32 s31, s10;
	s10 =	simm.s32 $0x1  }
.LBB2_1:
0xf: {  	[tilespmem:s2], [sflag:$0x1] =	stream.linear.gather [hbm4b:s4+s2], $0x6200, $0x38;
	[tilespmem:$0xE200] =	vst v63  }
0x10: {  	_ =	swait.ge [sflag:s10], $0x6200  }
0x11: {  	[sflag:s10] =	ssyncset.done $0x0  }
0x12: {  	[sflag:s10] =	ssyncadd.s32 $0xFFFF9E00  }
0x13: {  	[tilespmem:s11], [sflag:$0x2] =	stream.indirect.gather [hbm4b:s3+s12], $0x80, s2, s12, $0xb8;
	[tilespmem:$0xE200] =	vst v63  }
0x14: {  	_ = 	snop  }
0x15: {  	[tilespmem:s13], [sflag:$0x3] =	stream.indirect.gather [hbm4b:s3+s12], $0x80, s12, s12, $0xb8;
	[tilespmem:$0xE200] =	vst v63  }
0x16: {  	_ =	swait.ge [sflag:s14], $0x4000  }
0x17: {  	[sflag:s14] =	ssyncset.done $0x0  }
0x18: {  	s18 =	sadd.s32 $0x0, s8;
	[sflag:s14] =	ssyncadd.s32 $0xFFFFC000  }
0x19: {  	[hbm4b:s18+s2] =	stream.linear.scatter [tilespmem:s11], [sflag:$0x2], $0x4000, $0x38;
	[tilespmem:$0xE200] =	vst v63  }
0x1a: {  	_ =	swait.ge [sflag:s14], $0x4000  }
0x1b: {  	[sflag:s14] =	ssyncset.done $0x0  }
0x1c: {  	s30 =	simm.s32 $0x100;
	[sflag:s14] =	ssyncadd.s32 $0xFFFFC000  }
0x1d: {  	[tilespmem:s11], [sflag:$0x2] =	stream.indirect.gather [hbm4b:s3+s12], $0x80, s30, s12, $0xb8;
	[tilespmem:$0xE200] =	vst v63  }
0x1e: {  	_ =	swait.ge [sflag:s15], $0x4000  }
0x1f: {  	[sflag:s15] =	ssyncset.done $0x0  }
0x20: {  	s31 =	sadd.s32 $0x0, s9;
	[sflag:s15] =	ssyncadd.s32 $0xFFFFC000  }
0x21: {  	[hbm4b:s31+s2] =	stream.linear.scatter [tilespmem:s13], [sflag:$0x3], $0x4000, $0x38;
	[tilespmem:$0xE200] =	vst v63  }
0x22: {  	_ =	swait.ge [sflag:s15], $0x4000  }
0x23: {  	s19 =	simm.s32 $0x80;
	s18 =	simm.s32 $0x1000;
	[sflag:s15] =	ssyncset.done $0x0  }
.LBB2_2:
0x24: {  	p0 =	sne.s32 s18, $0x60000;
	[sflag:s15] =	ssyncadd.s32 $0xFFFFC000;
	s19 =	sadd.s32 $0x100, s19  }
0x25: {  	[tilespmem:s13], [sflag:$0x3] =	stream.indirect.gather [hbm4b:s3+s12], $0x80, s19, s12, $0xb8;
	[tilespmem:$0xE200] =	vst v63  }
0x26: {  	s20 =	smov.u32 s18;
	s18 =	sadd.s32 $0x1000, s18;
	_ =	swait.ge [sflag:s14], $0x4000  }
0x27: {  	[sflag:s14] =	ssyncset.done $0x0  }
0x28: {  	s21 =	sadd.s32 s20, s8;
	[sflag:s14] =	ssyncadd.s32 $0xFFFFC000  }
0x29: {  	[hbm4b:s21+s2] =	stream.linear.scatter [tilespmem:s11], [sflag:$0x2], $0x4000, $0x38;
	[tilespmem:$0xE200] =	vst v63  }
0x2a: {  	_ =	swait.ge [sflag:s14], $0x4000  }
0x2b: {  	[sflag:s14] =	ssyncset.done $0x0  }
0x2c: {  	s21 =	sadd.s32 $0x80, s19;
	[sflag:s14] =	ssyncadd.s32 $0xFFFFC000  }
0x2d: {  	[tilespmem:s11], [sflag:$0x2] =	stream.indirect.gather [hbm4b:s3+s12], $0x80, s21, s12, $0xb8;
	[tilespmem:$0xE200] =	vst v63  }
0x2e: {  	_ =	swait.ge [sflag:s15], $0x4000  }
.Ltmp0:
0x2f: {  	[sflag:s15] =	ssyncset.done $0x0;
	(pc) =	sbr.rel @p0 .LBB2_2-.Ltmp0, $4  }
0x30: {  	s20 =	sadd.s32 s20, s9;
	[sflag:s15] =	ssyncadd.s32 $0xFFFFC000  }
0x31: {  	[hbm4b:s20+s2] =	stream.linear.scatter [tilespmem:s13], [sflag:$0x3], $0x4000, $0x38;
	[tilespmem:$0xE200] =	vst v63  }
0x32: {  	_ =	swait.ge [sflag:s15], $0x4000  }
0x33: {  	[sflag:s15] =	ssyncset.done $0x0  }
0x34: {  	[sflag:s15] =	ssyncadd.s32 $0xFFFFC000  }
0x35: {  	[tilespmem:s13], [sflag:$0x3] =	stream.indirect.gather [hbm4b:s3+s12], $0x80, s16, s12, $0xb8;
	[tilespmem:$0xE200] =	vst v63  }
0x36: {  	_ =	swait.ge [sflag:s14], $0x4000  }
0x37: {  	[sflag:s14] =	ssyncset.done $0x0  }
0x38: {  	[sflag:s14] =	ssyncadd.s32 $0xFFFFC000  }
0x39: {  	[hbm4b:s6+s2] =	stream.linear.scatter [tilespmem:s11], [sflag:$0x2], $0x4000, $0x38;
	[tilespmem:$0xE200] =	vst v63  }
0x3a: {  	_ =	swait.ge [sflag:s14], $0x4000  }
0x3b: {  	[sflag:s14] =	ssyncset.done $0x0  }
0x3c: {  	[sflag:s14] =	ssyncadd.s32 $0xFFFFC000  }
0x3d: {  	s17 =	sadd.s32 $0x1, s17;
	_ =	swait.ge [sflag:s15], $0x4000  }
0x3e: {  	p0 =	sne.s32 s17, s5;
	[sflag:s15] =	ssyncset.done $0x0  }
.Ltmp1:
0x3f: {  	[sflag:s15] =	ssyncadd.s32 $0xFFFFC000;
	(pc) =	sbr.rel @p0 .LBB2_1-.Ltmp1, $4  }
0x40: {  	[hbm4b:s7+s2] =	stream.linear.scatter [tilespmem:s13], [sflag:$0x3], $0x4000, $0x38;
	[tilespmem:$0xE200] =	vst v63  }
0x41: {  	_ =	swait.ge [sflag:s15], $0x4000  }
0x42: {  	[sflag:s15] =	ssyncset.done $0x0  }
0x43: {  	[sflag:s15] =	ssyncadd.s32 $0xFFFFC000  }
0x44: {  	_ =	sfence.sel $0x180000  }
0x45: {  	[bflag:$0x0] =	sbarrier.arrive $0xFFFF  }
0x46: {  	p0 =	sne.s32 s0, $0x0;
	_ =	strace $0x90000053  }
0x47: {  	s0 =	sadd.s32 @!p0 $0x100000, s1;
	[bflag:$0x2] =	sbarrier.arrive $0xFFFF  }
0x48: {  	[sflag:s0] =	ssyncadd.tile.s32 @!p0 $0x1;
	_ =	shalt  }
.Lfunc_end2:
_tile_overlayer_lowered:
.L_overlay_start_2:
0x49: {  	(tag) =	ssettag $0x2  }
0x4a: {  	s0 =	rddreg [dreg:$0x0];
	s2 =	stileid.u32  }
0x4b: {  	s1 =	rddreg [dreg:$0x1];
	p0 =	sne.s32 s2, $0x0  }
0x4c: {  	s3 =	rddreg [dreg:$0x2];
	[bflag:$0x3] =	sbarrier.arrive $0xFFFF;
	s2 =	simm.s32 @!p0 $0x1C04  }
0x4d: {  	[timem:s3], [sflag:s2] =	dma.local @!p0 [hbm:s0], s1  }
0x4e: {  	s0 =	simm.s32 @!p0 $0x4  }
0x4f: {  	_ =	swait.ge @!p0 [sflag:s0], s1  }
0x50: {  	s1 =	ssub.s32 @!p0 $0x0, s1;
	[sflag:s0] =	ssyncset.done @!p0 $0x0  }
0x51: {  	[sflag:s0] =	ssyncadd.s32 @!p0 s1  }
0x52: {  	[bflag:$0x3] =	sbarrier.arrive $0xFFFF  }
0x53: {  	_ =	shalt  }

// kernel: kernel.15.cloned.1.call-start
scs
__scs_entry_jumppad:
0x0: {  	(pc) =	sbr.rel $0x88, $3  }
0x1: {  	(tag) =	ssettag $0x0;
	lr =	simm.s32 $0x1  }
0x2: {  	[smem:$0x3F92] =	sst lr;
	_ =	strace $0xD0000000  }
0x3: {  	_ = 	snop  }
0x4: {  	_ = 	snop  }
0x5: {  	_ = 	snop  }
0x6: {  	_ = 	snop  }
0x7: {  	_ = 	snop  }
__scs_overlays_trampoline_lowered:
0x8: {  	[smem:$0x3FA1] =	sst s0  }
0x9: {  	[smem:$0x3FA2] =	sst s1  }
0xa: {  	[smem:$0x3FA3] =	sst s2  }
0xb: {  	[smem:$0x3FA4] =	sst s3  }
0xc: {  	[smem:$0x3FA5] =	sst s4  }
0xd: {  	[smem:$0x3FA6] =	sst s5  }
0xe: {  	[smem:$0x3FA7] =	sst s6  }
0xf: {  	[smem:$0x3FA8] =	sst s7  }
0x10: {  	[smem:$0x3FA9] =	sst s8  }
0x11: {  	[smem:$0x3FAA] =	sst s9;
	s0 =	simm.s32 @!p0 $0x0  }
0x12: {  	s1 =	sld [smem:$0x3F90];
	s0 =	simm.s32 @p0 $0x1  }
0x13: {  	[smem:$0x3FAB] =	sst s0;
	s0 =	simm.s32 @!p1 $0x0  }
0x14: {  	s2 =	sld [smem:$0x3F8F];
	s0 =	simm.s32 @p1 $0x1  }
0x15: {  	[smem:$0x3FAC] =	sst s0;
	s0 =	simm.s32 @!p2 $0x0  }
0x16: {  	s3 =	sld [smem:$0x3FDB];
	s0 =	simm.s32 @p2 $0x1  }
0x17: {  	s4 =	simm.s32 $0x1BF5;
	[smem:$0x3FAE] =	sst s0  }
0x18: {  	s0 =	sld [smem:$0x3F91];
	_ =	swait.ge [sflag:s4], $0x0  }
0x19: {  	s7 =	sld [smem:$0x3F92]  }
0x1a: {  	s8 =	sadd.s32 $0xFFFFE003, lr  }
0x1b: {  	s9 =	sadd.s32 $0xFFFFFEF7, lr;
	s5 =	simm.s32 $0xFFFFFFFF;
	p2 =	slt.u32 s8, $0xFFFFF086  }
0x1c: {  	p1 =	slt.u32 s9, $0xF7A;
	s5 =	simm.s32 @!p2 $0x0  }
0x1d: {  	s5 =	simm.s32 @p1 $0x1;
	p0 =	seq.s32 s7, s2  }
0x1e: {  	s7 =	smul.u32 @!p0 $0xF7A, s2;
	p2 =	seq.s32 @!p0 s5, $0x0  }
0x1f: {  	s9 =	smul.u32 $0xF7A, s1;
	s8 =	simm.s32 @!p0 $0x1BF5;
	p2 =	por !p2, p0  }
0x20: {  	[sflag:s8] =	ssyncset.s32 @!p0 $0xFFFFF086;
	s6 =	sadd.s32 @!p0 s3, s7;
	s7 =	simm.s32 @!p0 $0x108  }
0x21: {  	s3 =	sadd.s32 s3, s9;
	s6 =	sadd.s32 @!p0 $0x88, s6;
	s7 =	simm.s32 @p2 $0x1082  }
0x22: {  	[simem:s7], [sflag:s8] =	dma.local @!p0 [hbm:s6], $0xF7A  }
0x23: {  	s9 =	sor.u32 $0xD0000000, s2;
	s6 =	simm.s32 $0x108;
	_ =	swait.ge @!p0 [sflag:s8], $0x0  }
0x24: {  	s3 =	sadd.s32 $0x88, s3;
	s6 =	simm.s32 @!p1 $0x1082;
	[sflag:s4] =	ssyncset.s32 $0xFFFFF086  }
0x25: {  	[simem:s6], [sflag:s4] =	dma.local [hbm:s3], $0xF7A  }
0x26: {  	[smem:$0x3F92] =	sst s1;
	(tag) =	ssettag s2;
	_ =	strace s9  }
0x27: {  	s1 =	sld [smem:$0x3FA2]  }
0x28: {  	s2 =	sld [smem:$0x3FA3]  }
0x29: {  	s4 =	sld [smem:$0x3FA5]  }
0x2a: {  	p0 =	seq.s32 s5, $0x0;
	s5 =	sld [smem:$0x3FA6]  }
0x2b: {  	s6 =	sld [smem:$0x3FA7]  }
0x2c: {  	s7 =	sld [smem:$0x3FA8]  }
0x2d: {  	s3 =	simm.s32 $0x108;
	s8 =	sld [smem:$0x3FA9]  }
0x2e: {  	s3 =	simm.s32 @!p0 $0x1082;
	s9 =	sld [smem:$0x3FAA]  }
0x2f: {  	lr =	sadd.s32 s0, s3;
	s0 =	sld [smem:$0x3FA1]  }
0x30: {  	s3 =	sld [smem:$0x3FA4]  }
0x31: {  	[smem:$0x3FAD] =	sst s10  }
0x32: {  	s10 =	sld [smem:$0x3FAB];
	_ =	sdelay $0x3  }
0x33: {  	p0 =	seq.s32 s10, $0x1;
	s10 =	sld [smem:$0x3FAD];
	_ =	sdelay $0x3  }
0x34: {  	[smem:$0x3FAD] =	sst s10  }
0x35: {  	s10 =	sld [smem:$0x3FAC];
	_ =	sdelay $0x3  }
0x36: {  	p1 =	seq.s32 s10, $0x1;
	s10 =	sld [smem:$0x3FAD];
	_ =	sdelay $0x3  }
0x37: {  	[smem:$0x3FAD] =	sst s10  }
0x38: {  	s10 =	sld [smem:$0x3FAE]  }
0x39: {  	_ = 	snop;
	(pc) =	sbr.ind lr, $3  }
0x3a: {  	_ = 	snop  }
0x3b: {  	_ = 	snop  }
0x3c: {  	p2 =	seq.s32 s10, $0x1;
	s10 =	sld [smem:$0x3FAD]  }
0x3d: {  	_ =	shalt  }
0x3e: {  	_ =	shalt  }
0x3f: {  	_ =	shalt  }
0x40: {  	_ =	shalt  }
0x41: {  	_ =	shalt  }
0x42: {  	_ =	shalt  }
0x43: {  	_ =	shalt  }
0x44: {  	_ =	shalt  }
0x45: {  	_ =	shalt  }
0x46: {  	_ =	shalt  }
0x47: {  	_ =	shalt  }
0x48: {  	_ =	shalt  }
0x49: {  	_ =	shalt  }
0x4a: {  	_ =	shalt  }
0x4b: {  	_ =	shalt  }
0x4c: {  	_ =	shalt  }
0x4d: {  	_ =	shalt  }
0x4e: {  	_ =	shalt  }
0x4f: {  	_ =	shalt  }
0x50: {  	_ =	shalt  }
0x51: {  	_ =	shalt  }
0x52: {  	_ =	shalt  }
0x53: {  	_ =	shalt  }
0x54: {  	_ =	shalt  }
0x55: {  	_ =	shalt  }
0x56: {  	_ =	shalt  }
0x57: {  	_ =	shalt  }
0x58: {  	_ =	shalt  }
0x59: {  	_ =	shalt  }
0x5a: {  	_ =	shalt  }
0x5b: {  	_ =	shalt  }
0x5c: {  	_ =	shalt  }
0x5d: {  	_ =	shalt  }
0x5e: {  	_ =	shalt  }
0x5f: {  	_ =	shalt  }
0x60: {  	_ =	shalt  }
0x61: {  	_ =	shalt  }
0x62: {  	_ =	shalt  }
0x63: {  	_ =	shalt  }
0x64: {  	_ =	shalt  }
0x65: {  	_ =	shalt  }
0x66: {  	_ =	shalt  }
0x67: {  	_ =	shalt  }
0x68: {  	_ =	shalt  }
0x69: {  	_ =	shalt  }
0x6a: {  	_ =	shalt  }
0x6b: {  	_ =	shalt  }
0x6c: {  	_ =	shalt  }
0x6d: {  	_ =	shalt  }
0x6e: {  	_ =	shalt  }
0x6f: {  	_ =	shalt  }
0x70: {  	_ =	shalt  }
0x71: {  	_ =	shalt  }
0x72: {  	_ =	shalt  }
0x73: {  	_ =	shalt  }
0x74: {  	_ =	shalt  }
0x75: {  	_ =	shalt  }
0x76: {  	_ =	shalt  }
0x77: {  	_ =	shalt  }
0x78: {  	_ =	shalt  }
0x79: {  	_ =	shalt  }
0x7a: {  	_ =	shalt  }
0x7b: {  	_ =	shalt  }
0x7c: {  	_ =	shalt  }
0x7d: {  	_ =	shalt  }
0x7e: {  	_ =	shalt  }
0x7f: {  	_ =	shalt  }
0x80: {  	_ =	shalt  }
0x81: {  	_ =	shalt  }
0x82: {  	_ =	shalt  }
0x83: {  	_ =	shalt  }
0x84: {  	_ =	shalt  }
0x85: {  	_ =	shalt  }
0x86: {  	_ =	shalt  }
0x87: {  	_ =	shalt  }
.Lfunc_end0:
.L_simem_size_0:
called_computation.7_lowered:
.L_overlay_start_0:
0x88: {  	s2 =	sld [smem:$0x3FD9]  }
0x89: {  	s3 =	sld [smem:$0x3FFE];
	_ =	sdelay $0x1  }
0x8a: {  	s1 =	srdreg.scid  }
0x8b: {  	s0 =	sand.u32 $0x1, s1  }
0x8c: {  	s16 =	sshll.u32 s0, $0xA;
	s2 =	sadd.s32 s3, s2  }
0x8d: {  	s2 =	sadd.s32 s2, s16  }
0x8e: {  	[smem:$0x3FB9] =	sst s2  }
0x8f: {  	_ = 	snop  }
0x90: {  	(tm) =	ssettm $0x1  }
0x91: {  	s17 =	sld [smem:$0x3FFB];
	_ =	sdelay $0x3  }
0x92: {  	_ =	strace s17  }
0x93: {  	s2 =	sld [smem:$0x3FFC];
	_ =	sdelay $0x3  }
0x94: {  	_ =	strace s2  }
0x95: {  	s2 =	sld [smem:$0x3FFD];
	_ =	sdelay $0x3  }
0x96: {  	_ =	strace s2  }
0x97: {  	_ =	strace $0x8FFFFFFF  }
0x98: {  	s18 =	sld [smem:$0x3FDB];
	_ =	sdelay $0x1  }
0x99: {  	s19 =	simm.s32 $_scs_section_size  }
0x9a: {  	s4 =	simm.s32 $_size__tile_overlayer_lowered;
	s5 =	simm.s32 $_tile_overlayer_lowered  }
0x9b: {  	s22 =	simm.s32 $0x1BFF;
	s21 =	sshll.u32 s5, $0x1;
	s2 =	sadd.s32 s19, s18  }
0x9c: {  	s6 =	simm.s32 $0x0;
	s20 =	sshll.u32 s4, $0x1;
	s4 =	sadd.s32 s21, s2  }
0x9d: {  	[timem:s6], [sflag:s22] =	dma.local [hbm:s4], s20  }
0x9e: {  	_ =	swait.ge [sflag:s22], s20  }
0x9f: {  	s3 =	ssub.s32 $0x0, s20;
	[sflag:s22] =	ssyncset.done $0x0  }
0xa0: {  	[sflag:s22] =	ssyncadd.s32 s3;
	_ =	sdelay $0x1  }
0xa1: {  	s23 =	simm.s32 $0x1B8B  }
0xa2: {  	_ =	swait.ge [sflag:s23], $0x1  }
0xa3: {  	[sflag:s23] =	ssyncset.done $0x0  }
0xa4: {  	s25 =	simm.s32 $0x1B8E;
	s24 =	sld [smem:$0x3FFE];
	[sflag:s23] =	ssyncadd.s32 $0xFFFFFFFF  }
0xa5: {  	s26 =	simm.s32 $execute0_lowered;
	[smem:$0x3FD2] =	sst s25  }
0xa6: {  	s4 =	sshll.u32 s26, $0x1;
	_ =	strace $0x8000005B;
	[dreg:$0x1] =	wrdreg $0xFFFFFFFF  }
0xa7: {  	s28 =	simm.s32 $_size_execute0_lowered;
	s2 =	sadd.s32 s2, s4;
	[dreg:$0x0] =	wrdreg $0x0  }
0xa8: {  	s4 =	sshll.u32 s28, $0x1;
	[dreg:$0x2] =	wrdreg s2  }
0xa9: {  	[dreg:$0x3] =	wrdreg s4  }
0xaa: {  	[dreg:$0x4] =	wrdreg $0xC0  }
0xab: {  	_ =	task [dreg:s6], $0x5FFFF  }
0xac: {  	[dreg:$0x1] =	wrdreg $0xFFFFFFFF  }
0xad: {  	[dreg:$0x0] =	wrdreg $0x60  }
0xae: {  	[dreg:$0x2] =	wrdreg s24  }
0xaf: {  	[dreg:$0x3] =	wrdreg $0x9  }
0xb0: {  	_ =	task.clear_ibuf [dreg:s6], $0x4FFFF;
	_ =	strace $0x9000005B  }
0xb1: {  	s29 =	simm.s32 $0x9;
	_ =	strace $0x8000005D  }
0xb2: {  	_ =	swait.ge [sflag:s29], $0x1  }
0xb3: {  	[sflag:s29] =	ssyncadd.s32 $0xFFFFFFFF  }
0xb4: {  	_ =	strace $0x9000005D  }
0xb5: {  	_ =	sfence  }
0xb6: {  	s30 =	sld [smem:$0x0];
	_ =	sdelay $0x2  }
0xb7: {  	s31 =	sshll.u32 s1, $0xD;
	s1 =	sshrl.u32 s1, $0x2  }
0xb8: {  	s3 =	sand.u32 $0x4000, s31;
	s1 =	sadd.s32 s1, s30  }
0xb9: {  	s0 =	sor.u32 s3, s0;
	s1 =	sshll.u32 s1, $0x11  }
0xba: {  	s0 =	sor.u32 s1, s0  }
0xbb: {  	s0 =	sadd.s32 $0x8F2B, s0  }
0xbc: {  	[sflag:s0] =	ssyncadd.remote.s32 $0x1  }
0xbd: {  	_ =	sfence.sel $0xFFFF  }
0xbe: {  	[dreg:$0x0] =	wrdreg $0xFFFFFFFF;
	(pc) =	sbr.abs _section_cstart, $3  }
0xbf: {  	[dreg:$0x1] =	wrdreg $0xFFFFFFFF  }
0xc0: {  	_ =	task.clear_ibuf [dreg:s6], $0x2FFFF;
	_ =	strace $0x9FFFFFFF  }
0xc1: {  	(tm) =	ssettm $0x7FFFFFFF  }
tec
execute0_lowered:
.L_overlay_start_1:
0x0: {  	(tag) =	ssettag $0x1  }
0x1: {  	s4 =	rddreg [dreg:$0x0]  }
0x2: {  	s0 =	rddreg [dreg:$0x1]  }
0x3: {  	s3 =	srdreg.scid;
	s1 =	stileid.u32  }
0x4: {  	s2 =	simm.s32 $0x0;
	s12 =	simm.s32 $0x80;
	s13 =	simm.s32 $0xA200  }
0x5: {  	s14 =	simm.s32 $0x2;
	s15 =	simm.s32 $0x3;
	s16 =	simm.s32 $0x6180  }
0x6: {  	s5 =	sand.u32 $0x1, s3;
	s25 =	sshll.u32 s1, $0x1;
	s9 =	smul.u32 $0x620000, s1  }
0x7: {  	s17 =	simm.s32 $0x0;
	s6 =	sor.u32 s5, s25;
	s11 =	smul.u32 $0x310000, s5  }
0x8: {  	[smem:$0x7FF] =	sst s2;
	s8 =	ssub.s32 $0x2, s5;
	s7 =	smul.u32 $0xC40, s6  }
0x9: {  	s3 =	sadd.s32 $0x1E9C00, s4;
	s6 =	smul.u32 $0x310000, s6;
	s26 =	sshrl.u32 s8, $0x1  }
0xa: {  	s10 =	sadd.s32 $0x370C00, s4;
	_ =	strace $0x8000005C;
	s28 =	ssub.s32 s8, s26  }
0xb: {  	s30 =	sadd.s32 s11, s9;
	s7 =	sadd.s32 s7, s4;
	s6 =	sshrl.u32 s6, $0x3  }
0xc: {  	s5 =	smax.u32 s28, $0x1;
	s9 =	sshrl.u32 s30, $0x3;
	s11 =	sor.u32 $0x4000, s30  }
0xd: {  	s4 =	sadd.s32 $0x4A800, s7;
	s29 =	sadd.s32 s10, s6;
	s8 =	sadd.s32 s9, s10  }
0xe: {  	s31 =	sshrl.u32 s11, $0x3;
	s11 =	simm.s32 $0x6200;
	s6 =	sadd.s32 $0x61000, s29  }
0xf: {  	s7 =	sadd.s32 $0x61800, s29;
	s9 =	sadd.s32 s31, s10;
	s10 =	simm.s32 $0x1  }
.LBB2_1:
0x10: {  	[tilespmem:s2], [sflag:$0x1] =	stream.linear.gather [hbm4b:s4+s2], $0x6200, $0x38;
	[tilespmem:$0xE200] =	vst v63  }
0x11: {  	_ =	swait.ge [sflag:s10], $0x6200  }
0x12: {  	[sflag:s10] =	ssyncset.done $0x0  }
0x13: {  	[sflag:s10] =	ssyncadd.s32 $0xFFFF9E00  }
0x14: {  	[tilespmem:s11], [sflag:$0x2] =	stream.indirect.gather [hbm4b:s3+s12], $0x80, s2, s12, $0xb8;
	[tilespmem:$0xE200] =	vst v63  }
0x15: {  	_ = 	snop  }
0x16: {  	[tilespmem:s13], [sflag:$0x3] =	stream.indirect.gather [hbm4b:s3+s12], $0x80, s12, s12, $0xb8;
	[tilespmem:$0xE200] =	vst v63  }
0x17: {  	_ =	swait.ge [sflag:s14], $0x4000  }
0x18: {  	[sflag:s14] =	ssyncset.done $0x0  }
0x19: {  	s18 =	sadd.s32 $0x0, s8;
	[sflag:s14] =	ssyncadd.s32 $0xFFFFC000  }
0x1a: {  	[hbm4b:s18+s2] =	stream.linear.scatter [tilespmem:s11], [sflag:$0x2], $0x4000, $0x38;
	[tilespmem:$0xE200] =	vst v63  }
0x1b: {  	_ =	swait.ge [sflag:s14], $0x4000  }
0x1c: {  	[sflag:s14] =	ssyncset.done $0x0  }
0x1d: {  	s30 =	simm.s32 $0x100;
	[sflag:s14] =	ssyncadd.s32 $0xFFFFC000  }
0x1e: {  	[tilespmem:s11], [sflag:$0x2] =	stream.indirect.gather [hbm4b:s3+s12], $0x80, s30, s12, $0xb8;
	[tilespmem:$0xE200] =	vst v63  }
0x1f: {  	_ =	swait.ge [sflag:s15], $0x4000  }
0x20: {  	[sflag:s15] =	ssyncset.done $0x0  }
0x21: {  	s31 =	sadd.s32 $0x0, s9;
	[sflag:s15] =	ssyncadd.s32 $0xFFFFC000  }
0x22: {  	[hbm4b:s31+s2] =	stream.linear.scatter [tilespmem:s13], [sflag:$0x3], $0x4000, $0x38;
	[tilespmem:$0xE200] =	vst v63  }
0x23: {  	_ =	swait.ge [sflag:s15], $0x4000  }
0x24: {  	s19 =	simm.s32 $0x80;
	s18 =	simm.s32 $0x1000;
	[sflag:s15] =	ssyncset.done $0x0  }
.LBB2_2:
0x25: {  	p0 =	sne.s32 s18, $0x60000;
	[sflag:s15] =	ssyncadd.s32 $0xFFFFC000;
	s19 =	sadd.s32 $0x100, s19  }
0x26: {  	[tilespmem:s13], [sflag:$0x3] =	stream.indirect.gather [hbm4b:s3+s12], $0x80, s19, s12, $0xb8;
	[tilespmem:$0xE200] =	vst v63  }
0x27: {  	s20 =	smov.u32 s18;
	s18 =	sadd.s32 $0x1000, s18;
	_ =	swait.ge [sflag:s14], $0x4000  }
0x28: {  	[sflag:s14] =	ssyncset.done $0x0  }
0x29: {  	s21 =	sadd.s32 s20, s8;
	[sflag:s14] =	ssyncadd.s32 $0xFFFFC000  }
0x2a: {  	[hbm4b:s21+s2] =	stream.linear.scatter [tilespmem:s11], [sflag:$0x2], $0x4000, $0x38;
	[tilespmem:$0xE200] =	vst v63  }
0x2b: {  	_ =	swait.ge [sflag:s14], $0x4000  }
0x2c: {  	[sflag:s14] =	ssyncset.done $0x0  }
0x2d: {  	s21 =	sadd.s32 $0x80, s19;
	[sflag:s14] =	ssyncadd.s32 $0xFFFFC000  }
0x2e: {  	[tilespmem:s11], [sflag:$0x2] =	stream.indirect.gather [hbm4b:s3+s12], $0x80, s21, s12, $0xb8;
	[tilespmem:$0xE200] =	vst v63  }
0x2f: {  	_ =	swait.ge [sflag:s15], $0x4000  }
.Ltmp0:
0x30: {  	[sflag:s15] =	ssyncset.done $0x0;
	(pc) =	sbr.rel @p0 .LBB2_2-.Ltmp0, $4  }
0x31: {  	s20 =	sadd.s32 s20, s9;
	[sflag:s15] =	ssyncadd.s32 $0xFFFFC000  }
0x32: {  	[hbm4b:s20+s2] =	stream.linear.scatter [tilespmem:s13], [sflag:$0x3], $0x4000, $0x38;
	[tilespmem:$0xE200] =	vst v63  }
0x33: {  	_ =	swait.ge [sflag:s15], $0x4000  }
0x34: {  	[sflag:s15] =	ssyncset.done $0x0  }
0x35: {  	[sflag:s15] =	ssyncadd.s32 $0xFFFFC000  }
0x36: {  	[tilespmem:s13], [sflag:$0x3] =	stream.indirect.gather [hbm4b:s3+s12], $0x80, s16, s12, $0xb8;
	[tilespmem:$0xE200] =	vst v63  }
0x37: {  	_ =	swait.ge [sflag:s14], $0x4000  }
0x38: {  	[sflag:s14] =	ssyncset.done $0x0  }
0x39: {  	[sflag:s14] =	ssyncadd.s32 $0xFFFFC000  }
0x3a: {  	[hbm4b:s6+s2] =	stream.linear.scatter [tilespmem:s11], [sflag:$0x2], $0x4000, $0x38;
	[tilespmem:$0xE200] =	vst v63  }
0x3b: {  	_ =	swait.ge [sflag:s14], $0x4000  }
0x3c: {  	[sflag:s14] =	ssyncset.done $0x0  }
0x3d: {  	[sflag:s14] =	ssyncadd.s32 $0xFFFFC000  }
0x3e: {  	s17 =	sadd.s32 $0x1, s17;
	_ =	swait.ge [sflag:s15], $0x4000  }
0x3f: {  	p0 =	sne.s32 s17, s5;
	[sflag:s15] =	ssyncset.done $0x0  }
.Ltmp1:
0x40: {  	[sflag:s15] =	ssyncadd.s32 $0xFFFFC000;
	(pc) =	sbr.rel @p0 .LBB2_1-.Ltmp1, $4  }
0x41: {  	[hbm4b:s7+s2] =	stream.linear.scatter [tilespmem:s13], [sflag:$0x3], $0x4000, $0x38;
	[tilespmem:$0xE200] =	vst v63  }
0x42: {  	_ =	swait.ge [sflag:s15], $0x4000  }
0x43: {  	[sflag:s15] =	ssyncset.done $0x0  }
0x44: {  	[sflag:s15] =	ssyncadd.s32 $0xFFFFC000  }
0x45: {  	_ =	sfence.sel $0x180000  }
0x46: {  	[bflag:$0x0] =	sbarrier.arrive $0xFFFF  }
0x47: {  	p0 =	sne.s32 s1, $0x0;
	_ =	strace $0x9000005C  }
0x48: {  	s0 =	sadd.s32 @!p0 $0x100000, s0;
	[bflag:$0x2] =	sbarrier.arrive $0xFFFF  }
0x49: {  	[sflag:s0] =	ssyncadd.tile.s32 @!p0 $0x1;
	_ =	shalt  }
.Lfunc_end2:
_tile_overlayer_lowered:
.L_overlay_start_2:
0x4a: {  	(tag) =	ssettag $0x2  }
0x4b: {  	s0 =	rddreg [dreg:$0x0];
	s2 =	stileid.u32  }
0x4c: {  	s1 =	rddreg [dreg:$0x1];
	p0 =	sne.s32 s2, $0x0  }
0x4d: {  	s3 =	rddreg [dreg:$0x2];
	[bflag:$0x3] =	sbarrier.arrive $0xFFFF;
	s2 =	simm.s32 @!p0 $0x1C04  }
0x4e: {  	[timem:s3], [sflag:s2] =	dma.local @!p0 [hbm:s0], s1  }
0x4f: {  	s0 =	simm.s32 @!p0 $0x4  }
0x50: {  	_ =	swait.ge @!p0 [sflag:s0], s1  }
0x51: {  	s1 =	ssub.s32 @!p0 $0x0, s1;
	[sflag:s0] =	ssyncset.done @!p0 $0x0  }
0x52: {  	[sflag:s0] =	ssyncadd.s32 @!p0 s1  }
0x53: {  	[bflag:$0x3] =	sbarrier.arrive $0xFFFF  }
0x54: {  	_ =	shalt  }

// kernel: kernel.9.cloned.1.call-start
scs
__scs_entry_jumppad:
0x0: {  	(pc) =	sbr.rel $0x88, $3  }
0x1: {  	(tag) =	ssettag $0x0;
	lr =	simm.s32 $0x1  }
0x2: {  	[smem:$0x3F92] =	sst lr;
	_ =	strace $0xD0000000  }
0x3: {  	_ = 	snop  }
0x4: {  	_ = 	snop  }
0x5: {  	_ = 	snop  }
0x6: {  	_ = 	snop  }
0x7: {  	_ = 	snop  }
__scs_overlays_trampoline_lowered:
0x8: {  	[smem:$0x3FA1] =	sst s0  }
0x9: {  	[smem:$0x3FA2] =	sst s1  }
0xa: {  	[smem:$0x3FA3] =	sst s2  }
0xb: {  	[smem:$0x3FA4] =	sst s3  }
0xc: {  	[smem:$0x3FA5] =	sst s4  }
0xd: {  	[smem:$0x3FA6] =	sst s5  }
0xe: {  	[smem:$0x3FA7] =	sst s6  }
0xf: {  	[smem:$0x3FA8] =	sst s7  }
0x10: {  	[smem:$0x3FA9] =	sst s8  }
0x11: {  	[smem:$0x3FAA] =	sst s9;
	s0 =	simm.s32 @!p0 $0x0  }
0x12: {  	s1 =	sld [smem:$0x3F90];
	s0 =	simm.s32 @p0 $0x1  }
0x13: {  	[smem:$0x3FAB] =	sst s0;
	s0 =	simm.s32 @!p1 $0x0  }
0x14: {  	s2 =	sld [smem:$0x3F8F];
	s0 =	simm.s32 @p1 $0x1  }
0x15: {  	[smem:$0x3FAC] =	sst s0;
	s0 =	simm.s32 @!p2 $0x0  }
0x16: {  	s3 =	sld [smem:$0x3FDB];
	s0 =	simm.s32 @p2 $0x1  }
0x17: {  	s4 =	simm.s32 $0x1BF5;
	[smem:$0x3FAE] =	sst s0  }
0x18: {  	s0 =	sld [smem:$0x3F91];
	_ =	swait.ge [sflag:s4], $0x0  }
0x19: {  	s7 =	sld [smem:$0x3F92]  }
0x1a: {  	s8 =	sadd.s32 $0xFFFFE003, lr  }
0x1b: {  	s9 =	sadd.s32 $0xFFFFFEF7, lr;
	s5 =	simm.s32 $0xFFFFFFFF;
	p2 =	slt.u32 s8, $0xFFFFF086  }
0x1c: {  	p1 =	slt.u32 s9, $0xF7A;
	s5 =	simm.s32 @!p2 $0x0  }
0x1d: {  	s5 =	simm.s32 @p1 $0x1;
	p0 =	seq.s32 s7, s2  }
0x1e: {  	s7 =	smul.u32 @!p0 $0xF7A, s2;
	p2 =	seq.s32 @!p0 s5, $0x0  }
0x1f: {  	s9 =	smul.u32 $0xF7A, s1;
	s8 =	simm.s32 @!p0 $0x1BF5;
	p2 =	por !p2, p0  }
0x20: {  	[sflag:s8] =	ssyncset.s32 @!p0 $0xFFFFF086;
	s6 =	sadd.s32 @!p0 s3, s7;
	s7 =	simm.s32 @!p0 $0x108  }
0x21: {  	s3 =	sadd.s32 s3, s9;
	s6 =	sadd.s32 @!p0 $0x88, s6;
	s7 =	simm.s32 @p2 $0x1082  }
0x22: {  	[simem:s7], [sflag:s8] =	dma.local @!p0 [hbm:s6], $0xF7A  }
0x23: {  	s9 =	sor.u32 $0xD0000000, s2;
	s6 =	simm.s32 $0x108;
	_ =	swait.ge @!p0 [sflag:s8], $0x0  }
0x24: {  	s3 =	sadd.s32 $0x88, s3;
	s6 =	simm.s32 @!p1 $0x1082;
	[sflag:s4] =	ssyncset.s32 $0xFFFFF086  }
0x25: {  	[simem:s6], [sflag:s4] =	dma.local [hbm:s3], $0xF7A  }
0x26: {  	[smem:$0x3F92] =	sst s1;
	(tag) =	ssettag s2;
	_ =	strace s9  }
0x27: {  	s1 =	sld [smem:$0x3FA2]  }
0x28: {  	s2 =	sld [smem:$0x3FA3]  }
0x29: {  	s4 =	sld [smem:$0x3FA5]  }
0x2a: {  	p0 =	seq.s32 s5, $0x0;
	s5 =	sld [smem:$0x3FA6]  }
0x2b: {  	s6 =	sld [smem:$0x3FA7]  }
0x2c: {  	s7 =	sld [smem:$0x3FA8]  }
0x2d: {  	s3 =	simm.s32 $0x108;
	s8 =	sld [smem:$0x3FA9]  }
0x2e: {  	s3 =	simm.s32 @!p0 $0x1082;
	s9 =	sld [smem:$0x3FAA]  }
0x2f: {  	lr =	sadd.s32 s0, s3;
	s0 =	sld [smem:$0x3FA1]  }
0x30: {  	s3 =	sld [smem:$0x3FA4]  }
0x31: {  	[smem:$0x3FAD] =	sst s10  }
0x32: {  	s10 =	sld [smem:$0x3FAB];
	_ =	sdelay $0x3  }
0x33: {  	p0 =	seq.s32 s10, $0x1;
	s10 =	sld [smem:$0x3FAD];
	_ =	sdelay $0x3  }
0x34: {  	[smem:$0x3FAD] =	sst s10  }
0x35: {  	s10 =	sld [smem:$0x3FAC];
	_ =	sdelay $0x3  }
0x36: {  	p1 =	seq.s32 s10, $0x1;
	s10 =	sld [smem:$0x3FAD];
	_ =	sdelay $0x3  }
0x37: {  	[smem:$0x3FAD] =	sst s10  }
0x38: {  	s10 =	sld [smem:$0x3FAE]  }
0x39: {  	_ = 	snop;
	(pc) =	sbr.ind lr, $3  }
0x3a: {  	_ = 	snop  }
0x3b: {  	_ = 	snop  }
0x3c: {  	p2 =	seq.s32 s10, $0x1;
	s10 =	sld [smem:$0x3FAD]  }
0x3d: {  	_ =	shalt  }
0x3e: {  	_ =	shalt  }
0x3f: {  	_ =	shalt  }
0x40: {  	_ =	shalt  }
0x41: {  	_ =	shalt  }
0x42: {  	_ =	shalt  }
0x43: {  	_ =	shalt  }
0x44: {  	_ =	shalt  }
0x45: {  	_ =	shalt  }
0x46: {  	_ =	shalt  }
0x47: {  	_ =	shalt  }
0x48: {  	_ =	shalt  }
0x49: {  	_ =	shalt  }
0x4a: {  	_ =	shalt  }
0x4b: {  	_ =	shalt  }
0x4c: {  	_ =	shalt  }
0x4d: {  	_ =	shalt  }
0x4e: {  	_ =	shalt  }
0x4f: {  	_ =	shalt  }
0x50: {  	_ =	shalt  }
0x51: {  	_ =	shalt  }
0x52: {  	_ =	shalt  }
0x53: {  	_ =	shalt  }
0x54: {  	_ =	shalt  }
0x55: {  	_ =	shalt  }
0x56: {  	_ =	shalt  }
0x57: {  	_ =	shalt  }
0x58: {  	_ =	shalt  }
0x59: {  	_ =	shalt  }
0x5a: {  	_ =	shalt  }
0x5b: {  	_ =	shalt  }
0x5c: {  	_ =	shalt  }
0x5d: {  	_ =	shalt  }
0x5e: {  	_ =	shalt  }
0x5f: {  	_ =	shalt  }
0x60: {  	_ =	shalt  }
0x61: {  	_ =	shalt  }
0x62: {  	_ =	shalt  }
0x63: {  	_ =	shalt  }
0x64: {  	_ =	shalt  }
0x65: {  	_ =	shalt  }
0x66: {  	_ =	shalt  }
0x67: {  	_ =	shalt  }
0x68: {  	_ =	shalt  }
0x69: {  	_ =	shalt  }
0x6a: {  	_ =	shalt  }
0x6b: {  	_ =	shalt  }
0x6c: {  	_ =	shalt  }
0x6d: {  	_ =	shalt  }
0x6e: {  	_ =	shalt  }
0x6f: {  	_ =	shalt  }
0x70: {  	_ =	shalt  }
0x71: {  	_ =	shalt  }
0x72: {  	_ =	shalt  }
0x73: {  	_ =	shalt  }
0x74: {  	_ =	shalt  }
0x75: {  	_ =	shalt  }
0x76: {  	_ =	shalt  }
0x77: {  	_ =	shalt  }
0x78: {  	_ =	shalt  }
0x79: {  	_ =	shalt  }
0x7a: {  	_ =	shalt  }
0x7b: {  	_ =	shalt  }
0x7c: {  	_ =	shalt  }
0x7d: {  	_ =	shalt  }
0x7e: {  	_ =	shalt  }
0x7f: {  	_ =	shalt  }
0x80: {  	_ =	shalt  }
0x81: {  	_ =	shalt  }
0x82: {  	_ =	shalt  }
0x83: {  	_ =	shalt  }
0x84: {  	_ =	shalt  }
0x85: {  	_ =	shalt  }
0x86: {  	_ =	shalt  }
0x87: {  	_ =	shalt  }
.Lfunc_end0:
.L_simem_size_0:
called_computation.5_lowered:
.L_overlay_start_0:
0x88: {  	s2 =	sld [smem:$0x3FD9]  }
0x89: {  	s3 =	sld [smem:$0x3FFE];
	_ =	sdelay $0x1  }
0x8a: {  	s1 =	srdreg.scid  }
0x8b: {  	s0 =	sand.u32 $0x1, s1  }
0x8c: {  	s16 =	sshll.u32 s0, $0xA;
	s2 =	sadd.s32 s3, s2  }
0x8d: {  	s2 =	sadd.s32 s2, s16  }
0x8e: {  	[smem:$0x3FB9] =	sst s2  }
0x8f: {  	_ = 	snop  }
0x90: {  	(tm) =	ssettm $0x1  }
0x91: {  	s17 =	sld [smem:$0x3FFB];
	_ =	sdelay $0x3  }
0x92: {  	_ =	strace s17  }
0x93: {  	s2 =	sld [smem:$0x3FFC];
	_ =	sdelay $0x3  }
0x94: {  	_ =	strace s2  }
0x95: {  	s2 =	sld [smem:$0x3FFD];
	_ =	sdelay $0x3  }
0x96: {  	_ =	strace s2  }
0x97: {  	_ =	strace $0x8FFFFFFF  }
0x98: {  	s18 =	sld [smem:$0x3FDB];
	_ =	sdelay $0x1  }
0x99: {  	s19 =	simm.s32 $_scs_section_size  }
0x9a: {  	s4 =	simm.s32 $_size__tile_overlayer_lowered;
	s5 =	simm.s32 $_tile_overlayer_lowered  }
0x9b: {  	s22 =	simm.s32 $0x1BFF;
	s21 =	sshll.u32 s5, $0x1;
	s2 =	sadd.s32 s19, s18  }
0x9c: {  	s6 =	simm.s32 $0x0;
	s20 =	sshll.u32 s4, $0x1;
	s4 =	sadd.s32 s21, s2  }
0x9d: {  	[timem:s6], [sflag:s22] =	dma.local [hbm:s4], s20  }
0x9e: {  	_ =	swait.ge [sflag:s22], s20  }
0x9f: {  	s3 =	ssub.s32 $0x0, s20;
	[sflag:s22] =	ssyncset.done $0x0  }
0xa0: {  	[sflag:s22] =	ssyncadd.s32 s3;
	_ =	sdelay $0x1  }
0xa1: {  	s23 =	simm.s32 $0x1B8B  }
0xa2: {  	_ =	swait.ge [sflag:s23], $0x1  }
0xa3: {  	[sflag:s23] =	ssyncset.done $0x0  }
0xa4: {  	s25 =	simm.s32 $0x1B8E;
	s24 =	sld [smem:$0x3FFE];
	[sflag:s23] =	ssyncadd.s32 $0xFFFFFFFF  }
0xa5: {  	s26 =	simm.s32 $execute0_lowered;
	[smem:$0x3FD2] =	sst s25  }
0xa6: {  	s4 =	sshll.u32 s26, $0x1;
	_ =	strace $0x80000049;
	[dreg:$0x1] =	wrdreg $0xFFFFFFFF  }
0xa7: {  	s28 =	simm.s32 $_size_execute0_lowered;
	s2 =	sadd.s32 s2, s4;
	[dreg:$0x0] =	wrdreg $0x0  }
0xa8: {  	s4 =	sshll.u32 s28, $0x1;
	[dreg:$0x2] =	wrdreg s2  }
0xa9: {  	[dreg:$0x3] =	wrdreg s4  }
0xaa: {  	[dreg:$0x4] =	wrdreg $0xC0  }
0xab: {  	_ =	task [dreg:s6], $0x5FFFF  }
0xac: {  	[dreg:$0x1] =	wrdreg $0xFFFFFFFF  }
0xad: {  	[dreg:$0x0] =	wrdreg $0x60  }
0xae: {  	[dreg:$0x2] =	wrdreg s24  }
0xaf: {  	[dreg:$0x3] =	wrdreg $0xA  }
0xb0: {  	_ =	task.clear_ibuf [dreg:s6], $0x4FFFF;
	_ =	strace $0x90000049  }
0xb1: {  	s29 =	simm.s32 $0xA;
	_ =	strace $0x8000004B  }
0xb2: {  	_ =	swait.ge [sflag:s29], $0x1  }
0xb3: {  	[sflag:s29] =	ssyncadd.s32 $0xFFFFFFFF  }
0xb4: {  	_ =	strace $0x9000004B  }
0xb5: {  	_ =	sfence  }
0xb6: {  	s30 =	sld [smem:$0x0];
	_ =	sdelay $0x2  }
0xb7: {  	s31 =	sshll.u32 s1, $0xD;
	s1 =	sshrl.u32 s1, $0x2  }
0xb8: {  	s3 =	sand.u32 $0x4000, s31;
	s1 =	sadd.s32 s1, s30  }
0xb9: {  	s0 =	sor.u32 s3, s0;
	s1 =	sshll.u32 s1, $0x11  }
0xba: {  	s0 =	sor.u32 s1, s0  }
0xbb: {  	s0 =	sadd.s32 $0x8F2B, s0  }
0xbc: {  	[sflag:s0] =	ssyncadd.remote.s32 $0x1  }
0xbd: {  	_ =	sfence.sel $0xFFFF  }
0xbe: {  	[dreg:$0x0] =	wrdreg $0xFFFFFFFF;
	(pc) =	sbr.abs _section_cstart, $3  }
0xbf: {  	[dreg:$0x1] =	wrdreg $0xFFFFFFFF  }
0xc0: {  	_ =	task.clear_ibuf [dreg:s6], $0x2FFFF;
	_ =	strace $0x9FFFFFFF  }
0xc1: {  	(tm) =	ssettm $0x7FFFFFFF  }
tec
execute0_lowered:
.L_overlay_start_1:
0x0: {  	(tag) =	ssettag $0x1  }
0x1: {  	s4 =	rddreg [dreg:$0x0]  }
0x2: {  	s0 =	rddreg [dreg:$0x1]  }
0x3: {  	s3 =	srdreg.scid;
	s1 =	stileid.u32  }
0x4: {  	s2 =	simm.s32 $0x0;
	s12 =	simm.s32 $0x80;
	s13 =	simm.s32 $0xA200  }
0x5: {  	s14 =	simm.s32 $0x2;
	s15 =	simm.s32 $0x3;
	s16 =	simm.s32 $0x6180  }
0x6: {  	s5 =	sand.u32 $0x1, s3;
	s25 =	sshll.u32 s1, $0x1;
	s9 =	smul.u32 $0x620000, s1  }
0x7: {  	s17 =	simm.s32 $0x0;
	s6 =	sor.u32 s5, s25;
	s11 =	smul.u32 $0x310000, s5  }
0x8: {  	[smem:$0x7FF] =	sst s2;
	s8 =	ssub.s32 $0x2, s5;
	s7 =	smul.u32 $0xC40, s6  }
0x9: {  	s3 =	sadd.s32 $0x98AC00, s4;
	s6 =	smul.u32 $0x310000, s6;
	s26 =	sshrl.u32 s8, $0x1  }
0xa: {  	s10 =	sadd.s32 $0xA4E200, s4;
	_ =	strace $0x8000004A;
	s28 =	ssub.s32 s8, s26  }
0xb: {  	s30 =	sadd.s32 s11, s9;
	s7 =	sadd.s32 s7, s4;
	s6 =	sshrl.u32 s6, $0x3  }
0xc: {  	s5 =	smax.u32 s28, $0x1;
	s9 =	sshrl.u32 s30, $0x3;
	s11 =	sor.u32 $0x4000, s30  }
0xd: {  	s4 =	sadd.s32 $0x4A800, s7;
	s29 =	sadd.s32 s10, s6;
	s8 =	sadd.s32 s9, s10  }
0xe: {  	s31 =	sshrl.u32 s11, $0x3;
	s11 =	simm.s32 $0x6200;
	s6 =	sadd.s32 $0x61000, s29  }
0xf: {  	s7 =	sadd.s32 $0x61800, s29;
	s9 =	sadd.s32 s31, s10;
	s10 =	simm.s32 $0x1  }
.LBB2_1:
0x10: {  	[tilespmem:s2], [sflag:$0x1] =	stream.linear.gather [hbm4b:s4+s2], $0x6200, $0x38;
	[tilespmem:$0xE200] =	vst v63  }
0x11: {  	_ =	swait.ge [sflag:s10], $0x6200  }
0x12: {  	[sflag:s10] =	ssyncset.done $0x0  }
0x13: {  	[sflag:s10] =	ssyncadd.s32 $0xFFFF9E00  }
0x14: {  	[tilespmem:s11], [sflag:$0x2] =	stream.indirect.gather [hbm4b:s3+s12], $0x80, s2, s12, $0xb8;
	[tilespmem:$0xE200] =	vst v63  }
0x15: {  	_ = 	snop  }
0x16: {  	[tilespmem:s13], [sflag:$0x3] =	stream.indirect.gather [hbm4b:s3+s12], $0x80, s12, s12, $0xb8;
	[tilespmem:$0xE200] =	vst v63  }
0x17: {  	_ =	swait.ge [sflag:s14], $0x4000  }
0x18: {  	[sflag:s14] =	ssyncset.done $0x0  }
0x19: {  	s18 =	sadd.s32 $0x0, s8;
	[sflag:s14] =	ssyncadd.s32 $0xFFFFC000  }
0x1a: {  	[hbm4b:s18+s2] =	stream.linear.scatter [tilespmem:s11], [sflag:$0x2], $0x4000, $0x38;
	[tilespmem:$0xE200] =	vst v63  }
0x1b: {  	_ =	swait.ge [sflag:s14], $0x4000  }
0x1c: {  	[sflag:s14] =	ssyncset.done $0x0  }
0x1d: {  	s30 =	simm.s32 $0x100;
	[sflag:s14] =	ssyncadd.s32 $0xFFFFC000  }
0x1e: {  	[tilespmem:s11], [sflag:$0x2] =	stream.indirect.gather [hbm4b:s3+s12], $0x80, s30, s12, $0xb8;
	[tilespmem:$0xE200] =	vst v63  }
0x1f: {  	_ =	swait.ge [sflag:s15], $0x4000  }
0x20: {  	[sflag:s15] =	ssyncset.done $0x0  }
0x21: {  	s31 =	sadd.s32 $0x0, s9;
	[sflag:s15] =	ssyncadd.s32 $0xFFFFC000  }
0x22: {  	[hbm4b:s31+s2] =	stream.linear.scatter [tilespmem:s13], [sflag:$0x3], $0x4000, $0x38;
	[tilespmem:$0xE200] =	vst v63  }
0x23: {  	_ =	swait.ge [sflag:s15], $0x4000  }
0x24: {  	s19 =	simm.s32 $0x80;
	s18 =	simm.s32 $0x1000;
	[sflag:s15] =	ssyncset.done $0x0  }
.LBB2_2:
0x25: {  	p0 =	sne.s32 s18, $0x60000;
	[sflag:s15] =	ssyncadd.s32 $0xFFFFC000;
	s19 =	sadd.s32 $0x100, s19  }
0x26: {  	[tilespmem:s13], [sflag:$0x3] =	stream.indirect.gather [hbm4b:s3+s12], $0x80, s19, s12, $0xb8;
	[tilespmem:$0xE200] =	vst v63  }
0x27: {  	s20 =	smov.u32 s18;
	s18 =	sadd.s32 $0x1000, s18;
	_ =	swait.ge [sflag:s14], $0x4000  }
0x28: {  	[sflag:s14] =	ssyncset.done $0x0  }
0x29: {  	s21 =	sadd.s32 s20, s8;
	[sflag:s14] =	ssyncadd.s32 $0xFFFFC000  }
0x2a: {  	[hbm4b:s21+s2] =	stream.linear.scatter [tilespmem:s11], [sflag:$0x2], $0x4000, $0x38;
	[tilespmem:$0xE200] =	vst v63  }
0x2b: {  	_ =	swait.ge [sflag:s14], $0x4000  }
0x2c: {  	[sflag:s14] =	ssyncset.done $0x0  }
0x2d: {  	s21 =	sadd.s32 $0x80, s19;
	[sflag:s14] =	ssyncadd.s32 $0xFFFFC000  }
0x2e: {  	[tilespmem:s11], [sflag:$0x2] =	stream.indirect.gather [hbm4b:s3+s12], $0x80, s21, s12, $0xb8;
	[tilespmem:$0xE200] =	vst v63  }
0x2f: {  	_ =	swait.ge [sflag:s15], $0x4000  }
.Ltmp0:
0x30: {  	[sflag:s15] =	ssyncset.done $0x0;
	(pc) =	sbr.rel @p0 .LBB2_2-.Ltmp0, $4  }
0x31: {  	s20 =	sadd.s32 s20, s9;
	[sflag:s15] =	ssyncadd.s32 $0xFFFFC000  }
0x32: {  	[hbm4b:s20+s2] =	stream.linear.scatter [tilespmem:s13], [sflag:$0x3], $0x4000, $0x38;
	[tilespmem:$0xE200] =	vst v63  }
0x33: {  	_ =	swait.ge [sflag:s15], $0x4000  }
0x34: {  	[sflag:s15] =	ssyncset.done $0x0  }
0x35: {  	[sflag:s15] =	ssyncadd.s32 $0xFFFFC000  }
0x36: {  	[tilespmem:s13], [sflag:$0x3] =	stream.indirect.gather [hbm4b:s3+s12], $0x80, s16, s12, $0xb8;
	[tilespmem:$0xE200] =	vst v63  }
0x37: {  	_ =	swait.ge [sflag:s14], $0x4000  }
0x38: {  	[sflag:s14] =	ssyncset.done $0x0  }
0x39: {  	[sflag:s14] =	ssyncadd.s32 $0xFFFFC000  }
0x3a: {  	[hbm4b:s6+s2] =	stream.linear.scatter [tilespmem:s11], [sflag:$0x2], $0x4000, $0x38;
	[tilespmem:$0xE200] =	vst v63  }
0x3b: {  	_ =	swait.ge [sflag:s14], $0x4000  }
0x3c: {  	[sflag:s14] =	ssyncset.done $0x0  }
0x3d: {  	[sflag:s14] =	ssyncadd.s32 $0xFFFFC000  }
0x3e: {  	s17 =	sadd.s32 $0x1, s17;
	_ =	swait.ge [sflag:s15], $0x4000  }
0x3f: {  	p0 =	sne.s32 s17, s5;
	[sflag:s15] =	ssyncset.done $0x0  }
.Ltmp1:
0x40: {  	[sflag:s15] =	ssyncadd.s32 $0xFFFFC000;
	(pc) =	sbr.rel @p0 .LBB2_1-.Ltmp1, $4  }
0x41: {  	[hbm4b:s7+s2] =	stream.linear.scatter [tilespmem:s13], [sflag:$0x3], $0x4000, $0x38;
	[tilespmem:$0xE200] =	vst v63  }
0x42: {  	_ =	swait.ge [sflag:s15], $0x4000  }
0x43: {  	[sflag:s15] =	ssyncset.done $0x0  }
0x44: {  	[sflag:s15] =	ssyncadd.s32 $0xFFFFC000  }
0x45: {  	_ =	sfence.sel $0x180000  }
0x46: {  	[bflag:$0x0] =	sbarrier.arrive $0xFFFF  }
0x47: {  	p0 =	sne.s32 s1, $0x0;
	_ =	strace $0x9000004A  }
0x48: {  	s0 =	sadd.s32 @!p0 $0x100000, s0;
	[bflag:$0x2] =	sbarrier.arrive $0xFFFF  }
0x49: {  	[sflag:s0] =	ssyncadd.tile.s32 @!p0 $0x1;
	_ =	shalt  }
.Lfunc_end2:
_tile_overlayer_lowered:
.L_overlay_start_2:
0x4a: {  	(tag) =	ssettag $0x2  }
0x4b: {  	s0 =	rddreg [dreg:$0x0];
	s2 =	stileid.u32  }
0x4c: {  	s1 =	rddreg [dreg:$0x1];
	p0 =	sne.s32 s2, $0x0  }
0x4d: {  	s3 =	rddreg [dreg:$0x2];
	[bflag:$0x3] =	sbarrier.arrive $0xFFFF;
	s2 =	simm.s32 @!p0 $0x1C04  }
0x4e: {  	[timem:s3], [sflag:s2] =	dma.local @!p0 [hbm:s0], s1  }
0x4f: {  	s0 =	simm.s32 @!p0 $0x4  }
0x50: {  	_ =	swait.ge @!p0 [sflag:s0], s1  }
0x51: {  	s1 =	ssub.s32 @!p0 $0x0, s1;
	[sflag:s0] =	ssyncset.done @!p0 $0x0  }
0x52: {  	[sflag:s0] =	ssyncadd.s32 @!p0 s1  }
0x53: {  	[bflag:$0x3] =	sbarrier.arrive $0xFFFF  }
0x54: {  	_ =	shalt  }

// kernel: scatter_offload_async_start.1
scs
__scs_entry_jumppad:
0x0: {  	(pc) =	sbr.rel $0x88, $3  }
0x1: {  	(tag) =	ssettag $0x0;
	lr =	simm.s32 $0x1  }
0x2: {  	[smem:$0x3F92] =	sst lr;
	_ =	strace $0xD0000000  }
0x3: {  	_ = 	snop  }
0x4: {  	_ = 	snop  }
0x5: {  	_ = 	snop  }
0x6: {  	_ = 	snop  }
0x7: {  	_ = 	snop  }
__scs_overlays_trampoline_lowered:
0x8: {  	[smem:$0x3FA1] =	sst s0  }
0x9: {  	[smem:$0x3FA2] =	sst s1  }
0xa: {  	[smem:$0x3FA3] =	sst s2  }
0xb: {  	[smem:$0x3FA4] =	sst s3  }
0xc: {  	[smem:$0x3FA5] =	sst s4  }
0xd: {  	[smem:$0x3FA6] =	sst s5  }
0xe: {  	[smem:$0x3FA7] =	sst s6  }
0xf: {  	[smem:$0x3FA8] =	sst s7  }
0x10: {  	[smem:$0x3FA9] =	sst s8  }
0x11: {  	[smem:$0x3FAA] =	sst s9;
	s0 =	simm.s32 @!p0 $0x0  }
0x12: {  	s1 =	sld [smem:$0x3F90];
	s0 =	simm.s32 @p0 $0x1  }
0x13: {  	[smem:$0x3FAB] =	sst s0;
	s0 =	simm.s32 @!p1 $0x0  }
0x14: {  	s2 =	sld [smem:$0x3F8F];
	s0 =	simm.s32 @p1 $0x1  }
0x15: {  	[smem:$0x3FAC] =	sst s0;
	s0 =	simm.s32 @!p2 $0x0  }
0x16: {  	s3 =	sld [smem:$0x3FDB];
	s0 =	simm.s32 @p2 $0x1  }
0x17: {  	s4 =	simm.s32 $0x1BF5;
	[smem:$0x3FAE] =	sst s0  }
0x18: {  	s0 =	sld [smem:$0x3F91];
	_ =	swait.ge [sflag:s4], $0x0  }
0x19: {  	s7 =	sld [smem:$0x3F92]  }
0x1a: {  	s8 =	sadd.s32 $0xFFFFE003, lr  }
0x1b: {  	s9 =	sadd.s32 $0xFFFFFEF7, lr;
	s5 =	simm.s32 $0xFFFFFFFF;
	p2 =	slt.u32 s8, $0xFFFFF086  }
0x1c: {  	p1 =	slt.u32 s9, $0xF7A;
	s5 =	simm.s32 @!p2 $0x0  }
0x1d: {  	s5 =	simm.s32 @p1 $0x1;
	p0 =	seq.s32 s7, s2  }
0x1e: {  	s7 =	smul.u32 @!p0 $0xF7A, s2;
	p2 =	seq.s32 @!p0 s5, $0x0  }
0x1f: {  	s9 =	smul.u32 $0xF7A, s1;
	s8 =	simm.s32 @!p0 $0x1BF5;
	p2 =	por !p2, p0  }
0x20: {  	[sflag:s8] =	ssyncset.s32 @!p0 $0xFFFFF086;
	s6 =	sadd.s32 @!p0 s3, s7;
	s7 =	simm.s32 @!p0 $0x108  }
0x21: {  	s3 =	sadd.s32 s3, s9;
	s6 =	sadd.s32 @!p0 $0x88, s6;
	s7 =	simm.s32 @p2 $0x1082  }
0x22: {  	[simem:s7], [sflag:s8] =	dma.local @!p0 [hbm:s6], $0xF7A  }
0x23: {  	s9 =	sor.u32 $0xD0000000, s2;
	s6 =	simm.s32 $0x108;
	_ =	swait.ge @!p0 [sflag:s8], $0x0  }
0x24: {  	s3 =	sadd.s32 $0x88, s3;
	s6 =	simm.s32 @!p1 $0x1082;
	[sflag:s4] =	ssyncset.s32 $0xFFFFF086  }
0x25: {  	[simem:s6], [sflag:s4] =	dma.local [hbm:s3], $0xF7A  }
0x26: {  	[smem:$0x3F92] =	sst s1;
	(tag) =	ssettag s2;
	_ =	strace s9  }
0x27: {  	s1 =	sld [smem:$0x3FA2]  }
0x28: {  	s2 =	sld [smem:$0x3FA3]  }
0x29: {  	s4 =	sld [smem:$0x3FA5]  }
0x2a: {  	p0 =	seq.s32 s5, $0x0;
	s5 =	sld [smem:$0x3FA6]  }
0x2b: {  	s6 =	sld [smem:$0x3FA7]  }
0x2c: {  	s7 =	sld [smem:$0x3FA8]  }
0x2d: {  	s3 =	simm.s32 $0x108;
	s8 =	sld [smem:$0x3FA9]  }
0x2e: {  	s3 =	simm.s32 @!p0 $0x1082;
	s9 =	sld [smem:$0x3FAA]  }
0x2f: {  	lr =	sadd.s32 s0, s3;
	s0 =	sld [smem:$0x3FA1]  }
0x30: {  	s3 =	sld [smem:$0x3FA4]  }
0x31: {  	[smem:$0x3FAD] =	sst s10  }
0x32: {  	s10 =	sld [smem:$0x3FAB];
	_ =	sdelay $0x3  }
0x33: {  	p0 =	seq.s32 s10, $0x1;
	s10 =	sld [smem:$0x3FAD];
	_ =	sdelay $0x3  }
0x34: {  	[smem:$0x3FAD] =	sst s10  }
0x35: {  	s10 =	sld [smem:$0x3FAC];
	_ =	sdelay $0x3  }
0x36: {  	p1 =	seq.s32 s10, $0x1;
	s10 =	sld [smem:$0x3FAD];
	_ =	sdelay $0x3  }
0x37: {  	[smem:$0x3FAD] =	sst s10  }
0x38: {  	s10 =	sld [smem:$0x3FAE]  }
0x39: {  	_ = 	snop;
	(pc) =	sbr.ind lr, $3  }
0x3a: {  	_ = 	snop  }
0x3b: {  	_ = 	snop  }
0x3c: {  	p2 =	seq.s32 s10, $0x1;
	s10 =	sld [smem:$0x3FAD]  }
0x3d: {  	_ =	shalt  }
0x3e: {  	_ =	shalt  }
0x3f: {  	_ =	shalt  }
0x40: {  	_ =	shalt  }
0x41: {  	_ =	shalt  }
0x42: {  	_ =	shalt  }
0x43: {  	_ =	shalt  }
0x44: {  	_ =	shalt  }
0x45: {  	_ =	shalt  }
0x46: {  	_ =	shalt  }
0x47: {  	_ =	shalt  }
0x48: {  	_ =	shalt  }
0x49: {  	_ =	shalt  }
0x4a: {  	_ =	shalt  }
0x4b: {  	_ =	shalt  }
0x4c: {  	_ =	shalt  }
0x4d: {  	_ =	shalt  }
0x4e: {  	_ =	shalt  }
0x4f: {  	_ =	shalt  }
0x50: {  	_ =	shalt  }
0x51: {  	_ =	shalt  }
0x52: {  	_ =	shalt  }
0x53: {  	_ =	shalt  }
0x54: {  	_ =	shalt  }
0x55: {  	_ =	shalt  }
0x56: {  	_ =	shalt  }
0x57: {  	_ =	shalt  }
0x58: {  	_ =	shalt  }
0x59: {  	_ =	shalt  }
0x5a: {  	_ =	shalt  }
0x5b: {  	_ =	shalt  }
0x5c: {  	_ =	shalt  }
0x5d: {  	_ =	shalt  }
0x5e: {  	_ =	shalt  }
0x5f: {  	_ =	shalt  }
0x60: {  	_ =	shalt  }
0x61: {  	_ =	shalt  }
0x62: {  	_ =	shalt  }
0x63: {  	_ =	shalt  }
0x64: {  	_ =	shalt  }
0x65: {  	_ =	shalt  }
0x66: {  	_ =	shalt  }
0x67: {  	_ =	shalt  }
0x68: {  	_ =	shalt  }
0x69: {  	_ =	shalt  }
0x6a: {  	_ =	shalt  }
0x6b: {  	_ =	shalt  }
0x6c: {  	_ =	shalt  }
0x6d: {  	_ =	shalt  }
0x6e: {  	_ =	shalt  }
0x6f: {  	_ =	shalt  }
0x70: {  	_ =	shalt  }
0x71: {  	_ =	shalt  }
0x72: {  	_ =	shalt  }
0x73: {  	_ =	shalt  }
0x74: {  	_ =	shalt  }
0x75: {  	_ =	shalt  }
0x76: {  	_ =	shalt  }
0x77: {  	_ =	shalt  }
0x78: {  	_ =	shalt  }
0x79: {  	_ =	shalt  }
0x7a: {  	_ =	shalt  }
0x7b: {  	_ =	shalt  }
0x7c: {  	_ =	shalt  }
0x7d: {  	_ =	shalt  }
0x7e: {  	_ =	shalt  }
0x7f: {  	_ =	shalt  }
0x80: {  	_ =	shalt  }
0x81: {  	_ =	shalt  }
0x82: {  	_ =	shalt  }
0x83: {  	_ =	shalt  }
0x84: {  	_ =	shalt  }
0x85: {  	_ =	shalt  }
0x86: {  	_ =	shalt  }
0x87: {  	_ =	shalt  }
.Lfunc_end0:
.L_simem_size_0:
called_computation.1_lowered:
.L_overlay_start_0:
0x88: {  	s2 =	sld [smem:$0x3FD9]  }
0x89: {  	s3 =	sld [smem:$0x3FFE];
	_ =	sdelay $0x1  }
0x8a: {  	s1 =	srdreg.scid  }
0x8b: {  	s0 =	sand.u32 $0x1, s1  }
0x8c: {  	s15 =	sshll.u32 s0, $0xA;
	s2 =	sadd.s32 s3, s2  }
0x8d: {  	s2 =	sadd.s32 s2, s15  }
0x8e: {  	[smem:$0x3FB9] =	sst s2  }
0x8f: {  	_ = 	snop  }
0x90: {  	(tm) =	ssettm $0x1  }
0x91: {  	s16 =	sld [smem:$0x3FFB];
	_ =	sdelay $0x3  }
0x92: {  	_ =	strace s16  }
0x93: {  	s2 =	sld [smem:$0x3FFC];
	_ =	sdelay $0x3  }
0x94: {  	_ =	strace s2  }
0x95: {  	s2 =	sld [smem:$0x3FFD];
	_ =	sdelay $0x3  }
0x96: {  	_ =	strace s2  }
0x97: {  	_ =	strace $0x8FFFFFFF  }
0x98: {  	s17 =	sld [smem:$0x3FDB];
	_ =	sdelay $0x1  }
0x99: {  	s18 =	simm.s32 $_scs_section_size  }
0x9a: {  	s4 =	simm.s32 $_size__tile_overlayer_lowered;
	s5 =	simm.s32 $_tile_overlayer_lowered  }
0x9b: {  	s6 =	simm.s32 $0x1BFF;
	s19 =	sshll.u32 s5, $0x1;
	s3 =	sadd.s32 s18, s17  }
0x9c: {  	s20 =	simm.s32 $0x0;
	s4 =	sshll.u32 s4, $0x1;
	s5 =	sadd.s32 s19, s3  }
0x9d: {  	[timem:s20], [sflag:s6] =	dma.local [hbm:s5], s4  }
0x9e: {  	_ =	swait.ge [sflag:s6], s4  }
0x9f: {  	s4 =	ssub.s32 $0x0, s4;
	[sflag:s6] =	ssyncset.done $0x0  }
0xa0: {  	[sflag:s6] =	ssyncadd.s32 s4;
	_ =	sdelay $0x1  }
0xa1: {  	s21 =	simm.s32 $0x1B8B  }
0xa2: {  	_ =	swait.ge [sflag:s21], $0x1  }
0xa3: {  	[sflag:s21] =	ssyncset.done $0x0  }
0xa4: {  	s22 =	sld [smem:$0x3FFE];
	[sflag:s21] =	ssyncadd.s32 $0xFFFFFFFF  }
0xa5: {  	s24 =	simm.s32 $0x1B8E;
	s23 =	sld [smem:$0x0]  }
0xa6: {  	s25 =	simm.s32 $execute0_lowered;
	[smem:$0x3FD2] =	sst s24  }
0xa7: {  	s6 =	sshll.u32 s25, $0x1;
	_ =	strace $0x80000055;
	[dreg:$0x1] =	wrdreg $0xFFFFFFFF  }
0xa8: {  	s7 =	simm.s32 $_size_execute0_lowered;
	s6 =	sadd.s32 s3, s6;
	[dreg:$0x0] =	wrdreg $0x0  }
0xa9: {  	s7 =	sshll.u32 s7, $0x1;
	[dreg:$0x2] =	wrdreg s6  }
0xaa: {  	[dreg:$0x3] =	wrdreg s7  }
0xab: {  	[dreg:$0x4] =	wrdreg $0xC0  }
0xac: {  	s26 =	simm.s32 $execute1_lowered;
	_ =	task [dreg:s20], $0x5FFFF  }
0xad: {  	s6 =	sshll.u32 s26, $0x1;
	[dreg:$0x1] =	wrdreg $0xFFFFFFFF  }
0xae: {  	s3 =	sadd.s32 s3, s6;
	[dreg:$0x0] =	wrdreg $0x60  }
0xaf: {  	[dreg:$0x2] =	wrdreg s3  }
0xb0: {  	[dreg:$0x3] =	wrdreg s22  }
0xb1: {  	[dreg:$0x4] =	wrdreg $0x9  }
0xb2: {  	_ =	task.clear_ibuf [dreg:s20], $0x5FFFF;
	_ =	strace $0x90000055  }
0xb3: {  	s28 =	simm.s32 $0x9;
	_ =	strace $0x80000057  }
0xb4: {  	_ =	swait.ge [sflag:s28], $0x1  }
0xb5: {  	[sflag:s28] =	ssyncadd.s32 $0xFFFFFFFF  }
0xb6: {  	_ =	strace $0x90000057  }
0xb7: {  	s3 =	sld [smem:$0x0]  }
0xb8: {  	s6 =	sand.u32 $0xFFFFFFFE, s1  }
0xb9: {  	p0 =	sne.s32 s1, s6  }
0xba: {  	s6 =	sshll.u32 @p0 s6, $0xE  }
0xbb: {  	s6 =	sadd.s32 @p0 $0x11BF3, s6;
	s7 =	sshll.u32 @p0 s3, $0x11  }
0xbc: {  	s6 =	sor.u32 @p0 s7, s6  }
0xbd: {  	[sflag:s6] =	ssyncadd.remote.s32 @p0 $0x1;
	_ =	sdelay $0x1  }
0xbe: {  	s6 =	simm.s32 @p0 $0x1BF3  }
0xbf: {  	_ =	swait.eq @p0 [sflag:s6], $0x1  }
0xc0: {  	[sflag:s6] =	ssyncadd.s32 @p0 $0xFFFFFFFF  }
0xc1: {  	s7 =	sshll.u32 @!p0 s1, $0xE  }
0xc2: {  	s7 =	sor.u32 @!p0 $0x4000, s7;
	s6 =	simm.s32 @!p0 $0x1BF3  }
0xc3: {  	s3 =	sshll.u32 @!p0 s3, $0x11;
	s7 =	sadd.s32 @!p0 $0x11BF3, s7;
	_ =	swait.eq @!p0 [sflag:s6], $0x1  }
0xc4: {  	s3 =	sor.u32 @!p0 s3, s7;
	[sflag:s6] =	ssyncadd.s32 @!p0 $0xFFFFFFFF  }
0xc5: {  	[sflag:s3] =	ssyncadd.remote.s32 @!p0 $0x1  }
0xc6: {  	_ =	strace $0x80000058;
	[dreg:$0x1] =	wrdreg $0xFFFFFFFF  }
0xc7: {  	[dreg:$0x0] =	wrdreg $0x2030  }
0xc8: {  	[dreg:$0x2] =	wrdreg s22  }
0xc9: {  	[dreg:$0x3] =	wrdreg s1  }
0xca: {  	[dreg:$0x4] =	wrdreg s23  }
0xcb: {  	[dreg:$0x5] =	wrdreg $0xA  }
0xcc: {  	_ =	task.clear_ibuf [dreg:s20], $0x6FFFF;
	_ =	strace $0x90000058  }
0xcd: {  	s29 =	simm.s32 $0xA;
	_ =	strace $0x8000005A  }
0xce: {  	_ =	swait.ge [sflag:s29], $0x1  }
0xcf: {  	[sflag:s29] =	ssyncadd.s32 $0xFFFFFFFF  }
0xd0: {  	_ =	strace $0x9000005A  }
0xd1: {  	_ =	sfence  }
0xd2: {  	s30 =	sld [smem:$0x0];
	_ =	sdelay $0x2  }
0xd3: {  	s31 =	sshll.u32 s1, $0xD;
	s1 =	sshrl.u32 s1, $0x2  }
0xd4: {  	s4 =	sand.u32 $0x4000, s31;
	s1 =	sadd.s32 s1, s30  }
0xd5: {  	s0 =	sor.u32 s4, s0;
	s1 =	sshll.u32 s1, $0x11  }
0xd6: {  	s0 =	sor.u32 s1, s0  }
0xd7: {  	s0 =	sadd.s32 $0x8F2B, s0  }
0xd8: {  	[sflag:s0] =	ssyncadd.remote.s32 $0x1  }
0xd9: {  	_ =	sfence.sel $0xFFFF  }
0xda: {  	[dreg:$0x0] =	wrdreg $0xFFFFFFFF;
	(pc) =	sbr.abs _section_cstart, $3  }
0xdb: {  	[dreg:$0x1] =	wrdreg $0xFFFFFFFF  }
0xdc: {  	_ =	task.clear_ibuf [dreg:s20], $0x2FFFF;
	_ =	strace $0x9FFFFFFF  }
0xdd: {  	(tm) =	ssettm $0x7FFFFFFF  }
tec
execute0_lowered:
.L_overlay_start_1:
0x0: {  	(tag) =	ssettag $0x1  }
0x1: {  	s2 =	rddreg [dreg:$0x0]  }
0x2: {  	s5 =	rddreg [dreg:$0x1]  }
0x3: {  	s0 =	rddreg [dreg:$0x2];
	s3 =	stileid.u32;
	[bflag:$0x3] =	sbarrier.arrive $0xFFFF  }
0x4: {  	s1 =	simm.s32 $_size_execute1_lowered;
	s29 =	srdreg.scid;
	s31 =	simm.s32 $0x2  }
0x5: {  	s13 =	simm.s32 $0x0;
	s8 =	simm.s32 $0x20;
	p0 =	sne.s32 s3, $0x0  }
0x6: {  	s1 =	sshll.u32 s1, $0x1;
	s4 =	simm.s32 @!p0 $0x1C3F;
	s6 =	simm.s32 @!p0 $0x4060  }
0x7: {  	[timem:s6], [sflag:s4] =	dma.local @!p0 [hbm:s2], s1  }
0x8: {  	s9 =	simm.s32 $0x80;
	s11 =	simm.s32 $0x0;
	s2 =	sshll.u32 s29, $0x9  }
.Ltmp0:
0x9: {  	s3 =	sshll.u32 s3, $0xA;
	s30 =	sand.u32 $0x200, s2;
	(pc) =	sbr.rel .LBB2_1-.Ltmp0, $4  }
0xa: {  	s12 =	simm.s32 $0x0;
	_ =	strace $0x80000056;
	s3 =	sor.u32 s3, s30  }
0xb: {  	s4 =	simm.s32 $0x1;
	s2 =	sadd.s32 $0x126600, s5;
	s7 =	ssub.s32 $0xC200, s3  }
0xc: {  	s5 =	sadd.s32 $0x1E9C00, s5;
	[sflag:s4] =	ssyncpa.u1 $0x0;
	s6 =	sshrl.u32 s7, $0xE  }
0xd: {  	[sflag:s31] =	ssyncpa.u1 $0x0;
	s10 =	smov.u32 s3;
	s7 =	sadd.s32 $0x2, s6  }
.LBB2_5:
0xe: {  	_ =	sdelay $0x3  }
0xf: {  	[tilespmem:v1+s16+$0x0 ss:$0x1] =	vst.idx.msk $0xffff, v2  }
0x10: {  	[tilespmem:v1+s17+$0x0 ss:$0x1] =	vst.idx.msk $0xffff, v3  }
.LBB2_6:
0x11: {  	s16 =	sand.u32 $0x1FFFFFF, s11  }
0x12: {  	s17 =	smulhi.u32 $0x14F8B59, s16;
	_ =	sdelay $0x1  }
0x13: {  	s17 =	sshrl.u32 s17, $0x8  }
0x14: {  	s17 =	smul.u32 $0xC350, s17;
	_ =	sdelay $0x1  }
0x15: {  	s16 =	ssub.s32 s16, s17  }
0x16: {  	s16 =	sshll.u32 s16, $0x4  }
0x17: {  	s16 =	sadd.s32 s5, s16  }
0x18: {  	[hbm4b:s16+s8] =	stream.strided.scatter [tilespmem:s15], [sflag:$0x2], s14, s9, s8, $0x38;
	[tilespmem:$0x10000] =	vst v63  }
.LBB2_7:
0x19: {  	p1 =	slt.u32 s12, $0x2  }
0x1a: {  	p2 =	sgt.s32 @!p1 s13, $0xC150  }
0x1b: {  	s14 =	smov.u32 s13;
	s15 =	sshra.s32 @!p1 s13, $0x1F;
	p2 =	por !p2, p1  }
0x1c: {  	s13 =	sand.u32 @!p1 s15, s13;
	s14 =	simm.s32 @p2 $0xC150  }
0x1d: {  	s13 =	ssub.s32 @!p1 s14, s13  }
0x1e: {  	s13 =	sadd.s32 @!p1 $0xFFFF3EB0, s13  }
0x1f: {  	s14 =	sshll.u32 @!p1 s13, $0x7  }
0x20: {  	p2 =	sgt.s32 @!p1 s13, $0x1FF;
	s13 =	ssub.s32 @!p1 $0x10000, s14  }
0x21: {  	s15 =	sadd.s32 $0x4000, s10;
	p2 =	por !p2, p1;
	s13 =	sshrl.u32 @!p1 s13, $0x2  }
0x22: {  	s13 =	simm.s32 @!p2 $0x0;
	p2 =	sgt.s32 s15, $0xC34F  }
0x23: {  	s15 =	smov.u32 @p2 s3;
	p2 =	sne.s32 s12, s7  }
.Ltmp1:
0x24: {  	_ = 	snop;
	(pc) =	sbr.rel @!p2 .LBB2_8-.Ltmp1, $4  }
0x25: {  	s14 =	simm.s32 @!p1 $0x2  }
0x26: {  	_ =	swait.ge @!p1 [sflag:s14], s13;
	s16 =	ssub.s32 @!p1 $0x0, s13  }
0x27: {  	s13 =	smov.u32 s11;
	s12 =	sadd.s32 $0x1, s12;
	[sflag:s14] =	ssyncset.done @!p1 $0x0  }
0x28: {  	s11 =	smov.u32 s10;
	s10 =	smov.u32 s15;
	[sflag:s14] =	ssyncadd.s32 @!p1 s16  }
.LBB2_1:
0x29: {  	p1 =	sgt.u32 s12, s6  }
0x2a: {  	s15 =	smov.u32 s10;
	p2 =	sgt.s32 @!p1 s10, $0xC150  }
0x2b: {  	s14 =	sand.u32 @!p1 $0x1FFFFFF, s10;
	s16 =	sshra.s32 @!p1 s10, $0x1F;
	p2 =	por !p2, p1  }
0x2c: {  	s17 =	smulhi.u32 @!p1 $0x14F8B59, s14;
	s16 =	sand.u32 @!p1 s16, s10;
	s15 =	simm.s32 @p2 $0xC150  }
0x2d: {  	s15 =	ssub.s32 @!p1 s15, s16  }
0x2e: {  	s16 =	sshrl.u32 @!p1 s17, $0x8;
	s15 =	sadd.s32 @!p1 $0xFFFF3EB0, s15  }
0x2f: {  	s17 =	sxor.u32 @!p1 $0xFFFFFFFF, s12;
	s16 =	smul.u32 @!p1 $0xC350, s16;
	s18 =	sshll.u32 @!p1 s15, $0x7  }
0x30: {  	s17 =	sshll.u32 @!p1 s17, $0xE;
	p2 =	sgt.s32 @!p1 s15, $0x1FF;
	s15 =	ssub.s32 @!p1 $0x10000, s18  }
0x31: {  	s14 =	ssub.s32 @!p1 s14, s16;
	p2 =	por !p2, p1;
	s16 =	sand.u32 @!p1 $0x4000, s17  }
0x32: {  	s17 =	simm.s32 @!p1 $0x20;
	s15 =	sshrl.u32 @!p1 s15, $0x2;
	s14 =	sshll.u32 @!p1 s14, $0x4  }
0x33: {  	s18 =	simm.s32 @!p1 $0x80;
	s15 =	simm.s32 @!p2 $0x0;
	s14 =	sadd.s32 @!p1 s2, s14  }
0x34: {  	[tilespmem:s16], [sflag:$0x1] =	stream.strided.gather @!p1 [hbm4b:s14+s17], s15, s18, s17, $0x38;
	[tilespmem:$0x10000] =	vst v63  }
0x35: {  	p1 =	seq.s32 s12, $0x0  }
0x36: {  	p2 =	sge.u32 @!p1 s12, s7  }
0x37: {  	p1 =	por p1, p2  }
.Ltmp2:
0x38: {  	_ = 	snop;
	(pc) =	sbr.rel @p1 .LBB2_7-.Ltmp2, $1  }
0x39: {  	_ =	sdelay $0x3  }
0x3a: {  	p1 =	sgt.s32 s11, $0xC150;
	s14 =	smov.u32 s11;
	s15 =	sshra.s32 s11, $0x1F  }
0x3b: {  	s14 =	simm.s32 @!p1 $0xC150;
	s15 =	sand.u32 s15, s11  }
0x3c: {  	s14 =	ssub.s32 s14, s15  }
0x3d: {  	s14 =	sadd.s32 $0xFFFF3EB0, s14  }
0x3e: {  	s31 =	sshll.u32 s14, $0x7  }
0x3f: {  	s15 =	ssub.s32 $0x10000, s31  }
0x40: {  	p1 =	sgt.s32 s14, $0x1FF;
	s14 =	sshrl.u32 s15, $0x2;
	s15 =	sadd.s32 $0x200, s11  }
0x41: {  	s14 =	simm.s32 @p1 $0x0;
	p1 =	slt.s32 s15, $0xC350  }
0x42: {  	s15 =	simm.s32 @!p1 $0xC350  }
0x43: {  	s18 =	ssub.s32 s15, s11  }
0x44: {  	p1 =	slt.s32 s18, $0x1  }
.Ltmp3:
0x45: {  	_ = 	snop;
	(pc) =	sbr.rel @p1 .LBB2_6-.Ltmp3, $4  }
0x46: {  	_ = 	snop  }
0x47: {  	s16 =	sshll.u32 s12, $0xE;
	_ =	swait.ge [sflag:s4], s14  }
0x48: {  	s16 =	sand.u32 $0x4000, s16;
	s17 =	ssub.s32 $0x0, s14;
	[sflag:s4] =	ssyncset.done $0x0  }
0x49: {  	s15 =	sor.u32 $0x8000, s16;
	[sflag:s4] =	ssyncadd.s32 s17  }
0x4a: {  	v0 =	vmov s16;
	_ =	sdelay $0x2  }
0x4b: {  	s31 =	simm.s32 $0x0;
	p1 =	sne.s32 s18, $0x1  }
.Ltmp4:
0x4c: {  	s16 =	sand.u32 $0x3FE0, s31;
	(pc) =	sbr.rel @!p1 .LBB2_5-.Ltmp4, $3  }
0x4d: {  	v1 =	vmov s15;
	s17 =	sor.u32 $0x10, s16;
	v2 =	vld.idx.msk [tilespmem:v0+s16+$0x0 ss:$0x1], $0xffff  }
0x4e: {  	v3 =	vld.idx.msk [tilespmem:v0+s17+$0x0 ss:$0x1], $0xffff;
	_ =	sdelay $0x1  }
0x4f: {  	s18 =	sadd.s32 $0xFFFFFFFF, s18;
	s19 =	simm.s32 $0x20  }
.LBB2_4:
0x50: {  	s20 =	sand.u32 $0x3FE0, s19;
	p1 =	sne.s32 s18, $0x1;
	s18 =	sadd.s32 $0xFFFFFFFF, s18  }
.Ltmp5:
0x51: {  	s21 =	sor.u32 $0x10, s20;
	[tilespmem:v1+s16+$0x0 ss:$0x1] =	vst.idx.msk $0xffff, v2;
	v2 =	vld.idx.msk [tilespmem:v0+s20+$0x0 ss:$0x1], $0xffff;
	s16 =	smov.u32 s20;
	(pc) =	sbr.rel @p1 .LBB2_4-.Ltmp5, $2  }
0x52: {  	[tilespmem:v1+s17+$0x0 ss:$0x1] =	vst.idx.msk $0xffff, v3;
	v3 =	vld.idx.msk [tilespmem:v0+s21+$0x0 ss:$0x1], $0xffff;
	s17 =	smov.u32 s21;
	_ =	sdelay $0x2  }
0x53: {  	s19 =	sadd.s32 $0x20, s19  }
.Ltmp6:
0x54: {  	_ = 	snop;
	(pc) =	sbr.rel .LBB2_5-.Ltmp6, $1  }
0x55: {  	_ =	sdelay $0x3  }
.LBB2_8:
0x56: {  	_ =	sfence.sel $0x180000  }
0x57: {  	s2 =	simm.s32 $0x1;
	[bflag:$0x0] =	sbarrier.arrive $0xFFFF  }
0x58: {  	s31 =	simm.s32 $0x2;
	[sflag:s2] =	ssyncpa.u1 $0x1  }
0x59: {  	[sflag:s31] =	ssyncpa.u1 $0x1  }
0x5a: {  	_ =	strace $0x90000056  }
0x5b: {  	s0 =	sadd.s32 @!p0 $0x100000, s0;
	[bflag:$0x2] =	sbarrier.arrive $0xFFFF  }
0x5c: {  	[sflag:s0] =	ssyncadd.tile.s32 @!p0 $0x1;
	s0 =	simm.s32 @!p0 $0x3F  }
0x5d: {  	_ =	swait.ge @!p0 [sflag:s0], s1  }
0x5e: {  	s1 =	ssub.s32 @!p0 $0x0, s1;
	[sflag:s0] =	ssyncset.done @!p0 $0x0  }
0x5f: {  	[sflag:s0] =	ssyncadd.s32 @!p0 s1  }
0x60: {  	[bflag:$0x3] =	sbarrier.arrive $0xFFFF  }
0x61: {  	_ =	shalt  }
.Lfunc_end2:
execute1_lowered:
.L_overlay_start_2:
0x62: {  	(tag) =	ssettag $0x2  }
0x63: {  	s5 =	rddreg [dreg:$0x0]  }
0x64: {  	s2 =	rddreg [dreg:$0x1]  }
0x65: {  	s1 =	rddreg [dreg:$0x2];
	_ =	strace $0x80000059;
	s3 =	simm.s32 $0x1  }
0x66: {  	v0 =	vimm.s32 $0x0;
	[sflag:s3] =	ssyncpa.u1 $0x0  }
0x67: {  	[tilespmem:$0x48] =	vst v0  }
0x68: {  	[tilespmem:$0x58] =	vst v0  }
0x69: {  	[tilespmem:$0x68] =	vst v0  }
0x6a: {  	[tilespmem:$0x78] =	vst v0  }
0x6b: {  	[tilespmem:$0x88] =	vst v0  }
0x6c: {  	[tilespmem:$0x98] =	vst v0  }
0x6d: {  	[tilespmem:$0xA8] =	vst v0  }
0x6e: {  	[tilespmem:$0xB8] =	vst v0  }
0x6f: {  	[tilespmem:$0xC8] =	vst v0  }
0x70: {  	[tilespmem:$0xD8] =	vst v0  }
0x71: {  	[tilespmem:$0xE8] =	vst v0  }
0x72: {  	[tilespmem:$0xF8] =	vst v0  }
0x73: {  	[tilespmem:$0x108] =	vst v0  }
0x74: {  	[tilespmem:$0x118] =	vst v0  }
0x75: {  	[tilespmem:$0x128] =	vst v0  }
0x76: {  	[tilespmem:$0x138] =	vst v0  }
0x77: {  	[tilespmem:$0x148] =	vst v0  }
0x78: {  	[tilespmem:$0x158] =	vst v0  }
0x79: {  	[tilespmem:$0x168] =	vst v0  }
0x7a: {  	[tilespmem:$0x178] =	vst v0  }
0x7b: {  	[tilespmem:$0x188] =	vst v0  }
0x7c: {  	[tilespmem:$0x198] =	vst v0  }
0x7d: {  	[tilespmem:$0x1A8] =	vst v0  }
0x7e: {  	[tilespmem:$0x1B8] =	vst v0  }
0x7f: {  	[tilespmem:$0x1C8] =	vst v0  }
0x80: {  	[tilespmem:$0x1D8] =	vst v0  }
0x81: {  	[tilespmem:$0x1E8] =	vst v0  }
0x82: {  	[tilespmem:$0x1F8] =	vst v0  }
0x83: {  	[tilespmem:$0x208] =	vst v0  }
0x84: {  	[tilespmem:$0x218] =	vst v0  }
0x85: {  	[tilespmem:$0x228] =	vst v0  }
0x86: {  	[tilespmem:$0x238] =	vst v0  }
0x87: {  	[tilespmem:$0x248] =	vst v0  }
0x88: {  	[tilespmem:$0x258] =	vst v0  }
0x89: {  	[tilespmem:$0x268] =	vst v0  }
0x8a: {  	[tilespmem:$0x278] =	vst v0  }
0x8b: {  	[tilespmem:$0x288] =	vst v0  }
0x8c: {  	[tilespmem:$0x298] =	vst v0  }
0x8d: {  	[tilespmem:$0x2A8] =	vst v0  }
0x8e: {  	[tilespmem:$0x2B8] =	vst v0  }
0x8f: {  	[tilespmem:$0x2C8] =	vst v0  }
0x90: {  	[tilespmem:$0x2D8] =	vst v0  }
0x91: {  	[tilespmem:$0x2E8] =	vst v0  }
0x92: {  	[tilespmem:$0x2F8] =	vst v0  }
0x93: {  	[tilespmem:$0x308] =	vst v0  }
0x94: {  	[tilespmem:$0x318] =	vst v0  }
0x95: {  	[tilespmem:$0x328] =	vst v0  }
0x96: {  	[tilespmem:$0x338] =	vst v0  }
0x97: {  	[tilespmem:$0x348] =	vst v0  }
0x98: {  	[tilespmem:$0x358] =	vst v0  }
0x99: {  	[tilespmem:$0x368] =	vst v0  }
0x9a: {  	[tilespmem:$0x378] =	vst v0  }
0x9b: {  	[tilespmem:$0x388] =	vst v0  }
0x9c: {  	[tilespmem:$0x398] =	vst v0  }
0x9d: {  	[tilespmem:$0x3A8] =	vst v0  }
0x9e: {  	[tilespmem:$0x3B8] =	vst v0  }
0x9f: {  	[tilespmem:$0x3C8] =	vst v0  }
0xa0: {  	[tilespmem:$0x3D8] =	vst v0  }
0xa1: {  	[tilespmem:$0x3E8] =	vst v0  }
0xa2: {  	[tilespmem:$0x3F8] =	vst v0  }
0xa3: {  	[tilespmem:$0x408] =	vst v0  }
0xa4: {  	[tilespmem:$0x418] =	vst v0  }
0xa5: {  	[tilespmem:$0x428] =	vst v0  }
0xa6: {  	[tilespmem:$0x438] =	vst v0  }
0xa7: {  	[tilespmem:$0x448] =	vst v0  }
0xa8: {  	[tilespmem:$0x458] =	vst v0  }
0xa9: {  	[tilespmem:$0x468] =	vst v0  }
0xaa: {  	[tilespmem:$0x478] =	vst v0  }
0xab: {  	[tilespmem:$0x488] =	vst v0  }
0xac: {  	[tilespmem:$0x498] =	vst v0  }
0xad: {  	[tilespmem:$0x4A8] =	vst v0  }
0xae: {  	[tilespmem:$0x4B8] =	vst v0  }
0xaf: {  	[tilespmem:$0x4C8] =	vst v0  }
0xb0: {  	[tilespmem:$0x4D8] =	vst v0  }
0xb1: {  	[tilespmem:$0x4E8] =	vst v0  }
0xb2: {  	[tilespmem:$0x4F8] =	vst v0  }
0xb3: {  	[tilespmem:$0x508] =	vst v0  }
0xb4: {  	[tilespmem:$0x518] =	vst v0  }
0xb5: {  	[tilespmem:$0x528] =	vst v0  }
0xb6: {  	[tilespmem:$0x538] =	vst v0  }
0xb7: {  	[tilespmem:$0x548] =	vst v0  }
0xb8: {  	[tilespmem:$0x558] =	vst v0  }
0xb9: {  	[tilespmem:$0x568] =	vst v0  }
0xba: {  	[tilespmem:$0x578] =	vst v0  }
0xbb: {  	[tilespmem:$0x588] =	vst v0  }
0xbc: {  	[tilespmem:$0x598] =	vst v0  }
0xbd: {  	[tilespmem:$0x5A8] =	vst v0  }
0xbe: {  	[tilespmem:$0x5B8] =	vst v0  }
0xbf: {  	[tilespmem:$0x5C8] =	vst v0  }
0xc0: {  	[tilespmem:$0x5D8] =	vst v0  }
0xc1: {  	[tilespmem:$0x5E8] =	vst v0  }
0xc2: {  	[tilespmem:$0x5F8] =	vst v0  }
0xc3: {  	[tilespmem:$0x608] =	vst v0  }
0xc4: {  	[tilespmem:$0x618] =	vst v0  }
0xc5: {  	[tilespmem:$0x628] =	vst v0  }
0xc6: {  	[tilespmem:$0x638] =	vst v0  }
0xc7: {  	[tilespmem:$0x648] =	vst v0  }
0xc8: {  	[tilespmem:$0x658] =	vst v0  }
0xc9: {  	[tilespmem:$0x668] =	vst v0  }
0xca: {  	[tilespmem:$0x678] =	vst v0  }
0xcb: {  	[tilespmem:$0x688] =	vst v0  }
0xcc: {  	[tilespmem:$0x698] =	vst v0  }
0xcd: {  	[tilespmem:$0x6A8] =	vst v0  }
0xce: {  	[tilespmem:$0x6B8] =	vst v0  }
0xcf: {  	[tilespmem:$0x6C8] =	vst v0  }
0xd0: {  	[tilespmem:$0x6D8] =	vst v0  }
0xd1: {  	[tilespmem:$0x6E8] =	vst v0  }
0xd2: {  	[tilespmem:$0x6F8] =	vst v0  }
0xd3: {  	[tilespmem:$0x708] =	vst v0  }
0xd4: {  	[tilespmem:$0x718] =	vst v0  }
0xd5: {  	[tilespmem:$0x728] =	vst v0  }
0xd6: {  	[tilespmem:$0x738] =	vst v0  }
0xd7: {  	[tilespmem:$0x748] =	vst v0  }
0xd8: {  	[tilespmem:$0x758] =	vst v0  }
0xd9: {  	[tilespmem:$0x768] =	vst v0  }
0xda: {  	[tilespmem:$0x778] =	vst v0  }
0xdb: {  	[tilespmem:$0x788] =	vst v0  }
0xdc: {  	[tilespmem:$0x798] =	vst v0  }
0xdd: {  	[tilespmem:$0x7A8] =	vst v0  }
0xde: {  	[tilespmem:$0x7B8] =	vst v0  }
0xdf: {  	[tilespmem:$0x7C8] =	vst v0  }
0xe0: {  	[tilespmem:$0x7D8] =	vst v0  }
0xe1: {  	[tilespmem:$0x7E8] =	vst v0  }
0xe2: {  	[tilespmem:$0x7F8] =	vst v0  }
0xe3: {  	[tilespmem:$0x808] =	vst v0  }
0xe4: {  	[tilespmem:$0x818] =	vst v0  }
0xe5: {  	[tilespmem:$0x828] =	vst v0  }
0xe6: {  	[tilespmem:$0x838] =	vst v0  }
0xe7: {  	[tilespmem:$0x848] =	vst v0  }
0xe8: {  	[tilespmem:$0x858] =	vst v0  }
0xe9: {  	[tilespmem:$0x868] =	vst v0  }
0xea: {  	[tilespmem:$0x878] =	vst v0  }
0xeb: {  	[tilespmem:$0x888] =	vst v0  }
0xec: {  	[tilespmem:$0x898] =	vst v0  }
0xed: {  	[tilespmem:$0x8A8] =	vst v0  }
0xee: {  	[tilespmem:$0x8B8] =	vst v0  }
0xef: {  	[tilespmem:$0x8C8] =	vst v0  }
0xf0: {  	[tilespmem:$0x8D8] =	vst v0  }
0xf1: {  	[tilespmem:$0x8E8] =	vst v0  }
0xf2: {  	[tilespmem:$0x8F8] =	vst v0  }
0xf3: {  	[tilespmem:$0x908] =	vst v0  }
0xf4: {  	[tilespmem:$0x918] =	vst v0  }
0xf5: {  	[tilespmem:$0x928] =	vst v0  }
0xf6: {  	[tilespmem:$0x938] =	vst v0  }
0xf7: {  	[tilespmem:$0x948] =	vst v0  }
0xf8: {  	[tilespmem:$0x958] =	vst v0  }
0xf9: {  	[tilespmem:$0x968] =	vst v0  }
0xfa: {  	[tilespmem:$0x978] =	vst v0  }
0xfb: {  	[tilespmem:$0x988] =	vst v0  }
0xfc: {  	[tilespmem:$0x998] =	vst v0  }
0xfd: {  	[tilespmem:$0x9A8] =	vst v0  }
0xfe: {  	[tilespmem:$0x9B8] =	vst v0  }
0xff: {  	[tilespmem:$0x9C8] =	vst v0  }
0x100: {  	[tilespmem:$0x9D8] =	vst v0  }
0x101: {  	[tilespmem:$0x9E8] =	vst v0  }
0x102: {  	[tilespmem:$0x9F8] =	vst v0  }
0x103: {  	[tilespmem:$0xA08] =	vst v0  }
0x104: {  	[tilespmem:$0xA18] =	vst v0  }
0x105: {  	[tilespmem:$0xA28] =	vst v0  }
0x106: {  	[tilespmem:$0xA38] =	vst v0  }
0x107: {  	[tilespmem:$0xA48] =	vst v0  }
0x108: {  	[tilespmem:$0xA58] =	vst v0  }
0x109: {  	[tilespmem:$0xA68] =	vst v0  }
0x10a: {  	[tilespmem:$0xA78] =	vst v0  }
0x10b: {  	[tilespmem:$0xA88] =	vst v0  }
0x10c: {  	[tilespmem:$0xA98] =	vst v0  }
0x10d: {  	[tilespmem:$0xAA8] =	vst v0  }
0x10e: {  	[tilespmem:$0xAB8] =	vst v0  }
0x10f: {  	[tilespmem:$0xAC8] =	vst v0  }
0x110: {  	[tilespmem:$0xAD8] =	vst v0  }
0x111: {  	[tilespmem:$0xAE8] =	vst v0  }
0x112: {  	[tilespmem:$0xAF8] =	vst v0  }
0x113: {  	[tilespmem:$0xB08] =	vst v0  }
0x114: {  	[tilespmem:$0xB18] =	vst v0  }
0x115: {  	[tilespmem:$0xB28] =	vst v0  }
0x116: {  	[tilespmem:$0xB38] =	vst v0  }
0x117: {  	[tilespmem:$0xB48] =	vst v0  }
0x118: {  	[tilespmem:$0xB58] =	vst v0  }
0x119: {  	[tilespmem:$0xB68] =	vst v0  }
0x11a: {  	[tilespmem:$0xB78] =	vst v0  }
0x11b: {  	[tilespmem:$0xB88] =	vst v0  }
0x11c: {  	[tilespmem:$0xB98] =	vst v0  }
0x11d: {  	[tilespmem:$0xBA8] =	vst v0  }
0x11e: {  	[tilespmem:$0xBB8] =	vst v0  }
0x11f: {  	[tilespmem:$0xBC8] =	vst v0  }
0x120: {  	[tilespmem:$0xBD8] =	vst v0  }
0x121: {  	[tilespmem:$0xBE8] =	vst v0  }
0x122: {  	[tilespmem:$0xBF8] =	vst v0  }
0x123: {  	[tilespmem:$0xC08] =	vst v0  }
0x124: {  	[tilespmem:$0xC18] =	vst v0  }
0x125: {  	[tilespmem:$0xC28] =	vst v0  }
0x126: {  	[tilespmem:$0xC38] =	vst v0  }
0x127: {  	[tilespmem:$0xC48] =	vst v0  }
0x128: {  	[tilespmem:$0xC58] =	vst v0  }
0x129: {  	[tilespmem:$0xC68] =	vst v0  }
0x12a: {  	[tilespmem:$0xC78] =	vst v0  }
0x12b: {  	[tilespmem:$0xC88] =	vst v0  }
0x12c: {  	[tilespmem:$0xC98] =	vst v0  }
0x12d: {  	[tilespmem:$0xCA8] =	vst v0  }
0x12e: {  	[tilespmem:$0xCB8] =	vst v0  }
0x12f: {  	[tilespmem:$0xCC8] =	vst v0  }
0x130: {  	[tilespmem:$0xCD8] =	vst v0  }
0x131: {  	[tilespmem:$0xCE8] =	vst v0  }
0x132: {  	[tilespmem:$0xCF8] =	vst v0  }
0x133: {  	[tilespmem:$0xD08] =	vst v0  }
0x134: {  	[tilespmem:$0xD18] =	vst v0  }
0x135: {  	[tilespmem:$0xD28] =	vst v0  }
0x136: {  	[tilespmem:$0xD38] =	vst v0  }
0x137: {  	[tilespmem:$0xD48] =	vst v0  }
0x138: {  	[tilespmem:$0xD58] =	vst v0  }
0x139: {  	[tilespmem:$0xD68] =	vst v0  }
0x13a: {  	[tilespmem:$0xD78] =	vst v0  }
0x13b: {  	[tilespmem:$0xD88] =	vst v0  }
0x13c: {  	[tilespmem:$0xD98] =	vst v0  }
0x13d: {  	[tilespmem:$0xDA8] =	vst v0  }
0x13e: {  	[tilespmem:$0xDB8] =	vst v0  }
0x13f: {  	[tilespmem:$0xDC8] =	vst v0  }
0x140: {  	[tilespmem:$0xDD8] =	vst v0  }
0x141: {  	[tilespmem:$0xDE8] =	vst v0  }
0x142: {  	[tilespmem:$0xDF8] =	vst v0  }
0x143: {  	[tilespmem:$0xE08] =	vst v0  }
0x144: {  	[tilespmem:$0xE18] =	vst v0  }
0x145: {  	[tilespmem:$0xE28] =	vst v0  }
0x146: {  	[tilespmem:$0xE38] =	vst v0  }
0x147: {  	[tilespmem:$0xE48] =	vst v0  }
0x148: {  	[tilespmem:$0xE58] =	vst v0  }
0x149: {  	[tilespmem:$0xE68] =	vst v0  }
0x14a: {  	[tilespmem:$0xE78] =	vst v0  }
0x14b: {  	[tilespmem:$0xE88] =	vst v0  }
0x14c: {  	[tilespmem:$0xE98] =	vst v0  }
0x14d: {  	[tilespmem:$0xEA8] =	vst v0  }
0x14e: {  	[tilespmem:$0xEB8] =	vst v0  }
0x14f: {  	[tilespmem:$0xEC8] =	vst v0  }
0x150: {  	[tilespmem:$0xED8] =	vst v0  }
0x151: {  	[tilespmem:$0xEE8] =	vst v0  }
0x152: {  	[tilespmem:$0xEF8] =	vst v0  }
0x153: {  	[tilespmem:$0xF08] =	vst v0  }
0x154: {  	[tilespmem:$0xF18] =	vst v0  }
0x155: {  	[tilespmem:$0xF28] =	vst v0  }
0x156: {  	[tilespmem:$0xF38] =	vst v0  }
0x157: {  	[tilespmem:$0xF48] =	vst v0  }
0x158: {  	[tilespmem:$0xF58] =	vst v0  }
0x159: {  	[tilespmem:$0xF68] =	vst v0  }
0x15a: {  	[tilespmem:$0xF78] =	vst v0  }
0x15b: {  	[tilespmem:$0xF88] =	vst v0  }
0x15c: {  	[tilespmem:$0xF98] =	vst v0  }
0x15d: {  	[tilespmem:$0xFA8] =	vst v0  }
0x15e: {  	[tilespmem:$0xFB8] =	vst v0  }
0x15f: {  	[tilespmem:$0xFC8] =	vst v0  }
0x160: {  	[tilespmem:$0xFD8] =	vst v0  }
0x161: {  	[tilespmem:$0xFE8] =	vst v0  }
0x162: {  	[tilespmem:$0xFF8] =	vst v0  }
0x163: {  	[tilespmem:$0x1008] =	vst v0  }
0x164: {  	[tilespmem:$0x1018] =	vst v0  }
0x165: {  	[tilespmem:$0x1028] =	vst v0  }
0x166: {  	[tilespmem:$0x1038] =	vst v0  }
0x167: {  	[tilespmem:$0x1048] =	vst v0  }
0x168: {  	[tilespmem:$0x1058] =	vst v0  }
0x169: {  	[tilespmem:$0x1068] =	vst v0  }
0x16a: {  	[tilespmem:$0x1078] =	vst v0  }
0x16b: {  	[tilespmem:$0x1088] =	vst v0  }
0x16c: {  	[tilespmem:$0x1098] =	vst v0  }
0x16d: {  	[tilespmem:$0x10A8] =	vst v0  }
0x16e: {  	[tilespmem:$0x10B8] =	vst v0  }
0x16f: {  	[tilespmem:$0x10C8] =	vst v0  }
0x170: {  	[tilespmem:$0x10D8] =	vst v0  }
0x171: {  	[tilespmem:$0x10E8] =	vst v0  }
0x172: {  	[tilespmem:$0x10F8] =	vst v0  }
0x173: {  	[tilespmem:$0x1108] =	vst v0  }
0x174: {  	[tilespmem:$0x1118] =	vst v0  }
0x175: {  	[tilespmem:$0x1128] =	vst v0  }
0x176: {  	[tilespmem:$0x1138] =	vst v0  }
0x177: {  	[tilespmem:$0x1148] =	vst v0  }
0x178: {  	[tilespmem:$0x1158] =	vst v0  }
0x179: {  	[tilespmem:$0x1168] =	vst v0  }
0x17a: {  	[tilespmem:$0x1178] =	vst v0  }
0x17b: {  	[tilespmem:$0x1188] =	vst v0  }
0x17c: {  	[tilespmem:$0x1198] =	vst v0  }
0x17d: {  	[tilespmem:$0x11A8] =	vst v0  }
0x17e: {  	[tilespmem:$0x11B8] =	vst v0  }
0x17f: {  	[tilespmem:$0x11C8] =	vst v0  }
0x180: {  	[tilespmem:$0x11D8] =	vst v0  }
0x181: {  	[tilespmem:$0x11E8] =	vst v0  }
0x182: {  	[tilespmem:$0x11F8] =	vst v0  }
0x183: {  	[tilespmem:$0x1208] =	vst v0  }
0x184: {  	[tilespmem:$0x1218] =	vst v0  }
0x185: {  	[tilespmem:$0x1228] =	vst v0  }
0x186: {  	[tilespmem:$0x1238] =	vst v0  }
0x187: {  	[tilespmem:$0x1248] =	vst v0  }
0x188: {  	[tilespmem:$0x1258] =	vst v0  }
0x189: {  	[tilespmem:$0x1268] =	vst v0  }
0x18a: {  	[tilespmem:$0x1278] =	vst v0  }
0x18b: {  	[tilespmem:$0x1288] =	vst v0  }
0x18c: {  	[tilespmem:$0x1298] =	vst v0  }
0x18d: {  	[tilespmem:$0x12A8] =	vst v0  }
0x18e: {  	[tilespmem:$0x12B8] =	vst v0  }
0x18f: {  	[tilespmem:$0x12C8] =	vst v0  }
0x190: {  	[tilespmem:$0x12D8] =	vst v0  }
0x191: {  	[tilespmem:$0x12E8] =	vst v0  }
0x192: {  	[tilespmem:$0x12F8] =	vst v0  }
0x193: {  	[tilespmem:$0x1308] =	vst v0  }
0x194: {  	[tilespmem:$0x1318] =	vst v0  }
0x195: {  	[tilespmem:$0x1328] =	vst v0  }
0x196: {  	[tilespmem:$0x1338] =	vst v0  }
0x197: {  	[tilespmem:$0x1348] =	vst v0  }
0x198: {  	[tilespmem:$0x1358] =	vst v0  }
0x199: {  	[tilespmem:$0x1368] =	vst v0  }
0x19a: {  	[tilespmem:$0x1378] =	vst v0  }
0x19b: {  	[tilespmem:$0x1388] =	vst v0  }
0x19c: {  	[tilespmem:$0x1398] =	vst v0  }
0x19d: {  	[tilespmem:$0x13A8] =	vst v0  }
0x19e: {  	[tilespmem:$0x13B8] =	vst v0  }
0x19f: {  	[tilespmem:$0x13C8] =	vst v0  }
0x1a0: {  	[tilespmem:$0x13D8] =	vst v0  }
0x1a1: {  	[tilespmem:$0x13E8] =	vst v0  }
0x1a2: {  	[tilespmem:$0x13F8] =	vst v0  }
0x1a3: {  	[tilespmem:$0x1408] =	vst v0  }
0x1a4: {  	[tilespmem:$0x1418] =	vst v0  }
0x1a5: {  	[tilespmem:$0x1428] =	vst v0  }
0x1a6: {  	[tilespmem:$0x1438] =	vst v0  }
0x1a7: {  	[tilespmem:$0x1448] =	vst v0  }
0x1a8: {  	[tilespmem:$0x1458] =	vst v0  }
0x1a9: {  	[tilespmem:$0x1468] =	vst v0  }
0x1aa: {  	[tilespmem:$0x1478] =	vst v0  }
0x1ab: {  	[tilespmem:$0x1488] =	vst v0  }
0x1ac: {  	[tilespmem:$0x1498] =	vst v0  }
0x1ad: {  	[tilespmem:$0x14A8] =	vst v0  }
0x1ae: {  	[tilespmem:$0x14B8] =	vst v0  }
0x1af: {  	[tilespmem:$0x14C8] =	vst v0  }
0x1b0: {  	[tilespmem:$0x14D8] =	vst v0  }
0x1b1: {  	[tilespmem:$0x14E8] =	vst v0  }
0x1b2: {  	[tilespmem:$0x14F8] =	vst v0  }
0x1b3: {  	[tilespmem:$0x1508] =	vst v0  }
0x1b4: {  	[tilespmem:$0x1518] =	vst v0  }
0x1b5: {  	[tilespmem:$0x1528] =	vst v0  }
0x1b6: {  	[tilespmem:$0x1538] =	vst v0  }
0x1b7: {  	[tilespmem:$0x1548] =	vst v0  }
0x1b8: {  	[tilespmem:$0x1558] =	vst v0  }
0x1b9: {  	[tilespmem:$0x1568] =	vst v0  }
0x1ba: {  	[tilespmem:$0x1578] =	vst v0  }
0x1bb: {  	[tilespmem:$0x1588] =	vst v0  }
0x1bc: {  	[tilespmem:$0x1598] =	vst v0  }
0x1bd: {  	[tilespmem:$0x15A8] =	vst v0  }
0x1be: {  	[tilespmem:$0x15B8] =	vst v0  }
0x1bf: {  	[tilespmem:$0x15C8] =	vst v0  }
0x1c0: {  	[tilespmem:$0x15D8] =	vst v0  }
0x1c1: {  	[tilespmem:$0x15E8] =	vst v0  }
0x1c2: {  	[tilespmem:$0x15F8] =	vst v0  }
0x1c3: {  	[tilespmem:$0x1608] =	vst v0  }
0x1c4: {  	[tilespmem:$0x1618] =	vst v0  }
0x1c5: {  	[tilespmem:$0x1628] =	vst v0  }
0x1c6: {  	[tilespmem:$0x1638] =	vst v0  }
0x1c7: {  	[tilespmem:$0x1648] =	vst v0  }
0x1c8: {  	[tilespmem:$0x1658] =	vst v0  }
0x1c9: {  	[tilespmem:$0x1668] =	vst v0  }
0x1ca: {  	[tilespmem:$0x1678] =	vst v0  }
0x1cb: {  	[tilespmem:$0x1688] =	vst v0  }
0x1cc: {  	[tilespmem:$0x1698] =	vst v0  }
0x1cd: {  	[tilespmem:$0x16A8] =	vst v0  }
0x1ce: {  	[tilespmem:$0x16B8] =	vst v0  }
0x1cf: {  	[tilespmem:$0x16C8] =	vst v0  }
0x1d0: {  	[tilespmem:$0x16D8] =	vst v0  }
0x1d1: {  	[tilespmem:$0x16E8] =	vst v0  }
0x1d2: {  	[tilespmem:$0x16F8] =	vst v0  }
0x1d3: {  	[tilespmem:$0x1708] =	vst v0  }
0x1d4: {  	[tilespmem:$0x1718] =	vst v0  }
0x1d5: {  	[tilespmem:$0x1728] =	vst v0  }
0x1d6: {  	[tilespmem:$0x1738] =	vst v0  }
0x1d7: {  	[tilespmem:$0x1748] =	vst v0  }
0x1d8: {  	[tilespmem:$0x1758] =	vst v0  }
0x1d9: {  	[tilespmem:$0x1768] =	vst v0  }
0x1da: {  	[tilespmem:$0x1778] =	vst v0  }
0x1db: {  	[tilespmem:$0x1788] =	vst v0  }
0x1dc: {  	[tilespmem:$0x1798] =	vst v0  }
0x1dd: {  	[tilespmem:$0x17A8] =	vst v0  }
0x1de: {  	[tilespmem:$0x17B8] =	vst v0  }
0x1df: {  	[tilespmem:$0x17C8] =	vst v0  }
0x1e0: {  	[tilespmem:$0x17D8] =	vst v0  }
0x1e1: {  	[tilespmem:$0x17E8] =	vst v0  }
0x1e2: {  	[tilespmem:$0x17F8] =	vst v0  }
0x1e3: {  	[tilespmem:$0x1808] =	vst v0  }
0x1e4: {  	[tilespmem:$0x1818] =	vst v0  }
0x1e5: {  	[tilespmem:$0x1828] =	vst v0  }
0x1e6: {  	[tilespmem:$0x1838] =	vst v0  }
0x1e7: {  	[tilespmem:$0x1848] =	vst v0  }
0x1e8: {  	[tilespmem:$0x1858] =	vst v0  }
0x1e9: {  	[tilespmem:$0x1868] =	vst v0  }
0x1ea: {  	[tilespmem:$0x1878] =	vst v0  }
0x1eb: {  	[tilespmem:$0x1888] =	vst v0  }
0x1ec: {  	[tilespmem:$0x1898] =	vst v0  }
0x1ed: {  	[tilespmem:$0x18A8] =	vst v0  }
0x1ee: {  	[tilespmem:$0x18B8] =	vst v0  }
0x1ef: {  	[tilespmem:$0x18C8] =	vst v0  }
0x1f0: {  	[tilespmem:$0x18D8] =	vst v0  }
0x1f1: {  	[tilespmem:$0x18E8] =	vst v0  }
0x1f2: {  	[tilespmem:$0x18F8] =	vst v0  }
0x1f3: {  	[tilespmem:$0x1908] =	vst v0  }
0x1f4: {  	[tilespmem:$0x1918] =	vst v0  }
0x1f5: {  	[tilespmem:$0x1928] =	vst v0  }
0x1f6: {  	[tilespmem:$0x1938] =	vst v0  }
0x1f7: {  	[tilespmem:$0x1948] =	vst v0  }
0x1f8: {  	[tilespmem:$0x1958] =	vst v0  }
0x1f9: {  	[tilespmem:$0x1968] =	vst v0  }
0x1fa: {  	[tilespmem:$0x1978] =	vst v0  }
0x1fb: {  	[tilespmem:$0x1988] =	vst v0  }
0x1fc: {  	[tilespmem:$0x1998] =	vst v0  }
0x1fd: {  	[tilespmem:$0x19A8] =	vst v0  }
0x1fe: {  	[tilespmem:$0x19B8] =	vst v0  }
0x1ff: {  	[tilespmem:$0x19C8] =	vst v0  }
0x200: {  	[tilespmem:$0x19D8] =	vst v0  }
0x201: {  	[tilespmem:$0x19E8] =	vst v0  }
0x202: {  	[tilespmem:$0x19F8] =	vst v0  }
0x203: {  	[tilespmem:$0x1A08] =	vst v0  }
0x204: {  	[tilespmem:$0x1A18] =	vst v0  }
0x205: {  	[tilespmem:$0x1A28] =	vst v0  }
0x206: {  	[tilespmem:$0x1A38] =	vst v0  }
0x207: {  	[tilespmem:$0x1A48] =	vst v0  }
0x208: {  	[tilespmem:$0x1A58] =	vst v0  }
0x209: {  	[tilespmem:$0x1A68] =	vst v0  }
0x20a: {  	[tilespmem:$0x1A78] =	vst v0  }
0x20b: {  	[tilespmem:$0x1A88] =	vst v0  }
0x20c: {  	[tilespmem:$0x1A98] =	vst v0  }
0x20d: {  	[tilespmem:$0x1AA8] =	vst v0  }
0x20e: {  	[tilespmem:$0x1AB8] =	vst v0  }
0x20f: {  	[tilespmem:$0x1AC8] =	vst v0  }
0x210: {  	[tilespmem:$0x1AD8] =	vst v0  }
0x211: {  	[tilespmem:$0x1AE8] =	vst v0  }
0x212: {  	[tilespmem:$0x1AF8] =	vst v0  }
0x213: {  	[tilespmem:$0x1B08] =	vst v0  }
0x214: {  	[tilespmem:$0x1B18] =	vst v0  }
0x215: {  	[tilespmem:$0x1B28] =	vst v0  }
0x216: {  	[tilespmem:$0x1B38] =	vst v0  }
0x217: {  	[tilespmem:$0x1B48] =	vst v0  }
0x218: {  	[tilespmem:$0x1B58] =	vst v0  }
0x219: {  	[tilespmem:$0x1B68] =	vst v0  }
0x21a: {  	[tilespmem:$0x1B78] =	vst v0  }
0x21b: {  	[tilespmem:$0x1B88] =	vst v0  }
0x21c: {  	[tilespmem:$0x1B98] =	vst v0  }
0x21d: {  	[tilespmem:$0x1BA8] =	vst v0  }
0x21e: {  	[tilespmem:$0x1BB8] =	vst v0  }
0x21f: {  	[tilespmem:$0x1BC8] =	vst v0  }
0x220: {  	[tilespmem:$0x1BD8] =	vst v0  }
0x221: {  	[tilespmem:$0x1BE8] =	vst v0  }
0x222: {  	[tilespmem:$0x1BF8] =	vst v0  }
0x223: {  	[tilespmem:$0x1C08] =	vst v0  }
0x224: {  	[tilespmem:$0x1C18] =	vst v0  }
0x225: {  	[tilespmem:$0x1C28] =	vst v0  }
0x226: {  	[tilespmem:$0x1C38] =	vst v0  }
0x227: {  	[tilespmem:$0x1C48] =	vst v0  }
0x228: {  	[tilespmem:$0x1C58] =	vst v0  }
0x229: {  	[tilespmem:$0x1C68] =	vst v0  }
0x22a: {  	[tilespmem:$0x1C78] =	vst v0  }
0x22b: {  	[tilespmem:$0x1C88] =	vst v0  }
0x22c: {  	[tilespmem:$0x1C98] =	vst v0  }
0x22d: {  	[tilespmem:$0x1CA8] =	vst v0  }
0x22e: {  	[tilespmem:$0x1CB8] =	vst v0  }
0x22f: {  	[tilespmem:$0x1CC8] =	vst v0  }
0x230: {  	[tilespmem:$0x1CD8] =	vst v0  }
0x231: {  	[tilespmem:$0x1CE8] =	vst v0  }
0x232: {  	[tilespmem:$0x1CF8] =	vst v0  }
0x233: {  	[tilespmem:$0x1D08] =	vst v0  }
0x234: {  	[tilespmem:$0x1D18] =	vst v0  }
0x235: {  	[tilespmem:$0x1D28] =	vst v0  }
0x236: {  	[tilespmem:$0x1D38] =	vst v0  }
0x237: {  	[tilespmem:$0x1D48] =	vst v0  }
0x238: {  	[tilespmem:$0x1D58] =	vst v0  }
0x239: {  	[tilespmem:$0x1D68] =	vst v0  }
0x23a: {  	[tilespmem:$0x1D78] =	vst v0  }
0x23b: {  	[tilespmem:$0x1D88] =	vst v0  }
0x23c: {  	[tilespmem:$0x1D98] =	vst v0  }
0x23d: {  	[tilespmem:$0x1DA8] =	vst v0  }
0x23e: {  	[tilespmem:$0x1DB8] =	vst v0  }
0x23f: {  	[tilespmem:$0x1DC8] =	vst v0  }
0x240: {  	[tilespmem:$0x1DD8] =	vst v0  }
0x241: {  	[tilespmem:$0x1DE8] =	vst v0  }
0x242: {  	[tilespmem:$0x1DF8] =	vst v0  }
0x243: {  	[tilespmem:$0x1E08] =	vst v0  }
0x244: {  	[tilespmem:$0x1E18] =	vst v0  }
0x245: {  	[tilespmem:$0x1E28] =	vst v0  }
0x246: {  	[tilespmem:$0x1E38] =	vst v0  }
0x247: {  	[tilespmem:$0x1E48] =	vst v0  }
0x248: {  	[tilespmem:$0x1E58] =	vst v0  }
0x249: {  	[tilespmem:$0x1E68] =	vst v0  }
0x24a: {  	[tilespmem:$0x1E78] =	vst v0  }
0x24b: {  	[tilespmem:$0x1E88] =	vst v0  }
0x24c: {  	[tilespmem:$0x1E98] =	vst v0  }
0x24d: {  	[tilespmem:$0x1EA8] =	vst v0  }
0x24e: {  	[tilespmem:$0x1EB8] =	vst v0  }
0x24f: {  	[tilespmem:$0x1EC8] =	vst v0  }
0x250: {  	[tilespmem:$0x1ED8] =	vst v0  }
0x251: {  	[tilespmem:$0x1EE8] =	vst v0  }
0x252: {  	[tilespmem:$0x1EF8] =	vst v0  }
0x253: {  	[tilespmem:$0x1F08] =	vst v0  }
0x254: {  	[tilespmem:$0x1F18] =	vst v0  }
0x255: {  	[tilespmem:$0x1F28] =	vst v0  }
0x256: {  	[tilespmem:$0x1F38] =	vst v0  }
0x257: {  	[tilespmem:$0x1F48] =	vst v0  }
0x258: {  	[tilespmem:$0x1F58] =	vst v0  }
0x259: {  	[tilespmem:$0x1F68] =	vst v0  }
0x25a: {  	[tilespmem:$0x1F78] =	vst v0  }
0x25b: {  	[tilespmem:$0x1F88] =	vst v0  }
0x25c: {  	[tilespmem:$0x1F98] =	vst v0  }
0x25d: {  	[tilespmem:$0x1FA8] =	vst v0  }
0x25e: {  	[tilespmem:$0x1FB8] =	vst v0  }
0x25f: {  	[tilespmem:$0x1FC8] =	vst v0  }
0x260: {  	[tilespmem:$0x1FD8] =	vst v0  }
0x261: {  	[tilespmem:$0x1FE8] =	vst v0  }
0x262: {  	[tilespmem:$0x1FF8] =	vst v0  }
0x263: {  	[tilespmem:$0x2008] =	vst v0  }
0x264: {  	[tilespmem:$0x2018] =	vst v0  }
0x265: {  	[tilespmem:$0x2028] =	vst v0  }
0x266: {  	[tilespmem:$0x2038] =	vst v0  }
0x267: {  	[tilespmem:$0x2048] =	vst v0  }
0x268: {  	[tilespmem:$0x2058] =	vst v0  }
0x269: {  	[tilespmem:$0x2068] =	vst v0  }
0x26a: {  	[tilespmem:$0x2078] =	vst v0  }
0x26b: {  	[tilespmem:$0x2088] =	vst v0  }
0x26c: {  	[tilespmem:$0x2098] =	vst v0  }
0x26d: {  	[tilespmem:$0x20A8] =	vst v0  }
0x26e: {  	[tilespmem:$0x20B8] =	vst v0  }
0x26f: {  	[tilespmem:$0x20C8] =	vst v0  }
0x270: {  	[tilespmem:$0x20D8] =	vst v0  }
0x271: {  	[tilespmem:$0x20E8] =	vst v0  }
0x272: {  	[tilespmem:$0x20F8] =	vst v0  }
0x273: {  	[tilespmem:$0x2108] =	vst v0  }
0x274: {  	[tilespmem:$0x2118] =	vst v0  }
0x275: {  	[tilespmem:$0x2128] =	vst v0  }
0x276: {  	[tilespmem:$0x2138] =	vst v0  }
0x277: {  	[tilespmem:$0x2148] =	vst v0  }
0x278: {  	[tilespmem:$0x2158] =	vst v0  }
0x279: {  	[tilespmem:$0x2168] =	vst v0  }
0x27a: {  	[tilespmem:$0x2178] =	vst v0  }
0x27b: {  	[tilespmem:$0x2188] =	vst v0  }
0x27c: {  	[tilespmem:$0x2198] =	vst v0  }
0x27d: {  	[tilespmem:$0x21A8] =	vst v0  }
0x27e: {  	[tilespmem:$0x21B8] =	vst v0  }
0x27f: {  	[tilespmem:$0x21C8] =	vst v0  }
0x280: {  	[tilespmem:$0x21D8] =	vst v0  }
0x281: {  	[tilespmem:$0x21E8] =	vst v0  }
0x282: {  	[tilespmem:$0x21F8] =	vst v0  }
0x283: {  	[tilespmem:$0x2208] =	vst v0  }
0x284: {  	[tilespmem:$0x2218] =	vst v0  }
0x285: {  	[tilespmem:$0x2228] =	vst v0  }
0x286: {  	[tilespmem:$0x2238] =	vst v0  }
0x287: {  	[tilespmem:$0x2248] =	vst v0  }
0x288: {  	[tilespmem:$0x2258] =	vst v0  }
0x289: {  	[tilespmem:$0x2268] =	vst v0  }
0x28a: {  	[tilespmem:$0x2278] =	vst v0  }
0x28b: {  	[tilespmem:$0x2288] =	vst v0  }
0x28c: {  	[tilespmem:$0x2298] =	vst v0  }
0x28d: {  	[tilespmem:$0x22A8] =	vst v0  }
0x28e: {  	[tilespmem:$0x22B8] =	vst v0  }
0x28f: {  	[tilespmem:$0x22C8] =	vst v0  }
0x290: {  	[tilespmem:$0x22D8] =	vst v0  }
0x291: {  	[tilespmem:$0x22E8] =	vst v0  }
0x292: {  	[tilespmem:$0x22F8] =	vst v0  }
0x293: {  	[tilespmem:$0x2308] =	vst v0  }
0x294: {  	[tilespmem:$0x2318] =	vst v0  }
0x295: {  	[tilespmem:$0x2328] =	vst v0  }
0x296: {  	[tilespmem:$0x2338] =	vst v0  }
0x297: {  	[tilespmem:$0x2348] =	vst v0  }
0x298: {  	[tilespmem:$0x2428] =	vst v0  }
0x299: {  	[tilespmem:$0x3258] =	vst v0  }
0x29a: {  	[tilespmem:$0x3248] =	vst v0  }
0x29b: {  	[tilespmem:$0x3238] =	vst v0  }
0x29c: {  	[tilespmem:$0x3228] =	vst v0  }
0x29d: {  	[tilespmem:$0x3218] =	vst v0  }
0x29e: {  	[tilespmem:$0x3208] =	vst v0  }
0x29f: {  	[tilespmem:$0x31F8] =	vst v0  }
0x2a0: {  	[tilespmem:$0x31E8] =	vst v0  }
0x2a1: {  	[tilespmem:$0x31D8] =	vst v0  }
0x2a2: {  	[tilespmem:$0x31C8] =	vst v0  }
0x2a3: {  	[tilespmem:$0x31B8] =	vst v0  }
0x2a4: {  	[tilespmem:$0x31A8] =	vst v0  }
0x2a5: {  	[tilespmem:$0x3198] =	vst v0  }
0x2a6: {  	[tilespmem:$0x3188] =	vst v0  }
0x2a7: {  	[tilespmem:$0x3178] =	vst v0  }
0x2a8: {  	[tilespmem:$0x3168] =	vst v0  }
0x2a9: {  	[tilespmem:$0x3158] =	vst v0  }
0x2aa: {  	[tilespmem:$0x3148] =	vst v0  }
0x2ab: {  	[tilespmem:$0x3138] =	vst v0  }
0x2ac: {  	[tilespmem:$0x3128] =	vst v0  }
0x2ad: {  	[tilespmem:$0x3118] =	vst v0  }
0x2ae: {  	[tilespmem:$0x3108] =	vst v0  }
0x2af: {  	[tilespmem:$0x30F8] =	vst v0  }
0x2b0: {  	[tilespmem:$0x30E8] =	vst v0  }
0x2b1: {  	[tilespmem:$0x30D8] =	vst v0  }
0x2b2: {  	[tilespmem:$0x30C8] =	vst v0  }
0x2b3: {  	[tilespmem:$0x30B8] =	vst v0  }
0x2b4: {  	[tilespmem:$0x30A8] =	vst v0  }
0x2b5: {  	[tilespmem:$0x3098] =	vst v0  }
0x2b6: {  	[tilespmem:$0x3088] =	vst v0  }
0x2b7: {  	[tilespmem:$0x3078] =	vst v0  }
0x2b8: {  	[tilespmem:$0x3068] =	vst v0  }
0x2b9: {  	[tilespmem:$0x3058] =	vst v0  }
0x2ba: {  	[tilespmem:$0x3048] =	vst v0  }
0x2bb: {  	[tilespmem:$0x3038] =	vst v0  }
0x2bc: {  	[tilespmem:$0x3028] =	vst v0  }
0x2bd: {  	[tilespmem:$0x3018] =	vst v0  }
0x2be: {  	[tilespmem:$0x3008] =	vst v0  }
0x2bf: {  	[tilespmem:$0x2FF8] =	vst v0  }
0x2c0: {  	[tilespmem:$0x2FE8] =	vst v0  }
0x2c1: {  	[tilespmem:$0x2FD8] =	vst v0  }
0x2c2: {  	[tilespmem:$0x2FC8] =	vst v0  }
0x2c3: {  	[tilespmem:$0x2FB8] =	vst v0  }
0x2c4: {  	[tilespmem:$0x2FA8] =	vst v0  }
0x2c5: {  	[tilespmem:$0x2F98] =	vst v0  }
0x2c6: {  	[tilespmem:$0x2F88] =	vst v0  }
0x2c7: {  	[tilespmem:$0x2F78] =	vst v0  }
0x2c8: {  	[tilespmem:$0x2F68] =	vst v0  }
0x2c9: {  	[tilespmem:$0x2F58] =	vst v0  }
0x2ca: {  	[tilespmem:$0x2F48] =	vst v0  }
0x2cb: {  	[tilespmem:$0x2F38] =	vst v0  }
0x2cc: {  	[tilespmem:$0x2F28] =	vst v0  }
0x2cd: {  	[tilespmem:$0x2F18] =	vst v0  }
0x2ce: {  	[tilespmem:$0x2F08] =	vst v0  }
0x2cf: {  	[tilespmem:$0x2EF8] =	vst v0  }
0x2d0: {  	[tilespmem:$0x2EE8] =	vst v0  }
0x2d1: {  	[tilespmem:$0x2ED8] =	vst v0  }
0x2d2: {  	[tilespmem:$0x2EC8] =	vst v0  }
0x2d3: {  	[tilespmem:$0x2EB8] =	vst v0  }
0x2d4: {  	[tilespmem:$0x2EA8] =	vst v0  }
0x2d5: {  	[tilespmem:$0x2E98] =	vst v0  }
0x2d6: {  	[tilespmem:$0x2E88] =	vst v0  }
0x2d7: {  	[tilespmem:$0x2E78] =	vst v0  }
0x2d8: {  	[tilespmem:$0x2E68] =	vst v0  }
0x2d9: {  	[tilespmem:$0x2E58] =	vst v0  }
0x2da: {  	[tilespmem:$0x2E48] =	vst v0  }
0x2db: {  	[tilespmem:$0x2E38] =	vst v0  }
0x2dc: {  	[tilespmem:$0x2E28] =	vst v0  }
0x2dd: {  	[tilespmem:$0x2E18] =	vst v0  }
0x2de: {  	[tilespmem:$0x2E08] =	vst v0  }
0x2df: {  	[tilespmem:$0x2DF8] =	vst v0  }
0x2e0: {  	[tilespmem:$0x2DE8] =	vst v0  }
0x2e1: {  	[tilespmem:$0x2DD8] =	vst v0  }
0x2e2: {  	[tilespmem:$0x2DC8] =	vst v0  }
0x2e3: {  	[tilespmem:$0x2DB8] =	vst v0  }
0x2e4: {  	[tilespmem:$0x2DA8] =	vst v0  }
0x2e5: {  	[tilespmem:$0x2D98] =	vst v0  }
0x2e6: {  	[tilespmem:$0x2D88] =	vst v0  }
0x2e7: {  	[tilespmem:$0x2D78] =	vst v0  }
0x2e8: {  	[tilespmem:$0x2D68] =	vst v0  }
0x2e9: {  	[tilespmem:$0x2D58] =	vst v0  }
0x2ea: {  	[tilespmem:$0x2D48] =	vst v0  }
0x2eb: {  	[tilespmem:$0x2D38] =	vst v0  }
0x2ec: {  	[tilespmem:$0x2D28] =	vst v0  }
0x2ed: {  	[tilespmem:$0x2D18] =	vst v0  }
0x2ee: {  	[tilespmem:$0x2D08] =	vst v0  }
0x2ef: {  	[tilespmem:$0x2CF8] =	vst v0  }
0x2f0: {  	[tilespmem:$0x2CE8] =	vst v0  }
0x2f1: {  	[tilespmem:$0x2CD8] =	vst v0  }
0x2f2: {  	[tilespmem:$0x2CC8] =	vst v0  }
0x2f3: {  	[tilespmem:$0x2CB8] =	vst v0  }
0x2f4: {  	[tilespmem:$0x2CA8] =	vst v0  }
0x2f5: {  	[tilespmem:$0x2C98] =	vst v0  }
0x2f6: {  	[tilespmem:$0x2C88] =	vst v0  }
0x2f7: {  	[tilespmem:$0x2C78] =	vst v0  }
0x2f8: {  	[tilespmem:$0x2C68] =	vst v0  }
0x2f9: {  	[tilespmem:$0x2C58] =	vst v0  }
0x2fa: {  	[tilespmem:$0x2C48] =	vst v0  }
0x2fb: {  	[tilespmem:$0x2C38] =	vst v0  }
0x2fc: {  	[tilespmem:$0x2C28] =	vst v0  }
0x2fd: {  	[tilespmem:$0x2C18] =	vst v0  }
0x2fe: {  	[tilespmem:$0x2C08] =	vst v0  }
0x2ff: {  	[tilespmem:$0x2BF8] =	vst v0  }
0x300: {  	[tilespmem:$0x2BE8] =	vst v0  }
0x301: {  	[tilespmem:$0x2BD8] =	vst v0  }
0x302: {  	[tilespmem:$0x2BC8] =	vst v0  }
0x303: {  	[tilespmem:$0x2BB8] =	vst v0  }
0x304: {  	[tilespmem:$0x2BA8] =	vst v0  }
0x305: {  	[tilespmem:$0x2B98] =	vst v0  }
0x306: {  	[tilespmem:$0x2B88] =	vst v0  }
0x307: {  	[tilespmem:$0x2B78] =	vst v0  }
0x308: {  	[tilespmem:$0x2B68] =	vst v0  }
0x309: {  	[tilespmem:$0x2B58] =	vst v0  }
0x30a: {  	[tilespmem:$0x2B48] =	vst v0  }
0x30b: {  	[tilespmem:$0x2B38] =	vst v0  }
0x30c: {  	[tilespmem:$0x2B28] =	vst v0  }
0x30d: {  	[tilespmem:$0x2B18] =	vst v0  }
0x30e: {  	[tilespmem:$0x2B08] =	vst v0  }
0x30f: {  	[tilespmem:$0x2AF8] =	vst v0  }
0x310: {  	[tilespmem:$0x2AE8] =	vst v0  }
0x311: {  	[tilespmem:$0x2AD8] =	vst v0  }
0x312: {  	[tilespmem:$0x2AC8] =	vst v0  }
0x313: {  	[tilespmem:$0x2AB8] =	vst v0  }
0x314: {  	[tilespmem:$0x2AA8] =	vst v0  }
0x315: {  	[tilespmem:$0x2A98] =	vst v0  }
0x316: {  	[tilespmem:$0x2A88] =	vst v0  }
0x317: {  	[tilespmem:$0x2A78] =	vst v0  }
0x318: {  	[tilespmem:$0x2A68] =	vst v0  }
0x319: {  	[tilespmem:$0x2A58] =	vst v0  }
0x31a: {  	[tilespmem:$0x2A48] =	vst v0  }
0x31b: {  	[tilespmem:$0x2A38] =	vst v0  }
0x31c: {  	[tilespmem:$0x2A28] =	vst v0  }
0x31d: {  	[tilespmem:$0x2A18] =	vst v0  }
0x31e: {  	[tilespmem:$0x2A08] =	vst v0  }
0x31f: {  	[tilespmem:$0x29F8] =	vst v0  }
0x320: {  	[tilespmem:$0x29E8] =	vst v0  }
0x321: {  	[tilespmem:$0x29D8] =	vst v0  }
0x322: {  	[tilespmem:$0x29C8] =	vst v0  }
0x323: {  	[tilespmem:$0x29B8] =	vst v0  }
0x324: {  	[tilespmem:$0x29A8] =	vst v0  }
0x325: {  	[tilespmem:$0x2998] =	vst v0  }
0x326: {  	[tilespmem:$0x2988] =	vst v0  }
0x327: {  	[tilespmem:$0x2978] =	vst v0  }
0x328: {  	[tilespmem:$0x2968] =	vst v0  }
0x329: {  	[tilespmem:$0x2958] =	vst v0  }
0x32a: {  	[tilespmem:$0x2948] =	vst v0  }
0x32b: {  	[tilespmem:$0x2938] =	vst v0  }
0x32c: {  	[tilespmem:$0x2928] =	vst v0  }
0x32d: {  	[tilespmem:$0x2918] =	vst v0  }
0x32e: {  	[tilespmem:$0x2908] =	vst v0  }
0x32f: {  	[tilespmem:$0x28F8] =	vst v0  }
0x330: {  	[tilespmem:$0x28E8] =	vst v0  }
0x331: {  	[tilespmem:$0x28D8] =	vst v0  }
0x332: {  	[tilespmem:$0x28C8] =	vst v0  }
0x333: {  	[tilespmem:$0x28B8] =	vst v0  }
0x334: {  	[tilespmem:$0x28A8] =	vst v0  }
0x335: {  	[tilespmem:$0x2898] =	vst v0  }
0x336: {  	[tilespmem:$0x2888] =	vst v0  }
0x337: {  	[tilespmem:$0x2878] =	vst v0  }
0x338: {  	[tilespmem:$0x2868] =	vst v0  }
0x339: {  	[tilespmem:$0x2858] =	vst v0  }
0x33a: {  	[tilespmem:$0x2848] =	vst v0  }
0x33b: {  	[tilespmem:$0x2838] =	vst v0  }
0x33c: {  	[tilespmem:$0x2828] =	vst v0  }
0x33d: {  	[tilespmem:$0x2818] =	vst v0  }
0x33e: {  	[tilespmem:$0x2808] =	vst v0  }
0x33f: {  	[tilespmem:$0x27F8] =	vst v0  }
0x340: {  	[tilespmem:$0x27E8] =	vst v0  }
0x341: {  	[tilespmem:$0x27D8] =	vst v0  }
0x342: {  	[tilespmem:$0x27C8] =	vst v0  }
0x343: {  	[tilespmem:$0x27B8] =	vst v0  }
0x344: {  	[tilespmem:$0x27A8] =	vst v0  }
0x345: {  	[tilespmem:$0x2798] =	vst v0  }
0x346: {  	[tilespmem:$0x2788] =	vst v0  }
0x347: {  	[tilespmem:$0x2778] =	vst v0  }
0x348: {  	[tilespmem:$0x2768] =	vst v0  }
0x349: {  	[tilespmem:$0x2758] =	vst v0  }
0x34a: {  	[tilespmem:$0x2748] =	vst v0  }
0x34b: {  	[tilespmem:$0x2738] =	vst v0  }
0x34c: {  	[tilespmem:$0x2728] =	vst v0  }
0x34d: {  	[tilespmem:$0x2718] =	vst v0  }
0x34e: {  	[tilespmem:$0x2708] =	vst v0  }
0x34f: {  	[tilespmem:$0x26F8] =	vst v0  }
0x350: {  	[tilespmem:$0x26E8] =	vst v0  }
0x351: {  	[tilespmem:$0x26D8] =	vst v0  }
0x352: {  	[tilespmem:$0x26C8] =	vst v0  }
0x353: {  	[tilespmem:$0x26B8] =	vst v0  }
0x354: {  	[tilespmem:$0x26A8] =	vst v0  }
0x355: {  	[tilespmem:$0x2698] =	vst v0  }
0x356: {  	[tilespmem:$0x2688] =	vst v0  }
0x357: {  	[tilespmem:$0x2678] =	vst v0  }
0x358: {  	[tilespmem:$0x2668] =	vst v0  }
0x359: {  	[tilespmem:$0x2658] =	vst v0  }
0x35a: {  	[tilespmem:$0x2648] =	vst v0  }
0x35b: {  	[tilespmem:$0x2638] =	vst v0  }
0x35c: {  	[tilespmem:$0x2628] =	vst v0  }
0x35d: {  	[tilespmem:$0x2618] =	vst v0  }
0x35e: {  	[tilespmem:$0x2608] =	vst v0  }
0x35f: {  	[tilespmem:$0x25F8] =	vst v0  }
0x360: {  	[tilespmem:$0x25E8] =	vst v0  }
0x361: {  	[tilespmem:$0x25D8] =	vst v0  }
0x362: {  	[tilespmem:$0x25C8] =	vst v0  }
0x363: {  	[tilespmem:$0x25B8] =	vst v0  }
0x364: {  	[tilespmem:$0x25A8] =	vst v0  }
0x365: {  	[tilespmem:$0x2598] =	vst v0  }
0x366: {  	[tilespmem:$0x2588] =	vst v0  }
0x367: {  	[tilespmem:$0x2578] =	vst v0  }
0x368: {  	[tilespmem:$0x2568] =	vst v0  }
0x369: {  	[tilespmem:$0x2558] =	vst v0  }
0x36a: {  	[tilespmem:$0x2548] =	vst v0  }
0x36b: {  	[tilespmem:$0x2538] =	vst v0  }
0x36c: {  	[tilespmem:$0x2528] =	vst v0  }
0x36d: {  	[tilespmem:$0x2518] =	vst v0  }
0x36e: {  	[tilespmem:$0x2508] =	vst v0  }
0x36f: {  	[tilespmem:$0x24F8] =	vst v0  }
0x370: {  	[tilespmem:$0x24E8] =	vst v0  }
0x371: {  	[tilespmem:$0x24D8] =	vst v0  }
0x372: {  	[tilespmem:$0x24C8] =	vst v0  }
0x373: {  	[tilespmem:$0x24B8] =	vst v0  }
0x374: {  	[tilespmem:$0x24A8] =	vst v0  }
0x375: {  	[tilespmem:$0x2498] =	vst v0  }
0x376: {  	s4 =	srdreg.scid;
	[tilespmem:$0x2488] =	vst v0  }
0x377: {  	s4 =	sshll.u32 s4, $0x4;
	[tilespmem:$0x2478] =	vst v0  }
0x378: {  	s6 =	stileid.u32;
	s4 =	sand.u32 $0x10, s4;
	[tilespmem:$0x2468] =	vst v0  }
0x379: {  	[tilespmem:$0x2458] =	vst v0;
	s7 =	sor.u32 s6, s4  }
0x37a: {  	[tilespmem:$0x2448] =	vst v0;
	s8 =	smul.u32 $0x3E, s7  }
0x37b: {  	s7 =	smin.u32 s7, $0x10;
	[tilespmem:$0x2438] =	vst v0;
	s4 =	sshrl.u32 s4, $0x4  }
0x37c: {  	[tilespmem:$0x2418] =	vst v0;
	s7 =	sadd.s32 s7, s8;
	s4 =	sxor.u32 $0x3F, s4  }
0x37d: {  	[tilespmem:$0x23E8] =	vst v0;
	s4 =	sadd.s32 s4, s7  }
0x37e: {  	[tilespmem:$0x2408] =	vst v0;
	s4 =	smul.u32 $0x190, s4  }
0x37f: {  	[tilespmem:$0x23F8] =	vst v0;
	s7 =	smul.u32 $0x190, s7  }
0x380: {  	s8 =	smin.u32 s4, $0xC3500;
	[tilespmem:$0x23D8] =	vst v0  }
0x381: {  	[tilespmem:$0x2388] =	vst v0;
	s12 =	ssub.s32 s8, s7  }
0x382: {  	[tilespmem:$0x23C8] =	vst v0;
	p0 =	sgt.s32 s12, $0x0  }
0x383: {  	[tilespmem:$0x23B8] =	vst v0;
	s12 =	simm.s32 @!p0 $0x0  }
0x384: {  	[tilespmem:$0x23A8] =	vst v0;
	s31 =	smulhi.u32 $0x51EB851F, s12  }
0x385: {  	[tilespmem:$0x2398] =	vst v0  }
0x386: {  	s9 =	simm.s32 $0x2;
	[tilespmem:$0x2368] =	vst v0;
	s13 =	sshrl.u32 s31, $0x7  }
0x387: {  	s11 =	simm.s32 $0x9;
	s17 =	simm.s32 $0x0;
	[tilespmem:$0x2378] =	vst v0;
	s14 =	smul.u32 $0x190, s13  }
.Ltmp7:
0x388: {  	s16 =	simm.s32 $0x0;
	[tilespmem:$0x2358] =	vst v0;
	[sflag:s9] =	ssyncpa.u1 $0x0;
	v0 =	vimm.s32 $0xFFFFFFFF;
	(pc) =	sbr.rel .LBB3_1-.Ltmp7, $4  }
0x389: {  	s10 =	sadd.s32 $0x1000, s5;
	[tilespmem:$0x6488] =	vst v0;
	[sflag:s11] =	ssyncpa.u1 $0x0;
	s15 =	smov.u32 s7  }
0x38a: {  	s4 =	sadd.s32 $0x1E9C00, s5;
	p0 =	sne.s32 s12, s14;
	s12 =	simm.s32 $0x1  }
0x38b: {  	s5 =	sadd.s32 $0xFB0C00, s5;
	s14 =	simm.s32 $0xA;
	s12 =	simm.s32 @!p0 $0x0  }
0x38c: {  	v0 =	vlaneseq.u32;
	p0 =	por $0x0, $0x0;
	s12 =	sadd.s32 s12, s13;
	s13 =	sshll.u32 s6, $0x6  }
.LBB3_16:
0x38d: {  	s18 =	sshrl.u32 s25, $0x2  }
.LBB3_18:
0x38e: {  	_ =	swait.ge [sflag:s14], s18  }
0x38f: {  	s0 =	ssub.s32 $0x0, s18;
	v1 =	vmov s19;
	vm0 =	veq.s32 v0, $0x0;
	[sflag:s14] =	ssyncset.done $0x0  }
0x390: {  	vm15 =	veq.s32 v0, $0x2;
	v1 =	vsel vm0, s24, v1;
	[sflag:s14] =	ssyncadd.s32 s0  }
0x391: {  	v1 =	vsel vm15, s17, v1;
	[sflag:s14] =	ssyncpa.u1 $0x1  }
0x392: {  	[tilespmem:$0x6488] =	vst v1  }
.LBB3_19:
0x393: {  	s0 =	sadd.s32 $0x190, s15  }
0x394: {  	s18 =	smov.u32 s7;
	p1 =	slt.s32 s0, s8  }
0x395: {  	s18 =	smov.u32 @p1 s0;
	p1 =	sne.s32 s16, s12  }
.Ltmp8:
0x396: {  	_ = 	snop;
	(pc) =	sbr.rel @!p1 .LBB3_20-.Ltmp8, $3  }
0x397: {  	_ =	sdelay $0x1  }
0x398: {  	s31 =	sadd.s32 $0x1, s16;
	s17 =	smov.u32 s15  }
0x399: {  	p0 =	por !p0, !p0;
	s16 =	smov.u32 s31;
	s15 =	smov.u32 s18  }
.LBB3_1:
0x39a: {  	p1 =	sge.u32 s16, s12  }
0x39b: {  	p2 =	sgt.s32 @!p1 s15, $0xC3370  }
0x39c: {  	s18 =	smov.u32 s15;
	s19 =	sshra.s32 @!p1 s15, $0x1F;
	p2 =	por !p2, p1  }
0x39d: {  	s19 =	sand.u32 @!p1 s19, s15;
	s18 =	simm.s32 @p2 $0xC3370  }
0x39e: {  	s18 =	ssub.s32 @!p1 s18, s19  }
0x39f: {  	s19 =	sxor.u32 @!p1 $0xFFFFFFFF, s16;
	s18 =	sadd.s32 @!p1 $0xFFF3CC90, s18  }
0x3a0: {  	s19 =	sand.u32 @!p1 $0x1, s19;
	s20 =	sshll.u32 @!p1 s18, $0x2  }
0x3a1: {  	p2 =	sgt.s32 @!p1 s18, $0x18F;
	s18 =	ssub.s32 @!p1 $0x640, s20;
	s20 =	smul.u32 @!p1 $0x640, s19  }
0x3a2: {  	s21 =	sshrl.u32 @!p1 s15, $0x3;
	s22 =	sand.u32 @!p1 $0x7, s15  }
0x3a3: {  	p2 =	por !p2, p1;
	s18 =	sshrl.u32 @!p1 s18, $0x2;
	s20 =	sshrl.u32 @!p1 s20, $0x2  }
0x3a4: {  	s21 =	sadd.s32 @!p1 s10, s21;
	s18 =	simm.s32 @!p2 $0x0;
	s20 =	sadd.s32 @!p1 $0x68C8, s20  }
0x3a5: {  	[tilespmem:s20], [sflag:$0x9] =	stream.linear.gather @!p1 [hbm4b:s21+s22], s18, $0x38;
	[tilespmem:$0x1FBE8] =	vst v63  }
0x3a6: {  	s18 =	ssub.s32 @!p1 $0xC3500, s15  }
0x3a7: {  	p2 =	sgt.s32 @!p1 s18, $0x0  }
0x3a8: {  	s19 =	smul.u32 @!p1 $0x32000, s19;
	p2 =	por !p2, p1  }
0x3a9: {  	s18 =	simm.s32 @p2 $0x0  }
0x3aa: {  	s19 =	sshrl.u32 @!p1 s19, $0x2;
	s20 =	sshll.u32 @!p1 s15, $0x4;
	s18 =	smin.u32 @!p1 s18, $0x190  }
0x3ab: {  	s19 =	sadd.s32 @!p1 $0x6BE8, s19;
	s20 =	sadd.s32 @!p1 s5, s20;
	s18 =	sshll.u32 @!p1 s18, $0x7  }
0x3ac: {  	[tilespmem:s19], [sflag:$0x9] =	stream.linear.gather @!p1 [hbm:s20], s18, $0x38;
	[tilespmem:$0x1FBE8] =	vst v63  }
0x3ad: {  	p1 =	seq.s32 s16, $0x0  }
.Ltmp9:
0x3ae: {  	_ = 	snop;
	(pc) =	sbr.rel @p1 .LBB3_19-.Ltmp9, $1  }
0x3af: {  	_ =	sdelay $0x3  }
0x3b0: {  	p1 =	sgt.s32 s17, $0xC3370  }
0x3b1: {  	s18 =	smov.u32 s17;
	s19 =	sshra.s32 s17, $0x1F;
	s23 =	ssub.s32 $0xC3500, s17  }
0x3b2: {  	s18 =	simm.s32 @!p1 $0xC3370;
	s19 =	sand.u32 s19, s17;
	p1 =	sgt.s32 s23, $0x0  }
0x3b3: {  	s18 =	ssub.s32 s18, s19;
	s23 =	simm.s32 @!p1 $0x0  }
0x3b4: {  	s18 =	sadd.s32 $0xFFF3CC90, s18;
	s29 =	smin.u32 s23, $0x190  }
0x3b5: {  	s20 =	sshll.u32 s18, $0x2;
	s19 =	sshll.u32 s29, $0x7  }
0x3b6: {  	p1 =	sgt.s32 s18, $0x18F;
	s30 =	ssub.s32 $0x640, s20;
	_ =	swait.ge [sflag:s11], s19  }
0x3b7: {  	s19 =	ssub.s32 $0x0, s19;
	[sflag:s11] =	ssyncset.done $0x0;
	s18 =	sshrl.u32 s30, $0x2  }
0x3b8: {  	[sflag:s11] =	ssyncadd.s32 s19;
	s18 =	simm.s32 @p1 $0x0  }
0x3b9: {  	_ =	swait.ge [sflag:s11], s18  }
0x3ba: {  	s18 =	ssub.s32 $0x0, s18;
	[sflag:s11] =	ssyncset.done $0x0  }
0x3bb: {  	[sflag:s11] =	ssyncadd.s32 s18  }
0x3bc: {  	v1 =	vld [tilespmem:$0x6488];
	_ =	sdelay $0x4  }
0x3bd: {  	(v2sf) =	vpush v1, $0x0  }
0x3be: {  	(v2sf) =	vpush v1, $0x1  }
0x3bf: {  	(v2sf) =	vpush v1, $0x2;
	_ =	sdelay $0x3  }
0x3c0: {  	s18 =	sadd.s32 $0x190, s17  }
0x3c1: {  	p1 =	slt.s32 s8, s18  }
0x3c2: {  	s18 =	smov.u32 @p1 s8  }
0x3c3: {  	s21 =	ssub.s32 s18, s17  }
0x3c4: {  	p1 =	slt.s32 s23, s21  }
0x3c5: {  	s21 =	smov.u32 @p1 s23  }
0x3c6: {  	s20 =	simm.s32 $0x1;
	p1 =	slt.s32 s21, $0x1  }
.Ltmp10:
0x3c7: {  	s20 =	simm.s32 @!p0 $0x0;
	(pc) =	sbr.rel @p1 .LBB3_6-.Ltmp10, $4  }
0x3c8: {  	s31 =	smul.u32 $0x640, s20  }
0x3c9: {  	s22 =	spop (v2sf)  }
0x3ca: {  	s17 =	sshrl.u32 s31, $0x2;
	s24 =	spop (v2sf)  }
0x3cb: {  	s18 =	sadd.s32 $0x68C8, s17;
	s17 =	spop (v2sf)  }
0x3cc: {  	s19 =	smin.u32 s21, $0x10  }
0x3cd: {  	v1 =	vmov s19  }
0x3ce: {  	p2 =	sgt.s32 s21, $0x10;
	vm1 =	vgt.u32 v1, v0  }
.Ltmp11:
0x3cf: {  	_ = 	snop;
	(pc) =	sbr.rel @!p2 .LBB3_5-.Ltmp11, $2  }
0x3d0: {  	_ =	sdelay $0x2  }
0x3d1: {  	s23 =	simm.s32 $0x10;
	s25 =	sadd.s32 $0xFFFFFFF0, s21;
	s19 =	smov.u32 s18;
	vm0 =	vmmov vm1  }
.LBB3_4:
0x3d2: {  	s26 =	smin.u32 s25, $0x10;
	s23 =	sadd.s32 $0x10, s23;
	v1 =	vld.msk [tilespmem:s19+$0x0 ss:$0x1], vm1  }
0x3d3: {  	v2 =	vmov s26;
	p2 =	slt.s32 s23, s21  }
0x3d4: {  	vm1 =	vgt.u32 v2, v0  }
.Ltmp12:
0x3d5: {  	(pc) =	sbr.rel @p2 .LBB3_4-.Ltmp12, $3  }
0x3d6: {  	_ =	sdelay $0x1  }
0x3d7: {  	v1 =	vshll.u32 v1, $0x4  }
0x3d8: {  	s25 =	sadd.s32 $0xFFFFFFF0, s25;
	[tilespmem:s19+$0x0] =	vst.msk vm0, v1;
	s19 =	sadd.s32 $0x10, s19;
	vm0 =	vmmov vm1  }
.LBB3_5:
0x3d9: {  	_ =	sdelay $0x4  }
0x3da: {  	v1 =	vld.msk [tilespmem:s19+$0x0 ss:$0x1], vm1;
	_ =	sdelay $0x4  }
0x3db: {  	v1 =	vshll.u32 v1, $0x4  }
0x3dc: {  	[tilespmem:s19+$0x0] =	vst.msk vm0, v1  }
.LBB3_6:
0x3dd: {  	s19 =	sand.u32 $0x1, s16  }
0x3de: {  	s19 =	smul.u32 $0x190, s19  }
0x3df: {  	p2 =	sne.s32 s24, $0xFFFFFFFF  }
0x3e0: {  	v1 =	vld.msk @!p2 [tilespmem:s19+$0x68C8], $0x1;
	_ =	sdelay $0x4  }
0x3e1: {  	(v2sf) =	vpush @!p2 v1, $0x0;
	_ =	sdelay $0xc  }
.Ltmp13:
0x3e2: {  	_ = 	snop;
	(pc) =	sbr.rel @p1 .LBB3_17-.Ltmp13, $4  }
0x3e3: {  	_ = 	snop  }
0x3e4: {  	s23 =	spop @!p2 (v2sf)  }
0x3e5: {  	s17 =	simm.s32 @!p2 $0x0;
	s19 =	smov.u32 s23  }
0x3e6: {  	[sflag:s14] =	ssyncpa.u1 $0x0;
	s23 =	smov.u32 @p2 s22;
	s19 =	smov.u32 @p2 s24  }
0x3e7: {  	v1 =	vld.msk [tilespmem:s18+$0x0], $0x1;
	_ =	sdelay $0x4  }
0x3e8: {  	(v2sf) =	vpush v1, $0x0;
	_ =	sdelay $0xe  }
0x3e9: {  	s26 =	spop (v2sf)  }
0x3ea: {  	p1 =	seq.s32 s23, s26  }
0x3eb: {  	s21 =	ssub.s32 $0x0, s21;
	p2 =	sgt.s32 @!p1 s23, $0x0  }
0x3ec: {  	s25 =	smov.u32 s23;
	s24 =	sadd.s32 $0x1, s21;
	p2 =	por !p2, p1  }
0x3ed: {  	s20 =	smul.u32 $0x32000, s20;
	s25 =	simm.s32 @p2 $0x0;
	p2 =	seq.s32 s24, $0x0  }
.Ltmp14:
0x3ee: {  	_ = 	snop;
	(pc) =	sbr.rel @p2 .LBB3_9-.Ltmp14, $4  }
0x3ef: {  	s22 =	simm.s32 $0x0;
	s20 =	sshrl.u32 s20, $0x2  }
0x3f0: {  	s20 =	sadd.s32 $0x6BF8, s20;
	s28 =	simm.s32 @!p1 $0x1;
	s25 =	smin.u32 @!p1 s25, $0xC34FC  }
0x3f1: {  	s29 =	simm.s32 @!p1 $0x3268;
	s28 =	smov.u32 @p1 s22;
	s31 =	sand.u32 @!p1 $0xFFFF8, s25  }
0x3f2: {  	s30 =	sand.u32 @!p1 $0x7, s25;
	s25 =	sadd.s32 $0x1, s18;
	s31 =	sadd.s32 @!p1 s4, s31  }
.LBB3_8:
0x3f3: {  	s0 =	smov.u32 s28  }
0x3f4: {  	[tilespmem:s29], [sflag:$0x2] =	stream.linear.gather @!p1 [hbm4b:s31+s30], $0x20, $0x38;
	[tilespmem:$0x1FBE8] =	vst v63  }
0x3f5: {  	s24 =	sadd.s32 $0x1, s24;
	s30 =	smov.u32 s26;
	v1 =	vld.msk [tilespmem:s25+$0x0], $0x1  }
0x3f6: {  	p2 =	seq.s32 s24, $0x0;
	_ =	sdelay $0x3  }
0x3f7: {  	(v2sf) =	vpush v1, $0x0;
	_ =	sdelay $0xe  }
0x3f8: {  	s26 =	spop (v2sf)  }
0x3f9: {  	p1 =	seq.s32 s30, s26  }
0x3fa: {  	p3 =	sgt.s32 @!p1 s30, $0x0;
	s29 =	sshll.u32 @!p1 s28, $0x7;
	s28 =	sadd.s32 @!p1 $0x1, s28  }
.Ltmp15:
0x3fb: {  	p3 =	por !p3, p1;
	s29 =	sshra.s32 @!p1 s29, $0x2;
	(pc) =	sbr.rel @!p2 .LBB3_8-.Ltmp15, $4  }
0x3fc: {  	s28 =	smov.u32 @p1 s0;
	s30 =	simm.s32 @p3 $0x0;
	s29 =	sadd.s32 @!p1 $0x3268, s29  }
0x3fd: {  	s0 =	smin.u32 @!p1 s30, $0xC34FC  }
0x3fe: {  	s31 =	sand.u32 @!p1 $0xFFFF8, s0;
	s30 =	sand.u32 @!p1 $0x7, s0  }
0x3ff: {  	s25 =	sadd.s32 $0x1, s25;
	s31 =	sadd.s32 @!p1 s4, s31  }
.LBB3_9:
0x400: {  	[tilespmem:s29], [sflag:$0x2] =	stream.linear.gather @!p1 [hbm4b:s31+s30], $0x20, $0x38;
	[tilespmem:$0x1FBE8] =	vst v63  }
.Ltmp16:
0x401: {  	s0 =	sshll.u32 s28, $0x5;
	(pc) =	sbr.rel .LBB3_10-.Ltmp16, $4  }
0x402: {  	s0 =	sand.u32 $0x3FFFFFE0, s0  }
0x403: {  	_ =	swait.ge [sflag:s9], s0  }
0x404: {  	s0 =	ssub.s32 $0x0, s0;
	[sflag:s9] =	ssyncset.done $0x0  }
0x405: {  	s25 =	simm.s32 $0x0;
	[sflag:s9] =	ssyncadd.s32 s0  }
.LBB3_11:
0x406: {  	v1 =	vld [tilespmem:s20+$0xFFFFFFF0];
	_ =	sdelay $0x3  }
0x407: {  	s0 =	sshra.s32 s26, $0x2  }
0x408: {  	[tilespmem:s0+$0x48] =	vst.add.f32.msk $0xffff, v1  }
0x409: {  	v1 =	vld [tilespmem:s20+$0x0];
	_ =	sdelay $0x4  }
0x40a: {  	[tilespmem:s0+$0x58] =	vst.add.f32.msk $0xffff, v1  }
.LBB3_15:
0x40b: {  	s21 =	sadd.s32 $0x1, s21  }
0x40c: {  	p1 =	seq.s32 s21, $0x0  }
.Ltmp17:
0x40d: {  	_ = 	snop;
	(pc) =	sbr.rel @p1 .LBB3_16-.Ltmp17, $2  }
0x40e: {  	_ =	sdelay $0x2  }
0x40f: {  	s20 =	sadd.s32 $0x80, s20;
	s18 =	sadd.s32 $0x1, s18;
	s23 =	smov.u32 s24  }
.LBB3_10:
0x410: {  	v1 =	vld.msk [tilespmem:s18+$0x0], $0x1;
	_ =	sdelay $0x4  }
0x411: {  	(v2sf) =	vpush v1, $0x0;
	_ =	sdelay $0xe  }
0x412: {  	s24 =	spop (v2sf)  }
0x413: {  	p1 =	sne.s32 s23, s24  }
.Ltmp18:
0x414: {  	_ = 	snop;
	(pc) =	sbr.rel @!p1 .LBB3_11-.Ltmp18, $2  }
0x415: {  	_ =	sdelay $0x2  }
0x416: {  	s26 =	sshll.u32 s17, $0x7  }
0x417: {  	p1 =	seq.s32 s23, s19  }
.Ltmp19:
0x418: {  	_ = 	snop;
	(pc) =	sbr.rel @!p1 .LBB3_13-.Ltmp19, $1  }
0x419: {  	_ =	sdelay $0x3  }
0x41a: {  	s0 =	sshra.s32 s26, $0x2  }
.Ltmp20:
0x41b: {  	s0 =	sadd.s32 $0x48, s0;
	(pc) =	sbr.rel .LBB3_14-.Ltmp20, $4  }
0x41c: {  	[spmem:s13] =	stream.linear.scatter [tilespmem:s0], [sflag:$0x1], $0x20, $0x38;
	[tilespmem:$0x1FBE8] =	vst v63  }
0x41d: {  	_ =	swait.ge [sflag:s3], $0x20  }
0x41e: {  	[sflag:s3] =	ssyncset.done $0x0  }
0x41f: {  	[sflag:s3] =	ssyncadd.s32 $0xFFFFFFE0  }
.LBB3_13:
0x420: {  	s0 =	sshll.u32 s22, $0x7  }
0x421: {  	s0 =	sshra.s32 s0, $0x2  }
0x422: {  	v1 =	vld [tilespmem:s0+$0x3268];
	_ =	sdelay $0x3  }
0x423: {  	s26 =	sshra.s32 s26, $0x2  }
0x424: {  	[tilespmem:s26+$0x48] =	vst.add.f32.msk $0xffff, v1  }
0x425: {  	v1 =	vld [tilespmem:s0+$0x3278];
	_ =	sdelay $0x2  }
0x426: {  	p1 =	sgt.u32 s23, $0xC34FC  }
0x427: {  	s0 =	sand.u32 @!p1 $0xFFFF8, s23  }
0x428: {  	s28 =	sadd.s32 $0x48, s26;
	s23 =	sand.u32 @!p1 $0x7, s23;
	s0 =	sadd.s32 @!p1 s4, s0;
	[tilespmem:s26+$0x58] =	vst.add.f32.msk $0xffff, v1  }
0x429: {  	[hbm4b:s0+s23] =	stream.linear.scatter @!p1 [tilespmem:s28], [sflag:$0xA], $0x20, $0x38;
	[tilespmem:$0x1FBE8] =	vst v63  }
0x42a: {  	s23 =	simm.s32 $0x0  }
0x42b: {  	s23 =	simm.s32 @!p1 $0x80  }
0x42c: {  	s25 =	sadd.s32 s23, s25  }
.LBB3_14:
0x42d: {  	s0 =	sadd.s32 $0x1, s17  }
0x42e: {  	s17 =	smulhi.u32 $0x51EB851F, s0;
	_ =	sdelay $0x1  }
0x42f: {  	v1 =	vld [tilespmem:s20+$0xFFFFFFF0];
	s17 =	sshrl.u32 s17, $0x7  }
0x430: {  	s17 =	smul.u32 $0x190, s17;
	_ =	sdelay $0x1  }
0x431: {  	s17 =	ssub.s32 s0, s17  }
0x432: {  	s0 =	sshll.u32 s17, $0x5  }
0x433: {  	[tilespmem:s0+$0x48] =	vst v1  }
0x434: {  	v1 =	vld [tilespmem:s20+$0x0]  }
.Ltmp21:
0x435: {  	_ = 	snop;
	(pc) =	sbr.rel .LBB3_15-.Ltmp21, $2  }
0x436: {  	_ =	sdelay $0x2  }
0x437: {  	s22 =	sadd.s32 $0x1, s22;
	[tilespmem:s0+$0x58] =	vst v1  }
.LBB3_17:
.Ltmp22:
0x438: {  	(pc) =	sbr.rel .LBB3_18-.Ltmp22, $3  }
0x439: {  	_ =	sdelay $0x1  }
0x43a: {  	_ =	swait.ge [sflag:s9], $0x0  }
0x43b: {  	s18 =	simm.s32 $0x0;
	s24 =	smov.u32 s23;
	[sflag:s9] =	ssyncset.done $0x0  }
.LBB3_20:
0x43c: {  	_ =	sfence.sel $0x180000  }
0x43d: {  	s0 =	simm.s32 $0x9;
	[bflag:$0x0] =	sbarrier.arrive $0xFFFF  }
0x43e: {  	s26 =	simm.s32 $0x2;
	[sflag:s0] =	ssyncpa.u1 $0x1  }
0x43f: {  	[sflag:s26] =	ssyncpa.u1 $0x1  }
0x440: {  	v0 =	vld [tilespmem:$0x6488];
	_ =	sdelay $0x4  }
0x441: {  	(v2sf) =	vpush v0, $0x0  }
0x442: {  	(v2sf) =	vpush v0, $0x1;
	_ =	sdelay $0x1  }
0x443: {  	(v2sf) =	vpush v0, $0x2;
	_ =	sdelay $0xb  }
0x444: {  	s0 =	spop (v2sf)  }
0x445: {  	s3 =	spop (v2sf)  }
0x446: {  	s5 =	smov.u32 s0;
	p0 =	sne.s32 s0, s3  }
0x447: {  	s7 =	spop (v2sf);
	s5 =	simm.s32 @!p0 $0xFFFFFFFF  }
0x448: {  	v2 =	vimm.s32 $0x1;
	v3 =	vlaneseq.u32;
	p0 =	seq.s32 s7, $0xFFFFFFFF;
	v1 =	vmov s5  }
0x449: {  	v0 =	vperm.xlane v0, v2;
	p1 =	sne.s32 @!p0 s0, s3;
	v1 =	vperm.xlane v1, v3  }
0x44a: {  	vm0 =	vcmask $0x3F04;
	s9 =	simm.s32 $0x6488;
	s0 =	simm.s32 @!p0 $0x1;
	p1 =	por !p1, p0  }
0x44b: {  	s5 =	sshll.u32 s6, $0x1;
	s3 =	sshll.u32 @!p0 s7, $0x7;
	s0 =	simm.s32 @p1 $0x0;
	v0 =	vsel vm0, v1, v0  }
0x44c: {  	s8 =	sor.u32 $0x400, s5;
	s3 =	sshra.s32 @!p0 s3, $0x2;
	s0 =	sor.u32 @!p0 s0, s5;
	[tilespmem:$0x6488] =	vst v0  }
0x44d: {  	[spmem:s8] =	stream.linear.scatter [tilespmem:s9], [sflag:$0x1], $0x2, $0x38;
	[tilespmem:$0x1FBE8] =	vst v63  }
0x44e: {  	s3 =	sadd.s32 @!p0 $0x48, s3;
	s0 =	sshll.u32 @!p0 s0, $0x5  }
0x44f: {  	[spmem:s0] =	stream.linear.scatter @!p0 [tilespmem:s3], [sflag:$0x1], $0x20, $0x38;
	[tilespmem:$0x1FBE8] =	vst v63  }
0x450: {  	s0 =	simm.s32 @!p0 $0x22  }
0x451: {  	s28 =	simm.s32 $0x1;
	s0 =	simm.s32 @p0 $0x2  }
0x452: {  	_ =	swait.ge [sflag:s28], s0  }
0x453: {  	s0 =	ssub.s32 $0x0, s0;
	[sflag:s28] =	ssyncset.done $0x0  }
0x454: {  	p0 =	sne.s32 s6, $0x0;
	[sflag:s28] =	ssyncadd.s32 s0  }
.Ltmp23:
0x455: {  	_ =	sfence.stream.spmem;
	(pc) =	sbr.rel @p0 .LBB3_37-.Ltmp23, $4  }
0x456: {  	s29 =	simm.s32 $0x3;
	[bflag:$0x0] =	sbarrier.arrive $0xFFFF  }
0x457: {  	s30 =	simm.s32 $0x4;
	[sflag:s29] =	ssyncpa.u1 $0x1  }
0x458: {  	s31 =	simm.s32 $0x3C;
	[sflag:s30] =	ssyncpa.u1 $0x1  }
0x459: {  	s3 =	sand.u32 $0x1, s2;
	[sflag:s31] =	ssyncpa.u1 $0x1  }
0x45a: {  	_ =	sfence.stream.spmem;
	s0 =	simm.s32 $0x5  }
0x45b: {  	s5 =	simm.s32 $0x400;
	s7 =	simm.s32 $0x6498;
	[sflag:s0] =	ssyncpa.u1 $0x0  }
0x45c: {  	[tilespmem:s7], [sflag:$0x5] =	stream.linear.gather [spmem:s5], $0x20, $0x38;
	[tilespmem:$0x1FBE8] =	vst v63  }
0x45d: {  	s26 =	simm.s32 $0x0;
	s28 =	simm.s32 $0x64B8  }
0x45e: {  	[tilespmem:s28], [sflag:$0x5] =	stream.linear.gather [spmem:s26], $0x400, $0x38;
	[tilespmem:$0x1FBE8] =	vst v63  }
0x45f: {  	_ =	swait.ge [sflag:s0], $0x420  }
0x460: {  	[sflag:s0] =	ssyncset.done $0x0  }
0x461: {  	s29 =	simm.s32 $0x0;
	[sflag:s0] =	ssyncadd.s32 $0xFFFFFBE0  }
0x462: {  	v0 =	vld.msk [tilespmem:s29+$0x6498], $0x1;
	_ =	sdelay $0x1  }
0x463: {  	s30 =	simm.s32 $0x1  }
0x464: {  	v1 =	vld.msk [tilespmem:s30+$0x6498], $0x1;
	_ =	sdelay $0x1  }
0x465: {  	(v2sf) =	vpush v0, $0x0;
	_ =	sdelay $0x2  }
0x466: {  	(v2sf) =	vpush v1, $0x0;
	_ =	sdelay $0x2  }
0x467: {  	s31 =	simm.s32 $0x2  }
0x468: {  	v0 =	vld.msk [tilespmem:s31+$0x6498], $0x1;
	_ =	sdelay $0x2  }
0x469: {  	s8 =	simm.s32 $0xFFFFFFFF;
	s7 =	simm.s32 $0xFFFFFFFF;
	s5 =	simm.s32 $0xC  }
.LBB3_22:
0x46a: {  	s0 =	smov.u32 s8;
	s9 =	smov.u32 s7  }
0x46b: {  	s7 =	sshra.s32 s5, $0x2;
	p1 =	sne.s32 s5, $0x7C;
	s5 =	sadd.s32 $0x4, s5;
	(v2sf) =	vpush v0, $0x0  }
0x46c: {  	v0 =	vld.msk [tilespmem:s7+$0x6498], $0x1  }
.Ltmp24:
0x46d: {  	(pc) =	sbr.rel @p1 .LBB3_22-.Ltmp24, $4  }
0x46e: {  	s8 =	spop (v2sf)  }
0x46f: {  	p2 =	sne.s32 s9, $0xFFFFFFFF;
	s7 =	smov.u32 s8  }
0x470: {  	p3 =	seq.s32 s8, $0xFFFFFFFF;
	s7 =	smov.u32 @p2 s9  }
0x471: {  	s8 =	smov.u32 @p3 s0;
	s7 =	smov.u32 @p3 s9  }
0x472: {  	(v2sf) =	vpush v0, $0x0;
	_ =	sdelay $0x8  }
0x473: {  	s0 =	spop (v2sf)  }
0x474: {  	p1 =	sne.s32 s7, $0xFFFFFFFF;
	s5 =	smov.u32 s0  }
0x475: {  	s9 =	simm.s32 $0x6;
	p2 =	seq.s32 s0, $0xFFFFFFFF;
	s5 =	smov.u32 @p1 s7  }
0x476: {  	[sflag:s9] =	ssyncpa.u1 $0x0;
	s5 =	smov.u32 @p2 s7;
	s10 =	spop (v2sf)  }
0x477: {  	s0 =	smov.u32 @p2 s8;
	p1 =	sne.s32 s5, $0xFFFFFFFF;
	s11 =	smov.u32 s10  }
.Ltmp25:
0x478: {  	p2 =	seq.s32 s10, $0xFFFFFFFF;
	s11 =	smov.u32 @p1 s5;
	(pc) =	sbr.rel .LBB3_24-.Ltmp25, $4  }
0x479: {  	s10 =	smov.u32 @p2 s0;
	s11 =	smov.u32 @p2 s5;
	s7 =	spop (v2sf)  }
0x47a: {  	p1 =	sne.s32 s11, $0xFFFFFFFF;
	s8 =	smov.u32 s7;
	p2 =	seq.s32 s7, $0xFFFFFFFF  }
0x47b: {  	s5 =	simm.s32 $0x0;
	s8 =	smov.u32 @p1 s11;
	s7 =	smov.u32 @p2 s10  }
0x47c: {  	s10 =	simm.s32 $0x6468;
	s8 =	smov.u32 @p2 s11;
	s11 =	simm.s32 $0x0  }
.LBB3_30:
0x47d: {  	p1 =	sgt.u32 s12, $0xC34FC  }
0x47e: {  	p2 =	seq.s32 @!p1 s12, s8  }
0x47f: {  	p1 =	por p1, p2  }
0x480: {  	p2 =	sne.s32 @!p1 s12, s7  }
0x481: {  	p1 =	por p1, !p2  }
0x482: {  	s12 =	sshll.u32 @p1 s11, $0x7  }
0x483: {  	s0 =	sand.u32 @!p1 $0xFFFF8, s12  }
0x484: {  	s12 =	sand.u32 @!p1 $0x7, s12;
	s0 =	sadd.s32 @!p1 s4, s0  }
0x485: {  	[tilespmem:s10], [sflag:$0x6] =	stream.linear.gather @!p1 [hbm4b:s0+s12], $0x20, $0x38;
	[tilespmem:$0x1FBE8] =	vst v63  }
0x486: {  	_ =	swait.ge @!p1 [sflag:s9], $0x20  }
0x487: {  	[sflag:s9] =	ssyncset.done @!p1 $0x0  }
0x488: {  	[sflag:s9] =	ssyncadd.s32 @!p1 $0xFFFFFFE0  }
0x489: {  	v1 =	vld @!p1 [tilespmem:$0x6468];
	_ =	sdelay $0x2  }
0x48a: {  	s12 =	sshll.u32 @!p1 s11, $0x7  }
0x48b: {  	s0 =	sshrl.u32 @!p1 s12, $0x2  }
0x48c: {  	[tilespmem:s0+$0x64B8] =	vst.add.f32.msk @!p1 $0xffff, v1  }
0x48d: {  	v1 =	vld @!p1 [tilespmem:$0x6478];
	_ =	sdelay $0x4  }
0x48e: {  	[tilespmem:s0+$0x64C8] =	vst.add.f32.msk @!p1 $0xffff, v1  }
0x48f: {  	s30 =	sshrl.u32 s12, $0x2;
	[tilespmem:s5+$0x6498] =	vst.msk $0x1, v0  }
0x490: {  	v0 =	vld [tilespmem:s30+$0x64B8];
	_ =	sdelay $0x2  }
0x491: {  	s31 =	sshll.u32 s5, $0x7  }
0x492: {  	s12 =	sshra.s32 s31, $0x2  }
0x493: {  	[tilespmem:s12+$0x64B8] =	vst v0  }
0x494: {  	v0 =	vld [tilespmem:s30+$0x64C8];
	_ =	sdelay $0x4  }
0x495: {  	s5 =	sadd.s32 $0x1, s5;
	[tilespmem:s12+$0x64C8] =	vst v0  }
.LBB3_31:
0x496: {  	s11 =	sadd.s32 $0x1, s11  }
0x497: {  	p1 =	sne.s32 s11, $0x20  }
.Ltmp26:
0x498: {  	_ = 	snop;
	(pc) =	sbr.rel @!p1 .LBB3_32-.Ltmp26, $1  }
0x499: {  	_ =	sdelay $0x3  }
.LBB3_24:
0x49a: {  	v0 =	vld.msk [tilespmem:s11+$0x6498], $0x1;
	_ =	sdelay $0x4  }
0x49b: {  	(v2sf) =	vpush v0, $0x0;
	_ =	sdelay $0xe  }
0x49c: {  	s12 =	spop (v2sf)  }
0x49d: {  	p1 =	seq.s32 s12, $0xFFFFFFFF  }
.Ltmp27:
0x49e: {  	_ = 	snop;
	(pc) =	sbr.rel @p1 .LBB3_31-.Ltmp27, $1  }
0x49f: {  	_ =	sdelay $0x3  }
0x4a0: {  	p1 =	slt.s32 s5, $0x1  }
.Ltmp28:
0x4a1: {  	_ = 	snop;
	(pc) =	sbr.rel @p1 .LBB3_30-.Ltmp28, $1  }
0x4a2: {  	_ =	sdelay $0x3  }
0x4a3: {  	s13 =	simm.s32 $0x6498;
	p1 =	por $0x0, $0x0  }
0x4a4: {  	v1 =	vld.msk @!p1 [tilespmem:s13+$0x0], $0x1;
	_ =	sdelay $0x4  }
0x4a5: {  	(v2sf) =	vpush @!p1 v1, $0x0;
	_ =	sdelay $0xd  }
0x4a6: {  	p3 =	sne.s32 s5, $0x1  }
.Ltmp29:
0x4a7: {  	s0 =	spop @!p1 (v2sf);
	(pc) =	sbr.rel @!p3 .LBB3_28-.Ltmp29, $4  }
0x4a8: {  	p2 =	seq.s32 @!p1 s12, s0  }
0x4a9: {  	s14 =	simm.s32 $0x0;
	p2 =	por !p2, p1  }
0x4aa: {  	s0 =	simm.s32 $0xFFFFFFFF;
	s14 =	simm.s32 @p2 $0xFFFFFFFF  }
0x4ab: {  	s15 =	simm.s32 $0x1;
	s14 =	smov.u32 @p1 s0  }
.LBB3_27:
0x4ac: {  	s0 =	smov.u32 s14;
	p1 =	sne.s32 s14, $0xFFFFFFFF  }
0x4ad: {  	s13 =	sadd.s32 $0x1, s13;
	s14 =	smov.u32 s15;
	s15 =	sadd.s32 $0x1, s15  }
0x4ae: {  	p2 =	sne.s32 s5, s15;
	v1 =	vld.msk @!p1 [tilespmem:s13+$0x0], $0x1;
	_ =	sdelay $0x4  }
0x4af: {  	(v2sf) =	vpush @!p1 v1, $0x0;
	_ =	sdelay $0xe  }
.Ltmp30:
0x4b0: {  	s16 =	spop @!p1 (v2sf);
	(pc) =	sbr.rel @p2 .LBB3_27-.Ltmp30, $4  }
0x4b1: {  	p3 =	seq.s32 @!p1 s12, s16  }
0x4b2: {  	p3 =	por !p3, p1  }
0x4b3: {  	s14 =	simm.s32 @p3 $0xFFFFFFFF  }
0x4b4: {  	s14 =	smov.u32 @p1 s0  }
.LBB3_28:
0x4b5: {  	p1 =	seq.s32 s14, $0xFFFFFFFF  }
.Ltmp31:
0x4b6: {  	_ = 	snop;
	(pc) =	sbr.rel @p1 .LBB3_30-.Ltmp31, $1  }
0x4b7: {  	_ =	sdelay $0x3  }
0x4b8: {  	s0 =	sshll.u32 s11, $0x5  }
0x4b9: {  	s0 =	sand.u32 $0x3FFFFFE0, s0  }
0x4ba: {  	v0 =	vld [tilespmem:s0+$0x64B8];
	_ =	sdelay $0x2  }
0x4bb: {  	s12 =	sshll.u32 s14, $0x7  }
0x4bc: {  	s12 =	sshra.s32 s12, $0x2  }
0x4bd: {  	[tilespmem:s12+$0x64B8] =	vst.add.f32.msk $0xffff, v0  }
0x4be: {  	v0 =	vld [tilespmem:s0+$0x64C8]  }
.Ltmp32:
0x4bf: {  	_ = 	snop;
	(pc) =	sbr.rel .LBB3_31-.Ltmp32, $2  }
0x4c0: {  	_ =	sdelay $0x2  }
0x4c1: {  	[tilespmem:s12+$0x64C8] =	vst.add.f32.msk $0xffff, v0  }
.LBB3_32:
0x4c2: {  	s0 =	simm.s32 $0x6;
	p1 =	seq.s32 s5, $0x0  }
0x4c3: {  	[sflag:s0] =	ssyncpa.u1 $0x1;
	v0 =	vimm.s32 @p1 $0xFFFFFFFF  }
0x4c4: {  	s9 =	sadd.s32 $0xFFFFFFFF, s5;
	[tilespmem:$0x68B8] =	vst @p1 v0  }
0x4c5: {  	v0 =	vld.msk @!p1 [tilespmem:s9+$0x6498], $0x1;
	_ =	sdelay $0x1  }
0x4c6: {  	v1 =	vld.msk @!p1 [tilespmem:$0x6498], $0x1;
	_ =	sdelay $0x2  }
0x4c7: {  	p2 =	seq.s32 @!p1 s9, $0x0;
	v0 =	vbroadcast @!p1 v0, $0x0  }
0x4c8: {  	vm0 =	vmmov @!p1 $0x1;
	p2 =	por !p2, p1  }
0x4c9: {  	v1 =	vnsel @!p1 vm0, $0xFFFFFFFF, v1;
	vm0 =	vcmask @!p1 $0x308;
	v0 =	vpsel !p2, $0xFFFFFFFF, v0  }
0x4ca: {  	p2 =	sne.s32 @!p1 s8, s7;
	v0 =	vsel @!p1 vm0, v1, v0  }
0x4cb: {  	s0 =	simm.s32 @!p1 $0x64B8;
	s7 =	simm.s32 @!p1 $0x0;
	p3 =	por !p2, p1;
	[tilespmem:$0x68B8] =	vst @!p1 v0  }
0x4cc: {  	[spmem:s7] =	stream.linear.scatter @!p1 [tilespmem:s0], [sflag:$0x1], $0x20, $0x38;
	[tilespmem:$0x1FBE8] =	vst v63  }
0x4cd: {  	s0 =	sshll.u32 @!p3 s9, $0x7  }
0x4ce: {  	s0 =	sshra.s32 @!p3 s0, $0x2  }
0x4cf: {  	s7 =	simm.s32 @!p3 $0x20;
	s0 =	sadd.s32 @!p3 $0x64B8, s0  }
0x4d0: {  	[spmem:s7] =	stream.linear.scatter @!p3 [tilespmem:s0], [sflag:$0x1], $0x20, $0x38;
	[tilespmem:$0x1FBE8] =	vst v63  }
0x4d1: {  	s0 =	simm.s32 @!p3 $0x1  }
0x4d2: {  	_ =	swait.ge @!p3 [sflag:s0], $0x40  }
0x4d3: {  	p1 =	por p2, p1;
	[sflag:s0] =	ssyncset.done @!p3 $0x0  }
0x4d4: {  	[sflag:s0] =	ssyncadd.s32 @!p3 $0xFFFFFFC0;
	s0 =	simm.s32 @!p1 $0x1  }
0x4d5: {  	_ =	swait.ge @!p1 [sflag:s0], $0x20  }
0x4d6: {  	s29 =	simm.s32 $0x68B8;
	[sflag:s0] =	ssyncset.done @!p1 $0x0  }
0x4d7: {  	s30 =	simm.s32 $0x400;
	s31 =	simm.s32 $0x1;
	[sflag:s0] =	ssyncadd.s32 @!p1 $0xFFFFFFE0  }
0x4d8: {  	[spmem:s30] =	stream.linear.scatter [tilespmem:s29], [sflag:$0x1], $0x10, $0x38;
	[tilespmem:$0x1FBE8] =	vst v63  }
0x4d9: {  	p1 =	seq.s32 s3, $0x0;
	_ =	swait.ge [sflag:s31], $0x10  }
0x4da: {  	s7 =	sshll.u32 @p1 s2, $0xE;
	[sflag:s31] =	ssyncset.done $0x0  }
0x4db: {  	s0 =	sadd.s32 @p1 $0x15C3C, s7;
	s7 =	sshll.u32 @p1 s1, $0x11;
	[sflag:s31] =	ssyncadd.s32 $0xFFFFFFF0  }
0x4dc: {  	s0 =	sor.u32 @p1 s7, s0;
	_ =	sfence.stream.spmem  }
0x4dd: {  	[sflag:s0] =	ssyncadd.remote.s32 @p1 $0x1;
	s0 =	simm.s32 @p1 $0x4  }
0x4de: {  	s8 =	simm.s32 @!p1 $0x3C;
	s7 =	sand.u32 $0xFFFFFFFE, s2;
	_ =	swait.ge @p1 [sflag:s0], $0xA  }
0x4df: {  	s10 =	simm.s32 @!p1 $0x0;
	s7 =	sadd.s32 @!p1 $0x4, s7;
	[sflag:s0] =	ssyncset.done @p1 $0x0  }
0x4e0: {  	s11 =	simm.s32 @!p1 $0x40;
	[sflag:s0] =	ssyncadd.s32 @p1 $0xFFFFFFF6;
	s0 =	sshll.u32 @!p1 s7, $0x1A  }
0x4e1: {  	s7 =	sshll.u32 @!p1 s7, $0xD;
	s0 =	sor.u32 @!p1 s0, s1;
	_ =	swait.eq @!p1 [sflag:s8], $0x1  }
0x4e2: {  	s7 =	sor.u32 @!p1 $0x1C04, s7;
	s8 =	simm.s32 @!p1 $0x1C03;
	s0 =	sor.u32 @!p1 $0x80004000, s0  }
0x4e3: {  	[spmem:s11], [sflag:s7] =	dma.general @!p1 [spmem:s10], [sflag:s8], length:$0x8, [dreg:$0x0], stride_count:$0x0, ici_dest:s0, dma_misc:DstOpCode:WRITE  }
0x4e4: {  	p2 =	slt.s32 s9, $0x2;
	s10 =	simm.s32 @!p1 $0x80;
	s11 =	simm.s32 @!p1 $0x82  }
0x4e5: {  	[spmem:s11], [sflag:s7] =	dma.general @!p1 [spmem:s10], [sflag:s8], length:$0x2, [dreg:$0x0], stride_count:$0x0, ici_dest:s0, dma_misc:DstOpCode:WRITE  }
.Ltmp33:
0x4e6: {  	s0 =	simm.s32 @!p1 $0x3;
	(pc) =	sbr.rel @p2 .LBB3_36-.Ltmp33, $4  }
0x4e7: {  	s2 =	sshll.u32 @!p1 s2, $0xE;
	_ =	swait.ge @!p1 [sflag:s0], $0xA  }
0x4e8: {  	s2 =	sadd.s32 @!p1 $0x11C3C, s2;
	s1 =	sshll.u32 @!p1 s1, $0x11;
	[sflag:s0] =	ssyncset.done @!p1 $0x0  }
0x4e9: {  	[sflag:s0] =	ssyncadd.s32 @!p1 $0xFFFFFFF6;
	s0 =	sor.u32 @!p1 s1, s2  }
0x4ea: {  	s1 =	simm.s32 $0x0;
	[sflag:s0] =	ssyncadd.remote.s32 @!p1 $0xFFFFFFFF  }
0x4eb: {  	s0 =	simm.s32 $0x6499  }
0x4ec: {  	v0 =	vld.msk [tilespmem:s0+$0x0], $0x1;
	_ =	sdelay $0x4  }
0x4ed: {  	(v2sf) =	vpush v0, $0x0;
	_ =	sdelay $0xc  }
0x4ee: {  	s2 =	sadd.s32 $0xFFFFFFFE, s5  }
0x4ef: {  	s2 =	sadd.s32 $0xFFFFFFFF, s2  }
0x4f0: {  	p2 =	sne.s32 s2, $0x0;
	s0 =	spop (v2sf)  }
.Ltmp34:
0x4f1: {  	p1 =	sgt.u32 s0, $0xC34FC;
	(pc) =	sbr.rel @!p2 .LBB3_35-.Ltmp34, $4  }
0x4f2: {  	s1 =	simm.s32 $0x64D8;
	s5 =	sand.u32 @!p1 $0xFFFF8, s0  }
0x4f3: {  	s8 =	simm.s32 $0x0;
	s0 =	sand.u32 @!p1 $0x7, s0;
	s5 =	sadd.s32 @!p1 s4, s5  }
0x4f4: {  	[hbm4b:s5+s0] =	stream.linear.scatter @!p1 [tilespmem:s1], [sflag:$0x5], $0x20, $0x38;
	[tilespmem:$0x1FBE8] =	vst v63  }
0x4f5: {  	s7 =	simm.s32 $0x649A;
	s8 =	simm.s32 @!p1 $0x80;
	s5 =	simm.s32 $0x0  }
.LBB3_34:
0x4f6: {  	v0 =	vld.msk [tilespmem:s7+$0x0], $0x1;
	s2 =	sadd.s32 $0xFFFFFFFF, s2;
	s5 =	sadd.s32 s5, s8  }
0x4f7: {  	p1 =	sne.s32 s2, $0x0;
	_ =	sdelay $0x3  }
0x4f8: {  	(v2sf) =	vpush v0, $0x0;
	_ =	sdelay $0xe  }
.Ltmp35:
0x4f9: {  	s0 =	spop (v2sf);
	(pc) =	sbr.rel @p1 .LBB3_34-.Ltmp35, $4  }
0x4fa: {  	s8 =	simm.s32 $0x0;
	p2 =	sgt.u32 s0, $0xC34FC  }
0x4fb: {  	s1 =	sadd.s32 $0x20, s1;
	s8 =	simm.s32 @!p2 $0x80;
	s9 =	sand.u32 @!p2 $0xFFFF8, s0  }
0x4fc: {  	s7 =	sadd.s32 $0x1, s7;
	s0 =	sand.u32 @!p2 $0x7, s0;
	s9 =	sadd.s32 @!p2 s4, s9  }
0x4fd: {  	[hbm4b:s9+s0] =	stream.linear.scatter @!p2 [tilespmem:s1], [sflag:$0x5], $0x20, $0x38;
	[tilespmem:$0x1FBE8] =	vst v63  }
.LBB3_35:
0x4fe: {  	s0 =	sadd.s32 s5, s8  }
0x4ff: {  	s1 =	sshrl.u32 s0, $0x2  }
.LBB3_36:
0x500: {  	s0 =	simm.s32 $0x5  }
0x501: {  	_ =	swait.ge [sflag:s0], s1  }
0x502: {  	s31 =	ssub.s32 $0x0, s1;
	[sflag:s0] =	ssyncset.done $0x0  }
0x503: {  	[sflag:s0] =	ssyncadd.s32 s31  }
0x504: {  	[sflag:s0] =	ssyncpa.u1 $0x1  }
.LBB3_37:
0x505: {  	s0 =	sor.u32 s3, s6  }
0x506: {  	p1 =	sne.s32 s0, $0x0  }
.Ltmp36:
0x507: {  	_ = 	snop;
	(pc) =	sbr.rel @p1 .LBB3_52-.Ltmp36, $3  }
0x508: {  	_ =	sdelay $0x1  }
0x509: {  	[bflag:$0x0] =	sbarrier.arrive $0xFFFF  }
0x50a: {  	_ =	sfence  }
0x50b: {  	s0 =	simm.s32 $0x7  }
0x50c: {  	s1 =	simm.s32 $0x400;
	s2 =	simm.s32 $0x6498;
	[sflag:s0] =	ssyncpa.u1 $0x0  }
0x50d: {  	[tilespmem:s2], [sflag:$0x7] =	stream.linear.gather [spmem:s1], $0x20, $0x38;
	[tilespmem:$0x1FBE8] =	vst v63  }
0x50e: {  	s30 =	simm.s32 $0x64B8;
	s1 =	simm.s32 $0x0  }
0x50f: {  	[tilespmem:s30], [sflag:$0x7] =	stream.linear.gather [spmem:s1], $0x400, $0x38;
	[tilespmem:$0x1FBE8] =	vst v63  }
.Ltmp37:
0x510: {  	_ = 	snop;
	(pc) =	sbr.rel .LBB3_39-.Ltmp37, $4  }
0x511: {  	_ =	swait.ge [sflag:s0], $0x420  }
0x512: {  	[sflag:s0] =	ssyncset.done $0x0  }
0x513: {  	s31 =	simm.s32 $0x8;
	[sflag:s0] =	ssyncadd.s32 $0xFFFFFBE0  }
0x514: {  	s2 =	simm.s32 $0x0;
	[sflag:s31] =	ssyncpa.u1 $0x0  }
.LBB3_45:
0x515: {  	p1 =	slt.u32 s3, $0xC34FD  }
0x516: {  	s0 =	sand.u32 @p1 $0xFFFF8, s3  }
0x517: {  	s3 =	sand.u32 @p1 $0x7, s3;
	s5 =	simm.s32 @p1 $0x6468;
	s0 =	sadd.s32 @p1 s4, s0  }
0x518: {  	[tilespmem:s5], [sflag:$0x8] =	stream.linear.gather @p1 [hbm4b:s0+s3], $0x20, $0x38;
	[tilespmem:$0x1FBE8] =	vst v63  }
0x519: {  	s0 =	simm.s32 @p1 $0x8  }
0x51a: {  	_ =	swait.ge @p1 [sflag:s0], $0x20  }
0x51b: {  	[sflag:s0] =	ssyncset.done @p1 $0x0  }
0x51c: {  	[sflag:s0] =	ssyncadd.s32 @p1 $0xFFFFFFE0  }
0x51d: {  	v1 =	vld @p1 [tilespmem:$0x6468];
	_ =	sdelay $0x2  }
0x51e: {  	s0 =	sshll.u32 @p1 s2, $0x7  }
0x51f: {  	s3 =	sshrl.u32 @p1 s0, $0x2  }
0x520: {  	[tilespmem:s3+$0x64B8] =	vst.add.f32.msk @p1 $0xffff, v1  }
0x521: {  	v1 =	vld @p1 [tilespmem:$0x6478];
	_ =	sdelay $0x3  }
0x522: {  	s5 =	sshll.u32 @!p1 s2, $0x7  }
0x523: {  	s5 =	smov.u32 @p1 s0;
	[tilespmem:s3+$0x64C8] =	vst.add.f32.msk @p1 $0xffff, v1  }
0x524: {  	s0 =	sshrl.u32 s5, $0x2;
	[tilespmem:s1+$0x6498] =	vst.msk $0x1, v0  }
0x525: {  	v0 =	vld [tilespmem:s0+$0x64B8];
	_ =	sdelay $0x2  }
0x526: {  	s31 =	sshll.u32 s1, $0x7  }
0x527: {  	s3 =	sshra.s32 s31, $0x2  }
0x528: {  	[tilespmem:s3+$0x64B8] =	vst v0  }
0x529: {  	v0 =	vld [tilespmem:s0+$0x64C8];
	_ =	sdelay $0x4  }
0x52a: {  	s1 =	sadd.s32 $0x1, s1;
	[tilespmem:s3+$0x64C8] =	vst v0  }
.LBB3_46:
0x52b: {  	s2 =	sadd.s32 $0x1, s2  }
0x52c: {  	p1 =	sne.s32 s2, $0x20  }
.Ltmp38:
0x52d: {  	_ = 	snop;
	(pc) =	sbr.rel @!p1 .LBB3_47-.Ltmp38, $1  }
0x52e: {  	_ =	sdelay $0x3  }
.LBB3_39:
0x52f: {  	v0 =	vld.msk [tilespmem:s2+$0x6498], $0x1;
	_ =	sdelay $0x4  }
0x530: {  	(v2sf) =	vpush v0, $0x0;
	_ =	sdelay $0xe  }
0x531: {  	s3 =	spop (v2sf)  }
0x532: {  	p1 =	seq.s32 s3, $0xFFFFFFFF  }
.Ltmp39:
0x533: {  	_ = 	snop;
	(pc) =	sbr.rel @p1 .LBB3_46-.Ltmp39, $1  }
0x534: {  	_ =	sdelay $0x3  }
0x535: {  	p1 =	slt.s32 s1, $0x1  }
.Ltmp40:
0x536: {  	_ = 	snop;
	(pc) =	sbr.rel @p1 .LBB3_45-.Ltmp40, $1  }
0x537: {  	_ =	sdelay $0x3  }
0x538: {  	s5 =	simm.s32 $0x6498;
	p1 =	por $0x0, $0x0  }
0x539: {  	v1 =	vld.msk @!p1 [tilespmem:s5+$0x0], $0x1;
	_ =	sdelay $0x4  }
0x53a: {  	(v2sf) =	vpush @!p1 v1, $0x0;
	_ =	sdelay $0xd  }
0x53b: {  	p3 =	sne.s32 s1, $0x1  }
.Ltmp41:
0x53c: {  	s0 =	spop @!p1 (v2sf);
	(pc) =	sbr.rel @!p3 .LBB3_43-.Ltmp41, $4  }
0x53d: {  	p2 =	seq.s32 @!p1 s3, s0  }
0x53e: {  	s6 =	simm.s32 $0x0;
	p2 =	por !p2, p1  }
0x53f: {  	s0 =	simm.s32 $0xFFFFFFFF;
	s6 =	simm.s32 @p2 $0xFFFFFFFF  }
0x540: {  	s7 =	simm.s32 $0x1;
	s6 =	smov.u32 @p1 s0  }
.LBB3_42:
0x541: {  	s0 =	smov.u32 s6;
	p1 =	sne.s32 s6, $0xFFFFFFFF  }
0x542: {  	s5 =	sadd.s32 $0x1, s5;
	s6 =	smov.u32 s7;
	s7 =	sadd.s32 $0x1, s7  }
0x543: {  	p2 =	sne.s32 s1, s7;
	v1 =	vld.msk @!p1 [tilespmem:s5+$0x0], $0x1;
	_ =	sdelay $0x4  }
0x544: {  	(v2sf) =	vpush @!p1 v1, $0x0;
	_ =	sdelay $0xe  }
.Ltmp42:
0x545: {  	s8 =	spop @!p1 (v2sf);
	(pc) =	sbr.rel @p2 .LBB3_42-.Ltmp42, $4  }
0x546: {  	p3 =	seq.s32 @!p1 s3, s8  }
0x547: {  	p3 =	por !p3, p1  }
0x548: {  	s6 =	simm.s32 @p3 $0xFFFFFFFF  }
0x549: {  	s6 =	smov.u32 @p1 s0  }
.LBB3_43:
0x54a: {  	p1 =	seq.s32 s6, $0xFFFFFFFF  }
.Ltmp43:
0x54b: {  	_ = 	snop;
	(pc) =	sbr.rel @p1 .LBB3_45-.Ltmp43, $1  }
0x54c: {  	_ =	sdelay $0x3  }
0x54d: {  	s0 =	sshll.u32 s2, $0x5  }
0x54e: {  	s0 =	sand.u32 $0x3FFFFFE0, s0  }
0x54f: {  	v0 =	vld [tilespmem:s0+$0x64B8];
	_ =	sdelay $0x2  }
0x550: {  	s3 =	sshll.u32 s6, $0x7  }
0x551: {  	s3 =	sshra.s32 s3, $0x2  }
0x552: {  	[tilespmem:s3+$0x64B8] =	vst.add.f32.msk $0xffff, v0  }
0x553: {  	v0 =	vld [tilespmem:s0+$0x64C8]  }
.Ltmp44:
0x554: {  	_ = 	snop;
	(pc) =	sbr.rel .LBB3_46-.Ltmp44, $2  }
0x555: {  	_ =	sdelay $0x2  }
0x556: {  	[tilespmem:s3+$0x64C8] =	vst.add.f32.msk $0xffff, v0  }
.LBB3_47:
0x557: {  	p1 =	slt.s32 s1, $0x1  }
.Ltmp45:
0x558: {  	_ = 	snop;
	(pc) =	sbr.rel @p1 .LBB3_51-.Ltmp45, $3  }
0x559: {  	_ =	sdelay $0x1  }
0x55a: {  	s0 =	simm.s32 $0x8  }
0x55b: {  	s2 =	simm.s32 $0x0;
	[sflag:s0] =	ssyncpa.u1 $0x1  }
0x55c: {  	s0 =	simm.s32 $0x6498  }
0x55d: {  	v0 =	vld.msk [tilespmem:s0+$0x0], $0x1;
	_ =	sdelay $0x4  }
0x55e: {  	(v2sf) =	vpush v0, $0x0;
	_ =	sdelay $0xd  }
0x55f: {  	s1 =	sadd.s32 $0xFFFFFFFF, s1  }
0x560: {  	p2 =	sne.s32 s1, $0x0;
	s0 =	spop (v2sf)  }
.Ltmp46:
0x561: {  	p1 =	sgt.u32 s0, $0xC34FC;
	(pc) =	sbr.rel @!p2 .LBB3_50-.Ltmp46, $4  }
0x562: {  	s3 =	simm.s32 $0x64B8;
	s5 =	sand.u32 @!p1 $0xFFFF8, s0  }
0x563: {  	s6 =	simm.s32 $0x0;
	s0 =	sand.u32 @!p1 $0x7, s0;
	s5 =	sadd.s32 @!p1 s4, s5  }
0x564: {  	[hbm4b:s5+s0] =	stream.linear.scatter @!p1 [tilespmem:s3], [sflag:$0x7], $0x20, $0x38;
	[tilespmem:$0x1FBE8] =	vst v63  }
0x565: {  	s6 =	simm.s32 @!p1 $0x80;
	s5 =	simm.s32 $0x6499  }
.LBB3_49:
0x566: {  	v0 =	vld.msk [tilespmem:s5+$0x0], $0x1;
	s1 =	sadd.s32 $0xFFFFFFFF, s1;
	s2 =	sadd.s32 s2, s6  }
0x567: {  	p1 =	sne.s32 s1, $0x0;
	_ =	sdelay $0x3  }
0x568: {  	(v2sf) =	vpush v0, $0x0;
	_ =	sdelay $0xe  }
.Ltmp47:
0x569: {  	s0 =	spop (v2sf);
	(pc) =	sbr.rel @p1 .LBB3_49-.Ltmp47, $4  }
0x56a: {  	s6 =	simm.s32 $0x0;
	p2 =	sgt.u32 s0, $0xC34FC  }
0x56b: {  	s3 =	sadd.s32 $0x20, s3;
	s6 =	simm.s32 @!p2 $0x80;
	s7 =	sand.u32 @!p2 $0xFFFF8, s0  }
0x56c: {  	s5 =	sadd.s32 $0x1, s5;
	s0 =	sand.u32 @!p2 $0x7, s0;
	s7 =	sadd.s32 @!p2 s4, s7  }
0x56d: {  	[hbm4b:s7+s0] =	stream.linear.scatter @!p2 [tilespmem:s3], [sflag:$0x7], $0x20, $0x38;
	[tilespmem:$0x1FBE8] =	vst v63  }
.LBB3_50:
0x56e: {  	s0 =	sadd.s32 s2, s6  }
0x56f: {  	s2 =	sshrl.u32 s0, $0x2  }
.LBB3_51:
0x570: {  	s0 =	simm.s32 $0x7  }
0x571: {  	_ =	swait.ge [sflag:s0], s2  }
0x572: {  	s1 =	ssub.s32 $0x0, s2;
	[sflag:s0] =	ssyncset.done $0x0  }
0x573: {  	[sflag:s0] =	ssyncadd.s32 s1  }
0x574: {  	[sflag:s0] =	ssyncpa.u1 $0x1  }
.LBB3_52:
0x575: {  	_ =	sfence;
	s0 =	simm.s32 $0x1  }
0x576: {  	[sflag:s0] =	ssyncpa.u1 $0x1  }
0x577: {  	_ =	strace $0x90000059  }
0x578: {  	[bflag:$0x2] =	sbarrier.arrive $0xFFFF  }
0x579: {  	s0 =	rddreg [dreg:$0x3]  }
0x57a: {  	s0 =	sadd.s32 @!p0 $0x100000, s0  }
0x57b: {  	[sflag:s0] =	ssyncadd.tile.s32 @!p0 $0x1;
	_ =	shalt  }
.Lfunc_end3:
_tile_overlayer_lowered:
.L_overlay_start_3:
0x57c: {  	(tag) =	ssettag $0x3  }
0x57d: {  	s0 =	rddreg [dreg:$0x0];
	s2 =	stileid.u32  }
0x57e: {  	s1 =	rddreg [dreg:$0x1];
	p0 =	sne.s32 s2, $0x0  }
0x57f: {  	s3 =	rddreg [dreg:$0x2];
	[bflag:$0x3] =	sbarrier.arrive $0xFFFF;
	s2 =	simm.s32 @!p0 $0x1C01  }
0x580: {  	[timem:s3], [sflag:s2] =	dma.local @!p0 [hbm:s0], s1  }
0x581: {  	s0 =	simm.s32 @!p0 $0x1  }
0x582: {  	_ =	swait.ge @!p0 [sflag:s0], s1  }
0x583: {  	s1 =	ssub.s32 @!p0 $0x0, s1;
	[sflag:s0] =	ssyncset.done @!p0 $0x0  }
0x584: {  	[sflag:s0] =	ssyncadd.s32 @!p0 s1  }
0x585: {  	[bflag:$0x3] =	sbarrier.arrive $0xFFFF  }
0x586: {  	_ =	shalt  }

// kernel: scatter_offload_async_start.2
scs
__scs_entry_jumppad:
0x0: {  	(pc) =	sbr.rel $0x88, $3  }
0x1: {  	(tag) =	ssettag $0x0;
	lr =	simm.s32 $0x1  }
0x2: {  	[smem:$0x3F92] =	sst lr;
	_ =	strace $0xD0000000  }
0x3: {  	_ = 	snop  }
0x4: {  	_ = 	snop  }
0x5: {  	_ = 	snop  }
0x6: {  	_ = 	snop  }
0x7: {  	_ = 	snop  }
__scs_overlays_trampoline_lowered:
0x8: {  	[smem:$0x3FA1] =	sst s0  }
0x9: {  	[smem:$0x3FA2] =	sst s1  }
0xa: {  	[smem:$0x3FA3] =	sst s2  }
0xb: {  	[smem:$0x3FA4] =	sst s3  }
0xc: {  	[smem:$0x3FA5] =	sst s4  }
0xd: {  	[smem:$0x3FA6] =	sst s5  }
0xe: {  	[smem:$0x3FA7] =	sst s6  }
0xf: {  	[smem:$0x3FA8] =	sst s7  }
0x10: {  	[smem:$0x3FA9] =	sst s8  }
0x11: {  	[smem:$0x3FAA] =	sst s9;
	s0 =	simm.s32 @!p0 $0x0  }
0x12: {  	s1 =	sld [smem:$0x3F90];
	s0 =	simm.s32 @p0 $0x1  }
0x13: {  	[smem:$0x3FAB] =	sst s0;
	s0 =	simm.s32 @!p1 $0x0  }
0x14: {  	s2 =	sld [smem:$0x3F8F];
	s0 =	simm.s32 @p1 $0x1  }
0x15: {  	[smem:$0x3FAC] =	sst s0;
	s0 =	simm.s32 @!p2 $0x0  }
0x16: {  	s3 =	sld [smem:$0x3FDB];
	s0 =	simm.s32 @p2 $0x1  }
0x17: {  	s4 =	simm.s32 $0x1BF5;
	[smem:$0x3FAE] =	sst s0  }
0x18: {  	s0 =	sld [smem:$0x3F91];
	_ =	swait.ge [sflag:s4], $0x0  }
0x19: {  	s7 =	sld [smem:$0x3F92]  }
0x1a: {  	s8 =	sadd.s32 $0xFFFFE003, lr  }
0x1b: {  	s9 =	sadd.s32 $0xFFFFFEF7, lr;
	s5 =	simm.s32 $0xFFFFFFFF;
	p2 =	slt.u32 s8, $0xFFFFF086  }
0x1c: {  	p1 =	slt.u32 s9, $0xF7A;
	s5 =	simm.s32 @!p2 $0x0  }
0x1d: {  	s5 =	simm.s32 @p1 $0x1;
	p0 =	seq.s32 s7, s2  }
0x1e: {  	s7 =	smul.u32 @!p0 $0xF7A, s2;
	p2 =	seq.s32 @!p0 s5, $0x0  }
0x1f: {  	s9 =	smul.u32 $0xF7A, s1;
	s8 =	simm.s32 @!p0 $0x1BF5;
	p2 =	por !p2, p0  }
0x20: {  	[sflag:s8] =	ssyncset.s32 @!p0 $0xFFFFF086;
	s6 =	sadd.s32 @!p0 s3, s7;
	s7 =	simm.s32 @!p0 $0x108  }
0x21: {  	s3 =	sadd.s32 s3, s9;
	s6 =	sadd.s32 @!p0 $0x88, s6;
	s7 =	simm.s32 @p2 $0x1082  }
0x22: {  	[simem:s7], [sflag:s8] =	dma.local @!p0 [hbm:s6], $0xF7A  }
0x23: {  	s9 =	sor.u32 $0xD0000000, s2;
	s6 =	simm.s32 $0x108;
	_ =	swait.ge @!p0 [sflag:s8], $0x0  }
0x24: {  	s3 =	sadd.s32 $0x88, s3;
	s6 =	simm.s32 @!p1 $0x1082;
	[sflag:s4] =	ssyncset.s32 $0xFFFFF086  }
0x25: {  	[simem:s6], [sflag:s4] =	dma.local [hbm:s3], $0xF7A  }
0x26: {  	[smem:$0x3F92] =	sst s1;
	(tag) =	ssettag s2;
	_ =	strace s9  }
0x27: {  	s1 =	sld [smem:$0x3FA2]  }
0x28: {  	s2 =	sld [smem:$0x3FA3]  }
0x29: {  	s4 =	sld [smem:$0x3FA5]  }
0x2a: {  	p0 =	seq.s32 s5, $0x0;
	s5 =	sld [smem:$0x3FA6]  }
0x2b: {  	s6 =	sld [smem:$0x3FA7]  }
0x2c: {  	s7 =	sld [smem:$0x3FA8]  }
0x2d: {  	s3 =	simm.s32 $0x108;
	s8 =	sld [smem:$0x3FA9]  }
0x2e: {  	s3 =	simm.s32 @!p0 $0x1082;
	s9 =	sld [smem:$0x3FAA]  }
0x2f: {  	lr =	sadd.s32 s0, s3;
	s0 =	sld [smem:$0x3FA1]  }
0x30: {  	s3 =	sld [smem:$0x3FA4]  }
0x31: {  	[smem:$0x3FAD] =	sst s10  }
0x32: {  	s10 =	sld [smem:$0x3FAB];
	_ =	sdelay $0x3  }
0x33: {  	p0 =	seq.s32 s10, $0x1;
	s10 =	sld [smem:$0x3FAD];
	_ =	sdelay $0x3  }
0x34: {  	[smem:$0x3FAD] =	sst s10  }
0x35: {  	s10 =	sld [smem:$0x3FAC];
	_ =	sdelay $0x3  }
0x36: {  	p1 =	seq.s32 s10, $0x1;
	s10 =	sld [smem:$0x3FAD];
	_ =	sdelay $0x3  }
0x37: {  	[smem:$0x3FAD] =	sst s10  }
0x38: {  	s10 =	sld [smem:$0x3FAE]  }
0x39: {  	_ = 	snop;
	(pc) =	sbr.ind lr, $3  }
0x3a: {  	_ = 	snop  }
0x3b: {  	_ = 	snop  }
0x3c: {  	p2 =	seq.s32 s10, $0x1;
	s10 =	sld [smem:$0x3FAD]  }
0x3d: {  	_ =	shalt  }
0x3e: {  	_ =	shalt  }
0x3f: {  	_ =	shalt  }
0x40: {  	_ =	shalt  }
0x41: {  	_ =	shalt  }
0x42: {  	_ =	shalt  }
0x43: {  	_ =	shalt  }
0x44: {  	_ =	shalt  }
0x45: {  	_ =	shalt  }
0x46: {  	_ =	shalt  }
0x47: {  	_ =	shalt  }
0x48: {  	_ =	shalt  }
0x49: {  	_ =	shalt  }
0x4a: {  	_ =	shalt  }
0x4b: {  	_ =	shalt  }
0x4c: {  	_ =	shalt  }
0x4d: {  	_ =	shalt  }
0x4e: {  	_ =	shalt  }
0x4f: {  	_ =	shalt  }
0x50: {  	_ =	shalt  }
0x51: {  	_ =	shalt  }
0x52: {  	_ =	shalt  }
0x53: {  	_ =	shalt  }
0x54: {  	_ =	shalt  }
0x55: {  	_ =	shalt  }
0x56: {  	_ =	shalt  }
0x57: {  	_ =	shalt  }
0x58: {  	_ =	shalt  }
0x59: {  	_ =	shalt  }
0x5a: {  	_ =	shalt  }
0x5b: {  	_ =	shalt  }
0x5c: {  	_ =	shalt  }
0x5d: {  	_ =	shalt  }
0x5e: {  	_ =	shalt  }
0x5f: {  	_ =	shalt  }
0x60: {  	_ =	shalt  }
0x61: {  	_ =	shalt  }
0x62: {  	_ =	shalt  }
0x63: {  	_ =	shalt  }
0x64: {  	_ =	shalt  }
0x65: {  	_ =	shalt  }
0x66: {  	_ =	shalt  }
0x67: {  	_ =	shalt  }
0x68: {  	_ =	shalt  }
0x69: {  	_ =	shalt  }
0x6a: {  	_ =	shalt  }
0x6b: {  	_ =	shalt  }
0x6c: {  	_ =	shalt  }
0x6d: {  	_ =	shalt  }
0x6e: {  	_ =	shalt  }
0x6f: {  	_ =	shalt  }
0x70: {  	_ =	shalt  }
0x71: {  	_ =	shalt  }
0x72: {  	_ =	shalt  }
0x73: {  	_ =	shalt  }
0x74: {  	_ =	shalt  }
0x75: {  	_ =	shalt  }
0x76: {  	_ =	shalt  }
0x77: {  	_ =	shalt  }
0x78: {  	_ =	shalt  }
0x79: {  	_ =	shalt  }
0x7a: {  	_ =	shalt  }
0x7b: {  	_ =	shalt  }
0x7c: {  	_ =	shalt  }
0x7d: {  	_ =	shalt  }
0x7e: {  	_ =	shalt  }
0x7f: {  	_ =	shalt  }
0x80: {  	_ =	shalt  }
0x81: {  	_ =	shalt  }
0x82: {  	_ =	shalt  }
0x83: {  	_ =	shalt  }
0x84: {  	_ =	shalt  }
0x85: {  	_ =	shalt  }
0x86: {  	_ =	shalt  }
0x87: {  	_ =	shalt  }
.Lfunc_end0:
.L_simem_size_0:
called_computation.2_lowered:
.L_overlay_start_0:
0x88: {  	s2 =	sld [smem:$0x3FD9]  }
0x89: {  	s3 =	sld [smem:$0x3FFE];
	_ =	sdelay $0x1  }
0x8a: {  	s1 =	srdreg.scid  }
0x8b: {  	s0 =	sand.u32 $0x1, s1  }
0x8c: {  	s15 =	sshll.u32 s0, $0xA;
	s2 =	sadd.s32 s3, s2  }
0x8d: {  	s2 =	sadd.s32 s2, s15  }
0x8e: {  	[smem:$0x3FB9] =	sst s2  }
0x8f: {  	_ = 	snop  }
0x90: {  	(tm) =	ssettm $0x1  }
0x91: {  	s16 =	sld [smem:$0x3FFB];
	_ =	sdelay $0x3  }
0x92: {  	_ =	strace s16  }
0x93: {  	s2 =	sld [smem:$0x3FFC];
	_ =	sdelay $0x3  }
0x94: {  	_ =	strace s2  }
0x95: {  	s2 =	sld [smem:$0x3FFD];
	_ =	sdelay $0x3  }
0x96: {  	_ =	strace s2  }
0x97: {  	_ =	strace $0x8FFFFFFF  }
0x98: {  	s17 =	sld [smem:$0x3FDB];
	_ =	sdelay $0x1  }
0x99: {  	s18 =	simm.s32 $_scs_section_size  }
0x9a: {  	s4 =	simm.s32 $_size__tile_overlayer_lowered;
	s5 =	simm.s32 $_tile_overlayer_lowered  }
0x9b: {  	s21 =	simm.s32 $0x1BFF;
	s20 =	sshll.u32 s5, $0x1;
	s2 =	sadd.s32 s18, s17  }
0x9c: {  	s6 =	simm.s32 $0x0;
	s19 =	sshll.u32 s4, $0x1;
	s4 =	sadd.s32 s20, s2  }
0x9d: {  	[timem:s6], [sflag:s21] =	dma.local [hbm:s4], s19  }
0x9e: {  	_ =	swait.ge [sflag:s21], s19  }
0x9f: {  	s3 =	ssub.s32 $0x0, s19;
	[sflag:s21] =	ssyncset.done $0x0  }
0xa0: {  	[sflag:s21] =	ssyncadd.s32 s3;
	_ =	sdelay $0x1  }
0xa1: {  	s22 =	simm.s32 $0x1B8B  }
0xa2: {  	_ =	swait.ge [sflag:s22], $0x1  }
0xa3: {  	[sflag:s22] =	ssyncset.done $0x0  }
0xa4: {  	s23 =	sld [smem:$0x3FFE];
	[sflag:s22] =	ssyncadd.s32 $0xFFFFFFFF  }
0xa5: {  	s25 =	simm.s32 $0x1B8E;
	s24 =	sld [smem:$0x0]  }
0xa6: {  	s26 =	simm.s32 $execute0_lowered;
	[smem:$0x3FD2] =	sst s25  }
0xa7: {  	s5 =	sshll.u32 s26, $0x1;
	_ =	strace $0x8000005E;
	[dreg:$0x1] =	wrdreg $0xFFFFFFFF  }
0xa8: {  	s28 =	simm.s32 $_size_execute0_lowered;
	s2 =	sadd.s32 s2, s5;
	[dreg:$0x0] =	wrdreg $0x0  }
0xa9: {  	s5 =	sshll.u32 s28, $0x1;
	[dreg:$0x2] =	wrdreg s2  }
0xaa: {  	[dreg:$0x3] =	wrdreg s5  }
0xab: {  	[dreg:$0x4] =	wrdreg $0xC0  }
0xac: {  	_ =	task [dreg:s6], $0x5FFFF  }
0xad: {  	[dreg:$0x1] =	wrdreg $0xFFFFFFFF  }
0xae: {  	[dreg:$0x0] =	wrdreg $0x60  }
0xaf: {  	[dreg:$0x2] =	wrdreg s23  }
0xb0: {  	[dreg:$0x3] =	wrdreg s1  }
0xb1: {  	[dreg:$0x4] =	wrdreg s24  }
0xb2: {  	[dreg:$0x5] =	wrdreg $0x9  }
0xb3: {  	_ =	task.clear_ibuf [dreg:s6], $0x6FFFF;
	_ =	strace $0x9000005E  }
0xb4: {  	s29 =	simm.s32 $0x9;
	_ =	strace $0x80000060  }
0xb5: {  	_ =	swait.ge [sflag:s29], $0x1  }
0xb6: {  	[sflag:s29] =	ssyncadd.s32 $0xFFFFFFFF  }
0xb7: {  	_ =	strace $0x90000060  }
0xb8: {  	_ =	sfence  }
0xb9: {  	s30 =	sld [smem:$0x0];
	_ =	sdelay $0x2  }
0xba: {  	s31 =	sshll.u32 s1, $0xD;
	s1 =	sshrl.u32 s1, $0x2  }
0xbb: {  	s3 =	sand.u32 $0x4000, s31;
	s1 =	sadd.s32 s1, s30  }
0xbc: {  	s0 =	sor.u32 s3, s0;
	s1 =	sshll.u32 s1, $0x11  }
0xbd: {  	s0 =	sor.u32 s1, s0  }
0xbe: {  	s0 =	sadd.s32 $0x8F2B, s0  }
0xbf: {  	[sflag:s0] =	ssyncadd.remote.s32 $0x1  }
0xc0: {  	_ =	sfence.sel $0xFFFF  }
0xc1: {  	[dreg:$0x0] =	wrdreg $0xFFFFFFFF;
	(pc) =	sbr.abs _section_cstart, $3  }
0xc2: {  	[dreg:$0x1] =	wrdreg $0xFFFFFFFF  }
0xc3: {  	_ =	task.clear_ibuf [dreg:s6], $0x2FFFF;
	_ =	strace $0x9FFFFFFF  }
0xc4: {  	(tm) =	ssettm $0x7FFFFFFF  }
0xc5: {  	_ =	shalt  }
tec
execute0_lowered:
.L_overlay_start_1:
0x0: {  	(tag) =	ssettag $0x1  }
0x1: {  	s5 =	rddreg [dreg:$0x0]  }
0x2: {  	s2 =	rddreg [dreg:$0x1]  }
0x3: {  	s1 =	rddreg [dreg:$0x2];
	_ =	strace $0x8000005F;
	s3 =	simm.s32 $0x1  }
0x4: {  	v0 =	vimm.s32 $0x0;
	[sflag:s3] =	ssyncpa.u1 $0x0  }
0x5: {  	[tilespmem:$0x48] =	vst v0  }
0x6: {  	[tilespmem:$0x58] =	vst v0  }
0x7: {  	[tilespmem:$0x68] =	vst v0  }
0x8: {  	[tilespmem:$0x78] =	vst v0  }
0x9: {  	[tilespmem:$0x88] =	vst v0  }
0xa: {  	[tilespmem:$0x98] =	vst v0  }
0xb: {  	[tilespmem:$0xA8] =	vst v0  }
0xc: {  	[tilespmem:$0xB8] =	vst v0  }
0xd: {  	[tilespmem:$0xC8] =	vst v0  }
0xe: {  	[tilespmem:$0xD8] =	vst v0  }
0xf: {  	[tilespmem:$0xE8] =	vst v0  }
0x10: {  	[tilespmem:$0xF8] =	vst v0  }
0x11: {  	[tilespmem:$0x108] =	vst v0  }
0x12: {  	[tilespmem:$0x118] =	vst v0  }
0x13: {  	[tilespmem:$0x128] =	vst v0  }
0x14: {  	[tilespmem:$0x138] =	vst v0  }
0x15: {  	[tilespmem:$0x148] =	vst v0  }
0x16: {  	[tilespmem:$0x158] =	vst v0  }
0x17: {  	[tilespmem:$0x168] =	vst v0  }
0x18: {  	[tilespmem:$0x178] =	vst v0  }
0x19: {  	[tilespmem:$0x188] =	vst v0  }
0x1a: {  	[tilespmem:$0x198] =	vst v0  }
0x1b: {  	[tilespmem:$0x1A8] =	vst v0  }
0x1c: {  	[tilespmem:$0x1B8] =	vst v0  }
0x1d: {  	[tilespmem:$0x1C8] =	vst v0  }
0x1e: {  	[tilespmem:$0x1D8] =	vst v0  }
0x1f: {  	[tilespmem:$0x1E8] =	vst v0  }
0x20: {  	[tilespmem:$0x1F8] =	vst v0  }
0x21: {  	[tilespmem:$0x208] =	vst v0  }
0x22: {  	[tilespmem:$0x218] =	vst v0  }
0x23: {  	[tilespmem:$0x228] =	vst v0  }
0x24: {  	[tilespmem:$0x238] =	vst v0  }
0x25: {  	[tilespmem:$0x248] =	vst v0  }
0x26: {  	[tilespmem:$0x258] =	vst v0  }
0x27: {  	[tilespmem:$0x268] =	vst v0  }
0x28: {  	[tilespmem:$0x278] =	vst v0  }
0x29: {  	[tilespmem:$0x288] =	vst v0  }
0x2a: {  	[tilespmem:$0x298] =	vst v0  }
0x2b: {  	[tilespmem:$0x2A8] =	vst v0  }
0x2c: {  	[tilespmem:$0x2B8] =	vst v0  }
0x2d: {  	[tilespmem:$0x2C8] =	vst v0  }
0x2e: {  	[tilespmem:$0x2D8] =	vst v0  }
0x2f: {  	[tilespmem:$0x2E8] =	vst v0  }
0x30: {  	[tilespmem:$0x2F8] =	vst v0  }
0x31: {  	[tilespmem:$0x308] =	vst v0  }
0x32: {  	[tilespmem:$0x318] =	vst v0  }
0x33: {  	[tilespmem:$0x328] =	vst v0  }
0x34: {  	[tilespmem:$0x338] =	vst v0  }
0x35: {  	[tilespmem:$0x348] =	vst v0  }
0x36: {  	[tilespmem:$0x358] =	vst v0  }
0x37: {  	[tilespmem:$0x368] =	vst v0  }
0x38: {  	[tilespmem:$0x378] =	vst v0  }
0x39: {  	[tilespmem:$0x388] =	vst v0  }
0x3a: {  	[tilespmem:$0x398] =	vst v0  }
0x3b: {  	[tilespmem:$0x3A8] =	vst v0  }
0x3c: {  	[tilespmem:$0x3B8] =	vst v0  }
0x3d: {  	[tilespmem:$0x3C8] =	vst v0  }
0x3e: {  	[tilespmem:$0x3D8] =	vst v0  }
0x3f: {  	[tilespmem:$0x3E8] =	vst v0  }
0x40: {  	[tilespmem:$0x3F8] =	vst v0  }
0x41: {  	[tilespmem:$0x408] =	vst v0  }
0x42: {  	[tilespmem:$0x418] =	vst v0  }
0x43: {  	[tilespmem:$0x428] =	vst v0  }
0x44: {  	[tilespmem:$0x438] =	vst v0  }
0x45: {  	[tilespmem:$0x448] =	vst v0  }
0x46: {  	[tilespmem:$0x458] =	vst v0  }
0x47: {  	[tilespmem:$0x468] =	vst v0  }
0x48: {  	[tilespmem:$0x478] =	vst v0  }
0x49: {  	[tilespmem:$0x488] =	vst v0  }
0x4a: {  	[tilespmem:$0x498] =	vst v0  }
0x4b: {  	[tilespmem:$0x4A8] =	vst v0  }
0x4c: {  	[tilespmem:$0x4B8] =	vst v0  }
0x4d: {  	[tilespmem:$0x4C8] =	vst v0  }
0x4e: {  	[tilespmem:$0x4D8] =	vst v0  }
0x4f: {  	[tilespmem:$0x4E8] =	vst v0  }
0x50: {  	[tilespmem:$0x4F8] =	vst v0  }
0x51: {  	[tilespmem:$0x508] =	vst v0  }
0x52: {  	[tilespmem:$0x518] =	vst v0  }
0x53: {  	[tilespmem:$0x528] =	vst v0  }
0x54: {  	[tilespmem:$0x538] =	vst v0  }
0x55: {  	[tilespmem:$0x548] =	vst v0  }
0x56: {  	[tilespmem:$0x558] =	vst v0  }
0x57: {  	[tilespmem:$0x568] =	vst v0  }
0x58: {  	[tilespmem:$0x578] =	vst v0  }
0x59: {  	[tilespmem:$0x588] =	vst v0  }
0x5a: {  	[tilespmem:$0x598] =	vst v0  }
0x5b: {  	[tilespmem:$0x5A8] =	vst v0  }
0x5c: {  	[tilespmem:$0x5B8] =	vst v0  }
0x5d: {  	[tilespmem:$0x5C8] =	vst v0  }
0x5e: {  	[tilespmem:$0x5D8] =	vst v0  }
0x5f: {  	[tilespmem:$0x5E8] =	vst v0  }
0x60: {  	[tilespmem:$0x5F8] =	vst v0  }
0x61: {  	[tilespmem:$0x608] =	vst v0  }
0x62: {  	[tilespmem:$0x618] =	vst v0  }
0x63: {  	[tilespmem:$0x628] =	vst v0  }
0x64: {  	[tilespmem:$0x638] =	vst v0  }
0x65: {  	[tilespmem:$0x648] =	vst v0  }
0x66: {  	[tilespmem:$0x658] =	vst v0  }
0x67: {  	[tilespmem:$0x668] =	vst v0  }
0x68: {  	[tilespmem:$0x678] =	vst v0  }
0x69: {  	[tilespmem:$0x688] =	vst v0  }
0x6a: {  	[tilespmem:$0x698] =	vst v0  }
0x6b: {  	[tilespmem:$0x6A8] =	vst v0  }
0x6c: {  	[tilespmem:$0x6B8] =	vst v0  }
0x6d: {  	[tilespmem:$0x6C8] =	vst v0  }
0x6e: {  	[tilespmem:$0x6D8] =	vst v0  }
0x6f: {  	[tilespmem:$0x6E8] =	vst v0  }
0x70: {  	[tilespmem:$0x6F8] =	vst v0  }
0x71: {  	[tilespmem:$0x708] =	vst v0  }
0x72: {  	[tilespmem:$0x718] =	vst v0  }
0x73: {  	[tilespmem:$0x728] =	vst v0  }
0x74: {  	[tilespmem:$0x738] =	vst v0  }
0x75: {  	[tilespmem:$0x748] =	vst v0  }
0x76: {  	[tilespmem:$0x758] =	vst v0  }
0x77: {  	[tilespmem:$0x768] =	vst v0  }
0x78: {  	[tilespmem:$0x778] =	vst v0  }
0x79: {  	[tilespmem:$0x788] =	vst v0  }
0x7a: {  	[tilespmem:$0x798] =	vst v0  }
0x7b: {  	[tilespmem:$0x7A8] =	vst v0  }
0x7c: {  	[tilespmem:$0x7B8] =	vst v0  }
0x7d: {  	[tilespmem:$0x7C8] =	vst v0  }
0x7e: {  	[tilespmem:$0x7D8] =	vst v0  }
0x7f: {  	[tilespmem:$0x7E8] =	vst v0  }
0x80: {  	[tilespmem:$0x7F8] =	vst v0  }
0x81: {  	[tilespmem:$0x808] =	vst v0  }
0x82: {  	[tilespmem:$0x818] =	vst v0  }
0x83: {  	[tilespmem:$0x828] =	vst v0  }
0x84: {  	[tilespmem:$0x838] =	vst v0  }
0x85: {  	[tilespmem:$0x848] =	vst v0  }
0x86: {  	[tilespmem:$0x858] =	vst v0  }
0x87: {  	[tilespmem:$0x868] =	vst v0  }
0x88: {  	[tilespmem:$0x878] =	vst v0  }
0x89: {  	[tilespmem:$0x888] =	vst v0  }
0x8a: {  	[tilespmem:$0x898] =	vst v0  }
0x8b: {  	[tilespmem:$0x8A8] =	vst v0  }
0x8c: {  	[tilespmem:$0x8B8] =	vst v0  }
0x8d: {  	[tilespmem:$0x8C8] =	vst v0  }
0x8e: {  	[tilespmem:$0x8D8] =	vst v0  }
0x8f: {  	[tilespmem:$0x8E8] =	vst v0  }
0x90: {  	[tilespmem:$0x8F8] =	vst v0  }
0x91: {  	[tilespmem:$0x908] =	vst v0  }
0x92: {  	[tilespmem:$0x918] =	vst v0  }
0x93: {  	[tilespmem:$0x928] =	vst v0  }
0x94: {  	[tilespmem:$0x938] =	vst v0  }
0x95: {  	[tilespmem:$0x948] =	vst v0  }
0x96: {  	[tilespmem:$0x958] =	vst v0  }
0x97: {  	[tilespmem:$0x968] =	vst v0  }
0x98: {  	[tilespmem:$0x978] =	vst v0  }
0x99: {  	[tilespmem:$0x988] =	vst v0  }
0x9a: {  	[tilespmem:$0x998] =	vst v0  }
0x9b: {  	[tilespmem:$0x9A8] =	vst v0  }
0x9c: {  	[tilespmem:$0x9B8] =	vst v0  }
0x9d: {  	[tilespmem:$0x9C8] =	vst v0  }
0x9e: {  	[tilespmem:$0x9D8] =	vst v0  }
0x9f: {  	[tilespmem:$0x9E8] =	vst v0  }
0xa0: {  	[tilespmem:$0x9F8] =	vst v0  }
0xa1: {  	[tilespmem:$0xA08] =	vst v0  }
0xa2: {  	[tilespmem:$0xA18] =	vst v0  }
0xa3: {  	[tilespmem:$0xA28] =	vst v0  }
0xa4: {  	[tilespmem:$0xA38] =	vst v0  }
0xa5: {  	[tilespmem:$0xA48] =	vst v0  }
0xa6: {  	[tilespmem:$0xA58] =	vst v0  }
0xa7: {  	[tilespmem:$0xA68] =	vst v0  }
0xa8: {  	[tilespmem:$0xA78] =	vst v0  }
0xa9: {  	[tilespmem:$0xA88] =	vst v0  }
0xaa: {  	[tilespmem:$0xA98] =	vst v0  }
0xab: {  	[tilespmem:$0xAA8] =	vst v0  }
0xac: {  	[tilespmem:$0xAB8] =	vst v0  }
0xad: {  	[tilespmem:$0xAC8] =	vst v0  }
0xae: {  	[tilespmem:$0xAD8] =	vst v0  }
0xaf: {  	[tilespmem:$0xAE8] =	vst v0  }
0xb0: {  	[tilespmem:$0xAF8] =	vst v0  }
0xb1: {  	[tilespmem:$0xB08] =	vst v0  }
0xb2: {  	[tilespmem:$0xB18] =	vst v0  }
0xb3: {  	[tilespmem:$0xB28] =	vst v0  }
0xb4: {  	[tilespmem:$0xB38] =	vst v0  }
0xb5: {  	[tilespmem:$0xB48] =	vst v0  }
0xb6: {  	[tilespmem:$0xB58] =	vst v0  }
0xb7: {  	[tilespmem:$0xB68] =	vst v0  }
0xb8: {  	[tilespmem:$0xB78] =	vst v0  }
0xb9: {  	[tilespmem:$0xB88] =	vst v0  }
0xba: {  	[tilespmem:$0xB98] =	vst v0  }
0xbb: {  	[tilespmem:$0xBA8] =	vst v0  }
0xbc: {  	[tilespmem:$0xBB8] =	vst v0  }
0xbd: {  	[tilespmem:$0xBC8] =	vst v0  }
0xbe: {  	[tilespmem:$0xBD8] =	vst v0  }
0xbf: {  	[tilespmem:$0xBE8] =	vst v0  }
0xc0: {  	[tilespmem:$0xBF8] =	vst v0  }
0xc1: {  	[tilespmem:$0xC08] =	vst v0  }
0xc2: {  	[tilespmem:$0xC18] =	vst v0  }
0xc3: {  	[tilespmem:$0xC28] =	vst v0  }
0xc4: {  	[tilespmem:$0xC38] =	vst v0  }
0xc5: {  	[tilespmem:$0xC48] =	vst v0  }
0xc6: {  	[tilespmem:$0xC58] =	vst v0  }
0xc7: {  	[tilespmem:$0xC68] =	vst v0  }
0xc8: {  	[tilespmem:$0xC78] =	vst v0  }
0xc9: {  	[tilespmem:$0xC88] =	vst v0  }
0xca: {  	[tilespmem:$0xC98] =	vst v0  }
0xcb: {  	[tilespmem:$0xCA8] =	vst v0  }
0xcc: {  	[tilespmem:$0xCB8] =	vst v0  }
0xcd: {  	[tilespmem:$0xCC8] =	vst v0  }
0xce: {  	[tilespmem:$0xCD8] =	vst v0  }
0xcf: {  	[tilespmem:$0xCE8] =	vst v0  }
0xd0: {  	[tilespmem:$0xCF8] =	vst v0  }
0xd1: {  	[tilespmem:$0xD08] =	vst v0  }
0xd2: {  	[tilespmem:$0xD18] =	vst v0  }
0xd3: {  	[tilespmem:$0xD28] =	vst v0  }
0xd4: {  	[tilespmem:$0xD38] =	vst v0  }
0xd5: {  	[tilespmem:$0xD48] =	vst v0  }
0xd6: {  	[tilespmem:$0xD58] =	vst v0  }
0xd7: {  	[tilespmem:$0xD68] =	vst v0  }
0xd8: {  	[tilespmem:$0xD78] =	vst v0  }
0xd9: {  	[tilespmem:$0xD88] =	vst v0  }
0xda: {  	[tilespmem:$0xD98] =	vst v0  }
0xdb: {  	[tilespmem:$0xDA8] =	vst v0  }
0xdc: {  	[tilespmem:$0xDB8] =	vst v0  }
0xdd: {  	[tilespmem:$0xDC8] =	vst v0  }
0xde: {  	[tilespmem:$0xDD8] =	vst v0  }
0xdf: {  	[tilespmem:$0xDE8] =	vst v0  }
0xe0: {  	[tilespmem:$0xDF8] =	vst v0  }
0xe1: {  	[tilespmem:$0xE08] =	vst v0  }
0xe2: {  	[tilespmem:$0xE18] =	vst v0  }
0xe3: {  	[tilespmem:$0xE28] =	vst v0  }
0xe4: {  	[tilespmem:$0xE38] =	vst v0  }
0xe5: {  	[tilespmem:$0xE48] =	vst v0  }
0xe6: {  	[tilespmem:$0xE58] =	vst v0  }
0xe7: {  	[tilespmem:$0xE68] =	vst v0  }
0xe8: {  	[tilespmem:$0xE78] =	vst v0  }
0xe9: {  	[tilespmem:$0xE88] =	vst v0  }
0xea: {  	[tilespmem:$0xE98] =	vst v0  }
0xeb: {  	[tilespmem:$0xEA8] =	vst v0  }
0xec: {  	[tilespmem:$0xEB8] =	vst v0  }
0xed: {  	[tilespmem:$0xEC8] =	vst v0  }
0xee: {  	[tilespmem:$0xED8] =	vst v0  }
0xef: {  	[tilespmem:$0xEE8] =	vst v0  }
0xf0: {  	[tilespmem:$0xEF8] =	vst v0  }
0xf1: {  	[tilespmem:$0xF08] =	vst v0  }
0xf2: {  	[tilespmem:$0xF18] =	vst v0  }
0xf3: {  	[tilespmem:$0xF28] =	vst v0  }
0xf4: {  	[tilespmem:$0xF38] =	vst v0  }
0xf5: {  	[tilespmem:$0xF48] =	vst v0  }
0xf6: {  	[tilespmem:$0xF58] =	vst v0  }
0xf7: {  	[tilespmem:$0xF68] =	vst v0  }
0xf8: {  	[tilespmem:$0xF78] =	vst v0  }
0xf9: {  	[tilespmem:$0xF88] =	vst v0  }
0xfa: {  	[tilespmem:$0xF98] =	vst v0  }
0xfb: {  	[tilespmem:$0xFA8] =	vst v0  }
0xfc: {  	[tilespmem:$0xFB8] =	vst v0  }
0xfd: {  	[tilespmem:$0xFC8] =	vst v0  }
0xfe: {  	[tilespmem:$0xFD8] =	vst v0  }
0xff: {  	[tilespmem:$0xFE8] =	vst v0  }
0x100: {  	[tilespmem:$0xFF8] =	vst v0  }
0x101: {  	[tilespmem:$0x1008] =	vst v0  }
0x102: {  	[tilespmem:$0x1018] =	vst v0  }
0x103: {  	[tilespmem:$0x1028] =	vst v0  }
0x104: {  	[tilespmem:$0x1038] =	vst v0  }
0x105: {  	[tilespmem:$0x1048] =	vst v0  }
0x106: {  	[tilespmem:$0x1058] =	vst v0  }
0x107: {  	[tilespmem:$0x1068] =	vst v0  }
0x108: {  	[tilespmem:$0x1078] =	vst v0  }
0x109: {  	[tilespmem:$0x1088] =	vst v0  }
0x10a: {  	[tilespmem:$0x1098] =	vst v0  }
0x10b: {  	[tilespmem:$0x10A8] =	vst v0  }
0x10c: {  	[tilespmem:$0x10B8] =	vst v0  }
0x10d: {  	[tilespmem:$0x10C8] =	vst v0  }
0x10e: {  	[tilespmem:$0x10D8] =	vst v0  }
0x10f: {  	[tilespmem:$0x10E8] =	vst v0  }
0x110: {  	[tilespmem:$0x10F8] =	vst v0  }
0x111: {  	[tilespmem:$0x1108] =	vst v0  }
0x112: {  	[tilespmem:$0x1118] =	vst v0  }
0x113: {  	[tilespmem:$0x1128] =	vst v0  }
0x114: {  	[tilespmem:$0x1138] =	vst v0  }
0x115: {  	[tilespmem:$0x1148] =	vst v0  }
0x116: {  	[tilespmem:$0x1158] =	vst v0  }
0x117: {  	[tilespmem:$0x1168] =	vst v0  }
0x118: {  	[tilespmem:$0x1178] =	vst v0  }
0x119: {  	[tilespmem:$0x1188] =	vst v0  }
0x11a: {  	[tilespmem:$0x1198] =	vst v0  }
0x11b: {  	[tilespmem:$0x11A8] =	vst v0  }
0x11c: {  	[tilespmem:$0x11B8] =	vst v0  }
0x11d: {  	[tilespmem:$0x11C8] =	vst v0  }
0x11e: {  	[tilespmem:$0x11D8] =	vst v0  }
0x11f: {  	[tilespmem:$0x11E8] =	vst v0  }
0x120: {  	[tilespmem:$0x11F8] =	vst v0  }
0x121: {  	[tilespmem:$0x1208] =	vst v0  }
0x122: {  	[tilespmem:$0x1218] =	vst v0  }
0x123: {  	[tilespmem:$0x1228] =	vst v0  }
0x124: {  	[tilespmem:$0x1238] =	vst v0  }
0x125: {  	[tilespmem:$0x1248] =	vst v0  }
0x126: {  	[tilespmem:$0x1258] =	vst v0  }
0x127: {  	[tilespmem:$0x1268] =	vst v0  }
0x128: {  	[tilespmem:$0x1278] =	vst v0  }
0x129: {  	[tilespmem:$0x1288] =	vst v0  }
0x12a: {  	[tilespmem:$0x1298] =	vst v0  }
0x12b: {  	[tilespmem:$0x12A8] =	vst v0  }
0x12c: {  	[tilespmem:$0x12B8] =	vst v0  }
0x12d: {  	[tilespmem:$0x12C8] =	vst v0  }
0x12e: {  	[tilespmem:$0x12D8] =	vst v0  }
0x12f: {  	[tilespmem:$0x12E8] =	vst v0  }
0x130: {  	[tilespmem:$0x12F8] =	vst v0  }
0x131: {  	[tilespmem:$0x1308] =	vst v0  }
0x132: {  	[tilespmem:$0x1318] =	vst v0  }
0x133: {  	[tilespmem:$0x1328] =	vst v0  }
0x134: {  	[tilespmem:$0x1338] =	vst v0  }
0x135: {  	[tilespmem:$0x1348] =	vst v0  }
0x136: {  	[tilespmem:$0x1358] =	vst v0  }
0x137: {  	[tilespmem:$0x1368] =	vst v0  }
0x138: {  	[tilespmem:$0x1378] =	vst v0  }
0x139: {  	[tilespmem:$0x1388] =	vst v0  }
0x13a: {  	[tilespmem:$0x1398] =	vst v0  }
0x13b: {  	[tilespmem:$0x13A8] =	vst v0  }
0x13c: {  	[tilespmem:$0x13B8] =	vst v0  }
0x13d: {  	[tilespmem:$0x13C8] =	vst v0  }
0x13e: {  	[tilespmem:$0x13D8] =	vst v0  }
0x13f: {  	[tilespmem:$0x13E8] =	vst v0  }
0x140: {  	[tilespmem:$0x13F8] =	vst v0  }
0x141: {  	[tilespmem:$0x1408] =	vst v0  }
0x142: {  	[tilespmem:$0x1418] =	vst v0  }
0x143: {  	[tilespmem:$0x1428] =	vst v0  }
0x144: {  	[tilespmem:$0x1438] =	vst v0  }
0x145: {  	[tilespmem:$0x1448] =	vst v0  }
0x146: {  	[tilespmem:$0x1458] =	vst v0  }
0x147: {  	[tilespmem:$0x1468] =	vst v0  }
0x148: {  	[tilespmem:$0x1478] =	vst v0  }
0x149: {  	[tilespmem:$0x1488] =	vst v0  }
0x14a: {  	[tilespmem:$0x1498] =	vst v0  }
0x14b: {  	[tilespmem:$0x14A8] =	vst v0  }
0x14c: {  	[tilespmem:$0x14B8] =	vst v0  }
0x14d: {  	[tilespmem:$0x14C8] =	vst v0  }
0x14e: {  	[tilespmem:$0x14D8] =	vst v0  }
0x14f: {  	[tilespmem:$0x14E8] =	vst v0  }
0x150: {  	[tilespmem:$0x14F8] =	vst v0  }
0x151: {  	[tilespmem:$0x1508] =	vst v0  }
0x152: {  	[tilespmem:$0x1518] =	vst v0  }
0x153: {  	[tilespmem:$0x1528] =	vst v0  }
0x154: {  	[tilespmem:$0x1538] =	vst v0  }
0x155: {  	[tilespmem:$0x1548] =	vst v0  }
0x156: {  	[tilespmem:$0x1558] =	vst v0  }
0x157: {  	[tilespmem:$0x1568] =	vst v0  }
0x158: {  	[tilespmem:$0x1578] =	vst v0  }
0x159: {  	[tilespmem:$0x1588] =	vst v0  }
0x15a: {  	[tilespmem:$0x1598] =	vst v0  }
0x15b: {  	[tilespmem:$0x15A8] =	vst v0  }
0x15c: {  	[tilespmem:$0x15B8] =	vst v0  }
0x15d: {  	[tilespmem:$0x15C8] =	vst v0  }
0x15e: {  	[tilespmem:$0x15D8] =	vst v0  }
0x15f: {  	[tilespmem:$0x15E8] =	vst v0  }
0x160: {  	[tilespmem:$0x15F8] =	vst v0  }
0x161: {  	[tilespmem:$0x1608] =	vst v0  }
0x162: {  	[tilespmem:$0x1618] =	vst v0  }
0x163: {  	[tilespmem:$0x1628] =	vst v0  }
0x164: {  	[tilespmem:$0x1638] =	vst v0  }
0x165: {  	[tilespmem:$0x1648] =	vst v0  }
0x166: {  	[tilespmem:$0x1658] =	vst v0  }
0x167: {  	[tilespmem:$0x1668] =	vst v0  }
0x168: {  	[tilespmem:$0x1678] =	vst v0  }
0x169: {  	[tilespmem:$0x1688] =	vst v0  }
0x16a: {  	[tilespmem:$0x1698] =	vst v0  }
0x16b: {  	[tilespmem:$0x16A8] =	vst v0  }
0x16c: {  	[tilespmem:$0x16B8] =	vst v0  }
0x16d: {  	[tilespmem:$0x16C8] =	vst v0  }
0x16e: {  	[tilespmem:$0x16D8] =	vst v0  }
0x16f: {  	[tilespmem:$0x16E8] =	vst v0  }
0x170: {  	[tilespmem:$0x16F8] =	vst v0  }
0x171: {  	[tilespmem:$0x1708] =	vst v0  }
0x172: {  	[tilespmem:$0x1718] =	vst v0  }
0x173: {  	[tilespmem:$0x1728] =	vst v0  }
0x174: {  	[tilespmem:$0x1738] =	vst v0  }
0x175: {  	[tilespmem:$0x1748] =	vst v0  }
0x176: {  	[tilespmem:$0x1758] =	vst v0  }
0x177: {  	[tilespmem:$0x1768] =	vst v0  }
0x178: {  	[tilespmem:$0x1778] =	vst v0  }
0x179: {  	[tilespmem:$0x1788] =	vst v0  }
0x17a: {  	[tilespmem:$0x1798] =	vst v0  }
0x17b: {  	[tilespmem:$0x17A8] =	vst v0  }
0x17c: {  	[tilespmem:$0x17B8] =	vst v0  }
0x17d: {  	[tilespmem:$0x17C8] =	vst v0  }
0x17e: {  	[tilespmem:$0x17D8] =	vst v0  }
0x17f: {  	[tilespmem:$0x17E8] =	vst v0  }
0x180: {  	[tilespmem:$0x17F8] =	vst v0  }
0x181: {  	[tilespmem:$0x1808] =	vst v0  }
0x182: {  	[tilespmem:$0x1818] =	vst v0  }
0x183: {  	[tilespmem:$0x1828] =	vst v0  }
0x184: {  	[tilespmem:$0x1838] =	vst v0  }
0x185: {  	[tilespmem:$0x1848] =	vst v0  }
0x186: {  	[tilespmem:$0x1858] =	vst v0  }
0x187: {  	[tilespmem:$0x1868] =	vst v0  }
0x188: {  	[tilespmem:$0x1878] =	vst v0  }
0x189: {  	[tilespmem:$0x1888] =	vst v0  }
0x18a: {  	[tilespmem:$0x1898] =	vst v0  }
0x18b: {  	[tilespmem:$0x18A8] =	vst v0  }
0x18c: {  	[tilespmem:$0x18B8] =	vst v0  }
0x18d: {  	[tilespmem:$0x18C8] =	vst v0  }
0x18e: {  	[tilespmem:$0x18D8] =	vst v0  }
0x18f: {  	[tilespmem:$0x18E8] =	vst v0  }
0x190: {  	[tilespmem:$0x18F8] =	vst v0  }
0x191: {  	[tilespmem:$0x1908] =	vst v0  }
0x192: {  	[tilespmem:$0x1918] =	vst v0  }
0x193: {  	[tilespmem:$0x1928] =	vst v0  }
0x194: {  	[tilespmem:$0x1938] =	vst v0  }
0x195: {  	[tilespmem:$0x1948] =	vst v0  }
0x196: {  	[tilespmem:$0x1958] =	vst v0  }
0x197: {  	[tilespmem:$0x1968] =	vst v0  }
0x198: {  	[tilespmem:$0x1978] =	vst v0  }
0x199: {  	[tilespmem:$0x1988] =	vst v0  }
0x19a: {  	[tilespmem:$0x1998] =	vst v0  }
0x19b: {  	[tilespmem:$0x19A8] =	vst v0  }
0x19c: {  	[tilespmem:$0x19B8] =	vst v0  }
0x19d: {  	[tilespmem:$0x19C8] =	vst v0  }
0x19e: {  	[tilespmem:$0x19D8] =	vst v0  }
0x19f: {  	[tilespmem:$0x19E8] =	vst v0  }
0x1a0: {  	[tilespmem:$0x19F8] =	vst v0  }
0x1a1: {  	[tilespmem:$0x1A08] =	vst v0  }
0x1a2: {  	[tilespmem:$0x1A18] =	vst v0  }
0x1a3: {  	[tilespmem:$0x1A28] =	vst v0  }
0x1a4: {  	[tilespmem:$0x1A38] =	vst v0  }
0x1a5: {  	[tilespmem:$0x1A48] =	vst v0  }
0x1a6: {  	[tilespmem:$0x1A58] =	vst v0  }
0x1a7: {  	[tilespmem:$0x1A68] =	vst v0  }
0x1a8: {  	[tilespmem:$0x1A78] =	vst v0  }
0x1a9: {  	[tilespmem:$0x1A88] =	vst v0  }
0x1aa: {  	[tilespmem:$0x1A98] =	vst v0  }
0x1ab: {  	[tilespmem:$0x1AA8] =	vst v0  }
0x1ac: {  	[tilespmem:$0x1AB8] =	vst v0  }
0x1ad: {  	[tilespmem:$0x1AC8] =	vst v0  }
0x1ae: {  	[tilespmem:$0x1AD8] =	vst v0  }
0x1af: {  	[tilespmem:$0x1AE8] =	vst v0  }
0x1b0: {  	[tilespmem:$0x1AF8] =	vst v0  }
0x1b1: {  	[tilespmem:$0x1B08] =	vst v0  }
0x1b2: {  	[tilespmem:$0x1B18] =	vst v0  }
0x1b3: {  	[tilespmem:$0x1B28] =	vst v0  }
0x1b4: {  	[tilespmem:$0x1B38] =	vst v0  }
0x1b5: {  	[tilespmem:$0x1B48] =	vst v0  }
0x1b6: {  	[tilespmem:$0x1B58] =	vst v0  }
0x1b7: {  	[tilespmem:$0x1B68] =	vst v0  }
0x1b8: {  	[tilespmem:$0x1B78] =	vst v0  }
0x1b9: {  	[tilespmem:$0x1B88] =	vst v0  }
0x1ba: {  	[tilespmem:$0x1B98] =	vst v0  }
0x1bb: {  	[tilespmem:$0x1BA8] =	vst v0  }
0x1bc: {  	[tilespmem:$0x1BB8] =	vst v0  }
0x1bd: {  	[tilespmem:$0x1BC8] =	vst v0  }
0x1be: {  	[tilespmem:$0x1BD8] =	vst v0  }
0x1bf: {  	[tilespmem:$0x1BE8] =	vst v0  }
0x1c0: {  	[tilespmem:$0x1BF8] =	vst v0  }
0x1c1: {  	[tilespmem:$0x1C08] =	vst v0  }
0x1c2: {  	[tilespmem:$0x1C18] =	vst v0  }
0x1c3: {  	[tilespmem:$0x1C28] =	vst v0  }
0x1c4: {  	[tilespmem:$0x1C38] =	vst v0  }
0x1c5: {  	[tilespmem:$0x1C48] =	vst v0  }
0x1c6: {  	[tilespmem:$0x1C58] =	vst v0  }
0x1c7: {  	[tilespmem:$0x1C68] =	vst v0  }
0x1c8: {  	[tilespmem:$0x1C78] =	vst v0  }
0x1c9: {  	[tilespmem:$0x1C88] =	vst v0  }
0x1ca: {  	[tilespmem:$0x1C98] =	vst v0  }
0x1cb: {  	[tilespmem:$0x1CA8] =	vst v0  }
0x1cc: {  	[tilespmem:$0x1CB8] =	vst v0  }
0x1cd: {  	[tilespmem:$0x1CC8] =	vst v0  }
0x1ce: {  	[tilespmem:$0x1CD8] =	vst v0  }
0x1cf: {  	[tilespmem:$0x1CE8] =	vst v0  }
0x1d0: {  	[tilespmem:$0x1CF8] =	vst v0  }
0x1d1: {  	[tilespmem:$0x1D08] =	vst v0  }
0x1d2: {  	[tilespmem:$0x1D18] =	vst v0  }
0x1d3: {  	[tilespmem:$0x1D28] =	vst v0  }
0x1d4: {  	[tilespmem:$0x1D38] =	vst v0  }
0x1d5: {  	[tilespmem:$0x1D48] =	vst v0  }
0x1d6: {  	[tilespmem:$0x1D58] =	vst v0  }
0x1d7: {  	[tilespmem:$0x1D68] =	vst v0  }
0x1d8: {  	[tilespmem:$0x1D78] =	vst v0  }
0x1d9: {  	[tilespmem:$0x1D88] =	vst v0  }
0x1da: {  	[tilespmem:$0x1D98] =	vst v0  }
0x1db: {  	[tilespmem:$0x1DA8] =	vst v0  }
0x1dc: {  	[tilespmem:$0x1DB8] =	vst v0  }
0x1dd: {  	[tilespmem:$0x1DC8] =	vst v0  }
0x1de: {  	[tilespmem:$0x1DD8] =	vst v0  }
0x1df: {  	[tilespmem:$0x1DE8] =	vst v0  }
0x1e0: {  	[tilespmem:$0x1DF8] =	vst v0  }
0x1e1: {  	[tilespmem:$0x1E08] =	vst v0  }
0x1e2: {  	[tilespmem:$0x1E18] =	vst v0  }
0x1e3: {  	[tilespmem:$0x1E28] =	vst v0  }
0x1e4: {  	[tilespmem:$0x1E38] =	vst v0  }
0x1e5: {  	[tilespmem:$0x1E48] =	vst v0  }
0x1e6: {  	[tilespmem:$0x1E58] =	vst v0  }
0x1e7: {  	[tilespmem:$0x1E68] =	vst v0  }
0x1e8: {  	[tilespmem:$0x1E78] =	vst v0  }
0x1e9: {  	[tilespmem:$0x1E88] =	vst v0  }
0x1ea: {  	[tilespmem:$0x1E98] =	vst v0  }
0x1eb: {  	[tilespmem:$0x1EA8] =	vst v0  }
0x1ec: {  	[tilespmem:$0x1EB8] =	vst v0  }
0x1ed: {  	[tilespmem:$0x1EC8] =	vst v0  }
0x1ee: {  	[tilespmem:$0x1ED8] =	vst v0  }
0x1ef: {  	[tilespmem:$0x1EE8] =	vst v0  }
0x1f0: {  	[tilespmem:$0x1EF8] =	vst v0  }
0x1f1: {  	[tilespmem:$0x1F08] =	vst v0  }
0x1f2: {  	[tilespmem:$0x1F18] =	vst v0  }
0x1f3: {  	[tilespmem:$0x1F28] =	vst v0  }
0x1f4: {  	[tilespmem:$0x1F38] =	vst v0  }
0x1f5: {  	[tilespmem:$0x1F48] =	vst v0  }
0x1f6: {  	[tilespmem:$0x1F58] =	vst v0  }
0x1f7: {  	[tilespmem:$0x1F68] =	vst v0  }
0x1f8: {  	[tilespmem:$0x1F78] =	vst v0  }
0x1f9: {  	[tilespmem:$0x1F88] =	vst v0  }
0x1fa: {  	[tilespmem:$0x1F98] =	vst v0  }
0x1fb: {  	[tilespmem:$0x1FA8] =	vst v0  }
0x1fc: {  	[tilespmem:$0x1FB8] =	vst v0  }
0x1fd: {  	[tilespmem:$0x1FC8] =	vst v0  }
0x1fe: {  	[tilespmem:$0x1FD8] =	vst v0  }
0x1ff: {  	[tilespmem:$0x1FE8] =	vst v0  }
0x200: {  	[tilespmem:$0x1FF8] =	vst v0  }
0x201: {  	[tilespmem:$0x2008] =	vst v0  }
0x202: {  	[tilespmem:$0x2018] =	vst v0  }
0x203: {  	[tilespmem:$0x2028] =	vst v0  }
0x204: {  	[tilespmem:$0x2038] =	vst v0  }
0x205: {  	[tilespmem:$0x2048] =	vst v0  }
0x206: {  	[tilespmem:$0x2058] =	vst v0  }
0x207: {  	[tilespmem:$0x2068] =	vst v0  }
0x208: {  	[tilespmem:$0x2078] =	vst v0  }
0x209: {  	[tilespmem:$0x2088] =	vst v0  }
0x20a: {  	[tilespmem:$0x2098] =	vst v0  }
0x20b: {  	[tilespmem:$0x20A8] =	vst v0  }
0x20c: {  	[tilespmem:$0x20B8] =	vst v0  }
0x20d: {  	[tilespmem:$0x20C8] =	vst v0  }
0x20e: {  	[tilespmem:$0x20D8] =	vst v0  }
0x20f: {  	[tilespmem:$0x20E8] =	vst v0  }
0x210: {  	[tilespmem:$0x20F8] =	vst v0  }
0x211: {  	[tilespmem:$0x2108] =	vst v0  }
0x212: {  	[tilespmem:$0x2118] =	vst v0  }
0x213: {  	[tilespmem:$0x2128] =	vst v0  }
0x214: {  	[tilespmem:$0x2138] =	vst v0  }
0x215: {  	[tilespmem:$0x2148] =	vst v0  }
0x216: {  	[tilespmem:$0x2158] =	vst v0  }
0x217: {  	[tilespmem:$0x2168] =	vst v0  }
0x218: {  	[tilespmem:$0x2178] =	vst v0  }
0x219: {  	[tilespmem:$0x2188] =	vst v0  }
0x21a: {  	[tilespmem:$0x2198] =	vst v0  }
0x21b: {  	[tilespmem:$0x21A8] =	vst v0  }
0x21c: {  	[tilespmem:$0x21B8] =	vst v0  }
0x21d: {  	[tilespmem:$0x21C8] =	vst v0  }
0x21e: {  	[tilespmem:$0x21D8] =	vst v0  }
0x21f: {  	[tilespmem:$0x21E8] =	vst v0  }
0x220: {  	[tilespmem:$0x21F8] =	vst v0  }
0x221: {  	[tilespmem:$0x2208] =	vst v0  }
0x222: {  	[tilespmem:$0x2218] =	vst v0  }
0x223: {  	[tilespmem:$0x2228] =	vst v0  }
0x224: {  	[tilespmem:$0x2238] =	vst v0  }
0x225: {  	[tilespmem:$0x2248] =	vst v0  }
0x226: {  	[tilespmem:$0x2258] =	vst v0  }
0x227: {  	[tilespmem:$0x2268] =	vst v0  }
0x228: {  	[tilespmem:$0x2278] =	vst v0  }
0x229: {  	[tilespmem:$0x2288] =	vst v0  }
0x22a: {  	[tilespmem:$0x2298] =	vst v0  }
0x22b: {  	[tilespmem:$0x22A8] =	vst v0  }
0x22c: {  	[tilespmem:$0x22B8] =	vst v0  }
0x22d: {  	[tilespmem:$0x22C8] =	vst v0  }
0x22e: {  	[tilespmem:$0x22D8] =	vst v0  }
0x22f: {  	[tilespmem:$0x22E8] =	vst v0  }
0x230: {  	[tilespmem:$0x22F8] =	vst v0  }
0x231: {  	[tilespmem:$0x2308] =	vst v0  }
0x232: {  	[tilespmem:$0x2318] =	vst v0  }
0x233: {  	[tilespmem:$0x2328] =	vst v0  }
0x234: {  	[tilespmem:$0x2338] =	vst v0  }
0x235: {  	[tilespmem:$0x2348] =	vst v0  }
0x236: {  	[tilespmem:$0x2428] =	vst v0  }
0x237: {  	[tilespmem:$0x3258] =	vst v0  }
0x238: {  	[tilespmem:$0x3248] =	vst v0  }
0x239: {  	[tilespmem:$0x3238] =	vst v0  }
0x23a: {  	[tilespmem:$0x3228] =	vst v0  }
0x23b: {  	[tilespmem:$0x3218] =	vst v0  }
0x23c: {  	[tilespmem:$0x3208] =	vst v0  }
0x23d: {  	[tilespmem:$0x31F8] =	vst v0  }
0x23e: {  	[tilespmem:$0x31E8] =	vst v0  }
0x23f: {  	[tilespmem:$0x31D8] =	vst v0  }
0x240: {  	[tilespmem:$0x31C8] =	vst v0  }
0x241: {  	[tilespmem:$0x31B8] =	vst v0  }
0x242: {  	[tilespmem:$0x31A8] =	vst v0  }
0x243: {  	[tilespmem:$0x3198] =	vst v0  }
0x244: {  	[tilespmem:$0x3188] =	vst v0  }
0x245: {  	[tilespmem:$0x3178] =	vst v0  }
0x246: {  	[tilespmem:$0x3168] =	vst v0  }
0x247: {  	[tilespmem:$0x3158] =	vst v0  }
0x248: {  	[tilespmem:$0x3148] =	vst v0  }
0x249: {  	[tilespmem:$0x3138] =	vst v0  }
0x24a: {  	[tilespmem:$0x3128] =	vst v0  }
0x24b: {  	[tilespmem:$0x3118] =	vst v0  }
0x24c: {  	[tilespmem:$0x3108] =	vst v0  }
0x24d: {  	[tilespmem:$0x30F8] =	vst v0  }
0x24e: {  	[tilespmem:$0x30E8] =	vst v0  }
0x24f: {  	[tilespmem:$0x30D8] =	vst v0  }
0x250: {  	[tilespmem:$0x30C8] =	vst v0  }
0x251: {  	[tilespmem:$0x30B8] =	vst v0  }
0x252: {  	[tilespmem:$0x30A8] =	vst v0  }
0x253: {  	[tilespmem:$0x3098] =	vst v0  }
0x254: {  	[tilespmem:$0x3088] =	vst v0  }
0x255: {  	[tilespmem:$0x3078] =	vst v0  }
0x256: {  	[tilespmem:$0x3068] =	vst v0  }
0x257: {  	[tilespmem:$0x3058] =	vst v0  }
0x258: {  	[tilespmem:$0x3048] =	vst v0  }
0x259: {  	[tilespmem:$0x3038] =	vst v0  }
0x25a: {  	[tilespmem:$0x3028] =	vst v0  }
0x25b: {  	[tilespmem:$0x3018] =	vst v0  }
0x25c: {  	[tilespmem:$0x3008] =	vst v0  }
0x25d: {  	[tilespmem:$0x2FF8] =	vst v0  }
0x25e: {  	[tilespmem:$0x2FE8] =	vst v0  }
0x25f: {  	[tilespmem:$0x2FD8] =	vst v0  }
0x260: {  	[tilespmem:$0x2FC8] =	vst v0  }
0x261: {  	[tilespmem:$0x2FB8] =	vst v0  }
0x262: {  	[tilespmem:$0x2FA8] =	vst v0  }
0x263: {  	[tilespmem:$0x2F98] =	vst v0  }
0x264: {  	[tilespmem:$0x2F88] =	vst v0  }
0x265: {  	[tilespmem:$0x2F78] =	vst v0  }
0x266: {  	[tilespmem:$0x2F68] =	vst v0  }
0x267: {  	[tilespmem:$0x2F58] =	vst v0  }
0x268: {  	[tilespmem:$0x2F48] =	vst v0  }
0x269: {  	[tilespmem:$0x2F38] =	vst v0  }
0x26a: {  	[tilespmem:$0x2F28] =	vst v0  }
0x26b: {  	[tilespmem:$0x2F18] =	vst v0  }
0x26c: {  	[tilespmem:$0x2F08] =	vst v0  }
0x26d: {  	[tilespmem:$0x2EF8] =	vst v0  }
0x26e: {  	[tilespmem:$0x2EE8] =	vst v0  }
0x26f: {  	[tilespmem:$0x2ED8] =	vst v0  }
0x270: {  	[tilespmem:$0x2EC8] =	vst v0  }
0x271: {  	[tilespmem:$0x2EB8] =	vst v0  }
0x272: {  	[tilespmem:$0x2EA8] =	vst v0  }
0x273: {  	[tilespmem:$0x2E98] =	vst v0  }
0x274: {  	[tilespmem:$0x2E88] =	vst v0  }
0x275: {  	[tilespmem:$0x2E78] =	vst v0  }
0x276: {  	[tilespmem:$0x2E68] =	vst v0  }
0x277: {  	[tilespmem:$0x2E58] =	vst v0  }
0x278: {  	[tilespmem:$0x2E48] =	vst v0  }
0x279: {  	[tilespmem:$0x2E38] =	vst v0  }
0x27a: {  	[tilespmem:$0x2E28] =	vst v0  }
0x27b: {  	[tilespmem:$0x2E18] =	vst v0  }
0x27c: {  	[tilespmem:$0x2E08] =	vst v0  }
0x27d: {  	[tilespmem:$0x2DF8] =	vst v0  }
0x27e: {  	[tilespmem:$0x2DE8] =	vst v0  }
0x27f: {  	[tilespmem:$0x2DD8] =	vst v0  }
0x280: {  	[tilespmem:$0x2DC8] =	vst v0  }
0x281: {  	[tilespmem:$0x2DB8] =	vst v0  }
0x282: {  	[tilespmem:$0x2DA8] =	vst v0  }
0x283: {  	[tilespmem:$0x2D98] =	vst v0  }
0x284: {  	[tilespmem:$0x2D88] =	vst v0  }
0x285: {  	[tilespmem:$0x2D78] =	vst v0  }
0x286: {  	[tilespmem:$0x2D68] =	vst v0  }
0x287: {  	[tilespmem:$0x2D58] =	vst v0  }
0x288: {  	[tilespmem:$0x2D48] =	vst v0  }
0x289: {  	[tilespmem:$0x2D38] =	vst v0  }
0x28a: {  	[tilespmem:$0x2D28] =	vst v0  }
0x28b: {  	[tilespmem:$0x2D18] =	vst v0  }
0x28c: {  	[tilespmem:$0x2D08] =	vst v0  }
0x28d: {  	[tilespmem:$0x2CF8] =	vst v0  }
0x28e: {  	[tilespmem:$0x2CE8] =	vst v0  }
0x28f: {  	[tilespmem:$0x2CD8] =	vst v0  }
0x290: {  	[tilespmem:$0x2CC8] =	vst v0  }
0x291: {  	[tilespmem:$0x2CB8] =	vst v0  }
0x292: {  	[tilespmem:$0x2CA8] =	vst v0  }
0x293: {  	[tilespmem:$0x2C98] =	vst v0  }
0x294: {  	[tilespmem:$0x2C88] =	vst v0  }
0x295: {  	[tilespmem:$0x2C78] =	vst v0  }
0x296: {  	[tilespmem:$0x2C68] =	vst v0  }
0x297: {  	[tilespmem:$0x2C58] =	vst v0  }
0x298: {  	[tilespmem:$0x2C48] =	vst v0  }
0x299: {  	[tilespmem:$0x2C38] =	vst v0  }
0x29a: {  	[tilespmem:$0x2C28] =	vst v0  }
0x29b: {  	[tilespmem:$0x2C18] =	vst v0  }
0x29c: {  	[tilespmem:$0x2C08] =	vst v0  }
0x29d: {  	[tilespmem:$0x2BF8] =	vst v0  }
0x29e: {  	[tilespmem:$0x2BE8] =	vst v0  }
0x29f: {  	[tilespmem:$0x2BD8] =	vst v0  }
0x2a0: {  	[tilespmem:$0x2BC8] =	vst v0  }
0x2a1: {  	[tilespmem:$0x2BB8] =	vst v0  }
0x2a2: {  	[tilespmem:$0x2BA8] =	vst v0  }
0x2a3: {  	[tilespmem:$0x2B98] =	vst v0  }
0x2a4: {  	[tilespmem:$0x2B88] =	vst v0  }
0x2a5: {  	[tilespmem:$0x2B78] =	vst v0  }
0x2a6: {  	[tilespmem:$0x2B68] =	vst v0  }
0x2a7: {  	[tilespmem:$0x2B58] =	vst v0  }
0x2a8: {  	[tilespmem:$0x2B48] =	vst v0  }
0x2a9: {  	[tilespmem:$0x2B38] =	vst v0  }
0x2aa: {  	[tilespmem:$0x2B28] =	vst v0  }
0x2ab: {  	[tilespmem:$0x2B18] =	vst v0  }
0x2ac: {  	[tilespmem:$0x2B08] =	vst v0  }
0x2ad: {  	[tilespmem:$0x2AF8] =	vst v0  }
0x2ae: {  	[tilespmem:$0x2AE8] =	vst v0  }
0x2af: {  	[tilespmem:$0x2AD8] =	vst v0  }
0x2b0: {  	[tilespmem:$0x2AC8] =	vst v0  }
0x2b1: {  	[tilespmem:$0x2AB8] =	vst v0  }
0x2b2: {  	[tilespmem:$0x2AA8] =	vst v0  }
0x2b3: {  	[tilespmem:$0x2A98] =	vst v0  }
0x2b4: {  	[tilespmem:$0x2A88] =	vst v0  }
0x2b5: {  	[tilespmem:$0x2A78] =	vst v0  }
0x2b6: {  	[tilespmem:$0x2A68] =	vst v0  }
0x2b7: {  	[tilespmem:$0x2A58] =	vst v0  }
0x2b8: {  	[tilespmem:$0x2A48] =	vst v0  }
0x2b9: {  	[tilespmem:$0x2A38] =	vst v0  }
0x2ba: {  	[tilespmem:$0x2A28] =	vst v0  }
0x2bb: {  	[tilespmem:$0x2A18] =	vst v0  }
0x2bc: {  	[tilespmem:$0x2A08] =	vst v0  }
0x2bd: {  	[tilespmem:$0x29F8] =	vst v0  }
0x2be: {  	[tilespmem:$0x29E8] =	vst v0  }
0x2bf: {  	[tilespmem:$0x29D8] =	vst v0  }
0x2c0: {  	[tilespmem:$0x29C8] =	vst v0  }
0x2c1: {  	[tilespmem:$0x29B8] =	vst v0  }
0x2c2: {  	[tilespmem:$0x29A8] =	vst v0  }
0x2c3: {  	[tilespmem:$0x2998] =	vst v0  }
0x2c4: {  	[tilespmem:$0x2988] =	vst v0  }
0x2c5: {  	[tilespmem:$0x2978] =	vst v0  }
0x2c6: {  	[tilespmem:$0x2968] =	vst v0  }
0x2c7: {  	[tilespmem:$0x2958] =	vst v0  }
0x2c8: {  	[tilespmem:$0x2948] =	vst v0  }
0x2c9: {  	[tilespmem:$0x2938] =	vst v0  }
0x2ca: {  	[tilespmem:$0x2928] =	vst v0  }
0x2cb: {  	[tilespmem:$0x2918] =	vst v0  }
0x2cc: {  	[tilespmem:$0x2908] =	vst v0  }
0x2cd: {  	[tilespmem:$0x28F8] =	vst v0  }
0x2ce: {  	[tilespmem:$0x28E8] =	vst v0  }
0x2cf: {  	[tilespmem:$0x28D8] =	vst v0  }
0x2d0: {  	[tilespmem:$0x28C8] =	vst v0  }
0x2d1: {  	[tilespmem:$0x28B8] =	vst v0  }
0x2d2: {  	[tilespmem:$0x28A8] =	vst v0  }
0x2d3: {  	[tilespmem:$0x2898] =	vst v0  }
0x2d4: {  	[tilespmem:$0x2888] =	vst v0  }
0x2d5: {  	[tilespmem:$0x2878] =	vst v0  }
0x2d6: {  	[tilespmem:$0x2868] =	vst v0  }
0x2d7: {  	[tilespmem:$0x2858] =	vst v0  }
0x2d8: {  	[tilespmem:$0x2848] =	vst v0  }
0x2d9: {  	[tilespmem:$0x2838] =	vst v0  }
0x2da: {  	[tilespmem:$0x2828] =	vst v0  }
0x2db: {  	[tilespmem:$0x2818] =	vst v0  }
0x2dc: {  	[tilespmem:$0x2808] =	vst v0  }
0x2dd: {  	[tilespmem:$0x27F8] =	vst v0  }
0x2de: {  	[tilespmem:$0x27E8] =	vst v0  }
0x2df: {  	[tilespmem:$0x27D8] =	vst v0  }
0x2e0: {  	[tilespmem:$0x27C8] =	vst v0  }
0x2e1: {  	[tilespmem:$0x27B8] =	vst v0  }
0x2e2: {  	[tilespmem:$0x27A8] =	vst v0  }
0x2e3: {  	[tilespmem:$0x2798] =	vst v0  }
0x2e4: {  	[tilespmem:$0x2788] =	vst v0  }
0x2e5: {  	[tilespmem:$0x2778] =	vst v0  }
0x2e6: {  	[tilespmem:$0x2768] =	vst v0  }
0x2e7: {  	[tilespmem:$0x2758] =	vst v0  }
0x2e8: {  	[tilespmem:$0x2748] =	vst v0  }
0x2e9: {  	[tilespmem:$0x2738] =	vst v0  }
0x2ea: {  	[tilespmem:$0x2728] =	vst v0  }
0x2eb: {  	[tilespmem:$0x2718] =	vst v0  }
0x2ec: {  	[tilespmem:$0x2708] =	vst v0  }
0x2ed: {  	[tilespmem:$0x26F8] =	vst v0  }
0x2ee: {  	[tilespmem:$0x26E8] =	vst v0  }
0x2ef: {  	[tilespmem:$0x26D8] =	vst v0  }
0x2f0: {  	[tilespmem:$0x26C8] =	vst v0  }
0x2f1: {  	[tilespmem:$0x26B8] =	vst v0  }
0x2f2: {  	[tilespmem:$0x26A8] =	vst v0  }
0x2f3: {  	[tilespmem:$0x2698] =	vst v0  }
0x2f4: {  	[tilespmem:$0x2688] =	vst v0  }
0x2f5: {  	[tilespmem:$0x2678] =	vst v0  }
0x2f6: {  	[tilespmem:$0x2668] =	vst v0  }
0x2f7: {  	[tilespmem:$0x2658] =	vst v0  }
0x2f8: {  	[tilespmem:$0x2648] =	vst v0  }
0x2f9: {  	[tilespmem:$0x2638] =	vst v0  }
0x2fa: {  	[tilespmem:$0x2628] =	vst v0  }
0x2fb: {  	[tilespmem:$0x2618] =	vst v0  }
0x2fc: {  	[tilespmem:$0x2608] =	vst v0  }
0x2fd: {  	[tilespmem:$0x25F8] =	vst v0  }
0x2fe: {  	[tilespmem:$0x25E8] =	vst v0  }
0x2ff: {  	[tilespmem:$0x25D8] =	vst v0  }
0x300: {  	[tilespmem:$0x25C8] =	vst v0  }
0x301: {  	[tilespmem:$0x25B8] =	vst v0  }
0x302: {  	[tilespmem:$0x25A8] =	vst v0  }
0x303: {  	[tilespmem:$0x2598] =	vst v0  }
0x304: {  	[tilespmem:$0x2588] =	vst v0  }
0x305: {  	[tilespmem:$0x2578] =	vst v0  }
0x306: {  	[tilespmem:$0x2568] =	vst v0  }
0x307: {  	[tilespmem:$0x2558] =	vst v0  }
0x308: {  	[tilespmem:$0x2548] =	vst v0  }
0x309: {  	[tilespmem:$0x2538] =	vst v0  }
0x30a: {  	[tilespmem:$0x2528] =	vst v0  }
0x30b: {  	[tilespmem:$0x2518] =	vst v0  }
0x30c: {  	[tilespmem:$0x2508] =	vst v0  }
0x30d: {  	[tilespmem:$0x24F8] =	vst v0  }
0x30e: {  	[tilespmem:$0x24E8] =	vst v0  }
0x30f: {  	[tilespmem:$0x24D8] =	vst v0  }
0x310: {  	[tilespmem:$0x24C8] =	vst v0  }
0x311: {  	[tilespmem:$0x24B8] =	vst v0  }
0x312: {  	[tilespmem:$0x24A8] =	vst v0  }
0x313: {  	[tilespmem:$0x2498] =	vst v0  }
0x314: {  	s4 =	srdreg.scid;
	[tilespmem:$0x2488] =	vst v0  }
0x315: {  	s4 =	sshll.u32 s4, $0x4;
	[tilespmem:$0x2478] =	vst v0  }
0x316: {  	s6 =	stileid.u32;
	s4 =	sand.u32 $0x10, s4;
	[tilespmem:$0x2468] =	vst v0  }
0x317: {  	[tilespmem:$0x2458] =	vst v0;
	s7 =	sor.u32 s6, s4  }
0x318: {  	[tilespmem:$0x2448] =	vst v0;
	s8 =	smul.u32 $0x3E, s7  }
0x319: {  	s7 =	smin.u32 s7, $0x10;
	[tilespmem:$0x2438] =	vst v0;
	s4 =	sshrl.u32 s4, $0x4  }
0x31a: {  	[tilespmem:$0x2418] =	vst v0;
	s7 =	sadd.s32 s7, s8;
	s4 =	sxor.u32 $0x3F, s4  }
0x31b: {  	[tilespmem:$0x23E8] =	vst v0;
	s4 =	sadd.s32 s4, s7  }
0x31c: {  	[tilespmem:$0x2408] =	vst v0;
	s4 =	smul.u32 $0x190, s4  }
0x31d: {  	[tilespmem:$0x23F8] =	vst v0;
	s7 =	smul.u32 $0x190, s7  }
0x31e: {  	s8 =	smin.u32 s4, $0xC3500;
	[tilespmem:$0x23D8] =	vst v0  }
0x31f: {  	[tilespmem:$0x2388] =	vst v0;
	s12 =	ssub.s32 s8, s7  }
0x320: {  	[tilespmem:$0x23C8] =	vst v0;
	p0 =	sgt.s32 s12, $0x0  }
0x321: {  	[tilespmem:$0x23B8] =	vst v0;
	s12 =	simm.s32 @!p0 $0x0  }
0x322: {  	[tilespmem:$0x23A8] =	vst v0;
	s31 =	smulhi.u32 $0x51EB851F, s12  }
0x323: {  	[tilespmem:$0x2398] =	vst v0  }
0x324: {  	s9 =	simm.s32 $0x2;
	[tilespmem:$0x2368] =	vst v0;
	s13 =	sshrl.u32 s31, $0x7  }
0x325: {  	s11 =	simm.s32 $0x9;
	s17 =	simm.s32 $0x0;
	[tilespmem:$0x2378] =	vst v0;
	s14 =	smul.u32 $0x190, s13  }
.Ltmp0:
0x326: {  	s16 =	simm.s32 $0x0;
	[tilespmem:$0x2358] =	vst v0;
	[sflag:s9] =	ssyncpa.u1 $0x0;
	v0 =	vimm.s32 $0xFFFFFFFF;
	(pc) =	sbr.rel .LBB2_1-.Ltmp0, $4  }
0x327: {  	s10 =	sadd.s32 $0x1000, s5;
	[tilespmem:$0x6488] =	vst v0;
	[sflag:s11] =	ssyncpa.u1 $0x0;
	s15 =	smov.u32 s7  }
0x328: {  	s4 =	sadd.s32 $0x126600, s5;
	p0 =	sne.s32 s12, s14;
	s12 =	simm.s32 $0x1  }
0x329: {  	s5 =	sadd.s32 $0xFB0C00, s5;
	s14 =	simm.s32 $0xA;
	s12 =	simm.s32 @!p0 $0x0  }
0x32a: {  	v0 =	vlaneseq.u32;
	p0 =	por $0x0, $0x0;
	s12 =	sadd.s32 s12, s13;
	s13 =	sshll.u32 s6, $0x6  }
.LBB2_16:
0x32b: {  	s18 =	sshrl.u32 s25, $0x2  }
.LBB2_18:
0x32c: {  	_ =	swait.ge [sflag:s14], s18  }
0x32d: {  	s0 =	ssub.s32 $0x0, s18;
	v1 =	vmov s19;
	vm0 =	veq.s32 v0, $0x0;
	[sflag:s14] =	ssyncset.done $0x0  }
0x32e: {  	vm15 =	veq.s32 v0, $0x2;
	v1 =	vsel vm0, s24, v1;
	[sflag:s14] =	ssyncadd.s32 s0  }
0x32f: {  	v1 =	vsel vm15, s17, v1;
	[sflag:s14] =	ssyncpa.u1 $0x1  }
0x330: {  	[tilespmem:$0x6488] =	vst v1  }
.LBB2_19:
0x331: {  	s0 =	sadd.s32 $0x190, s15  }
0x332: {  	s18 =	smov.u32 s7;
	p1 =	slt.s32 s0, s8  }
0x333: {  	s18 =	smov.u32 @p1 s0;
	p1 =	sne.s32 s16, s12  }
.Ltmp1:
0x334: {  	_ = 	snop;
	(pc) =	sbr.rel @!p1 .LBB2_20-.Ltmp1, $3  }
0x335: {  	_ =	sdelay $0x1  }
0x336: {  	s31 =	sadd.s32 $0x1, s16;
	s17 =	smov.u32 s15  }
0x337: {  	p0 =	por !p0, !p0;
	s16 =	smov.u32 s31;
	s15 =	smov.u32 s18  }
.LBB2_1:
0x338: {  	p1 =	sge.u32 s16, s12  }
0x339: {  	p2 =	sgt.s32 @!p1 s15, $0xC3370  }
0x33a: {  	s18 =	smov.u32 s15;
	s19 =	sshra.s32 @!p1 s15, $0x1F;
	p2 =	por !p2, p1  }
0x33b: {  	s19 =	sand.u32 @!p1 s19, s15;
	s18 =	simm.s32 @p2 $0xC3370  }
0x33c: {  	s18 =	ssub.s32 @!p1 s18, s19  }
0x33d: {  	s19 =	sxor.u32 @!p1 $0xFFFFFFFF, s16;
	s18 =	sadd.s32 @!p1 $0xFFF3CC90, s18  }
0x33e: {  	s19 =	sand.u32 @!p1 $0x1, s19;
	s20 =	sshll.u32 @!p1 s18, $0x2  }
0x33f: {  	p2 =	sgt.s32 @!p1 s18, $0x18F;
	s18 =	ssub.s32 @!p1 $0x640, s20;
	s20 =	smul.u32 @!p1 $0x640, s19  }
0x340: {  	s21 =	sshrl.u32 @!p1 s15, $0x3;
	s22 =	sand.u32 @!p1 $0x7, s15  }
0x341: {  	p2 =	por !p2, p1;
	s18 =	sshrl.u32 @!p1 s18, $0x2;
	s20 =	sshrl.u32 @!p1 s20, $0x2  }
0x342: {  	s21 =	sadd.s32 @!p1 s10, s21;
	s18 =	simm.s32 @!p2 $0x0;
	s20 =	sadd.s32 @!p1 $0x68C8, s20  }
0x343: {  	[tilespmem:s20], [sflag:$0x9] =	stream.linear.gather @!p1 [hbm4b:s21+s22], s18, $0x38;
	[tilespmem:$0x1FBE8] =	vst v63  }
0x344: {  	s18 =	ssub.s32 @!p1 $0xC3500, s15  }
0x345: {  	p2 =	sgt.s32 @!p1 s18, $0x0  }
0x346: {  	s19 =	smul.u32 @!p1 $0x32000, s19;
	p2 =	por !p2, p1  }
0x347: {  	s18 =	simm.s32 @p2 $0x0  }
0x348: {  	s19 =	sshrl.u32 @!p1 s19, $0x2;
	s20 =	sshll.u32 @!p1 s15, $0x4;
	s18 =	smin.u32 @!p1 s18, $0x190  }
0x349: {  	s19 =	sadd.s32 @!p1 $0x6BE8, s19;
	s20 =	sadd.s32 @!p1 s5, s20;
	s18 =	sshll.u32 @!p1 s18, $0x7  }
0x34a: {  	[tilespmem:s19], [sflag:$0x9] =	stream.linear.gather @!p1 [hbm:s20], s18, $0x38;
	[tilespmem:$0x1FBE8] =	vst v63  }
0x34b: {  	p1 =	seq.s32 s16, $0x0  }
.Ltmp2:
0x34c: {  	_ = 	snop;
	(pc) =	sbr.rel @p1 .LBB2_19-.Ltmp2, $1  }
0x34d: {  	_ =	sdelay $0x3  }
0x34e: {  	p1 =	sgt.s32 s17, $0xC3370  }
0x34f: {  	s18 =	smov.u32 s17;
	s19 =	sshra.s32 s17, $0x1F;
	s23 =	ssub.s32 $0xC3500, s17  }
0x350: {  	s18 =	simm.s32 @!p1 $0xC3370;
	s19 =	sand.u32 s19, s17;
	p1 =	sgt.s32 s23, $0x0  }
0x351: {  	s18 =	ssub.s32 s18, s19;
	s23 =	simm.s32 @!p1 $0x0  }
0x352: {  	s18 =	sadd.s32 $0xFFF3CC90, s18;
	s29 =	smin.u32 s23, $0x190  }
0x353: {  	s20 =	sshll.u32 s18, $0x2;
	s19 =	sshll.u32 s29, $0x7  }
0x354: {  	p1 =	sgt.s32 s18, $0x18F;
	s30 =	ssub.s32 $0x640, s20;
	_ =	swait.ge [sflag:s11], s19  }
0x355: {  	s19 =	ssub.s32 $0x0, s19;
	[sflag:s11] =	ssyncset.done $0x0;
	s18 =	sshrl.u32 s30, $0x2  }
0x356: {  	[sflag:s11] =	ssyncadd.s32 s19;
	s18 =	simm.s32 @p1 $0x0  }
0x357: {  	_ =	swait.ge [sflag:s11], s18  }
0x358: {  	s18 =	ssub.s32 $0x0, s18;
	[sflag:s11] =	ssyncset.done $0x0  }
0x359: {  	[sflag:s11] =	ssyncadd.s32 s18  }
0x35a: {  	v1 =	vld [tilespmem:$0x6488];
	_ =	sdelay $0x4  }
0x35b: {  	(v2sf) =	vpush v1, $0x0  }
0x35c: {  	(v2sf) =	vpush v1, $0x1  }
0x35d: {  	(v2sf) =	vpush v1, $0x2;
	_ =	sdelay $0x3  }
0x35e: {  	s18 =	sadd.s32 $0x190, s17  }
0x35f: {  	p1 =	slt.s32 s8, s18  }
0x360: {  	s18 =	smov.u32 @p1 s8  }
0x361: {  	s21 =	ssub.s32 s18, s17  }
0x362: {  	p1 =	slt.s32 s23, s21  }
0x363: {  	s21 =	smov.u32 @p1 s23  }
0x364: {  	s20 =	simm.s32 $0x1;
	p1 =	slt.s32 s21, $0x1  }
.Ltmp3:
0x365: {  	s20 =	simm.s32 @!p0 $0x0;
	(pc) =	sbr.rel @p1 .LBB2_6-.Ltmp3, $4  }
0x366: {  	s31 =	smul.u32 $0x640, s20  }
0x367: {  	s22 =	spop (v2sf)  }
0x368: {  	s17 =	sshrl.u32 s31, $0x2;
	s24 =	spop (v2sf)  }
0x369: {  	s18 =	sadd.s32 $0x68C8, s17;
	s17 =	spop (v2sf)  }
0x36a: {  	s19 =	smin.u32 s21, $0x10  }
0x36b: {  	v1 =	vmov s19  }
0x36c: {  	p2 =	sgt.s32 s21, $0x10;
	vm1 =	vgt.u32 v1, v0  }
.Ltmp4:
0x36d: {  	_ = 	snop;
	(pc) =	sbr.rel @!p2 .LBB2_5-.Ltmp4, $2  }
0x36e: {  	_ =	sdelay $0x2  }
0x36f: {  	s23 =	simm.s32 $0x10;
	s25 =	sadd.s32 $0xFFFFFFF0, s21;
	s19 =	smov.u32 s18;
	vm0 =	vmmov vm1  }
.LBB2_4:
0x370: {  	s26 =	smin.u32 s25, $0x10;
	s23 =	sadd.s32 $0x10, s23;
	v1 =	vld.msk [tilespmem:s19+$0x0 ss:$0x1], vm1  }
0x371: {  	v2 =	vmov s26;
	p2 =	slt.s32 s23, s21  }
0x372: {  	vm1 =	vgt.u32 v2, v0  }
.Ltmp5:
0x373: {  	(pc) =	sbr.rel @p2 .LBB2_4-.Ltmp5, $3  }
0x374: {  	_ =	sdelay $0x1  }
0x375: {  	v1 =	vshll.u32 v1, $0x4  }
0x376: {  	s25 =	sadd.s32 $0xFFFFFFF0, s25;
	[tilespmem:s19+$0x0] =	vst.msk vm0, v1;
	s19 =	sadd.s32 $0x10, s19;
	vm0 =	vmmov vm1  }
.LBB2_5:
0x377: {  	_ =	sdelay $0x4  }
0x378: {  	v1 =	vld.msk [tilespmem:s19+$0x0 ss:$0x1], vm1;
	_ =	sdelay $0x4  }
0x379: {  	v1 =	vshll.u32 v1, $0x4  }
0x37a: {  	[tilespmem:s19+$0x0] =	vst.msk vm0, v1  }
.LBB2_6:
0x37b: {  	s19 =	sand.u32 $0x1, s16  }
0x37c: {  	s19 =	smul.u32 $0x190, s19  }
0x37d: {  	p2 =	sne.s32 s24, $0xFFFFFFFF  }
0x37e: {  	v1 =	vld.msk @!p2 [tilespmem:s19+$0x68C8], $0x1;
	_ =	sdelay $0x4  }
0x37f: {  	(v2sf) =	vpush @!p2 v1, $0x0;
	_ =	sdelay $0xc  }
.Ltmp6:
0x380: {  	_ = 	snop;
	(pc) =	sbr.rel @p1 .LBB2_17-.Ltmp6, $4  }
0x381: {  	_ = 	snop  }
0x382: {  	s23 =	spop @!p2 (v2sf)  }
0x383: {  	s17 =	simm.s32 @!p2 $0x0;
	s19 =	smov.u32 s23  }
0x384: {  	[sflag:s14] =	ssyncpa.u1 $0x0;
	s23 =	smov.u32 @p2 s22;
	s19 =	smov.u32 @p2 s24  }
0x385: {  	v1 =	vld.msk [tilespmem:s18+$0x0], $0x1;
	_ =	sdelay $0x4  }
0x386: {  	(v2sf) =	vpush v1, $0x0;
	_ =	sdelay $0xe  }
0x387: {  	s26 =	spop (v2sf)  }
0x388: {  	p1 =	seq.s32 s23, s26  }
0x389: {  	s21 =	ssub.s32 $0x0, s21;
	p2 =	sgt.s32 @!p1 s23, $0x0  }
0x38a: {  	s25 =	smov.u32 s23;
	s24 =	sadd.s32 $0x1, s21;
	p2 =	por !p2, p1  }
0x38b: {  	s20 =	smul.u32 $0x32000, s20;
	s25 =	simm.s32 @p2 $0x0;
	p2 =	seq.s32 s24, $0x0  }
.Ltmp7:
0x38c: {  	_ = 	snop;
	(pc) =	sbr.rel @p2 .LBB2_9-.Ltmp7, $4  }
0x38d: {  	s22 =	simm.s32 $0x0;
	s20 =	sshrl.u32 s20, $0x2  }
0x38e: {  	s20 =	sadd.s32 $0x6BF8, s20;
	s28 =	simm.s32 @!p1 $0x1;
	s25 =	smin.u32 @!p1 s25, $0xC34FC  }
0x38f: {  	s29 =	simm.s32 @!p1 $0x3268;
	s28 =	smov.u32 @p1 s22;
	s31 =	sand.u32 @!p1 $0xFFFF8, s25  }
0x390: {  	s30 =	sand.u32 @!p1 $0x7, s25;
	s25 =	sadd.s32 $0x1, s18;
	s31 =	sadd.s32 @!p1 s4, s31  }
.LBB2_8:
0x391: {  	s0 =	smov.u32 s28  }
0x392: {  	[tilespmem:s29], [sflag:$0x2] =	stream.linear.gather @!p1 [hbm4b:s31+s30], $0x20, $0x38;
	[tilespmem:$0x1FBE8] =	vst v63  }
0x393: {  	s24 =	sadd.s32 $0x1, s24;
	s30 =	smov.u32 s26;
	v1 =	vld.msk [tilespmem:s25+$0x0], $0x1  }
0x394: {  	p2 =	seq.s32 s24, $0x0;
	_ =	sdelay $0x3  }
0x395: {  	(v2sf) =	vpush v1, $0x0;
	_ =	sdelay $0xe  }
0x396: {  	s26 =	spop (v2sf)  }
0x397: {  	p1 =	seq.s32 s30, s26  }
0x398: {  	p3 =	sgt.s32 @!p1 s30, $0x0;
	s29 =	sshll.u32 @!p1 s28, $0x7;
	s28 =	sadd.s32 @!p1 $0x1, s28  }
.Ltmp8:
0x399: {  	p3 =	por !p3, p1;
	s29 =	sshra.s32 @!p1 s29, $0x2;
	(pc) =	sbr.rel @!p2 .LBB2_8-.Ltmp8, $4  }
0x39a: {  	s28 =	smov.u32 @p1 s0;
	s30 =	simm.s32 @p3 $0x0;
	s29 =	sadd.s32 @!p1 $0x3268, s29  }
0x39b: {  	s0 =	smin.u32 @!p1 s30, $0xC34FC  }
0x39c: {  	s31 =	sand.u32 @!p1 $0xFFFF8, s0;
	s30 =	sand.u32 @!p1 $0x7, s0  }
0x39d: {  	s25 =	sadd.s32 $0x1, s25;
	s31 =	sadd.s32 @!p1 s4, s31  }
.LBB2_9:
0x39e: {  	[tilespmem:s29], [sflag:$0x2] =	stream.linear.gather @!p1 [hbm4b:s31+s30], $0x20, $0x38;
	[tilespmem:$0x1FBE8] =	vst v63  }
.Ltmp9:
0x39f: {  	s0 =	sshll.u32 s28, $0x5;
	(pc) =	sbr.rel .LBB2_10-.Ltmp9, $4  }
0x3a0: {  	s0 =	sand.u32 $0x3FFFFFE0, s0  }
0x3a1: {  	_ =	swait.ge [sflag:s9], s0  }
0x3a2: {  	s0 =	ssub.s32 $0x0, s0;
	[sflag:s9] =	ssyncset.done $0x0  }
0x3a3: {  	s25 =	simm.s32 $0x0;
	[sflag:s9] =	ssyncadd.s32 s0  }
.LBB2_11:
0x3a4: {  	v1 =	vld [tilespmem:s20+$0xFFFFFFF0];
	_ =	sdelay $0x3  }
0x3a5: {  	s0 =	sshra.s32 s26, $0x2  }
0x3a6: {  	[tilespmem:s0+$0x48] =	vst.add.f32.msk $0xffff, v1  }
0x3a7: {  	v1 =	vld [tilespmem:s20+$0x0];
	_ =	sdelay $0x4  }
0x3a8: {  	[tilespmem:s0+$0x58] =	vst.add.f32.msk $0xffff, v1  }
.LBB2_15:
0x3a9: {  	s21 =	sadd.s32 $0x1, s21  }
0x3aa: {  	p1 =	seq.s32 s21, $0x0  }
.Ltmp10:
0x3ab: {  	_ = 	snop;
	(pc) =	sbr.rel @p1 .LBB2_16-.Ltmp10, $2  }
0x3ac: {  	_ =	sdelay $0x2  }
0x3ad: {  	s20 =	sadd.s32 $0x80, s20;
	s18 =	sadd.s32 $0x1, s18;
	s23 =	smov.u32 s24  }
.LBB2_10:
0x3ae: {  	v1 =	vld.msk [tilespmem:s18+$0x0], $0x1;
	_ =	sdelay $0x4  }
0x3af: {  	(v2sf) =	vpush v1, $0x0;
	_ =	sdelay $0xe  }
0x3b0: {  	s24 =	spop (v2sf)  }
0x3b1: {  	p1 =	sne.s32 s23, s24  }
.Ltmp11:
0x3b2: {  	_ = 	snop;
	(pc) =	sbr.rel @!p1 .LBB2_11-.Ltmp11, $2  }
0x3b3: {  	_ =	sdelay $0x2  }
0x3b4: {  	s26 =	sshll.u32 s17, $0x7  }
0x3b5: {  	p1 =	seq.s32 s23, s19  }
.Ltmp12:
0x3b6: {  	_ = 	snop;
	(pc) =	sbr.rel @!p1 .LBB2_13-.Ltmp12, $1  }
0x3b7: {  	_ =	sdelay $0x3  }
0x3b8: {  	s0 =	sshra.s32 s26, $0x2  }
.Ltmp13:
0x3b9: {  	s0 =	sadd.s32 $0x48, s0;
	(pc) =	sbr.rel .LBB2_14-.Ltmp13, $4  }
0x3ba: {  	[spmem:s13] =	stream.linear.scatter [tilespmem:s0], [sflag:$0x1], $0x20, $0x38;
	[tilespmem:$0x1FBE8] =	vst v63  }
0x3bb: {  	_ =	swait.ge [sflag:s3], $0x20  }
0x3bc: {  	[sflag:s3] =	ssyncset.done $0x0  }
0x3bd: {  	[sflag:s3] =	ssyncadd.s32 $0xFFFFFFE0  }
.LBB2_13:
0x3be: {  	s0 =	sshll.u32 s22, $0x7  }
0x3bf: {  	s0 =	sshra.s32 s0, $0x2  }
0x3c0: {  	v1 =	vld [tilespmem:s0+$0x3268];
	_ =	sdelay $0x3  }
0x3c1: {  	s26 =	sshra.s32 s26, $0x2  }
0x3c2: {  	[tilespmem:s26+$0x48] =	vst.add.f32.msk $0xffff, v1  }
0x3c3: {  	v1 =	vld [tilespmem:s0+$0x3278];
	_ =	sdelay $0x2  }
0x3c4: {  	p1 =	sgt.u32 s23, $0xC34FC  }
0x3c5: {  	s0 =	sand.u32 @!p1 $0xFFFF8, s23  }
0x3c6: {  	s28 =	sadd.s32 $0x48, s26;
	s23 =	sand.u32 @!p1 $0x7, s23;
	s0 =	sadd.s32 @!p1 s4, s0;
	[tilespmem:s26+$0x58] =	vst.add.f32.msk $0xffff, v1  }
0x3c7: {  	[hbm4b:s0+s23] =	stream.linear.scatter @!p1 [tilespmem:s28], [sflag:$0xA], $0x20, $0x38;
	[tilespmem:$0x1FBE8] =	vst v63  }
0x3c8: {  	s23 =	simm.s32 $0x0  }
0x3c9: {  	s23 =	simm.s32 @!p1 $0x80  }
0x3ca: {  	s25 =	sadd.s32 s23, s25  }
.LBB2_14:
0x3cb: {  	s0 =	sadd.s32 $0x1, s17  }
0x3cc: {  	s17 =	smulhi.u32 $0x51EB851F, s0;
	_ =	sdelay $0x1  }
0x3cd: {  	v1 =	vld [tilespmem:s20+$0xFFFFFFF0];
	s17 =	sshrl.u32 s17, $0x7  }
0x3ce: {  	s17 =	smul.u32 $0x190, s17;
	_ =	sdelay $0x1  }
0x3cf: {  	s17 =	ssub.s32 s0, s17  }
0x3d0: {  	s0 =	sshll.u32 s17, $0x5  }
0x3d1: {  	[tilespmem:s0+$0x48] =	vst v1  }
0x3d2: {  	v1 =	vld [tilespmem:s20+$0x0]  }
.Ltmp14:
0x3d3: {  	_ = 	snop;
	(pc) =	sbr.rel .LBB2_15-.Ltmp14, $2  }
0x3d4: {  	_ =	sdelay $0x2  }
0x3d5: {  	s22 =	sadd.s32 $0x1, s22;
	[tilespmem:s0+$0x58] =	vst v1  }
.LBB2_17:
.Ltmp15:
0x3d6: {  	(pc) =	sbr.rel .LBB2_18-.Ltmp15, $3  }
0x3d7: {  	_ =	sdelay $0x1  }
0x3d8: {  	_ =	swait.ge [sflag:s9], $0x0  }
0x3d9: {  	s18 =	simm.s32 $0x0;
	s24 =	smov.u32 s23;
	[sflag:s9] =	ssyncset.done $0x0  }
.LBB2_20:
0x3da: {  	_ =	sfence.sel $0x180000  }
0x3db: {  	s0 =	simm.s32 $0x9;
	[bflag:$0x0] =	sbarrier.arrive $0xFFFF  }
0x3dc: {  	s26 =	simm.s32 $0x2;
	[sflag:s0] =	ssyncpa.u1 $0x1  }
0x3dd: {  	[sflag:s26] =	ssyncpa.u1 $0x1  }
0x3de: {  	v0 =	vld [tilespmem:$0x6488];
	_ =	sdelay $0x4  }
0x3df: {  	(v2sf) =	vpush v0, $0x0  }
0x3e0: {  	(v2sf) =	vpush v0, $0x1;
	_ =	sdelay $0x1  }
0x3e1: {  	(v2sf) =	vpush v0, $0x2;
	_ =	sdelay $0xb  }
0x3e2: {  	s0 =	spop (v2sf)  }
0x3e3: {  	s3 =	spop (v2sf)  }
0x3e4: {  	s5 =	smov.u32 s0;
	p0 =	sne.s32 s0, s3  }
0x3e5: {  	s7 =	spop (v2sf);
	s5 =	simm.s32 @!p0 $0xFFFFFFFF  }
0x3e6: {  	v2 =	vimm.s32 $0x1;
	v3 =	vlaneseq.u32;
	p0 =	seq.s32 s7, $0xFFFFFFFF;
	v1 =	vmov s5  }
0x3e7: {  	v0 =	vperm.xlane v0, v2;
	p1 =	sne.s32 @!p0 s0, s3;
	v1 =	vperm.xlane v1, v3  }
0x3e8: {  	vm0 =	vcmask $0x3F04;
	s9 =	simm.s32 $0x6488;
	s0 =	simm.s32 @!p0 $0x1;
	p1 =	por !p1, p0  }
0x3e9: {  	s5 =	sshll.u32 s6, $0x1;
	s3 =	sshll.u32 @!p0 s7, $0x7;
	s0 =	simm.s32 @p1 $0x0;
	v0 =	vsel vm0, v1, v0  }
0x3ea: {  	s8 =	sor.u32 $0x400, s5;
	s3 =	sshra.s32 @!p0 s3, $0x2;
	s0 =	sor.u32 @!p0 s0, s5;
	[tilespmem:$0x6488] =	vst v0  }
0x3eb: {  	[spmem:s8] =	stream.linear.scatter [tilespmem:s9], [sflag:$0x1], $0x2, $0x38;
	[tilespmem:$0x1FBE8] =	vst v63  }
0x3ec: {  	s3 =	sadd.s32 @!p0 $0x48, s3;
	s0 =	sshll.u32 @!p0 s0, $0x5  }
0x3ed: {  	[spmem:s0] =	stream.linear.scatter @!p0 [tilespmem:s3], [sflag:$0x1], $0x20, $0x38;
	[tilespmem:$0x1FBE8] =	vst v63  }
0x3ee: {  	s0 =	simm.s32 @!p0 $0x22  }
0x3ef: {  	s28 =	simm.s32 $0x1;
	s0 =	simm.s32 @p0 $0x2  }
0x3f0: {  	_ =	swait.ge [sflag:s28], s0  }
0x3f1: {  	s0 =	ssub.s32 $0x0, s0;
	[sflag:s28] =	ssyncset.done $0x0  }
0x3f2: {  	p0 =	sne.s32 s6, $0x0;
	[sflag:s28] =	ssyncadd.s32 s0  }
.Ltmp16:
0x3f3: {  	_ =	sfence.stream.spmem;
	(pc) =	sbr.rel @p0 .LBB2_37-.Ltmp16, $4  }
0x3f4: {  	s29 =	simm.s32 $0x3;
	[bflag:$0x0] =	sbarrier.arrive $0xFFFF  }
0x3f5: {  	s30 =	simm.s32 $0x4;
	[sflag:s29] =	ssyncpa.u1 $0x1  }
0x3f6: {  	s31 =	simm.s32 $0x3C;
	[sflag:s30] =	ssyncpa.u1 $0x1  }
0x3f7: {  	s3 =	sand.u32 $0x1, s2;
	[sflag:s31] =	ssyncpa.u1 $0x1  }
0x3f8: {  	_ =	sfence.stream.spmem;
	s0 =	simm.s32 $0x5  }
0x3f9: {  	s5 =	simm.s32 $0x400;
	s7 =	simm.s32 $0x6498;
	[sflag:s0] =	ssyncpa.u1 $0x0  }
0x3fa: {  	[tilespmem:s7], [sflag:$0x5] =	stream.linear.gather [spmem:s5], $0x20, $0x38;
	[tilespmem:$0x1FBE8] =	vst v63  }
0x3fb: {  	s26 =	simm.s32 $0x0;
	s28 =	simm.s32 $0x64B8  }
0x3fc: {  	[tilespmem:s28], [sflag:$0x5] =	stream.linear.gather [spmem:s26], $0x400, $0x38;
	[tilespmem:$0x1FBE8] =	vst v63  }
0x3fd: {  	_ =	swait.ge [sflag:s0], $0x420  }
0x3fe: {  	[sflag:s0] =	ssyncset.done $0x0  }
0x3ff: {  	s29 =	simm.s32 $0x0;
	[sflag:s0] =	ssyncadd.s32 $0xFFFFFBE0  }
0x400: {  	v0 =	vld.msk [tilespmem:s29+$0x6498], $0x1;
	_ =	sdelay $0x1  }
0x401: {  	s30 =	simm.s32 $0x1  }
0x402: {  	v1 =	vld.msk [tilespmem:s30+$0x6498], $0x1;
	_ =	sdelay $0x1  }
0x403: {  	(v2sf) =	vpush v0, $0x0;
	_ =	sdelay $0x2  }
0x404: {  	(v2sf) =	vpush v1, $0x0;
	_ =	sdelay $0x2  }
0x405: {  	s31 =	simm.s32 $0x2  }
0x406: {  	v0 =	vld.msk [tilespmem:s31+$0x6498], $0x1;
	_ =	sdelay $0x2  }
0x407: {  	s8 =	simm.s32 $0xFFFFFFFF;
	s7 =	simm.s32 $0xFFFFFFFF;
	s5 =	simm.s32 $0xC  }
.LBB2_22:
0x408: {  	s0 =	smov.u32 s8;
	s9 =	smov.u32 s7  }
0x409: {  	s7 =	sshra.s32 s5, $0x2;
	p1 =	sne.s32 s5, $0x7C;
	s5 =	sadd.s32 $0x4, s5;
	(v2sf) =	vpush v0, $0x0  }
0x40a: {  	v0 =	vld.msk [tilespmem:s7+$0x6498], $0x1  }
.Ltmp17:
0x40b: {  	(pc) =	sbr.rel @p1 .LBB2_22-.Ltmp17, $4  }
0x40c: {  	s8 =	spop (v2sf)  }
0x40d: {  	p2 =	sne.s32 s9, $0xFFFFFFFF;
	s7 =	smov.u32 s8  }
0x40e: {  	p3 =	seq.s32 s8, $0xFFFFFFFF;
	s7 =	smov.u32 @p2 s9  }
0x40f: {  	s8 =	smov.u32 @p3 s0;
	s7 =	smov.u32 @p3 s9  }
0x410: {  	(v2sf) =	vpush v0, $0x0;
	_ =	sdelay $0x8  }
0x411: {  	s0 =	spop (v2sf)  }
0x412: {  	p1 =	sne.s32 s7, $0xFFFFFFFF;
	s5 =	smov.u32 s0  }
0x413: {  	s9 =	simm.s32 $0x6;
	p2 =	seq.s32 s0, $0xFFFFFFFF;
	s5 =	smov.u32 @p1 s7  }
0x414: {  	[sflag:s9] =	ssyncpa.u1 $0x0;
	s5 =	smov.u32 @p2 s7;
	s10 =	spop (v2sf)  }
0x415: {  	s0 =	smov.u32 @p2 s8;
	p1 =	sne.s32 s5, $0xFFFFFFFF;
	s11 =	smov.u32 s10  }
.Ltmp18:
0x416: {  	p2 =	seq.s32 s10, $0xFFFFFFFF;
	s11 =	smov.u32 @p1 s5;
	(pc) =	sbr.rel .LBB2_24-.Ltmp18, $4  }
0x417: {  	s10 =	smov.u32 @p2 s0;
	s11 =	smov.u32 @p2 s5;
	s7 =	spop (v2sf)  }
0x418: {  	p1 =	sne.s32 s11, $0xFFFFFFFF;
	s8 =	smov.u32 s7;
	p2 =	seq.s32 s7, $0xFFFFFFFF  }
0x419: {  	s5 =	simm.s32 $0x0;
	s8 =	smov.u32 @p1 s11;
	s7 =	smov.u32 @p2 s10  }
0x41a: {  	s10 =	simm.s32 $0x6468;
	s8 =	smov.u32 @p2 s11;
	s11 =	simm.s32 $0x0  }
.LBB2_30:
0x41b: {  	p1 =	sgt.u32 s12, $0xC34FC  }
0x41c: {  	p2 =	seq.s32 @!p1 s12, s8  }
0x41d: {  	p1 =	por p1, p2  }
0x41e: {  	p2 =	sne.s32 @!p1 s12, s7  }
0x41f: {  	p1 =	por p1, !p2  }
0x420: {  	s12 =	sshll.u32 @p1 s11, $0x7  }
0x421: {  	s0 =	sand.u32 @!p1 $0xFFFF8, s12  }
0x422: {  	s12 =	sand.u32 @!p1 $0x7, s12;
	s0 =	sadd.s32 @!p1 s4, s0  }
0x423: {  	[tilespmem:s10], [sflag:$0x6] =	stream.linear.gather @!p1 [hbm4b:s0+s12], $0x20, $0x38;
	[tilespmem:$0x1FBE8] =	vst v63  }
0x424: {  	_ =	swait.ge @!p1 [sflag:s9], $0x20  }
0x425: {  	[sflag:s9] =	ssyncset.done @!p1 $0x0  }
0x426: {  	[sflag:s9] =	ssyncadd.s32 @!p1 $0xFFFFFFE0  }
0x427: {  	v1 =	vld @!p1 [tilespmem:$0x6468];
	_ =	sdelay $0x2  }
0x428: {  	s12 =	sshll.u32 @!p1 s11, $0x7  }
0x429: {  	s0 =	sshrl.u32 @!p1 s12, $0x2  }
0x42a: {  	[tilespmem:s0+$0x64B8] =	vst.add.f32.msk @!p1 $0xffff, v1  }
0x42b: {  	v1 =	vld @!p1 [tilespmem:$0x6478];
	_ =	sdelay $0x4  }
0x42c: {  	[tilespmem:s0+$0x64C8] =	vst.add.f32.msk @!p1 $0xffff, v1  }
0x42d: {  	s30 =	sshrl.u32 s12, $0x2;
	[tilespmem:s5+$0x6498] =	vst.msk $0x1, v0  }
0x42e: {  	v0 =	vld [tilespmem:s30+$0x64B8];
	_ =	sdelay $0x2  }
0x42f: {  	s31 =	sshll.u32 s5, $0x7  }
0x430: {  	s12 =	sshra.s32 s31, $0x2  }
0x431: {  	[tilespmem:s12+$0x64B8] =	vst v0  }
0x432: {  	v0 =	vld [tilespmem:s30+$0x64C8];
	_ =	sdelay $0x4  }
0x433: {  	s5 =	sadd.s32 $0x1, s5;
	[tilespmem:s12+$0x64C8] =	vst v0  }
.LBB2_31:
0x434: {  	s11 =	sadd.s32 $0x1, s11  }
0x435: {  	p1 =	sne.s32 s11, $0x20  }
.Ltmp19:
0x436: {  	_ = 	snop;
	(pc) =	sbr.rel @!p1 .LBB2_32-.Ltmp19, $1  }
0x437: {  	_ =	sdelay $0x3  }
.LBB2_24:
0x438: {  	v0 =	vld.msk [tilespmem:s11+$0x6498], $0x1;
	_ =	sdelay $0x4  }
0x439: {  	(v2sf) =	vpush v0, $0x0;
	_ =	sdelay $0xe  }
0x43a: {  	s12 =	spop (v2sf)  }
0x43b: {  	p1 =	seq.s32 s12, $0xFFFFFFFF  }
.Ltmp20:
0x43c: {  	_ = 	snop;
	(pc) =	sbr.rel @p1 .LBB2_31-.Ltmp20, $1  }
0x43d: {  	_ =	sdelay $0x3  }
0x43e: {  	p1 =	slt.s32 s5, $0x1  }
.Ltmp21:
0x43f: {  	_ = 	snop;
	(pc) =	sbr.rel @p1 .LBB2_30-.Ltmp21, $1  }
0x440: {  	_ =	sdelay $0x3  }
0x441: {  	s13 =	simm.s32 $0x6498;
	p1 =	por $0x0, $0x0  }
0x442: {  	v1 =	vld.msk @!p1 [tilespmem:s13+$0x0], $0x1;
	_ =	sdelay $0x4  }
0x443: {  	(v2sf) =	vpush @!p1 v1, $0x0;
	_ =	sdelay $0xd  }
0x444: {  	p3 =	sne.s32 s5, $0x1  }
.Ltmp22:
0x445: {  	s0 =	spop @!p1 (v2sf);
	(pc) =	sbr.rel @!p3 .LBB2_28-.Ltmp22, $4  }
0x446: {  	p2 =	seq.s32 @!p1 s12, s0  }
0x447: {  	s14 =	simm.s32 $0x0;
	p2 =	por !p2, p1  }
0x448: {  	s0 =	simm.s32 $0xFFFFFFFF;
	s14 =	simm.s32 @p2 $0xFFFFFFFF  }
0x449: {  	s15 =	simm.s32 $0x1;
	s14 =	smov.u32 @p1 s0  }
.LBB2_27:
0x44a: {  	s0 =	smov.u32 s14;
	p1 =	sne.s32 s14, $0xFFFFFFFF  }
0x44b: {  	s13 =	sadd.s32 $0x1, s13;
	s14 =	smov.u32 s15;
	s15 =	sadd.s32 $0x1, s15  }
0x44c: {  	p2 =	sne.s32 s5, s15;
	v1 =	vld.msk @!p1 [tilespmem:s13+$0x0], $0x1;
	_ =	sdelay $0x4  }
0x44d: {  	(v2sf) =	vpush @!p1 v1, $0x0;
	_ =	sdelay $0xe  }
.Ltmp23:
0x44e: {  	s16 =	spop @!p1 (v2sf);
	(pc) =	sbr.rel @p2 .LBB2_27-.Ltmp23, $4  }
0x44f: {  	p3 =	seq.s32 @!p1 s12, s16  }
0x450: {  	p3 =	por !p3, p1  }
0x451: {  	s14 =	simm.s32 @p3 $0xFFFFFFFF  }
0x452: {  	s14 =	smov.u32 @p1 s0  }
.LBB2_28:
0x453: {  	p1 =	seq.s32 s14, $0xFFFFFFFF  }
.Ltmp24:
0x454: {  	_ = 	snop;
	(pc) =	sbr.rel @p1 .LBB2_30-.Ltmp24, $1  }
0x455: {  	_ =	sdelay $0x3  }
0x456: {  	s0 =	sshll.u32 s11, $0x5  }
0x457: {  	s0 =	sand.u32 $0x3FFFFFE0, s0  }
0x458: {  	v0 =	vld [tilespmem:s0+$0x64B8];
	_ =	sdelay $0x2  }
0x459: {  	s12 =	sshll.u32 s14, $0x7  }
0x45a: {  	s12 =	sshra.s32 s12, $0x2  }
0x45b: {  	[tilespmem:s12+$0x64B8] =	vst.add.f32.msk $0xffff, v0  }
0x45c: {  	v0 =	vld [tilespmem:s0+$0x64C8]  }
.Ltmp25:
0x45d: {  	_ = 	snop;
	(pc) =	sbr.rel .LBB2_31-.Ltmp25, $2  }
0x45e: {  	_ =	sdelay $0x2  }
0x45f: {  	[tilespmem:s12+$0x64C8] =	vst.add.f32.msk $0xffff, v0  }
.LBB2_32:
0x460: {  	s0 =	simm.s32 $0x6;
	p1 =	seq.s32 s5, $0x0  }
0x461: {  	[sflag:s0] =	ssyncpa.u1 $0x1;
	v0 =	vimm.s32 @p1 $0xFFFFFFFF  }
0x462: {  	s9 =	sadd.s32 $0xFFFFFFFF, s5;
	[tilespmem:$0x68B8] =	vst @p1 v0  }
0x463: {  	v0 =	vld.msk @!p1 [tilespmem:s9+$0x6498], $0x1;
	_ =	sdelay $0x1  }
0x464: {  	v1 =	vld.msk @!p1 [tilespmem:$0x6498], $0x1;
	_ =	sdelay $0x2  }
0x465: {  	p2 =	seq.s32 @!p1 s9, $0x0;
	v0 =	vbroadcast @!p1 v0, $0x0  }
0x466: {  	vm0 =	vmmov @!p1 $0x1;
	p2 =	por !p2, p1  }
0x467: {  	v1 =	vnsel @!p1 vm0, $0xFFFFFFFF, v1;
	vm0 =	vcmask @!p1 $0x308;
	v0 =	vpsel !p2, $0xFFFFFFFF, v0  }
0x468: {  	p2 =	sne.s32 @!p1 s8, s7;
	v0 =	vsel @!p1 vm0, v1, v0  }
0x469: {  	s0 =	simm.s32 @!p1 $0x64B8;
	s7 =	simm.s32 @!p1 $0x0;
	p3 =	por !p2, p1;
	[tilespmem:$0x68B8] =	vst @!p1 v0  }
0x46a: {  	[spmem:s7] =	stream.linear.scatter @!p1 [tilespmem:s0], [sflag:$0x1], $0x20, $0x38;
	[tilespmem:$0x1FBE8] =	vst v63  }
0x46b: {  	s0 =	sshll.u32 @!p3 s9, $0x7  }
0x46c: {  	s0 =	sshra.s32 @!p3 s0, $0x2  }
0x46d: {  	s7 =	simm.s32 @!p3 $0x20;
	s0 =	sadd.s32 @!p3 $0x64B8, s0  }
0x46e: {  	[spmem:s7] =	stream.linear.scatter @!p3 [tilespmem:s0], [sflag:$0x1], $0x20, $0x38;
	[tilespmem:$0x1FBE8] =	vst v63  }
0x46f: {  	s0 =	simm.s32 @!p3 $0x1  }
0x470: {  	_ =	swait.ge @!p3 [sflag:s0], $0x40  }
0x471: {  	p1 =	por p2, p1;
	[sflag:s0] =	ssyncset.done @!p3 $0x0  }
0x472: {  	[sflag:s0] =	ssyncadd.s32 @!p3 $0xFFFFFFC0;
	s0 =	simm.s32 @!p1 $0x1  }
0x473: {  	_ =	swait.ge @!p1 [sflag:s0], $0x20  }
0x474: {  	s29 =	simm.s32 $0x68B8;
	[sflag:s0] =	ssyncset.done @!p1 $0x0  }
0x475: {  	s30 =	simm.s32 $0x400;
	s31 =	simm.s32 $0x1;
	[sflag:s0] =	ssyncadd.s32 @!p1 $0xFFFFFFE0  }
0x476: {  	[spmem:s30] =	stream.linear.scatter [tilespmem:s29], [sflag:$0x1], $0x10, $0x38;
	[tilespmem:$0x1FBE8] =	vst v63  }
0x477: {  	p1 =	seq.s32 s3, $0x0;
	_ =	swait.ge [sflag:s31], $0x10  }
0x478: {  	s7 =	sshll.u32 @p1 s2, $0xE;
	[sflag:s31] =	ssyncset.done $0x0  }
0x479: {  	s0 =	sadd.s32 @p1 $0x15C3C, s7;
	s7 =	sshll.u32 @p1 s1, $0x11;
	[sflag:s31] =	ssyncadd.s32 $0xFFFFFFF0  }
0x47a: {  	s0 =	sor.u32 @p1 s7, s0;
	_ =	sfence.stream.spmem  }
0x47b: {  	[sflag:s0] =	ssyncadd.remote.s32 @p1 $0x1;
	s0 =	simm.s32 @p1 $0x4  }
0x47c: {  	s8 =	simm.s32 @!p1 $0x3C;
	s7 =	sand.u32 $0xFFFFFFFE, s2;
	_ =	swait.ge @p1 [sflag:s0], $0xA  }
0x47d: {  	s10 =	simm.s32 @!p1 $0x0;
	s7 =	sadd.s32 @!p1 $0x4, s7;
	[sflag:s0] =	ssyncset.done @p1 $0x0  }
0x47e: {  	s11 =	simm.s32 @!p1 $0x40;
	[sflag:s0] =	ssyncadd.s32 @p1 $0xFFFFFFF6;
	s0 =	sshll.u32 @!p1 s7, $0x1A  }
0x47f: {  	s7 =	sshll.u32 @!p1 s7, $0xD;
	s0 =	sor.u32 @!p1 s0, s1;
	_ =	swait.eq @!p1 [sflag:s8], $0x1  }
0x480: {  	s7 =	sor.u32 @!p1 $0x1C04, s7;
	s8 =	simm.s32 @!p1 $0x1C03;
	s0 =	sor.u32 @!p1 $0x80004000, s0  }
0x481: {  	[spmem:s11], [sflag:s7] =	dma.general @!p1 [spmem:s10], [sflag:s8], length:$0x8, [dreg:$0x0], stride_count:$0x0, ici_dest:s0, dma_misc:DstOpCode:WRITE  }
0x482: {  	p2 =	slt.s32 s9, $0x2;
	s10 =	simm.s32 @!p1 $0x80;
	s11 =	simm.s32 @!p1 $0x82  }
0x483: {  	[spmem:s11], [sflag:s7] =	dma.general @!p1 [spmem:s10], [sflag:s8], length:$0x2, [dreg:$0x0], stride_count:$0x0, ici_dest:s0, dma_misc:DstOpCode:WRITE  }
.Ltmp26:
0x484: {  	s0 =	simm.s32 @!p1 $0x3;
	(pc) =	sbr.rel @p2 .LBB2_36-.Ltmp26, $4  }
0x485: {  	s2 =	sshll.u32 @!p1 s2, $0xE;
	_ =	swait.ge @!p1 [sflag:s0], $0xA  }
0x486: {  	s2 =	sadd.s32 @!p1 $0x11C3C, s2;
	s1 =	sshll.u32 @!p1 s1, $0x11;
	[sflag:s0] =	ssyncset.done @!p1 $0x0  }
0x487: {  	[sflag:s0] =	ssyncadd.s32 @!p1 $0xFFFFFFF6;
	s0 =	sor.u32 @!p1 s1, s2  }
0x488: {  	s1 =	simm.s32 $0x0;
	[sflag:s0] =	ssyncadd.remote.s32 @!p1 $0xFFFFFFFF  }
0x489: {  	s0 =	simm.s32 $0x6499  }
0x48a: {  	v0 =	vld.msk [tilespmem:s0+$0x0], $0x1;
	_ =	sdelay $0x4  }
0x48b: {  	(v2sf) =	vpush v0, $0x0;
	_ =	sdelay $0xc  }
0x48c: {  	s2 =	sadd.s32 $0xFFFFFFFE, s5  }
0x48d: {  	s2 =	sadd.s32 $0xFFFFFFFF, s2  }
0x48e: {  	p2 =	sne.s32 s2, $0x0;
	s0 =	spop (v2sf)  }
.Ltmp27:
0x48f: {  	p1 =	sgt.u32 s0, $0xC34FC;
	(pc) =	sbr.rel @!p2 .LBB2_35-.Ltmp27, $4  }
0x490: {  	s1 =	simm.s32 $0x64D8;
	s5 =	sand.u32 @!p1 $0xFFFF8, s0  }
0x491: {  	s8 =	simm.s32 $0x0;
	s0 =	sand.u32 @!p1 $0x7, s0;
	s5 =	sadd.s32 @!p1 s4, s5  }
0x492: {  	[hbm4b:s5+s0] =	stream.linear.scatter @!p1 [tilespmem:s1], [sflag:$0x5], $0x20, $0x38;
	[tilespmem:$0x1FBE8] =	vst v63  }
0x493: {  	s7 =	simm.s32 $0x649A;
	s8 =	simm.s32 @!p1 $0x80;
	s5 =	simm.s32 $0x0  }
.LBB2_34:
0x494: {  	v0 =	vld.msk [tilespmem:s7+$0x0], $0x1;
	s2 =	sadd.s32 $0xFFFFFFFF, s2;
	s5 =	sadd.s32 s5, s8  }
0x495: {  	p1 =	sne.s32 s2, $0x0;
	_ =	sdelay $0x3  }
0x496: {  	(v2sf) =	vpush v0, $0x0;
	_ =	sdelay $0xe  }
.Ltmp28:
0x497: {  	s0 =	spop (v2sf);
	(pc) =	sbr.rel @p1 .LBB2_34-.Ltmp28, $4  }
0x498: {  	s8 =	simm.s32 $0x0;
	p2 =	sgt.u32 s0, $0xC34FC  }
0x499: {  	s1 =	sadd.s32 $0x20, s1;
	s8 =	simm.s32 @!p2 $0x80;
	s9 =	sand.u32 @!p2 $0xFFFF8, s0  }
0x49a: {  	s7 =	sadd.s32 $0x1, s7;
	s0 =	sand.u32 @!p2 $0x7, s0;
	s9 =	sadd.s32 @!p2 s4, s9  }
0x49b: {  	[hbm4b:s9+s0] =	stream.linear.scatter @!p2 [tilespmem:s1], [sflag:$0x5], $0x20, $0x38;
	[tilespmem:$0x1FBE8] =	vst v63  }
.LBB2_35:
0x49c: {  	s0 =	sadd.s32 s5, s8  }
0x49d: {  	s1 =	sshrl.u32 s0, $0x2  }
.LBB2_36:
0x49e: {  	s0 =	simm.s32 $0x5  }
0x49f: {  	_ =	swait.ge [sflag:s0], s1  }
0x4a0: {  	s31 =	ssub.s32 $0x0, s1;
	[sflag:s0] =	ssyncset.done $0x0  }
0x4a1: {  	[sflag:s0] =	ssyncadd.s32 s31  }
0x4a2: {  	[sflag:s0] =	ssyncpa.u1 $0x1  }
.LBB2_37:
0x4a3: {  	s0 =	sor.u32 s3, s6  }
0x4a4: {  	p1 =	sne.s32 s0, $0x0  }
.Ltmp29:
0x4a5: {  	_ = 	snop;
	(pc) =	sbr.rel @p1 .LBB2_52-.Ltmp29, $3  }
0x4a6: {  	_ =	sdelay $0x1  }
0x4a7: {  	[bflag:$0x0] =	sbarrier.arrive $0xFFFF  }
0x4a8: {  	_ =	sfence  }
0x4a9: {  	s0 =	simm.s32 $0x7  }
0x4aa: {  	s1 =	simm.s32 $0x400;
	s2 =	simm.s32 $0x6498;
	[sflag:s0] =	ssyncpa.u1 $0x0  }
0x4ab: {  	[tilespmem:s2], [sflag:$0x7] =	stream.linear.gather [spmem:s1], $0x20, $0x38;
	[tilespmem:$0x1FBE8] =	vst v63  }
0x4ac: {  	s30 =	simm.s32 $0x64B8;
	s1 =	simm.s32 $0x0  }
0x4ad: {  	[tilespmem:s30], [sflag:$0x7] =	stream.linear.gather [spmem:s1], $0x400, $0x38;
	[tilespmem:$0x1FBE8] =	vst v63  }
.Ltmp30:
0x4ae: {  	_ = 	snop;
	(pc) =	sbr.rel .LBB2_39-.Ltmp30, $4  }
0x4af: {  	_ =	swait.ge [sflag:s0], $0x420  }
0x4b0: {  	[sflag:s0] =	ssyncset.done $0x0  }
0x4b1: {  	s31 =	simm.s32 $0x8;
	[sflag:s0] =	ssyncadd.s32 $0xFFFFFBE0  }
0x4b2: {  	s2 =	simm.s32 $0x0;
	[sflag:s31] =	ssyncpa.u1 $0x0  }
.LBB2_45:
0x4b3: {  	p1 =	slt.u32 s3, $0xC34FD  }
0x4b4: {  	s0 =	sand.u32 @p1 $0xFFFF8, s3  }
0x4b5: {  	s3 =	sand.u32 @p1 $0x7, s3;
	s5 =	simm.s32 @p1 $0x6468;
	s0 =	sadd.s32 @p1 s4, s0  }
0x4b6: {  	[tilespmem:s5], [sflag:$0x8] =	stream.linear.gather @p1 [hbm4b:s0+s3], $0x20, $0x38;
	[tilespmem:$0x1FBE8] =	vst v63  }
0x4b7: {  	s0 =	simm.s32 @p1 $0x8  }
0x4b8: {  	_ =	swait.ge @p1 [sflag:s0], $0x20  }
0x4b9: {  	[sflag:s0] =	ssyncset.done @p1 $0x0  }
0x4ba: {  	[sflag:s0] =	ssyncadd.s32 @p1 $0xFFFFFFE0  }
0x4bb: {  	v1 =	vld @p1 [tilespmem:$0x6468];
	_ =	sdelay $0x2  }
0x4bc: {  	s0 =	sshll.u32 @p1 s2, $0x7  }
0x4bd: {  	s3 =	sshrl.u32 @p1 s0, $0x2  }
0x4be: {  	[tilespmem:s3+$0x64B8] =	vst.add.f32.msk @p1 $0xffff, v1  }
0x4bf: {  	v1 =	vld @p1 [tilespmem:$0x6478];
	_ =	sdelay $0x3  }
0x4c0: {  	s5 =	sshll.u32 @!p1 s2, $0x7  }
0x4c1: {  	s5 =	smov.u32 @p1 s0;
	[tilespmem:s3+$0x64C8] =	vst.add.f32.msk @p1 $0xffff, v1  }
0x4c2: {  	s0 =	sshrl.u32 s5, $0x2;
	[tilespmem:s1+$0x6498] =	vst.msk $0x1, v0  }
0x4c3: {  	v0 =	vld [tilespmem:s0+$0x64B8];
	_ =	sdelay $0x2  }
0x4c4: {  	s31 =	sshll.u32 s1, $0x7  }
0x4c5: {  	s3 =	sshra.s32 s31, $0x2  }
0x4c6: {  	[tilespmem:s3+$0x64B8] =	vst v0  }
0x4c7: {  	v0 =	vld [tilespmem:s0+$0x64C8];
	_ =	sdelay $0x4  }
0x4c8: {  	s1 =	sadd.s32 $0x1, s1;
	[tilespmem:s3+$0x64C8] =	vst v0  }
.LBB2_46:
0x4c9: {  	s2 =	sadd.s32 $0x1, s2  }
0x4ca: {  	p1 =	sne.s32 s2, $0x20  }
.Ltmp31:
0x4cb: {  	_ = 	snop;
	(pc) =	sbr.rel @!p1 .LBB2_47-.Ltmp31, $1  }
0x4cc: {  	_ =	sdelay $0x3  }
.LBB2_39:
0x4cd: {  	v0 =	vld.msk [tilespmem:s2+$0x6498], $0x1;
	_ =	sdelay $0x4  }
0x4ce: {  	(v2sf) =	vpush v0, $0x0;
	_ =	sdelay $0xe  }
0x4cf: {  	s3 =	spop (v2sf)  }
0x4d0: {  	p1 =	seq.s32 s3, $0xFFFFFFFF  }
.Ltmp32:
0x4d1: {  	_ = 	snop;
	(pc) =	sbr.rel @p1 .LBB2_46-.Ltmp32, $1  }
0x4d2: {  	_ =	sdelay $0x3  }
0x4d3: {  	p1 =	slt.s32 s1, $0x1  }
.Ltmp33:
0x4d4: {  	_ = 	snop;
	(pc) =	sbr.rel @p1 .LBB2_45-.Ltmp33, $1  }
0x4d5: {  	_ =	sdelay $0x3  }
0x4d6: {  	s5 =	simm.s32 $0x6498;
	p1 =	por $0x0, $0x0  }
0x4d7: {  	v1 =	vld.msk @!p1 [tilespmem:s5+$0x0], $0x1;
	_ =	sdelay $0x4  }
0x4d8: {  	(v2sf) =	vpush @!p1 v1, $0x0;
	_ =	sdelay $0xd  }
0x4d9: {  	p3 =	sne.s32 s1, $0x1  }
.Ltmp34:
0x4da: {  	s0 =	spop @!p1 (v2sf);
	(pc) =	sbr.rel @!p3 .LBB2_43-.Ltmp34, $4  }
0x4db: {  	p2 =	seq.s32 @!p1 s3, s0  }
0x4dc: {  	s6 =	simm.s32 $0x0;
	p2 =	por !p2, p1  }
0x4dd: {  	s0 =	simm.s32 $0xFFFFFFFF;
	s6 =	simm.s32 @p2 $0xFFFFFFFF  }
0x4de: {  	s7 =	simm.s32 $0x1;
	s6 =	smov.u32 @p1 s0  }
.LBB2_42:
0x4df: {  	s0 =	smov.u32 s6;
	p1 =	sne.s32 s6, $0xFFFFFFFF  }
0x4e0: {  	s5 =	sadd.s32 $0x1, s5;
	s6 =	smov.u32 s7;
	s7 =	sadd.s32 $0x1, s7  }
0x4e1: {  	p2 =	sne.s32 s1, s7;
	v1 =	vld.msk @!p1 [tilespmem:s5+$0x0], $0x1;
	_ =	sdelay $0x4  }
0x4e2: {  	(v2sf) =	vpush @!p1 v1, $0x0;
	_ =	sdelay $0xe  }
.Ltmp35:
0x4e3: {  	s8 =	spop @!p1 (v2sf);
	(pc) =	sbr.rel @p2 .LBB2_42-.Ltmp35, $4  }
0x4e4: {  	p3 =	seq.s32 @!p1 s3, s8  }
0x4e5: {  	p3 =	por !p3, p1  }
0x4e6: {  	s6 =	simm.s32 @p3 $0xFFFFFFFF  }
0x4e7: {  	s6 =	smov.u32 @p1 s0  }
.LBB2_43:
0x4e8: {  	p1 =	seq.s32 s6, $0xFFFFFFFF  }
.Ltmp36:
0x4e9: {  	_ = 	snop;
	(pc) =	sbr.rel @p1 .LBB2_45-.Ltmp36, $1  }
0x4ea: {  	_ =	sdelay $0x3  }
0x4eb: {  	s0 =	sshll.u32 s2, $0x5  }
0x4ec: {  	s0 =	sand.u32 $0x3FFFFFE0, s0  }
0x4ed: {  	v0 =	vld [tilespmem:s0+$0x64B8];
	_ =	sdelay $0x2  }
0x4ee: {  	s3 =	sshll.u32 s6, $0x7  }
0x4ef: {  	s3 =	sshra.s32 s3, $0x2  }
0x4f0: {  	[tilespmem:s3+$0x64B8] =	vst.add.f32.msk $0xffff, v0  }
0x4f1: {  	v0 =	vld [tilespmem:s0+$0x64C8]  }
.Ltmp37:
0x4f2: {  	_ = 	snop;
	(pc) =	sbr.rel .LBB2_46-.Ltmp37, $2  }
0x4f3: {  	_ =	sdelay $0x2  }
0x4f4: {  	[tilespmem:s3+$0x64C8] =	vst.add.f32.msk $0xffff, v0  }
.LBB2_47:
0x4f5: {  	p1 =	slt.s32 s1, $0x1  }
.Ltmp38:
0x4f6: {  	_ = 	snop;
	(pc) =	sbr.rel @p1 .LBB2_51-.Ltmp38, $3  }
0x4f7: {  	_ =	sdelay $0x1  }
0x4f8: {  	s0 =	simm.s32 $0x8  }
0x4f9: {  	s2 =	simm.s32 $0x0;
	[sflag:s0] =	ssyncpa.u1 $0x1  }
0x4fa: {  	s0 =	simm.s32 $0x6498  }
0x4fb: {  	v0 =	vld.msk [tilespmem:s0+$0x0], $0x1;
	_ =	sdelay $0x4  }
0x4fc: {  	(v2sf) =	vpush v0, $0x0;
	_ =	sdelay $0xd  }
0x4fd: {  	s1 =	sadd.s32 $0xFFFFFFFF, s1  }
0x4fe: {  	p2 =	sne.s32 s1, $0x0;
	s0 =	spop (v2sf)  }
.Ltmp39:
0x4ff: {  	p1 =	sgt.u32 s0, $0xC34FC;
	(pc) =	sbr.rel @!p2 .LBB2_50-.Ltmp39, $4  }
0x500: {  	s3 =	simm.s32 $0x64B8;
	s5 =	sand.u32 @!p1 $0xFFFF8, s0  }
0x501: {  	s6 =	simm.s32 $0x0;
	s0 =	sand.u32 @!p1 $0x7, s0;
	s5 =	sadd.s32 @!p1 s4, s5  }
0x502: {  	[hbm4b:s5+s0] =	stream.linear.scatter @!p1 [tilespmem:s3], [sflag:$0x7], $0x20, $0x38;
	[tilespmem:$0x1FBE8] =	vst v63  }
0x503: {  	s6 =	simm.s32 @!p1 $0x80;
	s5 =	simm.s32 $0x6499  }
.LBB2_49:
0x504: {  	v0 =	vld.msk [tilespmem:s5+$0x0], $0x1;
	s1 =	sadd.s32 $0xFFFFFFFF, s1;
	s2 =	sadd.s32 s2, s6  }
0x505: {  	p1 =	sne.s32 s1, $0x0;
	_ =	sdelay $0x3  }
0x506: {  	(v2sf) =	vpush v0, $0x0;
	_ =	sdelay $0xe  }
.Ltmp40:
0x507: {  	s0 =	spop (v2sf);
	(pc) =	sbr.rel @p1 .LBB2_49-.Ltmp40, $4  }
0x508: {  	s6 =	simm.s32 $0x0;
	p2 =	sgt.u32 s0, $0xC34FC  }
0x509: {  	s3 =	sadd.s32 $0x20, s3;
	s6 =	simm.s32 @!p2 $0x80;
	s7 =	sand.u32 @!p2 $0xFFFF8, s0  }
0x50a: {  	s5 =	sadd.s32 $0x1, s5;
	s0 =	sand.u32 @!p2 $0x7, s0;
	s7 =	sadd.s32 @!p2 s4, s7  }
0x50b: {  	[hbm4b:s7+s0] =	stream.linear.scatter @!p2 [tilespmem:s3], [sflag:$0x7], $0x20, $0x38;
	[tilespmem:$0x1FBE8] =	vst v63  }
.LBB2_50:
0x50c: {  	s0 =	sadd.s32 s2, s6  }
0x50d: {  	s2 =	sshrl.u32 s0, $0x2  }
.LBB2_51:
0x50e: {  	s0 =	simm.s32 $0x7  }
0x50f: {  	_ =	swait.ge [sflag:s0], s2  }
0x510: {  	s1 =	ssub.s32 $0x0, s2;
	[sflag:s0] =	ssyncset.done $0x0  }
0x511: {  	[sflag:s0] =	ssyncadd.s32 s1  }
0x512: {  	[sflag:s0] =	ssyncpa.u1 $0x1  }
.LBB2_52:
0x513: {  	_ =	sfence;
	s0 =	simm.s32 $0x1  }
0x514: {  	[sflag:s0] =	ssyncpa.u1 $0x1  }
0x515: {  	_ =	strace $0x9000005F  }
0x516: {  	[bflag:$0x2] =	sbarrier.arrive $0xFFFF  }
0x517: {  	s0 =	rddreg [dreg:$0x3]  }
0x518: {  	s0 =	sadd.s32 @!p0 $0x100000, s0  }
0x519: {  	[sflag:s0] =	ssyncadd.tile.s32 @!p0 $0x1;
	_ =	shalt  }
.Lfunc_end2:
_tile_overlayer_lowered:
.L_overlay_start_2:
0x51a: {  	(tag) =	ssettag $0x2  }
0x51b: {  	s0 =	rddreg [dreg:$0x0];
	s2 =	stileid.u32  }
0x51c: {  	s1 =	rddreg [dreg:$0x1];
	p0 =	sne.s32 s2, $0x0  }
0x51d: {  	s3 =	rddreg [dreg:$0x2];
	[bflag:$0x3] =	sbarrier.arrive $0xFFFF;
	s2 =	simm.s32 @!p0 $0x1C01  }
0x51e: {  	[timem:s3], [sflag:s2] =	dma.local @!p0 [hbm:s0], s1  }
0x51f: {  	s0 =	simm.s32 @!p0 $0x1  }
0x520: {  	_ =	swait.ge @!p0 [sflag:s0], s1  }
0x521: {  	s1 =	ssub.s32 @!p0 $0x0, s1;
	[sflag:s0] =	ssyncset.done @!p0 $0x0  }
0x522: {  	[sflag:s0] =	ssyncadd.s32 @!p0 s1  }
0x523: {  	[bflag:$0x3] =	sbarrier.arrive $0xFFFF  }
0x524: {  	_ =	shalt  }

// kernel: scatter_offload_async_start
scs
__scs_entry_jumppad:
0x0: {  	(pc) =	sbr.rel $0x88, $3  }
0x1: {  	(tag) =	ssettag $0x0;
	lr =	simm.s32 $0x1  }
0x2: {  	[smem:$0x3F92] =	sst lr;
	_ =	strace $0xD0000000  }
0x3: {  	_ = 	snop  }
0x4: {  	_ = 	snop  }
0x5: {  	_ = 	snop  }
0x6: {  	_ = 	snop  }
0x7: {  	_ = 	snop  }
__scs_overlays_trampoline_lowered:
0x8: {  	[smem:$0x3FA1] =	sst s0  }
0x9: {  	[smem:$0x3FA2] =	sst s1  }
0xa: {  	[smem:$0x3FA3] =	sst s2  }
0xb: {  	[smem:$0x3FA4] =	sst s3  }
0xc: {  	[smem:$0x3FA5] =	sst s4  }
0xd: {  	[smem:$0x3FA6] =	sst s5  }
0xe: {  	[smem:$0x3FA7] =	sst s6  }
0xf: {  	[smem:$0x3FA8] =	sst s7  }
0x10: {  	[smem:$0x3FA9] =	sst s8  }
0x11: {  	[smem:$0x3FAA] =	sst s9;
	s0 =	simm.s32 @!p0 $0x0  }
0x12: {  	s1 =	sld [smem:$0x3F90];
	s0 =	simm.s32 @p0 $0x1  }
0x13: {  	[smem:$0x3FAB] =	sst s0;
	s0 =	simm.s32 @!p1 $0x0  }
0x14: {  	s2 =	sld [smem:$0x3F8F];
	s0 =	simm.s32 @p1 $0x1  }
0x15: {  	[smem:$0x3FAC] =	sst s0;
	s0 =	simm.s32 @!p2 $0x0  }
0x16: {  	s3 =	sld [smem:$0x3FDB];
	s0 =	simm.s32 @p2 $0x1  }
0x17: {  	s4 =	simm.s32 $0x1BF5;
	[smem:$0x3FAE] =	sst s0  }
0x18: {  	s0 =	sld [smem:$0x3F91];
	_ =	swait.ge [sflag:s4], $0x0  }
0x19: {  	s7 =	sld [smem:$0x3F92]  }
0x1a: {  	s8 =	sadd.s32 $0xFFFFE003, lr  }
0x1b: {  	s9 =	sadd.s32 $0xFFFFFEF7, lr;
	s5 =	simm.s32 $0xFFFFFFFF;
	p2 =	slt.u32 s8, $0xFFFFF086  }
0x1c: {  	p1 =	slt.u32 s9, $0xF7A;
	s5 =	simm.s32 @!p2 $0x0  }
0x1d: {  	s5 =	simm.s32 @p1 $0x1;
	p0 =	seq.s32 s7, s2  }
0x1e: {  	s7 =	smul.u32 @!p0 $0xF7A, s2;
	p2 =	seq.s32 @!p0 s5, $0x0  }
0x1f: {  	s9 =	smul.u32 $0xF7A, s1;
	s8 =	simm.s32 @!p0 $0x1BF5;
	p2 =	por !p2, p0  }
0x20: {  	[sflag:s8] =	ssyncset.s32 @!p0 $0xFFFFF086;
	s6 =	sadd.s32 @!p0 s3, s7;
	s7 =	simm.s32 @!p0 $0x108  }
0x21: {  	s3 =	sadd.s32 s3, s9;
	s6 =	sadd.s32 @!p0 $0x88, s6;
	s7 =	simm.s32 @p2 $0x1082  }
0x22: {  	[simem:s7], [sflag:s8] =	dma.local @!p0 [hbm:s6], $0xF7A  }
0x23: {  	s9 =	sor.u32 $0xD0000000, s2;
	s6 =	simm.s32 $0x108;
	_ =	swait.ge @!p0 [sflag:s8], $0x0  }
0x24: {  	s3 =	sadd.s32 $0x88, s3;
	s6 =	simm.s32 @!p1 $0x1082;
	[sflag:s4] =	ssyncset.s32 $0xFFFFF086  }
0x25: {  	[simem:s6], [sflag:s4] =	dma.local [hbm:s3], $0xF7A  }
0x26: {  	[smem:$0x3F92] =	sst s1;
	(tag) =	ssettag s2;
	_ =	strace s9  }
0x27: {  	s1 =	sld [smem:$0x3FA2]  }
0x28: {  	s2 =	sld [smem:$0x3FA3]  }
0x29: {  	s4 =	sld [smem:$0x3FA5]  }
0x2a: {  	p0 =	seq.s32 s5, $0x0;
	s5 =	sld [smem:$0x3FA6]  }
0x2b: {  	s6 =	sld [smem:$0x3FA7]  }
0x2c: {  	s7 =	sld [smem:$0x3FA8]  }
0x2d: {  	s3 =	simm.s32 $0x108;
	s8 =	sld [smem:$0x3FA9]  }
0x2e: {  	s3 =	simm.s32 @!p0 $0x1082;
	s9 =	sld [smem:$0x3FAA]  }
0x2f: {  	lr =	sadd.s32 s0, s3;
	s0 =	sld [smem:$0x3FA1]  }
0x30: {  	s3 =	sld [smem:$0x3FA4]  }
0x31: {  	[smem:$0x3FAD] =	sst s10  }
0x32: {  	s10 =	sld [smem:$0x3FAB];
	_ =	sdelay $0x3  }
0x33: {  	p0 =	seq.s32 s10, $0x1;
	s10 =	sld [smem:$0x3FAD];
	_ =	sdelay $0x3  }
0x34: {  	[smem:$0x3FAD] =	sst s10  }
0x35: {  	s10 =	sld [smem:$0x3FAC];
	_ =	sdelay $0x3  }
0x36: {  	p1 =	seq.s32 s10, $0x1;
	s10 =	sld [smem:$0x3FAD];
	_ =	sdelay $0x3  }
0x37: {  	[smem:$0x3FAD] =	sst s10  }
0x38: {  	s10 =	sld [smem:$0x3FAE]  }
0x39: {  	_ = 	snop;
	(pc) =	sbr.ind lr, $3  }
0x3a: {  	_ = 	snop  }
0x3b: {  	_ = 	snop  }
0x3c: {  	p2 =	seq.s32 s10, $0x1;
	s10 =	sld [smem:$0x3FAD]  }
0x3d: {  	_ =	shalt  }
0x3e: {  	_ =	shalt  }
0x3f: {  	_ =	shalt  }
0x40: {  	_ =	shalt  }
0x41: {  	_ =	shalt  }
0x42: {  	_ =	shalt  }
0x43: {  	_ =	shalt  }
0x44: {  	_ =	shalt  }
0x45: {  	_ =	shalt  }
0x46: {  	_ =	shalt  }
0x47: {  	_ =	shalt  }
0x48: {  	_ =	shalt  }
0x49: {  	_ =	shalt  }
0x4a: {  	_ =	shalt  }
0x4b: {  	_ =	shalt  }
0x4c: {  	_ =	shalt  }
0x4d: {  	_ =	shalt  }
0x4e: {  	_ =	shalt  }
0x4f: {  	_ =	shalt  }
0x50: {  	_ =	shalt  }
0x51: {  	_ =	shalt  }
0x52: {  	_ =	shalt  }
0x53: {  	_ =	shalt  }
0x54: {  	_ =	shalt  }
0x55: {  	_ =	shalt  }
0x56: {  	_ =	shalt  }
0x57: {  	_ =	shalt  }
0x58: {  	_ =	shalt  }
0x59: {  	_ =	shalt  }
0x5a: {  	_ =	shalt  }
0x5b: {  	_ =	shalt  }
0x5c: {  	_ =	shalt  }
0x5d: {  	_ =	shalt  }
0x5e: {  	_ =	shalt  }
0x5f: {  	_ =	shalt  }
0x60: {  	_ =	shalt  }
0x61: {  	_ =	shalt  }
0x62: {  	_ =	shalt  }
0x63: {  	_ =	shalt  }
0x64: {  	_ =	shalt  }
0x65: {  	_ =	shalt  }
0x66: {  	_ =	shalt  }
0x67: {  	_ =	shalt  }
0x68: {  	_ =	shalt  }
0x69: {  	_ =	shalt  }
0x6a: {  	_ =	shalt  }
0x6b: {  	_ =	shalt  }
0x6c: {  	_ =	shalt  }
0x6d: {  	_ =	shalt  }
0x6e: {  	_ =	shalt  }
0x6f: {  	_ =	shalt  }
0x70: {  	_ =	shalt  }
0x71: {  	_ =	shalt  }
0x72: {  	_ =	shalt  }
0x73: {  	_ =	shalt  }
0x74: {  	_ =	shalt  }
0x75: {  	_ =	shalt  }
0x76: {  	_ =	shalt  }
0x77: {  	_ =	shalt  }
0x78: {  	_ =	shalt  }
0x79: {  	_ =	shalt  }
0x7a: {  	_ =	shalt  }
0x7b: {  	_ =	shalt  }
0x7c: {  	_ =	shalt  }
0x7d: {  	_ =	shalt  }
0x7e: {  	_ =	shalt  }
0x7f: {  	_ =	shalt  }
0x80: {  	_ =	shalt  }
0x81: {  	_ =	shalt  }
0x82: {  	_ =	shalt  }
0x83: {  	_ =	shalt  }
0x84: {  	_ =	shalt  }
0x85: {  	_ =	shalt  }
0x86: {  	_ =	shalt  }
0x87: {  	_ =	shalt  }
.Lfunc_end0:
.L_simem_size_0:
called_computation_lowered:
.L_overlay_start_0:
0x88: {  	s2 =	sld [smem:$0x3FD9]  }
0x89: {  	s3 =	sld [smem:$0x3FFE];
	_ =	sdelay $0x1  }
0x8a: {  	s1 =	srdreg.scid  }
0x8b: {  	s0 =	sand.u32 $0x1, s1  }
0x8c: {  	s15 =	sshll.u32 s0, $0xA;
	s2 =	sadd.s32 s3, s2  }
0x8d: {  	s2 =	sadd.s32 s2, s15  }
0x8e: {  	[smem:$0x3FB9] =	sst s2  }
0x8f: {  	_ = 	snop  }
0x90: {  	(tm) =	ssettm $0x1  }
0x91: {  	s16 =	sld [smem:$0x3FFB];
	_ =	sdelay $0x3  }
0x92: {  	_ =	strace s16  }
0x93: {  	s2 =	sld [smem:$0x3FFC];
	_ =	sdelay $0x3  }
0x94: {  	_ =	strace s2  }
0x95: {  	s2 =	sld [smem:$0x3FFD];
	_ =	sdelay $0x3  }
0x96: {  	_ =	strace s2  }
0x97: {  	_ =	strace $0x8FFFFFFF  }
0x98: {  	s17 =	sld [smem:$0x3FDB];
	_ =	sdelay $0x1  }
0x99: {  	s18 =	simm.s32 $_scs_section_size  }
0x9a: {  	s4 =	simm.s32 $_size__tile_overlayer_lowered;
	s5 =	simm.s32 $_tile_overlayer_lowered  }
0x9b: {  	s21 =	simm.s32 $0x1BFF;
	s20 =	sshll.u32 s5, $0x1;
	s2 =	sadd.s32 s18, s17  }
0x9c: {  	s6 =	simm.s32 $0x0;
	s19 =	sshll.u32 s4, $0x1;
	s4 =	sadd.s32 s20, s2  }
0x9d: {  	[timem:s6], [sflag:s21] =	dma.local [hbm:s4], s19  }
0x9e: {  	_ =	swait.ge [sflag:s21], s19  }
0x9f: {  	s3 =	ssub.s32 $0x0, s19;
	[sflag:s21] =	ssyncset.done $0x0  }
0xa0: {  	[sflag:s21] =	ssyncadd.s32 s3;
	_ =	sdelay $0x1  }
0xa1: {  	s22 =	simm.s32 $0x1B8B  }
0xa2: {  	_ =	swait.ge [sflag:s22], $0x1  }
0xa3: {  	[sflag:s22] =	ssyncset.done $0x0  }
0xa4: {  	s23 =	sld [smem:$0x3FFE];
	[sflag:s22] =	ssyncadd.s32 $0xFFFFFFFF  }
0xa5: {  	s25 =	simm.s32 $0x1B8E;
	s24 =	sld [smem:$0x0]  }
0xa6: {  	s26 =	simm.s32 $execute0_lowered;
	[smem:$0x3FD2] =	sst s25  }
0xa7: {  	s5 =	sshll.u32 s26, $0x1;
	_ =	strace $0x8000004F;
	[dreg:$0x1] =	wrdreg $0xFFFFFFFF  }
0xa8: {  	s28 =	simm.s32 $_size_execute0_lowered;
	s2 =	sadd.s32 s2, s5;
	[dreg:$0x0] =	wrdreg $0x0  }
0xa9: {  	s5 =	sshll.u32 s28, $0x1;
	[dreg:$0x2] =	wrdreg s2  }
0xaa: {  	[dreg:$0x3] =	wrdreg s5  }
0xab: {  	[dreg:$0x4] =	wrdreg $0xC0  }
0xac: {  	_ =	task [dreg:s6], $0x5FFFF  }
0xad: {  	[dreg:$0x1] =	wrdreg $0xFFFFFFFF  }
0xae: {  	[dreg:$0x0] =	wrdreg $0x60  }
0xaf: {  	[dreg:$0x2] =	wrdreg s23  }
0xb0: {  	[dreg:$0x3] =	wrdreg s1  }
0xb1: {  	[dreg:$0x4] =	wrdreg s24  }
0xb2: {  	[dreg:$0x5] =	wrdreg $0x9  }
0xb3: {  	_ =	task.clear_ibuf [dreg:s6], $0x6FFFF;
	_ =	strace $0x9000004F  }
0xb4: {  	s29 =	simm.s32 $0x9;
	_ =	strace $0x80000051  }
0xb5: {  	_ =	swait.ge [sflag:s29], $0x1  }
0xb6: {  	[sflag:s29] =	ssyncadd.s32 $0xFFFFFFFF  }
0xb7: {  	_ =	strace $0x90000051  }
0xb8: {  	_ =	sfence  }
0xb9: {  	s30 =	sld [smem:$0x0];
	_ =	sdelay $0x2  }
0xba: {  	s31 =	sshll.u32 s1, $0xD;
	s1 =	sshrl.u32 s1, $0x2  }
0xbb: {  	s3 =	sand.u32 $0x4000, s31;
	s1 =	sadd.s32 s1, s30  }
0xbc: {  	s0 =	sor.u32 s3, s0;
	s1 =	sshll.u32 s1, $0x11  }
0xbd: {  	s0 =	sor.u32 s1, s0  }
0xbe: {  	s0 =	sadd.s32 $0x8F2B, s0  }
0xbf: {  	[sflag:s0] =	ssyncadd.remote.s32 $0x1  }
0xc0: {  	_ =	sfence.sel $0xFFFF  }
0xc1: {  	[dreg:$0x0] =	wrdreg $0xFFFFFFFF;
	(pc) =	sbr.abs _section_cstart, $3  }
0xc2: {  	[dreg:$0x1] =	wrdreg $0xFFFFFFFF  }
0xc3: {  	_ =	task.clear_ibuf [dreg:s6], $0x2FFFF;
	_ =	strace $0x9FFFFFFF  }
0xc4: {  	(tm) =	ssettm $0x7FFFFFFF  }
0xc5: {  	_ =	shalt  }
tec
execute0_lowered:
.L_overlay_start_1:
0x0: {  	(tag) =	ssettag $0x1  }
0x1: {  	s2 =	rddreg [dreg:$0x0]  }
0x2: {  	s4 =	rddreg [dreg:$0x1]  }
0x3: {  	s3 =	rddreg [dreg:$0x2];
	_ =	strace $0x80000050;
	s1 =	simm.s32 $0x1  }
0x4: {  	s9 =	simm.s32 $0x88;
	v0 =	vimm.s32 $0x0;
	[sflag:s1] =	ssyncpa.u1 $0x0  }
0x5: {  	[tilespmem:s9+$0x30] =	vst v0  }
0x6: {  	s1 =	sadd.s32 $0x63000, s2;
	[tilespmem:s9+$0x20] =	vst v0  }
0x7: {  	s5 =	sadd.s32 $0x1000, s2;
	s6 =	sadd.s32 $0x168E200, s2;
	s2 =	simm.s32 $0x40;
	[tilespmem:s9+$0x10] =	vst v0  }
.LBB2_1:
0x8: {  	s2 =	sadd.s32 $0x40, s2  }
0x9: {  	[tilespmem:s9+$0x0] =	vst v0;
	s9 =	sadd.s32 $0x40, s9;
	p0 =	slt.u32 s2, $0x5040  }
.Ltmp0:
0xa: {  	(pc) =	sbr.rel @p0 .LBB2_1-.Ltmp0, $4  }
0xb: {  	_ = 	snop  }
0xc: {  	[tilespmem:s9+$0x30] =	vst v0  }
0xd: {  	[tilespmem:s9+$0x20] =	vst v0  }
0xe: {  	[tilespmem:s9+$0x10] =	vst v0  }
0xf: {  	s2 =	srdreg.scid  }
0x10: {  	s7 =	sshll.u32 s2, $0x4  }
0x11: {  	s2 =	stileid.u32;
	s7 =	sand.u32 $0x10, s7  }
0x12: {  	s8 =	sor.u32 s2, s7  }
0x13: {  	s7 =	smul.u32 $0x4E, s8  }
0x14: {  	s10 =	smin.u32 s8, $0x4  }
0x15: {  	s7 =	sadd.s32 s10, s7  }
0x16: {  	p0 =	slt.u32 s8, $0x4;
	s8 =	simm.s32 $0x62C0;
	s7 =	smul.u32 $0x140, s7  }
0x17: {  	s8 =	simm.s32 @!p0 $0x6180  }
0x18: {  	s8 =	sadd.s32 s8, s7  }
0x19: {  	s8 =	smin.u32 s8, $0xC3500  }
0x1a: {  	s11 =	ssub.s32 s8, s7  }
0x1b: {  	p0 =	sgt.s32 s11, $0x0  }
0x1c: {  	s11 =	simm.s32 @!p0 $0x0  }
0x1d: {  	s31 =	smulhi.u32 $0x66666667, s11;
	_ =	sdelay $0x1  }
0x1e: {  	s12 =	sshrl.u32 s31, $0x7  }
0x1f: {  	[tilespmem:s9+$0x0] =	vst v0;
	s9 =	simm.s32 $0x2;
	s13 =	smul.u32 $0x140, s12  }
.Ltmp1:
0x20: {  	s17 =	simm.s32 $0x0;
	s14 =	simm.s32 $0xA;
	(pc) =	sbr.rel .LBB2_3-.Ltmp1, $4  }
0x21: {  	v0 =	vimm.s32 $0xFFFFFFFF;
	s16 =	simm.s32 $0x0;
	[sflag:s9] =	ssyncpa.u1 $0x0;
	s10 =	simm.s32 $0x9  }
0x22: {  	[tilespmem:$0xA108] =	vst v0;
	[sflag:s10] =	ssyncpa.u1 $0x0;
	p0 =	sne.s32 s11, s13;
	s13 =	simm.s32 $0x1  }
0x23: {  	s15 =	smov.u32 s7;
	s11 =	simm.s32 $0x1;
	s13 =	simm.s32 @!p0 $0x0  }
0x24: {  	v0 =	vlaneseq.u32;
	p0 =	por $0x0, $0x0;
	s12 =	sadd.s32 s13, s12;
	s13 =	sshll.u32 s2, $0x7  }
.LBB2_18:
0x25: {  	s18 =	sshrl.u32 s25, $0x2  }
.LBB2_20:
0x26: {  	_ =	swait.ge [sflag:s14], s18  }
0x27: {  	s0 =	ssub.s32 $0x0, s18;
	v1 =	vmov s20;
	vm0 =	veq.s32 v0, $0x0;
	[sflag:s14] =	ssyncset.done $0x0  }
0x28: {  	vm15 =	veq.s32 v0, $0x2;
	v1 =	vsel vm0, s24, v1;
	[sflag:s14] =	ssyncadd.s32 s0  }
0x29: {  	v1 =	vsel vm15, s17, v1;
	[sflag:s14] =	ssyncpa.u1 $0x1  }
0x2a: {  	[tilespmem:$0xA108] =	vst v1  }
.LBB2_21:
0x2b: {  	s0 =	sadd.s32 $0x140, s15  }
0x2c: {  	s18 =	smov.u32 s7;
	p1 =	slt.s32 s0, s8  }
0x2d: {  	s18 =	smov.u32 @p1 s0;
	p1 =	sne.s32 s16, s12  }
.Ltmp2:
0x2e: {  	_ = 	snop;
	(pc) =	sbr.rel @!p1 .LBB2_22-.Ltmp2, $3  }
0x2f: {  	_ =	sdelay $0x1  }
0x30: {  	s31 =	sadd.s32 $0x1, s16;
	s17 =	smov.u32 s15  }
0x31: {  	p0 =	por !p0, !p0;
	s16 =	smov.u32 s31;
	s15 =	smov.u32 s18  }
.LBB2_3:
0x32: {  	p1 =	sge.u32 s16, s12  }
0x33: {  	p2 =	sgt.s32 @!p1 s15, $0xC33C0  }
0x34: {  	s18 =	smov.u32 s15;
	s19 =	sshra.s32 @!p1 s15, $0x1F;
	p2 =	por !p2, p1  }
0x35: {  	s19 =	sand.u32 @!p1 s19, s15;
	s18 =	simm.s32 @p2 $0xC33C0  }
0x36: {  	s18 =	ssub.s32 @!p1 s18, s19  }
0x37: {  	s19 =	sxor.u32 @!p1 $0xFFFFFFFF, s16;
	s18 =	sadd.s32 @!p1 $0xFFF3CC40, s18  }
0x38: {  	s19 =	sand.u32 @!p1 $0x1, s19;
	s20 =	sshll.u32 @!p1 s18, $0x2  }
0x39: {  	p2 =	sgt.s32 @!p1 s18, $0x13F;
	s18 =	ssub.s32 @!p1 $0x500, s20;
	s20 =	smul.u32 @!p1 $0x500, s19  }
0x3a: {  	s21 =	sshrl.u32 @!p1 s15, $0x3;
	s22 =	sand.u32 @!p1 $0x7, s15  }
0x3b: {  	p2 =	por !p2, p1;
	s18 =	sshrl.u32 @!p1 s18, $0x2;
	s20 =	sshrl.u32 @!p1 s20, $0x2  }
0x3c: {  	s21 =	sadd.s32 @!p1 s5, s21;
	s18 =	simm.s32 @!p2 $0x0;
	s20 =	sadd.s32 @!p1 $0xA948, s20  }
0x3d: {  	[tilespmem:s20], [sflag:$0x9] =	stream.linear.gather @!p1 [hbm4b:s21+s22], s18, $0x38;
	[tilespmem:$0x1EBC8] =	vst v63  }
0x3e: {  	s18 =	ssub.s32 @!p1 $0xC3500, s15  }
0x3f: {  	p2 =	sgt.s32 @!p1 s18, $0x0  }
0x40: {  	s19 =	smul.u32 @!p1 $0x28000, s19;
	p2 =	por !p2, p1  }
0x41: {  	s18 =	simm.s32 @p2 $0x0  }
0x42: {  	s19 =	sshrl.u32 @!p1 s19, $0x2;
	s20 =	sshll.u32 @!p1 s15, $0x4;
	s18 =	smin.u32 @!p1 s18, $0x140  }
0x43: {  	s19 =	sadd.s32 @!p1 $0xABC8, s19;
	s20 =	sadd.s32 @!p1 s6, s20;
	s18 =	sshll.u32 @!p1 s18, $0x7  }
0x44: {  	[tilespmem:s19], [sflag:$0x9] =	stream.linear.gather @!p1 [hbm:s20], s18, $0x38;
	[tilespmem:$0x1EBC8] =	vst v63  }
0x45: {  	p1 =	seq.s32 s16, $0x0  }
.Ltmp3:
0x46: {  	_ = 	snop;
	(pc) =	sbr.rel @p1 .LBB2_21-.Ltmp3, $1  }
0x47: {  	_ =	sdelay $0x3  }
0x48: {  	p1 =	sgt.s32 s17, $0xC33C0  }
0x49: {  	s18 =	smov.u32 s17;
	s19 =	sshra.s32 s17, $0x1F;
	s20 =	ssub.s32 $0xC3500, s17  }
0x4a: {  	s18 =	simm.s32 @!p1 $0xC33C0;
	s19 =	sand.u32 s19, s17;
	p1 =	sgt.s32 s20, $0x0  }
0x4b: {  	s18 =	ssub.s32 s18, s19;
	s20 =	simm.s32 @!p1 $0x0  }
0x4c: {  	s18 =	sadd.s32 $0xFFF3CC40, s18;
	s29 =	smin.u32 s20, $0x140  }
0x4d: {  	s21 =	sshll.u32 s18, $0x2;
	s19 =	sshll.u32 s29, $0x7  }
0x4e: {  	p1 =	sgt.s32 s18, $0x13F;
	s30 =	ssub.s32 $0x500, s21;
	_ =	swait.ge [sflag:s10], s19  }
0x4f: {  	s19 =	ssub.s32 $0x0, s19;
	[sflag:s10] =	ssyncset.done $0x0;
	s18 =	sshrl.u32 s30, $0x2  }
0x50: {  	[sflag:s10] =	ssyncadd.s32 s19;
	s18 =	simm.s32 @p1 $0x0  }
0x51: {  	_ =	swait.ge [sflag:s10], s18  }
0x52: {  	s18 =	ssub.s32 $0x0, s18;
	[sflag:s10] =	ssyncset.done $0x0  }
0x53: {  	[sflag:s10] =	ssyncadd.s32 s18  }
0x54: {  	v1 =	vld [tilespmem:$0xA108];
	_ =	sdelay $0x4  }
0x55: {  	(v2sf) =	vpush v1, $0x0  }
0x56: {  	(v2sf) =	vpush v1, $0x1  }
0x57: {  	(v2sf) =	vpush v1, $0x2;
	_ =	sdelay $0x3  }
0x58: {  	s18 =	sadd.s32 $0x140, s17  }
0x59: {  	p1 =	slt.s32 s8, s18  }
0x5a: {  	s18 =	smov.u32 @p1 s8  }
0x5b: {  	s18 =	ssub.s32 s18, s17  }
0x5c: {  	p1 =	slt.s32 s20, s18  }
0x5d: {  	s18 =	smov.u32 @p1 s20  }
0x5e: {  	s21 =	simm.s32 $0x1;
	p1 =	slt.s32 s18, $0x1  }
.Ltmp4:
0x5f: {  	s21 =	simm.s32 @!p0 $0x0;
	(pc) =	sbr.rel @p1 .LBB2_8-.Ltmp4, $4  }
0x60: {  	s31 =	smul.u32 $0x500, s21  }
0x61: {  	s22 =	spop (v2sf)  }
0x62: {  	s17 =	sshrl.u32 s31, $0x2;
	s24 =	spop (v2sf)  }
0x63: {  	s19 =	sadd.s32 $0xA948, s17;
	s17 =	spop (v2sf)  }
0x64: {  	s20 =	smin.u32 s18, $0x10  }
0x65: {  	v1 =	vmov s20  }
0x66: {  	p2 =	sgt.s32 s18, $0x10;
	vm1 =	vgt.u32 v1, v0  }
.Ltmp5:
0x67: {  	_ = 	snop;
	(pc) =	sbr.rel @!p2 .LBB2_7-.Ltmp5, $2  }
0x68: {  	_ =	sdelay $0x2  }
0x69: {  	s23 =	simm.s32 $0x10;
	s25 =	sadd.s32 $0xFFFFFFF0, s18;
	s20 =	smov.u32 s19;
	vm0 =	vmmov vm1  }
.LBB2_6:
0x6a: {  	s26 =	smin.u32 s25, $0x10;
	s23 =	sadd.s32 $0x10, s23;
	v1 =	vld.msk [tilespmem:s20+$0x0 ss:$0x1], vm1  }
0x6b: {  	v2 =	vmov s26;
	p2 =	slt.s32 s23, s18  }
0x6c: {  	vm1 =	vgt.u32 v2, v0  }
.Ltmp6:
0x6d: {  	(pc) =	sbr.rel @p2 .LBB2_6-.Ltmp6, $3  }
0x6e: {  	_ =	sdelay $0x1  }
0x6f: {  	v1 =	vshll.u32 v1, $0x4  }
0x70: {  	s25 =	sadd.s32 $0xFFFFFFF0, s25;
	[tilespmem:s20+$0x0] =	vst.msk vm0, v1;
	s20 =	sadd.s32 $0x10, s20;
	vm0 =	vmmov vm1  }
.LBB2_7:
0x71: {  	_ =	sdelay $0x4  }
0x72: {  	v1 =	vld.msk [tilespmem:s20+$0x0 ss:$0x1], vm1;
	_ =	sdelay $0x4  }
0x73: {  	v1 =	vshll.u32 v1, $0x4  }
0x74: {  	[tilespmem:s20+$0x0] =	vst.msk vm0, v1  }
.LBB2_8:
0x75: {  	s20 =	sand.u32 $0x1, s16  }
0x76: {  	s20 =	smul.u32 $0x140, s20  }
0x77: {  	p2 =	sne.s32 s24, $0xFFFFFFFF  }
0x78: {  	v1 =	vld.msk @!p2 [tilespmem:s20+$0xA948], $0x1;
	_ =	sdelay $0x4  }
0x79: {  	(v2sf) =	vpush @!p2 v1, $0x0;
	_ =	sdelay $0xc  }
.Ltmp7:
0x7a: {  	_ = 	snop;
	(pc) =	sbr.rel @p1 .LBB2_19-.Ltmp7, $4  }
0x7b: {  	_ = 	snop  }
0x7c: {  	s23 =	spop @!p2 (v2sf)  }
0x7d: {  	s17 =	simm.s32 @!p2 $0x0;
	s20 =	smov.u32 s23  }
0x7e: {  	[sflag:s14] =	ssyncpa.u1 $0x0;
	s23 =	smov.u32 @p2 s22;
	s20 =	smov.u32 @p2 s24  }
0x7f: {  	v1 =	vld.msk [tilespmem:s19+$0x0], $0x1;
	_ =	sdelay $0x4  }
0x80: {  	(v2sf) =	vpush v1, $0x0;
	_ =	sdelay $0xe  }
0x81: {  	s26 =	spop (v2sf)  }
0x82: {  	p1 =	seq.s32 s23, s26  }
0x83: {  	p2 =	sgt.s32 @!p1 s23, $0x0  }
0x84: {  	s25 =	smov.u32 s23;
	s24 =	sadd.s32 $0xFFFFFFFF, s18;
	p2 =	por !p2, p1  }
0x85: {  	s21 =	smul.u32 $0x28000, s21;
	s25 =	simm.s32 @p2 $0x0;
	p2 =	sne.s32 s24, $0x0  }
.Ltmp8:
0x86: {  	_ = 	snop;
	(pc) =	sbr.rel @!p2 .LBB2_11-.Ltmp8, $4  }
0x87: {  	s22 =	simm.s32 $0x0;
	s21 =	sshrl.u32 s21, $0x2  }
0x88: {  	s21 =	sadd.s32 $0xABE8, s21;
	s28 =	simm.s32 @!p1 $0x1;
	s25 =	smin.u32 @!p1 s25, $0xC34F8  }
0x89: {  	s29 =	simm.s32 @!p1 $0x50C8;
	s28 =	smov.u32 @p1 s22;
	s31 =	sand.u32 @!p1 $0xFFFF8, s25  }
0x8a: {  	s30 =	sand.u32 @!p1 $0x7, s25;
	s25 =	sadd.s32 $0x1, s19;
	s31 =	sadd.s32 @!p1 s1, s31  }
.LBB2_10:
0x8b: {  	s0 =	smov.u32 s28  }
0x8c: {  	[tilespmem:s29], [sflag:$0x2] =	stream.linear.gather @!p1 [hbm4b:s31+s30], $0x40, $0x38;
	[tilespmem:$0x1EBC8] =	vst v63  }
0x8d: {  	s24 =	sadd.s32 $0xFFFFFFFF, s24;
	s30 =	smov.u32 s26;
	v1 =	vld.msk [tilespmem:s25+$0x0], $0x1  }
0x8e: {  	p2 =	sne.s32 s24, $0x0;
	_ =	sdelay $0x3  }
0x8f: {  	(v2sf) =	vpush v1, $0x0;
	_ =	sdelay $0xe  }
0x90: {  	s26 =	spop (v2sf)  }
0x91: {  	p1 =	seq.s32 s30, s26  }
0x92: {  	p3 =	sgt.s32 @!p1 s30, $0x0;
	s29 =	sshll.u32 @!p1 s28, $0x8;
	s28 =	sadd.s32 @!p1 $0x1, s28  }
.Ltmp9:
0x93: {  	p3 =	por !p3, p1;
	s29 =	sshra.s32 @!p1 s29, $0x2;
	(pc) =	sbr.rel @p2 .LBB2_10-.Ltmp9, $4  }
0x94: {  	s28 =	smov.u32 @p1 s0;
	s30 =	simm.s32 @p3 $0x0;
	s29 =	sadd.s32 @!p1 $0x50C8, s29  }
0x95: {  	s0 =	smin.u32 @!p1 s30, $0xC34F8  }
0x96: {  	s31 =	sand.u32 @!p1 $0xFFFF8, s0;
	s30 =	sand.u32 @!p1 $0x7, s0  }
0x97: {  	s25 =	sadd.s32 $0x1, s25;
	s31 =	sadd.s32 @!p1 s1, s31  }
.LBB2_11:
0x98: {  	[tilespmem:s29], [sflag:$0x2] =	stream.linear.gather @!p1 [hbm4b:s31+s30], $0x40, $0x38;
	[tilespmem:$0x1EBC8] =	vst v63  }
.Ltmp10:
0x99: {  	s0 =	sshll.u32 s28, $0x6;
	(pc) =	sbr.rel .LBB2_12-.Ltmp10, $4  }
0x9a: {  	s0 =	sand.u32 $0x3FFFFFC0, s0  }
0x9b: {  	_ =	swait.ge [sflag:s9], s0  }
0x9c: {  	s0 =	ssub.s32 $0x0, s0;
	[sflag:s9] =	ssyncset.done $0x0  }
0x9d: {  	s25 =	simm.s32 $0x0;
	[sflag:s9] =	ssyncadd.s32 s0  }
.LBB2_13:
0x9e: {  	v1 =	vld [tilespmem:s21+$0xFFFFFFE0];
	_ =	sdelay $0x3  }
0x9f: {  	s0 =	sshra.s32 s26, $0x2  }
0xa0: {  	[tilespmem:s0+$0x88] =	vst.add.f32.msk $0xffff, v1  }
0xa1: {  	v1 =	vld [tilespmem:s21+$0xFFFFFFF0];
	_ =	sdelay $0x4  }
0xa2: {  	[tilespmem:s0+$0x98] =	vst.add.f32.msk $0xffff, v1  }
0xa3: {  	v1 =	vld [tilespmem:s21+$0x0];
	_ =	sdelay $0x4  }
0xa4: {  	[tilespmem:s0+$0xA8] =	vst.add.f32.msk $0xffff, v1  }
0xa5: {  	v1 =	vld [tilespmem:s21+$0x10];
	_ =	sdelay $0x4  }
0xa6: {  	[tilespmem:s0+$0xB8] =	vst.add.f32.msk $0xffff, v1  }
.LBB2_17:
0xa7: {  	s18 =	sadd.s32 $0xFFFFFFFF, s18  }
0xa8: {  	p1 =	sne.s32 s18, $0x0  }
.Ltmp11:
0xa9: {  	_ = 	snop;
	(pc) =	sbr.rel @!p1 .LBB2_18-.Ltmp11, $2  }
0xaa: {  	_ =	sdelay $0x2  }
0xab: {  	s21 =	sadd.s32 $0x80, s21;
	s19 =	sadd.s32 $0x1, s19;
	s23 =	smov.u32 s24  }
.LBB2_12:
0xac: {  	v1 =	vld.msk [tilespmem:s19+$0x0], $0x1;
	_ =	sdelay $0x4  }
0xad: {  	(v2sf) =	vpush v1, $0x0;
	_ =	sdelay $0xe  }
0xae: {  	s24 =	spop (v2sf)  }
0xaf: {  	p1 =	sne.s32 s23, s24  }
.Ltmp12:
0xb0: {  	_ = 	snop;
	(pc) =	sbr.rel @!p1 .LBB2_13-.Ltmp12, $2  }
0xb1: {  	_ =	sdelay $0x2  }
0xb2: {  	s26 =	sshll.u32 s17, $0x8  }
0xb3: {  	p1 =	seq.s32 s23, s20  }
.Ltmp13:
0xb4: {  	_ = 	snop;
	(pc) =	sbr.rel @!p1 .LBB2_15-.Ltmp13, $1  }
0xb5: {  	_ =	sdelay $0x3  }
0xb6: {  	s0 =	sshra.s32 s26, $0x2  }
.Ltmp14:
0xb7: {  	s0 =	sadd.s32 $0x88, s0;
	(pc) =	sbr.rel .LBB2_16-.Ltmp14, $4  }
0xb8: {  	[spmem:s13] =	stream.linear.scatter [tilespmem:s0], [sflag:$0x1], $0x40, $0x38;
	[tilespmem:$0x1EBC8] =	vst v63  }
0xb9: {  	_ =	swait.ge [sflag:s11], $0x40  }
0xba: {  	[sflag:s11] =	ssyncset.done $0x0  }
0xbb: {  	[sflag:s11] =	ssyncadd.s32 $0xFFFFFFC0  }
.LBB2_15:
0xbc: {  	s0 =	sshll.u32 s22, $0x8  }
0xbd: {  	s0 =	sshra.s32 s0, $0x2  }
0xbe: {  	v1 =	vld [tilespmem:s0+$0x50C8];
	_ =	sdelay $0x3  }
0xbf: {  	s26 =	sshra.s32 s26, $0x2  }
0xc0: {  	[tilespmem:s26+$0x88] =	vst.add.f32.msk $0xffff, v1  }
0xc1: {  	v1 =	vld [tilespmem:s0+$0x50D8];
	_ =	sdelay $0x4  }
0xc2: {  	[tilespmem:s26+$0x98] =	vst.add.f32.msk $0xffff, v1  }
0xc3: {  	v1 =	vld [tilespmem:s0+$0x50E8];
	_ =	sdelay $0x4  }
0xc4: {  	[tilespmem:s26+$0xA8] =	vst.add.f32.msk $0xffff, v1  }
0xc5: {  	v1 =	vld [tilespmem:s0+$0x50F8];
	_ =	sdelay $0x2  }
0xc6: {  	p1 =	sgt.u32 s23, $0xC34F8  }
0xc7: {  	s0 =	sand.u32 @!p1 $0xFFFF8, s23  }
0xc8: {  	s28 =	sadd.s32 $0x88, s26;
	s23 =	sand.u32 @!p1 $0x7, s23;
	s0 =	sadd.s32 @!p1 s1, s0;
	[tilespmem:s26+$0xB8] =	vst.add.f32.msk $0xffff, v1  }
0xc9: {  	[hbm4b:s0+s23] =	stream.linear.scatter @!p1 [tilespmem:s28], [sflag:$0xA], $0x40, $0x38;
	[tilespmem:$0x1EBC8] =	vst v63  }
0xca: {  	s23 =	simm.s32 $0x0  }
0xcb: {  	s23 =	simm.s32 @!p1 $0x100  }
0xcc: {  	s25 =	sadd.s32 s23, s25  }
.LBB2_16:
0xcd: {  	s0 =	sadd.s32 $0x1, s17  }
0xce: {  	s17 =	smulhi.u32 $0xCCCCCCCD, s0;
	_ =	sdelay $0x1  }
0xcf: {  	v1 =	vld [tilespmem:s21+$0xFFFFFFE0];
	s17 =	sshrl.u32 s17, $0x8  }
0xd0: {  	s17 =	smul.u32 $0x140, s17;
	_ =	sdelay $0x1  }
0xd1: {  	s17 =	ssub.s32 s0, s17  }
0xd2: {  	s0 =	sshll.u32 s17, $0x6  }
0xd3: {  	[tilespmem:s0+$0x88] =	vst v1  }
0xd4: {  	v1 =	vld [tilespmem:s21+$0xFFFFFFF0];
	_ =	sdelay $0x4  }
0xd5: {  	[tilespmem:s0+$0x98] =	vst v1  }
0xd6: {  	v1 =	vld [tilespmem:s21+$0x0];
	_ =	sdelay $0x4  }
0xd7: {  	[tilespmem:s0+$0xA8] =	vst v1  }
0xd8: {  	v1 =	vld [tilespmem:s21+$0x10]  }
.Ltmp15:
0xd9: {  	_ = 	snop;
	(pc) =	sbr.rel .LBB2_17-.Ltmp15, $2  }
0xda: {  	_ =	sdelay $0x2  }
0xdb: {  	s22 =	sadd.s32 $0x1, s22;
	[tilespmem:s0+$0xB8] =	vst v1  }
.LBB2_19:
.Ltmp16:
0xdc: {  	(pc) =	sbr.rel .LBB2_20-.Ltmp16, $3  }
0xdd: {  	_ =	sdelay $0x1  }
0xde: {  	_ =	swait.ge [sflag:s9], $0x0  }
0xdf: {  	s18 =	simm.s32 $0x0;
	s24 =	smov.u32 s23;
	[sflag:s9] =	ssyncset.done $0x0  }
.LBB2_22:
0xe0: {  	_ =	sfence.sel $0x180000  }
0xe1: {  	s0 =	simm.s32 $0x9;
	[bflag:$0x0] =	sbarrier.arrive $0xFFFF  }
0xe2: {  	s26 =	simm.s32 $0x2;
	[sflag:s0] =	ssyncpa.u1 $0x1  }
0xe3: {  	[sflag:s26] =	ssyncpa.u1 $0x1  }
0xe4: {  	v0 =	vld [tilespmem:$0xA108];
	_ =	sdelay $0x4  }
0xe5: {  	(v2sf) =	vpush v0, $0x0  }
0xe6: {  	(v2sf) =	vpush v0, $0x1;
	_ =	sdelay $0x1  }
0xe7: {  	(v2sf) =	vpush v0, $0x2;
	_ =	sdelay $0xb  }
0xe8: {  	s0 =	spop (v2sf)  }
0xe9: {  	s5 =	spop (v2sf)  }
0xea: {  	s6 =	smov.u32 s0;
	p0 =	sne.s32 s0, s5  }
0xeb: {  	s7 =	spop (v2sf);
	s6 =	simm.s32 @!p0 $0xFFFFFFFF  }
0xec: {  	v2 =	vimm.s32 $0x1;
	v3 =	vlaneseq.u32;
	p0 =	seq.s32 s7, $0xFFFFFFFF;
	v1 =	vmov s6  }
0xed: {  	v0 =	vperm.xlane v0, v2;
	p1 =	sne.s32 @!p0 s0, s5;
	v1 =	vperm.xlane v1, v3  }
0xee: {  	vm0 =	vcmask $0x3F04;
	s9 =	simm.s32 $0xA108;
	s0 =	simm.s32 @!p0 $0x1;
	p1 =	por !p1, p0  }
0xef: {  	s6 =	sshll.u32 s2, $0x1;
	s5 =	sshll.u32 @!p0 s7, $0x8;
	s0 =	simm.s32 @p1 $0x0;
	v0 =	vsel vm0, v1, v0  }
0xf0: {  	s8 =	sor.u32 $0x800, s6;
	s5 =	sshra.s32 @!p0 s5, $0x2;
	s0 =	sor.u32 @!p0 s0, s6;
	[tilespmem:$0xA108] =	vst v0  }
0xf1: {  	[spmem:s8] =	stream.linear.scatter [tilespmem:s9], [sflag:$0x1], $0x2, $0x38;
	[tilespmem:$0x1EBC8] =	vst v63  }
0xf2: {  	s5 =	sadd.s32 @!p0 $0x88, s5;
	s0 =	sshll.u32 @!p0 s0, $0x6  }
0xf3: {  	[spmem:s0] =	stream.linear.scatter @!p0 [tilespmem:s5], [sflag:$0x1], $0x40, $0x38;
	[tilespmem:$0x1EBC8] =	vst v63  }
0xf4: {  	s0 =	simm.s32 @!p0 $0x42  }
0xf5: {  	s28 =	simm.s32 $0x1;
	s0 =	simm.s32 @p0 $0x2  }
0xf6: {  	_ =	swait.ge [sflag:s28], s0  }
0xf7: {  	s0 =	ssub.s32 $0x0, s0;
	[sflag:s28] =	ssyncset.done $0x0  }
0xf8: {  	p0 =	sne.s32 s2, $0x0;
	[sflag:s28] =	ssyncadd.s32 s0  }
.Ltmp17:
0xf9: {  	_ =	sfence.stream.spmem;
	(pc) =	sbr.rel @p0 .LBB2_39-.Ltmp17, $4  }
0xfa: {  	s29 =	simm.s32 $0x3;
	[bflag:$0x0] =	sbarrier.arrive $0xFFFF  }
0xfb: {  	s30 =	simm.s32 $0x4;
	[sflag:s29] =	ssyncpa.u1 $0x1  }
0xfc: {  	s31 =	simm.s32 $0x3C;
	[sflag:s30] =	ssyncpa.u1 $0x1  }
0xfd: {  	s5 =	sand.u32 $0x1, s4;
	[sflag:s31] =	ssyncpa.u1 $0x1  }
0xfe: {  	_ =	sfence.stream.spmem;
	s0 =	simm.s32 $0x5  }
0xff: {  	s6 =	simm.s32 $0x800;
	s7 =	simm.s32 $0xA118;
	[sflag:s0] =	ssyncpa.u1 $0x0  }
0x100: {  	[tilespmem:s7], [sflag:$0x5] =	stream.linear.gather [spmem:s6], $0x20, $0x38;
	[tilespmem:$0x1EBC8] =	vst v63  }
0x101: {  	s26 =	simm.s32 $0x0;
	s28 =	simm.s32 $0xA138  }
0x102: {  	[tilespmem:s28], [sflag:$0x5] =	stream.linear.gather [spmem:s26], $0x800, $0x38;
	[tilespmem:$0x1EBC8] =	vst v63  }
0x103: {  	_ =	swait.ge [sflag:s0], $0x820  }
0x104: {  	[sflag:s0] =	ssyncset.done $0x0  }
0x105: {  	s29 =	simm.s32 $0x0;
	[sflag:s0] =	ssyncadd.s32 $0xFFFFF7E0  }
0x106: {  	v0 =	vld.msk [tilespmem:s29+$0xA118], $0x1;
	_ =	sdelay $0x1  }
0x107: {  	s30 =	simm.s32 $0x1  }
0x108: {  	v1 =	vld.msk [tilespmem:s30+$0xA118], $0x1;
	_ =	sdelay $0x1  }
0x109: {  	(v2sf) =	vpush v0, $0x0;
	_ =	sdelay $0x2  }
0x10a: {  	(v2sf) =	vpush v1, $0x0;
	_ =	sdelay $0x2  }
0x10b: {  	s31 =	simm.s32 $0x2  }
0x10c: {  	v0 =	vld.msk [tilespmem:s31+$0xA118], $0x1;
	_ =	sdelay $0x2  }
0x10d: {  	s8 =	simm.s32 $0xFFFFFFFF;
	s7 =	simm.s32 $0xFFFFFFFF;
	s6 =	simm.s32 $0xC  }
.LBB2_24:
0x10e: {  	s0 =	smov.u32 s8;
	s9 =	smov.u32 s7  }
0x10f: {  	s7 =	sshra.s32 s6, $0x2;
	p1 =	sne.s32 s6, $0x7C;
	s6 =	sadd.s32 $0x4, s6;
	(v2sf) =	vpush v0, $0x0  }
0x110: {  	v0 =	vld.msk [tilespmem:s7+$0xA118], $0x1  }
.Ltmp18:
0x111: {  	(pc) =	sbr.rel @p1 .LBB2_24-.Ltmp18, $4  }
0x112: {  	s8 =	spop (v2sf)  }
0x113: {  	p2 =	sne.s32 s9, $0xFFFFFFFF;
	s7 =	smov.u32 s8  }
0x114: {  	p3 =	seq.s32 s8, $0xFFFFFFFF;
	s7 =	smov.u32 @p2 s9  }
0x115: {  	s8 =	smov.u32 @p3 s0;
	s7 =	smov.u32 @p3 s9  }
0x116: {  	(v2sf) =	vpush v0, $0x0;
	_ =	sdelay $0x8  }
0x117: {  	s0 =	spop (v2sf)  }
0x118: {  	p1 =	sne.s32 s7, $0xFFFFFFFF;
	s6 =	smov.u32 s0  }
0x119: {  	s9 =	simm.s32 $0x6;
	p2 =	seq.s32 s0, $0xFFFFFFFF;
	s6 =	smov.u32 @p1 s7  }
0x11a: {  	[sflag:s9] =	ssyncpa.u1 $0x0;
	s6 =	smov.u32 @p2 s7;
	s10 =	spop (v2sf)  }
0x11b: {  	s0 =	smov.u32 @p2 s8;
	p1 =	sne.s32 s6, $0xFFFFFFFF;
	s11 =	smov.u32 s10  }
.Ltmp19:
0x11c: {  	p2 =	seq.s32 s10, $0xFFFFFFFF;
	s11 =	smov.u32 @p1 s6;
	(pc) =	sbr.rel .LBB2_26-.Ltmp19, $4  }
0x11d: {  	s10 =	smov.u32 @p2 s0;
	s11 =	smov.u32 @p2 s6;
	s7 =	spop (v2sf)  }
0x11e: {  	p1 =	sne.s32 s11, $0xFFFFFFFF;
	s8 =	smov.u32 s7;
	p2 =	seq.s32 s7, $0xFFFFFFFF  }
0x11f: {  	s6 =	simm.s32 $0x0;
	s8 =	smov.u32 @p1 s11;
	s7 =	smov.u32 @p2 s10  }
0x120: {  	s10 =	simm.s32 $0xA0C8;
	s8 =	smov.u32 @p2 s11;
	s11 =	simm.s32 $0x0  }
.LBB2_32:
0x121: {  	p1 =	sgt.u32 s12, $0xC34F8  }
0x122: {  	p2 =	seq.s32 @!p1 s12, s8  }
0x123: {  	p1 =	por p1, p2  }
0x124: {  	p2 =	sne.s32 @!p1 s12, s7  }
0x125: {  	p1 =	por p1, !p2  }
0x126: {  	s12 =	sshll.u32 @p1 s11, $0x8  }
0x127: {  	s0 =	sand.u32 @!p1 $0xFFFF8, s12  }
0x128: {  	s12 =	sand.u32 @!p1 $0x7, s12;
	s0 =	sadd.s32 @!p1 s1, s0  }
0x129: {  	[tilespmem:s10], [sflag:$0x6] =	stream.linear.gather @!p1 [hbm4b:s0+s12], $0x40, $0x38;
	[tilespmem:$0x1EBC8] =	vst v63  }
0x12a: {  	_ =	swait.ge @!p1 [sflag:s9], $0x40  }
0x12b: {  	[sflag:s9] =	ssyncset.done @!p1 $0x0  }
0x12c: {  	[sflag:s9] =	ssyncadd.s32 @!p1 $0xFFFFFFC0  }
0x12d: {  	v1 =	vld @!p1 [tilespmem:$0xA0C8];
	_ =	sdelay $0x2  }
0x12e: {  	s12 =	sshll.u32 @!p1 s11, $0x8  }
0x12f: {  	s0 =	sshrl.u32 @!p1 s12, $0x2  }
0x130: {  	[tilespmem:s0+$0xA138] =	vst.add.f32.msk @!p1 $0xffff, v1  }
0x131: {  	v1 =	vld @!p1 [tilespmem:$0xA0D8];
	_ =	sdelay $0x4  }
0x132: {  	[tilespmem:s0+$0xA148] =	vst.add.f32.msk @!p1 $0xffff, v1  }
0x133: {  	v1 =	vld @!p1 [tilespmem:$0xA0E8];
	_ =	sdelay $0x4  }
0x134: {  	[tilespmem:s0+$0xA158] =	vst.add.f32.msk @!p1 $0xffff, v1  }
0x135: {  	v1 =	vld @!p1 [tilespmem:$0xA0F8];
	_ =	sdelay $0x4  }
0x136: {  	[tilespmem:s0+$0xA168] =	vst.add.f32.msk @!p1 $0xffff, v1  }
0x137: {  	s30 =	sshrl.u32 s12, $0x2;
	[tilespmem:s6+$0xA118] =	vst.msk $0x1, v0  }
0x138: {  	v0 =	vld [tilespmem:s30+$0xA138];
	_ =	sdelay $0x2  }
0x139: {  	s31 =	sshll.u32 s6, $0x8  }
0x13a: {  	s12 =	sshra.s32 s31, $0x2  }
0x13b: {  	[tilespmem:s12+$0xA138] =	vst v0  }
0x13c: {  	v0 =	vld [tilespmem:s30+$0xA148];
	_ =	sdelay $0x4  }
0x13d: {  	[tilespmem:s12+$0xA148] =	vst v0  }
0x13e: {  	v0 =	vld [tilespmem:s30+$0xA158];
	_ =	sdelay $0x4  }
0x13f: {  	[tilespmem:s12+$0xA158] =	vst v0  }
0x140: {  	v0 =	vld [tilespmem:s30+$0xA168];
	_ =	sdelay $0x4  }
0x141: {  	s6 =	sadd.s32 $0x1, s6;
	[tilespmem:s12+$0xA168] =	vst v0  }
.LBB2_33:
0x142: {  	s11 =	sadd.s32 $0x1, s11  }
0x143: {  	p1 =	sne.s32 s11, $0x20  }
.Ltmp20:
0x144: {  	_ = 	snop;
	(pc) =	sbr.rel @!p1 .LBB2_34-.Ltmp20, $1  }
0x145: {  	_ =	sdelay $0x3  }
.LBB2_26:
0x146: {  	v0 =	vld.msk [tilespmem:s11+$0xA118], $0x1;
	_ =	sdelay $0x4  }
0x147: {  	(v2sf) =	vpush v0, $0x0;
	_ =	sdelay $0xe  }
0x148: {  	s12 =	spop (v2sf)  }
0x149: {  	p1 =	seq.s32 s12, $0xFFFFFFFF  }
.Ltmp21:
0x14a: {  	_ = 	snop;
	(pc) =	sbr.rel @p1 .LBB2_33-.Ltmp21, $1  }
0x14b: {  	_ =	sdelay $0x3  }
0x14c: {  	p1 =	slt.s32 s6, $0x1  }
.Ltmp22:
0x14d: {  	_ = 	snop;
	(pc) =	sbr.rel @p1 .LBB2_32-.Ltmp22, $1  }
0x14e: {  	_ =	sdelay $0x3  }
0x14f: {  	s13 =	simm.s32 $0xA118;
	p1 =	por $0x0, $0x0  }
0x150: {  	v1 =	vld.msk @!p1 [tilespmem:s13+$0x0], $0x1;
	_ =	sdelay $0x4  }
0x151: {  	(v2sf) =	vpush @!p1 v1, $0x0;
	_ =	sdelay $0xd  }
0x152: {  	p3 =	sne.s32 s6, $0x1  }
.Ltmp23:
0x153: {  	s0 =	spop @!p1 (v2sf);
	(pc) =	sbr.rel @!p3 .LBB2_30-.Ltmp23, $4  }
0x154: {  	p2 =	seq.s32 @!p1 s12, s0  }
0x155: {  	s14 =	simm.s32 $0x0;
	p2 =	por !p2, p1  }
0x156: {  	s0 =	simm.s32 $0xFFFFFFFF;
	s14 =	simm.s32 @p2 $0xFFFFFFFF  }
0x157: {  	s15 =	simm.s32 $0x1;
	s14 =	smov.u32 @p1 s0  }
.LBB2_29:
0x158: {  	s0 =	smov.u32 s14;
	p1 =	sne.s32 s14, $0xFFFFFFFF  }
0x159: {  	s13 =	sadd.s32 $0x1, s13;
	s14 =	smov.u32 s15;
	s15 =	sadd.s32 $0x1, s15  }
0x15a: {  	p2 =	sne.s32 s6, s15;
	v1 =	vld.msk @!p1 [tilespmem:s13+$0x0], $0x1;
	_ =	sdelay $0x4  }
0x15b: {  	(v2sf) =	vpush @!p1 v1, $0x0;
	_ =	sdelay $0xe  }
.Ltmp24:
0x15c: {  	s16 =	spop @!p1 (v2sf);
	(pc) =	sbr.rel @p2 .LBB2_29-.Ltmp24, $4  }
0x15d: {  	p3 =	seq.s32 @!p1 s12, s16  }
0x15e: {  	p3 =	por !p3, p1  }
0x15f: {  	s14 =	simm.s32 @p3 $0xFFFFFFFF  }
0x160: {  	s14 =	smov.u32 @p1 s0  }
.LBB2_30:
0x161: {  	p1 =	seq.s32 s14, $0xFFFFFFFF  }
.Ltmp25:
0x162: {  	_ = 	snop;
	(pc) =	sbr.rel @p1 .LBB2_32-.Ltmp25, $1  }
0x163: {  	_ =	sdelay $0x3  }
0x164: {  	s0 =	sshll.u32 s11, $0x6  }
0x165: {  	s0 =	sand.u32 $0x3FFFFFC0, s0  }
0x166: {  	v0 =	vld [tilespmem:s0+$0xA138];
	_ =	sdelay $0x2  }
0x167: {  	s12 =	sshll.u32 s14, $0x8  }
0x168: {  	s12 =	sshra.s32 s12, $0x2  }
0x169: {  	[tilespmem:s12+$0xA138] =	vst.add.f32.msk $0xffff, v0  }
0x16a: {  	v0 =	vld [tilespmem:s0+$0xA148];
	_ =	sdelay $0x4  }
0x16b: {  	[tilespmem:s12+$0xA148] =	vst.add.f32.msk $0xffff, v0  }
0x16c: {  	v0 =	vld [tilespmem:s0+$0xA158];
	_ =	sdelay $0x4  }
0x16d: {  	[tilespmem:s12+$0xA158] =	vst.add.f32.msk $0xffff, v0  }
0x16e: {  	v0 =	vld [tilespmem:s0+$0xA168]  }
.Ltmp26:
0x16f: {  	_ = 	snop;
	(pc) =	sbr.rel .LBB2_33-.Ltmp26, $2  }
0x170: {  	_ =	sdelay $0x2  }
0x171: {  	[tilespmem:s12+$0xA168] =	vst.add.f32.msk $0xffff, v0  }
.LBB2_34:
0x172: {  	s0 =	simm.s32 $0x6;
	p1 =	seq.s32 s6, $0x0  }
0x173: {  	[sflag:s0] =	ssyncpa.u1 $0x1;
	v0 =	vimm.s32 @p1 $0xFFFFFFFF  }
0x174: {  	s9 =	sadd.s32 $0xFFFFFFFF, s6;
	[tilespmem:$0xA938] =	vst @p1 v0  }
0x175: {  	v0 =	vld.msk @!p1 [tilespmem:s9+$0xA118], $0x1;
	_ =	sdelay $0x1  }
0x176: {  	v1 =	vld.msk @!p1 [tilespmem:$0xA118], $0x1;
	_ =	sdelay $0x2  }
0x177: {  	p2 =	seq.s32 @!p1 s9, $0x0;
	v0 =	vbroadcast @!p1 v0, $0x0  }
0x178: {  	vm0 =	vmmov @!p1 $0x1;
	p2 =	por !p2, p1  }
0x179: {  	v1 =	vnsel @!p1 vm0, $0xFFFFFFFF, v1;
	vm0 =	vcmask @!p1 $0x308;
	v0 =	vpsel !p2, $0xFFFFFFFF, v0  }
0x17a: {  	p2 =	sne.s32 @!p1 s8, s7;
	v0 =	vsel @!p1 vm0, v1, v0  }
0x17b: {  	s0 =	simm.s32 @!p1 $0xA138;
	s7 =	simm.s32 @!p1 $0x0;
	p3 =	por !p2, p1;
	[tilespmem:$0xA938] =	vst @!p1 v0  }
0x17c: {  	[spmem:s7] =	stream.linear.scatter @!p1 [tilespmem:s0], [sflag:$0x1], $0x40, $0x38;
	[tilespmem:$0x1EBC8] =	vst v63  }
0x17d: {  	s0 =	sshll.u32 @!p3 s9, $0x8  }
0x17e: {  	s0 =	sshra.s32 @!p3 s0, $0x2  }
0x17f: {  	s7 =	simm.s32 @!p3 $0x40;
	s0 =	sadd.s32 @!p3 $0xA138, s0  }
0x180: {  	[spmem:s7] =	stream.linear.scatter @!p3 [tilespmem:s0], [sflag:$0x1], $0x40, $0x38;
	[tilespmem:$0x1EBC8] =	vst v63  }
0x181: {  	s0 =	simm.s32 @!p3 $0x1  }
0x182: {  	_ =	swait.ge @!p3 [sflag:s0], $0x80  }
0x183: {  	p1 =	por p2, p1;
	[sflag:s0] =	ssyncset.done @!p3 $0x0  }
0x184: {  	[sflag:s0] =	ssyncadd.s32 @!p3 $0xFFFFFF80;
	s0 =	simm.s32 @!p1 $0x1  }
0x185: {  	_ =	swait.ge @!p1 [sflag:s0], $0x40  }
0x186: {  	s29 =	simm.s32 $0xA938;
	[sflag:s0] =	ssyncset.done @!p1 $0x0  }
0x187: {  	s30 =	simm.s32 $0x800;
	s31 =	simm.s32 $0x1;
	[sflag:s0] =	ssyncadd.s32 @!p1 $0xFFFFFFC0  }
0x188: {  	[spmem:s30] =	stream.linear.scatter [tilespmem:s29], [sflag:$0x1], $0x10, $0x38;
	[tilespmem:$0x1EBC8] =	vst v63  }
0x189: {  	p1 =	seq.s32 s5, $0x0;
	_ =	swait.ge [sflag:s31], $0x10  }
0x18a: {  	s7 =	sshll.u32 @p1 s4, $0xE;
	[sflag:s31] =	ssyncset.done $0x0  }
0x18b: {  	s0 =	sadd.s32 @p1 $0x15C3C, s7;
	s7 =	sshll.u32 @p1 s3, $0x11;
	[sflag:s31] =	ssyncadd.s32 $0xFFFFFFF0  }
0x18c: {  	s0 =	sor.u32 @p1 s7, s0;
	_ =	sfence.stream.spmem  }
0x18d: {  	[sflag:s0] =	ssyncadd.remote.s32 @p1 $0x1;
	s0 =	simm.s32 @p1 $0x4  }
0x18e: {  	s8 =	simm.s32 @!p1 $0x3C;
	s7 =	sand.u32 $0xFFFFFFFE, s4;
	_ =	swait.ge @p1 [sflag:s0], $0x12  }
0x18f: {  	s10 =	simm.s32 @!p1 $0x0;
	s7 =	sadd.s32 @!p1 $0x4, s7;
	[sflag:s0] =	ssyncset.done @p1 $0x0  }
0x190: {  	s11 =	simm.s32 @!p1 $0x80;
	[sflag:s0] =	ssyncadd.s32 @p1 $0xFFFFFFEE;
	s0 =	sshll.u32 @!p1 s7, $0x1A  }
0x191: {  	s7 =	sshll.u32 @!p1 s7, $0xD;
	s0 =	sor.u32 @!p1 s0, s3;
	_ =	swait.eq @!p1 [sflag:s8], $0x1  }
0x192: {  	s7 =	sor.u32 @!p1 $0x1C04, s7;
	s8 =	simm.s32 @!p1 $0x1C03;
	s0 =	sor.u32 @!p1 $0x80004000, s0  }
0x193: {  	[spmem:s11], [sflag:s7] =	dma.general @!p1 [spmem:s10], [sflag:s8], length:$0x10, [dreg:$0x0], stride_count:$0x0, ici_dest:s0, dma_misc:DstOpCode:WRITE  }
0x194: {  	p2 =	slt.s32 s9, $0x2;
	s10 =	simm.s32 @!p1 $0x100;
	s11 =	simm.s32 @!p1 $0x102  }
0x195: {  	[spmem:s11], [sflag:s7] =	dma.general @!p1 [spmem:s10], [sflag:s8], length:$0x2, [dreg:$0x0], stride_count:$0x0, ici_dest:s0, dma_misc:DstOpCode:WRITE  }
.Ltmp27:
0x196: {  	s0 =	simm.s32 @!p1 $0x3;
	(pc) =	sbr.rel @p2 .LBB2_38-.Ltmp27, $4  }
0x197: {  	s4 =	sshll.u32 @!p1 s4, $0xE;
	_ =	swait.ge @!p1 [sflag:s0], $0x12  }
0x198: {  	s4 =	sadd.s32 @!p1 $0x11C3C, s4;
	s3 =	sshll.u32 @!p1 s3, $0x11;
	[sflag:s0] =	ssyncset.done @!p1 $0x0  }
0x199: {  	[sflag:s0] =	ssyncadd.s32 @!p1 $0xFFFFFFEE;
	s0 =	sor.u32 @!p1 s3, s4  }
0x19a: {  	s3 =	simm.s32 $0x0;
	[sflag:s0] =	ssyncadd.remote.s32 @!p1 $0xFFFFFFFF  }
0x19b: {  	s0 =	simm.s32 $0xA119  }
0x19c: {  	v0 =	vld.msk [tilespmem:s0+$0x0], $0x1;
	_ =	sdelay $0x4  }
0x19d: {  	(v2sf) =	vpush v0, $0x0;
	_ =	sdelay $0xc  }
0x19e: {  	s4 =	sadd.s32 $0xFFFFFFFE, s6  }
0x19f: {  	s4 =	sadd.s32 $0xFFFFFFFF, s4  }
0x1a0: {  	p2 =	sne.s32 s4, $0x0;
	s0 =	spop (v2sf)  }
.Ltmp28:
0x1a1: {  	p1 =	sgt.u32 s0, $0xC34F8;
	(pc) =	sbr.rel @!p2 .LBB2_37-.Ltmp28, $4  }
0x1a2: {  	s3 =	simm.s32 $0xA178;
	s6 =	sand.u32 @!p1 $0xFFFF8, s0  }
0x1a3: {  	s8 =	simm.s32 $0x0;
	s0 =	sand.u32 @!p1 $0x7, s0;
	s6 =	sadd.s32 @!p1 s1, s6  }
0x1a4: {  	[hbm4b:s6+s0] =	stream.linear.scatter @!p1 [tilespmem:s3], [sflag:$0x5], $0x40, $0x38;
	[tilespmem:$0x1EBC8] =	vst v63  }
0x1a5: {  	s7 =	simm.s32 $0xA11A;
	s8 =	simm.s32 @!p1 $0x100;
	s6 =	simm.s32 $0x0  }
.LBB2_36:
0x1a6: {  	v0 =	vld.msk [tilespmem:s7+$0x0], $0x1;
	s4 =	sadd.s32 $0xFFFFFFFF, s4;
	s6 =	sadd.s32 s6, s8  }
0x1a7: {  	p1 =	sne.s32 s4, $0x0;
	_ =	sdelay $0x3  }
0x1a8: {  	(v2sf) =	vpush v0, $0x0;
	_ =	sdelay $0xe  }
.Ltmp29:
0x1a9: {  	s0 =	spop (v2sf);
	(pc) =	sbr.rel @p1 .LBB2_36-.Ltmp29, $4  }
0x1aa: {  	s8 =	simm.s32 $0x0;
	p2 =	sgt.u32 s0, $0xC34F8  }
0x1ab: {  	s3 =	sadd.s32 $0x40, s3;
	s8 =	simm.s32 @!p2 $0x100;
	s9 =	sand.u32 @!p2 $0xFFFF8, s0  }
0x1ac: {  	s7 =	sadd.s32 $0x1, s7;
	s0 =	sand.u32 @!p2 $0x7, s0;
	s9 =	sadd.s32 @!p2 s1, s9  }
0x1ad: {  	[hbm4b:s9+s0] =	stream.linear.scatter @!p2 [tilespmem:s3], [sflag:$0x5], $0x40, $0x38;
	[tilespmem:$0x1EBC8] =	vst v63  }
.LBB2_37:
0x1ae: {  	s0 =	sadd.s32 s6, s8  }
0x1af: {  	s3 =	sshrl.u32 s0, $0x2  }
.LBB2_38:
0x1b0: {  	s0 =	simm.s32 $0x5  }
0x1b1: {  	_ =	swait.ge [sflag:s0], s3  }
0x1b2: {  	s31 =	ssub.s32 $0x0, s3;
	[sflag:s0] =	ssyncset.done $0x0  }
0x1b3: {  	[sflag:s0] =	ssyncadd.s32 s31  }
0x1b4: {  	[sflag:s0] =	ssyncpa.u1 $0x1  }
.LBB2_39:
0x1b5: {  	s0 =	sor.u32 s5, s2  }
0x1b6: {  	p1 =	sne.s32 s0, $0x0  }
.Ltmp30:
0x1b7: {  	_ = 	snop;
	(pc) =	sbr.rel @p1 .LBB2_54-.Ltmp30, $3  }
0x1b8: {  	_ =	sdelay $0x1  }
0x1b9: {  	[bflag:$0x0] =	sbarrier.arrive $0xFFFF  }
0x1ba: {  	_ =	sfence  }
0x1bb: {  	s0 =	simm.s32 $0x7  }
0x1bc: {  	s2 =	simm.s32 $0x800;
	s3 =	simm.s32 $0xA118;
	[sflag:s0] =	ssyncpa.u1 $0x0  }
0x1bd: {  	[tilespmem:s3], [sflag:$0x7] =	stream.linear.gather [spmem:s2], $0x20, $0x38;
	[tilespmem:$0x1EBC8] =	vst v63  }
0x1be: {  	s30 =	simm.s32 $0xA138;
	s2 =	simm.s32 $0x0  }
0x1bf: {  	[tilespmem:s30], [sflag:$0x7] =	stream.linear.gather [spmem:s2], $0x800, $0x38;
	[tilespmem:$0x1EBC8] =	vst v63  }
.Ltmp31:
0x1c0: {  	_ = 	snop;
	(pc) =	sbr.rel .LBB2_41-.Ltmp31, $4  }
0x1c1: {  	_ =	swait.ge [sflag:s0], $0x820  }
0x1c2: {  	[sflag:s0] =	ssyncset.done $0x0  }
0x1c3: {  	s31 =	simm.s32 $0x8;
	[sflag:s0] =	ssyncadd.s32 $0xFFFFF7E0  }
0x1c4: {  	s3 =	simm.s32 $0x0;
	[sflag:s31] =	ssyncpa.u1 $0x0  }
.LBB2_47:
0x1c5: {  	p1 =	slt.u32 s4, $0xC34F9  }
0x1c6: {  	s0 =	sand.u32 @p1 $0xFFFF8, s4  }
0x1c7: {  	s4 =	sand.u32 @p1 $0x7, s4;
	s5 =	simm.s32 @p1 $0xA0C8;
	s0 =	sadd.s32 @p1 s1, s0  }
0x1c8: {  	[tilespmem:s5], [sflag:$0x8] =	stream.linear.gather @p1 [hbm4b:s0+s4], $0x40, $0x38;
	[tilespmem:$0x1EBC8] =	vst v63  }
0x1c9: {  	s0 =	simm.s32 @p1 $0x8  }
0x1ca: {  	_ =	swait.ge @p1 [sflag:s0], $0x40  }
0x1cb: {  	[sflag:s0] =	ssyncset.done @p1 $0x0  }
0x1cc: {  	[sflag:s0] =	ssyncadd.s32 @p1 $0xFFFFFFC0  }
0x1cd: {  	v1 =	vld @p1 [tilespmem:$0xA0C8];
	_ =	sdelay $0x2  }
0x1ce: {  	s0 =	sshll.u32 @p1 s3, $0x8  }
0x1cf: {  	s4 =	sshrl.u32 @p1 s0, $0x2  }
0x1d0: {  	[tilespmem:s4+$0xA138] =	vst.add.f32.msk @p1 $0xffff, v1  }
0x1d1: {  	v1 =	vld @p1 [tilespmem:$0xA0D8];
	_ =	sdelay $0x4  }
0x1d2: {  	[tilespmem:s4+$0xA148] =	vst.add.f32.msk @p1 $0xffff, v1  }
0x1d3: {  	v1 =	vld @p1 [tilespmem:$0xA0E8];
	_ =	sdelay $0x4  }
0x1d4: {  	[tilespmem:s4+$0xA158] =	vst.add.f32.msk @p1 $0xffff, v1  }
0x1d5: {  	v1 =	vld @p1 [tilespmem:$0xA0F8];
	_ =	sdelay $0x3  }
0x1d6: {  	s5 =	sshll.u32 @!p1 s3, $0x8  }
0x1d7: {  	s5 =	smov.u32 @p1 s0;
	[tilespmem:s4+$0xA168] =	vst.add.f32.msk @p1 $0xffff, v1  }
0x1d8: {  	s0 =	sshrl.u32 s5, $0x2;
	[tilespmem:s2+$0xA118] =	vst.msk $0x1, v0  }
0x1d9: {  	v0 =	vld [tilespmem:s0+$0xA138];
	_ =	sdelay $0x2  }
0x1da: {  	s31 =	sshll.u32 s2, $0x8  }
0x1db: {  	s4 =	sshra.s32 s31, $0x2  }
0x1dc: {  	[tilespmem:s4+$0xA138] =	vst v0  }
0x1dd: {  	v0 =	vld [tilespmem:s0+$0xA148];
	_ =	sdelay $0x4  }
0x1de: {  	[tilespmem:s4+$0xA148] =	vst v0  }
0x1df: {  	v0 =	vld [tilespmem:s0+$0xA158];
	_ =	sdelay $0x4  }
0x1e0: {  	[tilespmem:s4+$0xA158] =	vst v0  }
0x1e1: {  	v0 =	vld [tilespmem:s0+$0xA168];
	_ =	sdelay $0x4  }
0x1e2: {  	s2 =	sadd.s32 $0x1, s2;
	[tilespmem:s4+$0xA168] =	vst v0  }
.LBB2_48:
0x1e3: {  	s3 =	sadd.s32 $0x1, s3  }
0x1e4: {  	p1 =	sne.s32 s3, $0x20  }
.Ltmp32:
0x1e5: {  	_ = 	snop;
	(pc) =	sbr.rel @!p1 .LBB2_49-.Ltmp32, $1  }
0x1e6: {  	_ =	sdelay $0x3  }
.LBB2_41:
0x1e7: {  	v0 =	vld.msk [tilespmem:s3+$0xA118], $0x1;
	_ =	sdelay $0x4  }
0x1e8: {  	(v2sf) =	vpush v0, $0x0;
	_ =	sdelay $0xe  }
0x1e9: {  	s4 =	spop (v2sf)  }
0x1ea: {  	p1 =	seq.s32 s4, $0xFFFFFFFF  }
.Ltmp33:
0x1eb: {  	_ = 	snop;
	(pc) =	sbr.rel @p1 .LBB2_48-.Ltmp33, $1  }
0x1ec: {  	_ =	sdelay $0x3  }
0x1ed: {  	p1 =	slt.s32 s2, $0x1  }
.Ltmp34:
0x1ee: {  	_ = 	snop;
	(pc) =	sbr.rel @p1 .LBB2_47-.Ltmp34, $1  }
0x1ef: {  	_ =	sdelay $0x3  }
0x1f0: {  	s5 =	simm.s32 $0xA118;
	p1 =	por $0x0, $0x0  }
0x1f1: {  	v1 =	vld.msk @!p1 [tilespmem:s5+$0x0], $0x1;
	_ =	sdelay $0x4  }
0x1f2: {  	(v2sf) =	vpush @!p1 v1, $0x0;
	_ =	sdelay $0xd  }
0x1f3: {  	p3 =	sne.s32 s2, $0x1  }
.Ltmp35:
0x1f4: {  	s0 =	spop @!p1 (v2sf);
	(pc) =	sbr.rel @!p3 .LBB2_45-.Ltmp35, $4  }
0x1f5: {  	p2 =	seq.s32 @!p1 s4, s0  }
0x1f6: {  	s6 =	simm.s32 $0x0;
	p2 =	por !p2, p1  }
0x1f7: {  	s0 =	simm.s32 $0xFFFFFFFF;
	s6 =	simm.s32 @p2 $0xFFFFFFFF  }
0x1f8: {  	s7 =	simm.s32 $0x1;
	s6 =	smov.u32 @p1 s0  }
.LBB2_44:
0x1f9: {  	s0 =	smov.u32 s6;
	p1 =	sne.s32 s6, $0xFFFFFFFF  }
0x1fa: {  	s5 =	sadd.s32 $0x1, s5;
	s6 =	smov.u32 s7;
	s7 =	sadd.s32 $0x1, s7  }
0x1fb: {  	p2 =	sne.s32 s2, s7;
	v1 =	vld.msk @!p1 [tilespmem:s5+$0x0], $0x1;
	_ =	sdelay $0x4  }
0x1fc: {  	(v2sf) =	vpush @!p1 v1, $0x0;
	_ =	sdelay $0xe  }
.Ltmp36:
0x1fd: {  	s8 =	spop @!p1 (v2sf);
	(pc) =	sbr.rel @p2 .LBB2_44-.Ltmp36, $4  }
0x1fe: {  	p3 =	seq.s32 @!p1 s4, s8  }
0x1ff: {  	p3 =	por !p3, p1  }
0x200: {  	s6 =	simm.s32 @p3 $0xFFFFFFFF  }
0x201: {  	s6 =	smov.u32 @p1 s0  }
.LBB2_45:
0x202: {  	p1 =	seq.s32 s6, $0xFFFFFFFF  }
.Ltmp37:
0x203: {  	_ = 	snop;
	(pc) =	sbr.rel @p1 .LBB2_47-.Ltmp37, $1  }
0x204: {  	_ =	sdelay $0x3  }
0x205: {  	s0 =	sshll.u32 s3, $0x6  }
0x206: {  	s0 =	sand.u32 $0x3FFFFFC0, s0  }
0x207: {  	v0 =	vld [tilespmem:s0+$0xA138];
	_ =	sdelay $0x2  }
0x208: {  	s4 =	sshll.u32 s6, $0x8  }
0x209: {  	s4 =	sshra.s32 s4, $0x2  }
0x20a: {  	[tilespmem:s4+$0xA138] =	vst.add.f32.msk $0xffff, v0  }
0x20b: {  	v0 =	vld [tilespmem:s0+$0xA148];
	_ =	sdelay $0x4  }
0x20c: {  	[tilespmem:s4+$0xA148] =	vst.add.f32.msk $0xffff, v0  }
0x20d: {  	v0 =	vld [tilespmem:s0+$0xA158];
	_ =	sdelay $0x4  }
0x20e: {  	[tilespmem:s4+$0xA158] =	vst.add.f32.msk $0xffff, v0  }
0x20f: {  	v0 =	vld [tilespmem:s0+$0xA168]  }
.Ltmp38:
0x210: {  	_ = 	snop;
	(pc) =	sbr.rel .LBB2_48-.Ltmp38, $2  }
0x211: {  	_ =	sdelay $0x2  }
0x212: {  	[tilespmem:s4+$0xA168] =	vst.add.f32.msk $0xffff, v0  }
.LBB2_49:
0x213: {  	p1 =	slt.s32 s2, $0x1  }
.Ltmp39:
0x214: {  	_ = 	snop;
	(pc) =	sbr.rel @p1 .LBB2_53-.Ltmp39, $3  }
0x215: {  	_ =	sdelay $0x1  }
0x216: {  	s0 =	simm.s32 $0x8  }
0x217: {  	s3 =	simm.s32 $0x0;
	[sflag:s0] =	ssyncpa.u1 $0x1  }
0x218: {  	s0 =	simm.s32 $0xA118  }
0x219: {  	v0 =	vld.msk [tilespmem:s0+$0x0], $0x1;
	_ =	sdelay $0x4  }
0x21a: {  	(v2sf) =	vpush v0, $0x0;
	_ =	sdelay $0xd  }
0x21b: {  	s2 =	sadd.s32 $0xFFFFFFFF, s2  }
0x21c: {  	p2 =	sne.s32 s2, $0x0;
	s0 =	spop (v2sf)  }
.Ltmp40:
0x21d: {  	p1 =	sgt.u32 s0, $0xC34F8;
	(pc) =	sbr.rel @!p2 .LBB2_52-.Ltmp40, $4  }
0x21e: {  	s4 =	simm.s32 $0xA138;
	s5 =	sand.u32 @!p1 $0xFFFF8, s0  }
0x21f: {  	s6 =	simm.s32 $0x0;
	s0 =	sand.u32 @!p1 $0x7, s0;
	s5 =	sadd.s32 @!p1 s1, s5  }
0x220: {  	[hbm4b:s5+s0] =	stream.linear.scatter @!p1 [tilespmem:s4], [sflag:$0x7], $0x40, $0x38;
	[tilespmem:$0x1EBC8] =	vst v63  }
0x221: {  	s6 =	simm.s32 @!p1 $0x100;
	s5 =	simm.s32 $0xA119  }
.LBB2_51:
0x222: {  	v0 =	vld.msk [tilespmem:s5+$0x0], $0x1;
	s2 =	sadd.s32 $0xFFFFFFFF, s2;
	s3 =	sadd.s32 s3, s6  }
0x223: {  	p1 =	sne.s32 s2, $0x0;
	_ =	sdelay $0x3  }
0x224: {  	(v2sf) =	vpush v0, $0x0;
	_ =	sdelay $0xe  }
.Ltmp41:
0x225: {  	s0 =	spop (v2sf);
	(pc) =	sbr.rel @p1 .LBB2_51-.Ltmp41, $4  }
0x226: {  	s6 =	simm.s32 $0x0;
	p2 =	sgt.u32 s0, $0xC34F8  }
0x227: {  	s4 =	sadd.s32 $0x40, s4;
	s6 =	simm.s32 @!p2 $0x100;
	s7 =	sand.u32 @!p2 $0xFFFF8, s0  }
0x228: {  	s5 =	sadd.s32 $0x1, s5;
	s0 =	sand.u32 @!p2 $0x7, s0;
	s7 =	sadd.s32 @!p2 s1, s7  }
0x229: {  	[hbm4b:s7+s0] =	stream.linear.scatter @!p2 [tilespmem:s4], [sflag:$0x7], $0x40, $0x38;
	[tilespmem:$0x1EBC8] =	vst v63  }
.LBB2_52:
0x22a: {  	s0 =	sadd.s32 s3, s6  }
0x22b: {  	s3 =	sshrl.u32 s0, $0x2  }
.LBB2_53:
0x22c: {  	s0 =	simm.s32 $0x7  }
0x22d: {  	_ =	swait.ge [sflag:s0], s3  }
0x22e: {  	s1 =	ssub.s32 $0x0, s3;
	[sflag:s0] =	ssyncset.done $0x0  }
0x22f: {  	[sflag:s0] =	ssyncadd.s32 s1  }
0x230: {  	[sflag:s0] =	ssyncpa.u1 $0x1  }
.LBB2_54:
0x231: {  	_ =	sfence;
	s0 =	simm.s32 $0x1  }
0x232: {  	[sflag:s0] =	ssyncpa.u1 $0x1  }
0x233: {  	_ =	strace $0x90000050  }
0x234: {  	[bflag:$0x2] =	sbarrier.arrive $0xFFFF  }
0x235: {  	s0 =	rddreg [dreg:$0x3]  }
0x236: {  	s0 =	sadd.s32 @!p0 $0x100000, s0  }
0x237: {  	[sflag:s0] =	ssyncadd.tile.s32 @!p0 $0x1;
	_ =	shalt  }
.Lfunc_end2:
_tile_overlayer_lowered:
.L_overlay_start_2:
0x238: {  	(tag) =	ssettag $0x2  }
0x239: {  	s0 =	rddreg [dreg:$0x0];
	s2 =	stileid.u32  }
0x23a: {  	s1 =	rddreg [dreg:$0x1];
	p0 =	sne.s32 s2, $0x0  }
0x23b: {  	s3 =	rddreg [dreg:$0x2];
	[bflag:$0x3] =	sbarrier.arrive $0xFFFF;
	s2 =	simm.s32 @!p0 $0x1C01  }
0x23c: {  	[timem:s3], [sflag:s2] =	dma.local @!p0 [hbm:s0], s1  }
0x23d: {  	s0 =	simm.s32 @!p0 $0x1  }
0x23e: {  	_ =	swait.ge @!p0 [sflag:s0], s1  }
0x23f: {  	s1 =	ssub.s32 @!p0 $0x0, s1;
	[sflag:s0] =	ssyncset.done @!p0 $0x0  }
0x240: {  	[sflag:s0] =	ssyncadd.s32 @!p0 s1  }
0x241: {  	[bflag:$0x3] =	sbarrier.arrive $0xFFFF  }
0x242: {  	_ =	shalt  }

</sc_bundles>
